<compile_context>
chip_gen: v7x
topology: tpu7x:2x2x1
jax: 0.10.2.dev20260603
libtpu: 0.0.44.dev20260713+nightly
codegen_flags: <defaults>
</compile_context>

<pallas_src>
import jax
import jax.numpy as jnp
from jax import lax
from jax.experimental import pallas as pl
from jax.experimental.pallas import tpu as pltpu
from jax.experimental.pallas import tpu_sc as plsc

_FRAME_TOPK = 16
_TOKEN_TOPK = 49
_EMA_ALPHA = 0.9
_NP = 208
_NEG = -3.0e38


def _argmax_col(v, iota_col, size):
    m = jnp.max(v, axis=0, keepdims=True)
    cand = jnp.where(v == m, iota_col, size)
    idx = jnp.min(cand, axis=0, keepdims=True)
    oh = (iota_col == idx).astype(jnp.float32)
    return oh, idx


def _dot(a, b, precision=jax.lax.Precision.HIGHEST):
    return jax.lax.dot_general(a, b, (((1,), (0,)), ((), ())),
                               preferred_element_type=jnp.float32,
                               precision=precision)


def _frame_repr_kernel(x_ref, out_ref):
    out_ref[...] = jnp.sum(x_ref[...], axis=1, keepdims=True) / 196.0


def _frame_sel_kernel(fr_ref, idx_ref, mask_ref):
    T = 64
    fr = fr_ref[0]
    iota_col = jax.lax.broadcasted_iota(jnp.int32, (T, 1), 0)
    iota_row = jax.lax.broadcasted_iota(jnp.int32, (1, T), 1)
    iota_k = jax.lax.broadcasted_iota(jnp.int32, (1, _FRAME_TOPK), 1)

    ema = fr_ref[0, 0:1, :]
    nov = jnp.zeros((T, 1), dtype=jnp.float32)
    for t in range(T):
        ft = fr_ref[0, t:t + 1, :]
        d = ft - ema
        n = jnp.sum(d * d)
        nov = jnp.where(iota_col == t, n, nov)
        ema = _EMA_ALPHA * ema + (1.0 - _EMA_ALPHA) * ft

    oh, idx = _argmax_col(nov, iota_col, T)
    idx_acc = jnp.where(iota_k == 0, idx, 0)
    mask_row = (iota_row == idx).astype(jnp.float32)
    min_d = jnp.full((T, 1), jnp.inf, dtype=jnp.float32)

    for i in range(1, _FRAME_TOPK):
        last = jnp.sum(oh * fr, axis=0, keepdims=True)
        diff = fr - last
        dist = jnp.sum(diff * diff, axis=1, keepdims=True)
        min_d = jnp.minimum(min_d, dist)
        min_d = jnp.where(oh > 0, -1.0, min_d)
        oh, idx = _argmax_col(min_d, iota_col, T)
        idx_acc = jnp.where(iota_k == i, idx, idx_acc)
        mask_row = mask_row + (iota_row == idx).astype(jnp.float32)
    idx_ref[0] = idx_acc
    mask_ref[0] = mask_row


def _d2_kernel(f_ref, d2_ref, d0_ref):
    Fin = f_ref[0]
    ri = jax.lax.broadcasted_iota(jnp.int32, (_NP, 1), 0)
    Fp = jnp.where(ri < 196, Fin, 0.0)
    g = jax.lax.dot_general(Fp, Fp, (((1,), (1,)), ((), ())),
                            preferred_element_type=jnp.float32,
                            precision=jax.lax.Precision.HIGHEST)
    ii = jax.lax.broadcasted_iota(jnp.int32, (_NP, _NP), 0)
    jj = jax.lax.broadcasted_iota(jnp.int32, (_NP, _NP), 1)
    eye = (ii == jj).astype(jnp.float32)
    rn_col = jnp.sum(g * eye, axis=1, keepdims=True)
    rn_row = jnp.sum(g * eye, axis=0, keepdims=True)
    d2 = rn_col + rn_row - 2.0 * g
    pad = jnp.logical_or(ii >= 196, jj >= 196)
    d2_ref[0] = jnp.where(pad, _NEG, d2)

    gm_row = jnp.sum(g, axis=0, keepdims=True) * (1.0 / 196.0)
    musq = jnp.sum(g) * (1.0 / (196.0 * 196.0))
    d0 = rn_row - 2.0 * gm_row + musq
    jr = jax.lax.broadcasted_iota(jnp.int32, (1, _NP), 1)
    d0_ref[0] = jnp.where(jr >= 196, _NEG, d0)


def _mask_place_kernel(fidx_ref, cm_ref, out_ref):
    T = 64
    fidx = fidx_ref[0]
    cm = cm_ref[0]
    iota_col = jax.lax.broadcasted_iota(jnp.int32, (T, _FRAME_TOPK), 0)
    p = (iota_col == fidx).astype(jnp.float32)
    out_ref[0] = _dot(p, cm, precision=jax.lax.Precision.DEFAULT)


def _frame_gather_sc_body(off_hbm, x_hbm, f_out_hbm, off_v, idx_v, f_v, sem):
    C = _NP // 16
    p = lax.axis_index("s") * 2 + lax.axis_index("c")
    pltpu.sync_copy(off_hbm.at[p], off_v)
    base = off_v[...][0]
    iota = lax.iota(jnp.int32, 16)
    for g in range(C):
        n = jnp.minimum(iota + (g * 16), 195)
        idx_v[pl.ds(g * 16, 16)] = base + n * 64
    half = _NP // 2
    for h in range(2):
        pltpu.async_copy(
            x_hbm.at[idx_v.at[pl.ds(h * half, half)]], f_v, sem).wait()
        pltpu.sync_copy(f_v, f_out_hbm.at[p, pl.ds(h * half, half)])


def _run_frame_gather_sc(offs, x_rows):
    D = x_rows.shape[1]
    P = offs.shape[0]
    mesh = plsc.VectorSubcoreMesh(core_axis_name="c", subcore_axis_name="s")
    gather = pl.kernel(
        _frame_gather_sc_body,
        out_type=jax.ShapeDtypeStruct((P, _NP, D), jnp.float32),
        mesh=mesh,
        scratch_types=[
            pltpu.VMEM((16,), jnp.int32),
            pltpu.VMEM((_NP,), jnp.int32),
            pltpu.VMEM((_NP // 2, D), jnp.float32),
            pltpu.SemaphoreType.DMA,
        ],
    )
    return gather(offs, x_rows)


def _fps_tok_sc_body(d2_hbm, d0_hbm, f_hbm,
                     tidx_hbm, cm_hbm, z_hbm,
                     d2_v, d0_v, tidx_v, idx_v, cm_v, z_v, sem):
    K = _TOKEN_TOPK
    C = _NP // 16
    p = lax.axis_index("s") * 2 + lax.axis_index("c")
    pltpu.sync_copy(d2_hbm.at[p], d2_v)
    pltpu.sync_copy(d0_hbm.at[p], d0_v)
    iota = lax.iota(jnp.int32, 16)
    off = p * _NP

    def store_tidx(k, sel):
        for c in range(4):
            cur = tidx_v[pl.ds(c * 16, 16)]
            tidx_v[pl.ds(c * 16, 16)] = jnp.where(
                iota + (c * 16) == k, sel, cur)

    for c in range(4):
        tidx_v[pl.ds(c * 16, 16)] = jnp.zeros((16,), jnp.int32)

    def argmax_chunks(vecs):
        vmax = vecs[0]
        for v in vecs[1:]:
            vmax = jnp.maximum(vmax, v)
        gmax = vmax[0]
        for l in range(1, 16):
            gmax = jnp.maximum(gmax, vmax[l])
        cmin = jnp.where(vecs[0] == gmax, iota, _NP)
        for c in range(1, len(vecs)):
            cand = jnp.where(vecs[c] == gmax, iota + (c * 16), _NP)
            cmin = jnp.minimum(cmin, cand)
        sel = cmin[0]
        for l in range(1, 16):
            sel = jnp.minimum(sel, cmin[l])
        return sel

    sel0 = argmax_chunks([d0_v[pl.ds(c * 16, 16)] for c in range(C)])
    store_tidx(0, sel0)
    inf16 = jnp.full((16,), jnp.inf, jnp.float32)

    def body(k, carry):
        sel = carry[0]
        mins = carry[1:]
        new_mins = []
        for c in range(C):
            row = d2_v[sel, pl.ds(c * 16, 16)]
            m = jnp.minimum(mins[c], row)
            m = jnp.where(iota + (c * 16) == sel, -1.0, m)
            new_mins.append(m)
        new = argmax_chunks(new_mins)
        store_tidx(k, new)
        return (new, *new_mins)

    final = lax.fori_loop(1, K, body, (sel0, *([inf16] * C)))
    last_sel = final[0]
    for c in range(C):
        m = jnp.where(iota + (c * 16) == last_sel, -1.0, final[1 + c])
        cm_v[pl.ds(c * 16, 16)] = jnp.where(m == -1.0, 1.0, 0.0)

    for c in range(4):
        idx_v[pl.ds(c * 16, 16)] = tidx_v[pl.ds(c * 16, 16)] + off
    pltpu.async_copy(f_hbm.at[idx_v], z_v, sem).wait()

    pltpu.sync_copy(z_v, z_hbm.at[p])
    pltpu.sync_copy(cm_v, cm_hbm.at[p])
    pltpu.sync_copy(tidx_v, tidx_hbm.at[p])


def _run_fps_tok_sc(d2, d0, f_all):
    P = d2.shape[0]
    D = f_all.shape[1]
    mesh = plsc.VectorSubcoreMesh(core_axis_name="c", subcore_axis_name="s")
    fps = pl.kernel(
        _fps_tok_sc_body,
        out_type=[
            jax.ShapeDtypeStruct((P, 64), jnp.int32),
            jax.ShapeDtypeStruct((P, _NP), jnp.float32),
            jax.ShapeDtypeStruct((P, 64, D), jnp.float32),
        ],
        mesh=mesh,
        scratch_types=[
            pltpu.VMEM((_NP, _NP), jnp.float32),
            pltpu.VMEM((_NP,), jnp.float32),
            pltpu.VMEM((64,), jnp.int32),
            pltpu.VMEM((64,), jnp.int32),
            pltpu.VMEM((_NP,), jnp.float32),
            pltpu.VMEM((64, D), jnp.float32),
            pltpu.SemaphoreType.DMA,
        ],
    )
    return fps(d2, d0.reshape(P, _NP), f_all)


def kernel(x):
    B, T, N, D = x.shape
    K = _TOKEN_TOPK
    P = B * _FRAME_TOPK

    xt = jnp.transpose(x, (0, 2, 1, 3))
    x_rows = xt.reshape(B * N * T, D)

    frame_repr = pl.pallas_call(
        _frame_repr_kernel,
        grid=(B, T // 8),
        in_specs=[pl.BlockSpec((1, N, 8, D), lambda b, t: (b, 0, t, 0))],
        out_specs=pl.BlockSpec((1, 1, 8, D), lambda b, t: (b, 0, t, 0)),
        out_shape=jax.ShapeDtypeStruct((B, 1, T, D), jnp.float32),
    )(xt).reshape(B, T, D)

    frame_idx3, frame_mask3 = pl.pallas_call(
        _frame_sel_kernel,
        grid=(B,),
        in_specs=[pl.BlockSpec((1, T, D), lambda b: (b, 0, 0))],
        out_specs=[
            pl.BlockSpec((1, 1, _FRAME_TOPK), lambda b: (b, 0, 0)),
            pl.BlockSpec((1, 1, T), lambda b: (b, 0, 0)),
        ],
        out_shape=[
            jax.ShapeDtypeStruct((B, 1, _FRAME_TOPK), jnp.int32),
            jax.ShapeDtypeStruct((B, 1, T), jnp.float32),
        ],
    )(frame_repr)
    frame_idx = frame_idx3.reshape(B, _FRAME_TOPK)
    frame_mask = frame_mask3.reshape(B, T)

    offs = jnp.arange(B, dtype=jnp.int32)[:, None] * (N * T) + frame_idx
    offs = jnp.broadcast_to(offs.reshape(P)[:, None], (P, 16))
    f_all = _run_frame_gather_sc(offs, x_rows)

    d2, d0 = pl.pallas_call(
        _d2_kernel,
        grid=(P,),
        in_specs=[pl.BlockSpec((1, _NP, D), lambda p: (p, 0, 0))],
        out_specs=[
            pl.BlockSpec((1, _NP, _NP), lambda p: (p, 0, 0)),
            pl.BlockSpec((1, 1, _NP), lambda p: (p, 0, 0)),
        ],
        out_shape=[
            jax.ShapeDtypeStruct((P, _NP, _NP), jnp.float32),
            jax.ShapeDtypeStruct((P, 1, _NP), jnp.float32),
        ],
    )(f_all)

    tidx, cm, zflat = _run_fps_tok_sc(d2, d0, f_all.reshape(P * _NP, D))
    token_idx = tidx.reshape(B, _FRAME_TOPK, 64)[:, :, :K]
    z = zflat.reshape(B, _FRAME_TOPK, 64, D)[:, :, :K]

    token_mask = pl.pallas_call(
        _mask_place_kernel,
        grid=(B,),
        in_specs=[
            pl.BlockSpec((1, 1, _FRAME_TOPK), lambda b: (b, 0, 0)),
            pl.BlockSpec((1, _FRAME_TOPK, N), lambda b: (b, 0, 0)),
        ],
        out_specs=pl.BlockSpec((1, T, N), lambda b: (b, 0, 0)),
        out_shape=jax.ShapeDtypeStruct((B, T, N), jnp.float32),
    )(frame_idx3, cm.reshape(B, _FRAME_TOPK, _NP)[:, :, :N])

    return z, frame_idx, token_idx, frame_mask, token_mask

# --- scband reference (transcript-rebuilt; emitter-appended) ---
"""Pipeline reference for scband-fpschange-point-selector-9225589752443 (READ-ONLY COPY).

The authoritative reference and input builder live on the scoring server;
editing this copy changes nothing except your own understanding.
"""

import jax, jax.numpy as jnp
import numpy as np

FRAME_TOPK = 16
TOKEN_TOPK = 49
EMA_ALPHA = 0.9


def _fps_feats(X, k, seed_idx):
    T = X.shape[0]
    k = min(k, T)
    selected = jnp.zeros((k,), dtype=jnp.int32).at[0].set(seed_idx.astype(jnp.int32))
    min_dist = jnp.full((T,), jnp.inf, dtype=jnp.float32)
    for i in range(1, k):
        last = X[selected[i - 1]]
        dist = jnp.linalg.norm(X - last[None, :], axis=1)
        min_dist = jnp.minimum(min_dist, dist)
        min_dist = min_dist.at[selected[i - 1]].set(-1.0)
        selected = selected.at[i].set(jnp.argmax(min_dist).astype(jnp.int32))
    return selected


def _fps_tokens(Fm, k):
    N = Fm.shape[0]
    k = min(k, N)
    mu = Fm.mean(axis=0, keepdims=True)
    first = jnp.argmax(jnp.linalg.norm(Fm - mu, axis=1)).astype(jnp.int32)
    selected = jnp.zeros((k,), dtype=jnp.int32).at[0].set(first)
    min_dist = jnp.full((N,), jnp.inf, dtype=jnp.float32)
    for i in range(1, k):
        last = Fm[selected[i - 1]]
        dist = jnp.linalg.norm(Fm - last[None, :], axis=1)
        min_dist = jnp.minimum(min_dist, dist)
        min_dist = min_dist.at[selected[i - 1]].set(-1.0)
        selected = selected.at[i].set(jnp.argmax(min_dist).astype(jnp.int32))
    return selected


def setup_inputs(seed: int = 0) -> dict:
    key = jax.random.key(seed)
    x = jax.random.normal(key, (2, 64, 196, 768), dtype=jnp.float32)
    return {"x": x}


def reference(x):
    B, T, N, D = x.shape
    mask = jnp.ones((B, T, N), dtype=x.dtype)
    denom = jnp.clip(mask.sum(axis=2, keepdims=True), 1e-06, None)
    frame_repr = (x * mask[..., None]).sum(axis=2) / denom
    frame_idx_list = []
    for b in range(B):
        fr = frame_repr[b]
        ema = fr[0]
        novelty = []
        for t in range(T):
            novelty.append(jnp.linalg.norm(fr[t] - ema))
            ema = EMA_ALPHA * ema + (1 - EMA_ALPHA) * fr[t]
        novelty = jnp.stack(novelty)
        seed = jnp.argmax(novelty)
        frame_idx_list.append(_fps_feats(fr, FRAME_TOPK, seed))
    frame_idx = jnp.stack(frame_idx_list, axis=0)
    token_rows = []
    for b in range(B):
        row = []
        for i in range(FRAME_TOPK):
            f = frame_idx[b, i]
            Fm = x[b, f]
            sel = _fps_tokens(Fm, TOKEN_TOPK)
            row.append(sel)
        token_rows.append(jnp.stack(row, axis=0))
    token_idx = jnp.stack(token_rows, axis=0).astype(jnp.int32)
    b_ar = jnp.arange(B)[:, None]
    x_sel_frames = x[b_ar, frame_idx]
    b_ar2 = jnp.arange(B)[:, None, None]
    fr_ar2 = jnp.arange(FRAME_TOPK)[None, :, None]
    z = x_sel_frames[b_ar2, fr_ar2, token_idx]
    frame_mask = jnp.zeros((B, T), dtype=x.dtype).at[b_ar, frame_idx].set(1.0)
    token_mask = jnp.zeros((B, T, N), dtype=x.dtype).at[b_ar2, frame_idx[:, :, None], token_idx].set(1.0)
    return (z, frame_idx, token_idx, frame_mask, token_mask)

if __name__ == "__main__":
    import jax
    _d = setup_inputs()
    print(jax.jit(kernel)(*tuple(_d.values())))

</pallas_src>

<mosaic_0001>
#map = affine_map<(d0, d1) -> (0, 0, 0)>
#map1 = affine_map<(d0, d1) -> (0, 0)>
module attributes {stable_mosaic.version = 14 : i64} {
  func.func @_fps_tok_sc_body(%arg0: i32, %arg1: i32, %arg2: memref<32x208x208xf32, #tpu.memory_space<hbm>>, %arg3: memref<32x208xf32, #tpu.memory_space<hbm>>, %arg4: memref<6656x768xf32, #tpu.memory_space<hbm>>, %arg5: memref<32x64xi32, #tpu.memory_space<hbm>>, %arg6: memref<32x208xf32, #tpu.memory_space<hbm>>, %arg7: memref<32x64x768xf32, #tpu.memory_space<hbm>>, %arg8: memref<208x208xf32, #tpu.memory_space<vmem>>, %arg9: memref<208xf32, #tpu.memory_space<vmem>>, %arg10: memref<64xi32, #tpu.memory_space<vmem>>, %arg11: memref<64xi32, #tpu.memory_space<vmem>>, %arg12: memref<208xf32, #tpu.memory_space<vmem>>, %arg13: memref<64x768xf32, #tpu.memory_space<vmem>>, %arg14: memref<!tpu.dma_semaphore, #tpu.memory_space<semaphore_mem>>) attributes {dimension_semantics = [#tpu.dimension_semantics<core_parallel>, #tpu.dimension_semantics<subcore_parallel>], iteration_bounds = array<i64: 2, 16>, scalar_prefetch = 0 : i64, scratch_operands = 7 : i64, tpu.core_type = #tpu.core_type<sc_vector_subcore>, window_params = [{transform_indices = #map}, {transform_indices = #map1}, {transform_indices = #map1}, {transform_indices = #map1}, {transform_indices = #map1}, {transform_indices = #map}]} {
    %mul3A = arith.constant 2 : i32
    %mul3A_0 = arith.muli %arg1, %mul3A : i32
    %add3A = arith.addi %mul3A_0, %arg0 : i32
    "tpu.region"() ({
      %run_scoped3A = tpu.sem_alloc : memref<!tpu.dma_semaphore, #tpu.memory_space<semaphore_mem>>
      %dma_start3A_642 = arith.constant 0 : i32
      %dma_start3A_643 = arith.constant 0 : i32
      %dma_start3A_644 = tpu.memref_slice %arg2[%add3A, %dma_start3A_642, %dma_start3A_643] : memref<32x208x208xf32, #tpu.memory_space<hbm>> -> memref<1x208x208xf32, #tpu.memory_space<hbm>>
      %dma_start3A_645 = tpu.memref_squeeze %dma_start3A_644 : memref<1x208x208xf32, #tpu.memory_space<hbm>> -> memref<208x208xf32, #tpu.memory_space<hbm>>
      %dma_start3A_646 = arith.constant 0 : i32
      %dma_start3A_647 = arith.constant 0 : i32
      %dma_start3A_648 = tpu.memref_slice %arg2[%add3A, %dma_start3A_646, %dma_start3A_647] : memref<32x208x208xf32, #tpu.memory_space<hbm>> -> memref<1x208x208xf32, #tpu.memory_space<hbm>>
      %dma_start3A_649 = tpu.memref_squeeze %dma_start3A_648 : memref<1x208x208xf32, #tpu.memory_space<hbm>> -> memref<208x208xf32, #tpu.memory_space<hbm>>
      tpu.enqueue_dma source(%dma_start3A_649 : memref<208x208xf32, #tpu.memory_space<hbm>>) target(%arg8 : memref<208x208xf32, #tpu.memory_space<vmem>>) target_semaphore(%run_scoped3A : memref<!tpu.dma_semaphore, #tpu.memory_space<semaphore_mem>>)
      %dma_wait3A_650 = arith.constant 0 : i32
      %dma_wait3A_651 = arith.constant 0 : i32
      %dma_wait3A_652 = tpu.memref_slice %arg2[%add3A, %dma_wait3A_650, %dma_wait3A_651] : memref<32x208x208xf32, #tpu.memory_space<hbm>> -> memref<1x208x208xf32, #tpu.memory_space<hbm>>
      %dma_wait3A_653 = tpu.memref_squeeze %dma_wait3A_652 : memref<1x208x208xf32, #tpu.memory_space<hbm>> -> memref<208x208xf32, #tpu.memory_space<hbm>>
      %dma_wait3A_654 = arith.constant 0 : i32
      %dma_wait3A_655 = arith.constant 0 : i32
      %dma_wait3A_656 = tpu.memref_slice %arg2[%add3A, %dma_wait3A_654, %dma_wait3A_655] : memref<32x208x208xf32, #tpu.memory_space<hbm>> -> memref<1x208x208xf32, #tpu.memory_space<hbm>>
      %dma_wait3A_657 = tpu.memref_squeeze %dma_wait3A_656 : memref<1x208x208xf32, #tpu.memory_space<hbm>> -> memref<208x208xf32, #tpu.memory_space<hbm>>
      tpu.wait_dma2 semaphore(%run_scoped3A : memref<!tpu.dma_semaphore, #tpu.memory_space<semaphore_mem>>) src(%dma_wait3A_657 : memref<208x208xf32, #tpu.memory_space<hbm>>) dst(%arg8 : memref<208x208xf32, #tpu.memory_space<vmem>>)
      tpu.yield
    }) : () -> ()
    "tpu.region"() ({
      %run_scoped3A = tpu.sem_alloc : memref<!tpu.dma_semaphore, #tpu.memory_space<semaphore_mem>>
      %dma_start3A_642 = arith.constant 0 : i32
      %dma_start3A_643 = tpu.memref_slice %arg3[%add3A, %dma_start3A_642] : memref<32x208xf32, #tpu.memory_space<hbm>> -> memref<1x208xf32, #tpu.memory_space<hbm>>
      %dma_start3A_644 = tpu.memref_squeeze %dma_start3A_643 : memref<1x208xf32, #tpu.memory_space<hbm>> -> memref<208xf32, #tpu.memory_space<hbm>>
      %dma_start3A_645 = arith.constant 0 : i32
      %dma_start3A_646 = tpu.memref_slice %arg3[%add3A, %dma_start3A_645] : memref<32x208xf32, #tpu.memory_space<hbm>> -> memref<1x208xf32, #tpu.memory_space<hbm>>
      %dma_start3A_647 = tpu.memref_squeeze %dma_start3A_646 : memref<1x208xf32, #tpu.memory_space<hbm>> -> memref<208xf32, #tpu.memory_space<hbm>>
      tpu.enqueue_dma source(%dma_start3A_647 : memref<208xf32, #tpu.memory_space<hbm>>) target(%arg9 : memref<208xf32, #tpu.memory_space<vmem>>) target_semaphore(%run_scoped3A : memref<!tpu.dma_semaphore, #tpu.memory_space<semaphore_mem>>)
      %dma_wait3A_648 = arith.constant 0 : i32
      %dma_wait3A_649 = tpu.memref_slice %arg3[%add3A, %dma_wait3A_648] : memref<32x208xf32, #tpu.memory_space<hbm>> -> memref<1x208xf32, #tpu.memory_space<hbm>>
      %dma_wait3A_650 = tpu.memref_squeeze %dma_wait3A_649 : memref<1x208xf32, #tpu.memory_space<hbm>> -> memref<208xf32, #tpu.memory_space<hbm>>
      %dma_wait3A_651 = arith.constant 0 : i32
      %dma_wait3A_652 = tpu.memref_slice %arg3[%add3A, %dma_wait3A_651] : memref<32x208xf32, #tpu.memory_space<hbm>> -> memref<1x208xf32, #tpu.memory_space<hbm>>
      %dma_wait3A_653 = tpu.memref_squeeze %dma_wait3A_652 : memref<1x208xf32, #tpu.memory_space<hbm>> -> memref<208xf32, #tpu.memory_space<hbm>>
      tpu.wait_dma2 semaphore(%run_scoped3A : memref<!tpu.dma_semaphore, #tpu.memory_space<semaphore_mem>>) src(%dma_wait3A_653 : memref<208xf32, #tpu.memory_space<hbm>>) dst(%arg9 : memref<208xf32, #tpu.memory_space<vmem>>)
      tpu.yield
    }) : () -> ()
    %iota3A = tpu.iota {dimensions = array<i32: 0>} : vector<16xi32>
    %mul3A_1 = arith.constant 208 : i32
    %mul3A_2 = arith.muli %add3A, %mul3A_1 : i32
    %broadcast_in_dim3A = arith.constant 0 : i32
    %broadcast_in_dim3A_3 = vector.broadcast %broadcast_in_dim3A : i32 to vector<16xi32>
    %swap3A = arith.constant 0 : index
    %swap3A_4 = tpu.vector_load %arg10[%swap3A] {strides = array<i32>} : memref<64xi32, #tpu.memory_space<vmem>>, vector<16xi32>,
    %swap3A_5 = vector.shape_cast %swap3A_4 : vector<16xi32> to vector<16xi32>
    %swap3A_6 = vector.shape_cast %broadcast_in_dim3A_3 : vector<16xi32> to vector<16xi32>
    tpu.vector_store %arg10[%swap3A], %swap3A_6 {strides = array<i32>} : memref<64xi32, #tpu.memory_space<vmem>>, vector<16xi32>,
    %broadcast_in_dim3A_7 = arith.constant 0 : i32
    %broadcast_in_dim3A_8 = vector.broadcast %broadcast_in_dim3A_7 : i32 to vector<16xi32>
    %swap3A_9 = arith.constant 16 : index
    %swap3A_10 = tpu.vector_load %arg10[%swap3A_9] {strides = array<i32>} : memref<64xi32, #tpu.memory_space<vmem>>, vector<16xi32>,
    %swap3A_11 = vector.shape_cast %swap3A_10 : vector<16xi32> to vector<16xi32>
    %swap3A_12 = vector.shape_cast %broadcast_in_dim3A_8 : vector<16xi32> to vector<16xi32>
    tpu.vector_store %arg10[%swap3A_9], %swap3A_12 {strides = array<i32>} : memref<64xi32, #tpu.memory_space<vmem>>, vector<16xi32>,
    %broadcast_in_dim3A_13 = arith.constant 0 : i32
    %broadcast_in_dim3A_14 = vector.broadcast %broadcast_in_dim3A_13 : i32 to vector<16xi32>
    %swap3A_15 = arith.constant 32 : index
    %swap3A_16 = tpu.vector_load %arg10[%swap3A_15] {strides = array<i32>} : memref<64xi32, #tpu.memory_space<vmem>>, vector<16xi32>,
    %swap3A_17 = vector.shape_cast %swap3A_16 : vector<16xi32> to vector<16xi32>
    %swap3A_18 = vector.shape_cast %broadcast_in_dim3A_14 : vector<16xi32> to vector<16xi32>
    tpu.vector_store %arg10[%swap3A_15], %swap3A_18 {strides = array<i32>} : memref<64xi32, #tpu.memory_space<vmem>>, vector<16xi32>,
    %broadcast_in_dim3A_19 = arith.constant 0 : i32
    %broadcast_in_dim3A_20 = vector.broadcast %broadcast_in_dim3A_19 : i32 to vector<16xi32>
    %swap3A_21 = arith.constant 48 : index
    %swap3A_22 = tpu.vector_load %arg10[%swap3A_21] {strides = array<i32>} : memref<64xi32, #tpu.memory_space<vmem>>, vector<16xi32>,
    %swap3A_23 = vector.shape_cast %swap3A_22 : vector<16xi32> to vector<16xi32>
    %swap3A_24 = vector.shape_cast %broadcast_in_dim3A_20 : vector<16xi32> to vector<16xi32>
    tpu.vector_store %arg10[%swap3A_21], %swap3A_24 {strides = array<i32>} : memref<64xi32, #tpu.memory_space<vmem>>, vector<16xi32>,
    %get3A = arith.constant 0 : index
    %get3A_25 = tpu.vector_load %arg9[%get3A] {strides = array<i32>} : memref<208xf32, #tpu.memory_space<vmem>>, vector<16xf32>,
    %get3A_26 = vector.shape_cast %get3A_25 : vector<16xf32> to vector<16xf32>
    %get3A_27 = arith.constant 16 : index
    %get3A_28 = tpu.vector_load %arg9[%get3A_27] {strides = array<i32>} : memref<208xf32, #tpu.memory_space<vmem>>, vector<16xf32>,
    %get3A_29 = vector.shape_cast %get3A_28 : vector<16xf32> to vector<16xf32>
    %get3A_30 = arith.constant 32 : index
    %get3A_31 = tpu.vector_load %arg9[%get3A_30] {strides = array<i32>} : memref<208xf32, #tpu.memory_space<vmem>>, vector<16xf32>,
    %get3A_32 = vector.shape_cast %get3A_31 : vector<16xf32> to vector<16xf32>
    %get3A_33 = arith.constant 48 : index
    %get3A_34 = tpu.vector_load %arg9[%get3A_33] {strides = array<i32>} : memref<208xf32, #tpu.memory_space<vmem>>, vector<16xf32>,
    %get3A_35 = vector.shape_cast %get3A_34 : vector<16xf32> to vector<16xf32>
    %get3A_36 = arith.constant 64 : index
    %get3A_37 = tpu.vector_load %arg9[%get3A_36] {strides = array<i32>} : memref<208xf32, #tpu.memory_space<vmem>>, vector<16xf32>,
    %get3A_38 = vector.shape_cast %get3A_37 : vector<16xf32> to vector<16xf32>
    %get3A_39 = arith.constant 80 : index
    %get3A_40 = tpu.vector_load %arg9[%get3A_39] {strides = array<i32>} : memref<208xf32, #tpu.memory_space<vmem>>, vector<16xf32>,
    %get3A_41 = vector.shape_cast %get3A_40 : vector<16xf32> to vector<16xf32>
    %get3A_42 = arith.constant 96 : index
    %get3A_43 = tpu.vector_load %arg9[%get3A_42] {strides = array<i32>} : memref<208xf32, #tpu.memory_space<vmem>>, vector<16xf32>,
    %get3A_44 = vector.shape_cast %get3A_43 : vector<16xf32> to vector<16xf32>
    %get3A_45 = arith.constant 112 : index
    %get3A_46 = tpu.vector_load %arg9[%get3A_45] {strides = array<i32>} : memref<208xf32, #tpu.memory_space<vmem>>, vector<16xf32>,
    %get3A_47 = vector.shape_cast %get3A_46 : vector<16xf32> to vector<16xf32>
    %get3A_48 = arith.constant 128 : index
    %get3A_49 = tpu.vector_load %arg9[%get3A_48] {strides = array<i32>} : memref<208xf32, #tpu.memory_space<vmem>>, vector<16xf32>,
    %get3A_50 = vector.shape_cast %get3A_49 : vector<16xf32> to vector<16xf32>
    %get3A_51 = arith.constant 144 : index
    %get3A_52 = tpu.vector_load %arg9[%get3A_51] {strides = array<i32>} : memref<208xf32, #tpu.memory_space<vmem>>, vector<16xf32>,
    %get3A_53 = vector.shape_cast %get3A_52 : vector<16xf32> to vector<16xf32>
    %get3A_54 = arith.constant 160 : index
    %get3A_55 = tpu.vector_load %arg9[%get3A_54] {strides = array<i32>} : memref<208xf32, #tpu.memory_space<vmem>>, vector<16xf32>,
    %get3A_56 = vector.shape_cast %get3A_55 : vector<16xf32> to vector<16xf32>
    %get3A_57 = arith.constant 176 : index
    %get3A_58 = tpu.vector_load %arg9[%get3A_57] {strides = array<i32>} : memref<208xf32, #tpu.memory_space<vmem>>, vector<16xf32>,
    %get3A_59 = vector.shape_cast %get3A_58 : vector<16xf32> to vector<16xf32>
    %get3A_60 = arith.constant 192 : index
    %get3A_61 = tpu.vector_load %arg9[%get3A_60] {strides = array<i32>} : memref<208xf32, #tpu.memory_space<vmem>>, vector<16xf32>,
    %get3A_62 = vector.shape_cast %get3A_61 : vector<16xf32> to vector<16xf32>
    %max3A = arith.maximumf %get3A_26, %get3A_29 : vector<16xf32>
    %max3A_63 = arith.maximumf %max3A, %get3A_32 : vector<16xf32>
    %max3A_64 = arith.maximumf %max3A_63, %get3A_35 : vector<16xf32>
    %max3A_65 = arith.maximumf %max3A_64, %get3A_38 : vector<16xf32>
    %max3A_66 = arith.maximumf %max3A_65, %get3A_41 : vector<16xf32>
    %max3A_67 = arith.maximumf %max3A_66, %get3A_44 : vector<16xf32>
    %max3A_68 = arith.maximumf %max3A_67, %get3A_47 : vector<16xf32>
    %max3A_69 = arith.maximumf %max3A_68, %get3A_50 : vector<16xf32>
    %max3A_70 = arith.maximumf %max3A_69, %get3A_53 : vector<16xf32>
    %max3A_71 = arith.maximumf %max3A_70, %get3A_56 : vector<16xf32>
    %max3A_72 = arith.maximumf %max3A_71, %get3A_59 : vector<16xf32>
    %max3A_73 = arith.maximumf %max3A_72, %get3A_62 : vector<16xf32>
    %slice3A = vector.extract_strided_slice %max3A_73 {offsets = [0], sizes = [1], strides = [1]} : vector<16xf32> to vector<1xf32>
    %squeeze3A = vector.extract %slice3A[0] : f32 from vector<1xf32>
    %slice3A_74 = vector.extract_strided_slice %max3A_73 {offsets = [1], sizes = [1], strides = [1]} : vector<16xf32> to vector<1xf32>
    %squeeze3A_75 = vector.extract %slice3A_74[0] : f32 from vector<1xf32>
    %max3A_76 = arith.maximumf %squeeze3A, %squeeze3A_75 : f32
    %slice3A_77 = vector.extract_strided_slice %max3A_73 {offsets = [2], sizes = [1], strides = [1]} : vector<16xf32> to vector<1xf32>
    %squeeze3A_78 = vector.extract %slice3A_77[0] : f32 from vector<1xf32>
    %max3A_79 = arith.maximumf %max3A_76, %squeeze3A_78 : f32
    %slice3A_80 = vector.extract_strided_slice %max3A_73 {offsets = [3], sizes = [1], strides = [1]} : vector<16xf32> to vector<1xf32>
    %squeeze3A_81 = vector.extract %slice3A_80[0] : f32 from vector<1xf32>
    %max3A_82 = arith.maximumf %max3A_79, %squeeze3A_81 : f32
    %slice3A_83 = vector.extract_strided_slice %max3A_73 {offsets = [4], sizes = [1], strides = [1]} : vector<16xf32> to vector<1xf32>
    %squeeze3A_84 = vector.extract %slice3A_83[0] : f32 from vector<1xf32>
    %max3A_85 = arith.maximumf %max3A_82, %squeeze3A_84 : f32
    %slice3A_86 = vector.extract_strided_slice %max3A_73 {offsets = [5], sizes = [1], strides = [1]} : vector<16xf32> to vector<1xf32>
    %squeeze3A_87 = vector.extract %slice3A_86[0] : f32 from vector<1xf32>
    %max3A_88 = arith.maximumf %max3A_85, %squeeze3A_87 : f32
    %slice3A_89 = vector.extract_strided_slice %max3A_73 {offsets = [6], sizes = [1], strides = [1]} : vector<16xf32> to vector<1xf32>
    %squeeze3A_90 = vector.extract %slice3A_89[0] : f32 from vector<1xf32>
    %max3A_91 = arith.maximumf %max3A_88, %squeeze3A_90 : f32
    %slice3A_92 = vector.extract_strided_slice %max3A_73 {offsets = [7], sizes = [1], strides = [1]} : vector<16xf32> to vector<1xf32>
    %squeeze3A_93 = vector.extract %slice3A_92[0] : f32 from vector<1xf32>
    %max3A_94 = arith.maximumf %max3A_91, %squeeze3A_93 : f32
    %slice3A_95 = vector.extract_strided_slice %max3A_73 {offsets = [8], sizes = [1], strides = [1]} : vector<16xf32> to vector<1xf32>
    %squeeze3A_96 = vector.extract %slice3A_95[0] : f32 from vector<1xf32>
    %max3A_97 = arith.maximumf %max3A_94, %squeeze3A_96 : f32
    %slice3A_98 = vector.extract_strided_slice %max3A_73 {offsets = [9], sizes = [1], strides = [1]} : vector<16xf32> to vector<1xf32>
    %squeeze3A_99 = vector.extract %slice3A_98[0] : f32 from vector<1xf32>
    %max3A_100 = arith.maximumf %max3A_97, %squeeze3A_99 : f32
    %slice3A_101 = vector.extract_strided_slice %max3A_73 {offsets = [10], sizes = [1], strides = [1]} : vector<16xf32> to vector<1xf32>
    %squeeze3A_102 = vector.extract %slice3A_101[0] : f32 from vector<1xf32>
    %max3A_103 = arith.maximumf %max3A_100, %squeeze3A_102 : f32
    %slice3A_104 = vector.extract_strided_slice %max3A_73 {offsets = [11], sizes = [1], strides = [1]} : vector<16xf32> to vector<1xf32>
    %squeeze3A_105 = vector.extract %slice3A_104[0] : f32 from vector<1xf32>
    %max3A_106 = arith.maximumf %max3A_103, %squeeze3A_105 : f32
    %slice3A_107 = vector.extract_strided_slice %max3A_73 {offsets = [12], sizes = [1], strides = [1]} : vector<16xf32> to vector<1xf32>
    %squeeze3A_108 = vector.extract %slice3A_107[0] : f32 from vector<1xf32>
    %max3A_109 = arith.maximumf %max3A_106, %squeeze3A_108 : f32
    %slice3A_110 = vector.extract_strided_slice %max3A_73 {offsets = [13], sizes = [1], strides = [1]} : vector<16xf32> to vector<1xf32>
    %squeeze3A_111 = vector.extract %slice3A_110[0] : f32 from vector<1xf32>
    %max3A_112 = arith.maximumf %max3A_109, %squeeze3A_111 : f32
    %slice3A_113 = vector.extract_strided_slice %max3A_73 {offsets = [14], sizes = [1], strides = [1]} : vector<16xf32> to vector<1xf32>
    %squeeze3A_114 = vector.extract %slice3A_113[0] : f32 from vector<1xf32>
    %max3A_115 = arith.maximumf %max3A_112, %squeeze3A_114 : f32
    %slice3A_116 = vector.extract_strided_slice %max3A_73 {offsets = [15], sizes = [1], strides = [1]} : vector<16xf32> to vector<1xf32>
    %squeeze3A_117 = vector.extract %slice3A_116[0] : f32 from vector<1xf32>
    %max3A_118 = arith.maximumf %max3A_115, %squeeze3A_117 : f32
    %eq3A = vector.broadcast %max3A_118 : f32 to vector<16xf32>
    %eq3A_119 = arith.cmpf oeq, %get3A_26, %eq3A : vector<16xf32>
    %jit3A = arith.constant 208 : i32
    %broadcast_in_dim3A_120 = vector.broadcast %jit3A : i32 to vector<16xi32>
    %select_n3A = arith.select %eq3A_119, %iota3A, %broadcast_in_dim3A_120 : vector<16xi1>, vector<16xi32>
    %eq3A_121 = vector.broadcast %max3A_118 : f32 to vector<16xf32>
    %eq3A_122 = arith.cmpf oeq, %get3A_29, %eq3A_121 : vector<16xf32>
    %add3A_123 = arith.constant 16 : i32
    %add3A_124 = vector.broadcast %add3A_123 : i32 to vector<16xi32>
    %add3A_125 = arith.addi %iota3A, %add3A_124 : vector<16xi32>
    %jit3A_126 = arith.constant 208 : i32
    %broadcast_in_dim3A_127 = vector.broadcast %jit3A_126 : i32 to vector<16xi32>
    %select_n3A_128 = arith.select %eq3A_122, %add3A_125, %broadcast_in_dim3A_127 : vector<16xi1>, vector<16xi32>
    %min3A = arith.minsi %select_n3A, %select_n3A_128 : vector<16xi32>
    %eq3A_129 = vector.broadcast %max3A_118 : f32 to vector<16xf32>
    %eq3A_130 = arith.cmpf oeq, %get3A_32, %eq3A_129 : vector<16xf32>
    %add3A_131 = arith.constant 32 : i32
    %add3A_132 = vector.broadcast %add3A_131 : i32 to vector<16xi32>
    %add3A_133 = arith.addi %iota3A, %add3A_132 : vector<16xi32>
    %jit3A_134 = arith.constant 208 : i32
    %broadcast_in_dim3A_135 = vector.broadcast %jit3A_134 : i32 to vector<16xi32>
    %select_n3A_136 = arith.select %eq3A_130, %add3A_133, %broadcast_in_dim3A_135 : vector<16xi1>, vector<16xi32>
    %min3A_137 = arith.minsi %min3A, %select_n3A_136 : vector<16xi32>
    %eq3A_138 = vector.broadcast %max3A_118 : f32 to vector<16xf32>
    %eq3A_139 = arith.cmpf oeq, %get3A_35, %eq3A_138 : vector<16xf32>
    %add3A_140 = arith.constant 48 : i32
    %add3A_141 = vector.broadcast %add3A_140 : i32 to vector<16xi32>
    %add3A_142 = arith.addi %iota3A, %add3A_141 : vector<16xi32>
    %jit3A_143 = arith.constant 208 : i32
    %broadcast_in_dim3A_144 = vector.broadcast %jit3A_143 : i32 to vector<16xi32>
    %select_n3A_145 = arith.select %eq3A_139, %add3A_142, %broadcast_in_dim3A_144 : vector<16xi1>, vector<16xi32>
    %min3A_146 = arith.minsi %min3A_137, %select_n3A_145 : vector<16xi32>
    %eq3A_147 = vector.broadcast %max3A_118 : f32 to vector<16xf32>
    %eq3A_148 = arith.cmpf oeq, %get3A_38, %eq3A_147 : vector<16xf32>
    %add3A_149 = arith.constant 64 : i32
    %add3A_150 = vector.broadcast %add3A_149 : i32 to vector<16xi32>
    %add3A_151 = arith.addi %iota3A, %add3A_150 : vector<16xi32>
    %jit3A_152 = arith.constant 208 : i32
    %broadcast_in_dim3A_153 = vector.broadcast %jit3A_152 : i32 to vector<16xi32>
    %select_n3A_154 = arith.select %eq3A_148, %add3A_151, %broadcast_in_dim3A_153 : vector<16xi1>, vector<16xi32>
    %min3A_155 = arith.minsi %min3A_146, %select_n3A_154 : vector<16xi32>
    %eq3A_156 = vector.broadcast %max3A_118 : f32 to vector<16xf32>
    %eq3A_157 = arith.cmpf oeq, %get3A_41, %eq3A_156 : vector<16xf32>
    %add3A_158 = arith.constant 80 : i32
    %add3A_159 = vector.broadcast %add3A_158 : i32 to vector<16xi32>
    %add3A_160 = arith.addi %iota3A, %add3A_159 : vector<16xi32>
    %jit3A_161 = arith.constant 208 : i32
    %broadcast_in_dim3A_162 = vector.broadcast %jit3A_161 : i32 to vector<16xi32>
    %select_n3A_163 = arith.select %eq3A_157, %add3A_160, %broadcast_in_dim3A_162 : vector<16xi1>, vector<16xi32>
    %min3A_164 = arith.minsi %min3A_155, %select_n3A_163 : vector<16xi32>
    %eq3A_165 = vector.broadcast %max3A_118 : f32 to vector<16xf32>
    %eq3A_166 = arith.cmpf oeq, %get3A_44, %eq3A_165 : vector<16xf32>
    %add3A_167 = arith.constant 96 : i32
    %add3A_168 = vector.broadcast %add3A_167 : i32 to vector<16xi32>
    %add3A_169 = arith.addi %iota3A, %add3A_168 : vector<16xi32>
    %jit3A_170 = arith.constant 208 : i32
    %broadcast_in_dim3A_171 = vector.broadcast %jit3A_170 : i32 to vector<16xi32>
    %select_n3A_172 = arith.select %eq3A_166, %add3A_169, %broadcast_in_dim3A_171 : vector<16xi1>, vector<16xi32>
    %min3A_173 = arith.minsi %min3A_164, %select_n3A_172 : vector<16xi32>
    %eq3A_174 = vector.broadcast %max3A_118 : f32 to vector<16xf32>
    %eq3A_175 = arith.cmpf oeq, %get3A_47, %eq3A_174 : vector<16xf32>
    %add3A_176 = arith.constant 112 : i32
    %add3A_177 = vector.broadcast %add3A_176 : i32 to vector<16xi32>
    %add3A_178 = arith.addi %iota3A, %add3A_177 : vector<16xi32>
    %jit3A_179 = arith.constant 208 : i32
    %broadcast_in_dim3A_180 = vector.broadcast %jit3A_179 : i32 to vector<16xi32>
    %select_n3A_181 = arith.select %eq3A_175, %add3A_178, %broadcast_in_dim3A_180 : vector<16xi1>, vector<16xi32>
    %min3A_182 = arith.minsi %min3A_173, %select_n3A_181 : vector<16xi32>
    %eq3A_183 = vector.broadcast %max3A_118 : f32 to vector<16xf32>
    %eq3A_184 = arith.cmpf oeq, %get3A_50, %eq3A_183 : vector<16xf32>
    %add3A_185 = arith.constant 128 : i32
    %add3A_186 = vector.broadcast %add3A_185 : i32 to vector<16xi32>
    %add3A_187 = arith.addi %iota3A, %add3A_186 : vector<16xi32>
    %jit3A_188 = arith.constant 208 : i32
    %broadcast_in_dim3A_189 = vector.broadcast %jit3A_188 : i32 to vector<16xi32>
    %select_n3A_190 = arith.select %eq3A_184, %add3A_187, %broadcast_in_dim3A_189 : vector<16xi1>, vector<16xi32>
    %min3A_191 = arith.minsi %min3A_182, %select_n3A_190 : vector<16xi32>
    %eq3A_192 = vector.broadcast %max3A_118 : f32 to vector<16xf32>
    %eq3A_193 = arith.cmpf oeq, %get3A_53, %eq3A_192 : vector<16xf32>
    %add3A_194 = arith.constant 144 : i32
    %add3A_195 = vector.broadcast %add3A_194 : i32 to vector<16xi32>
    %add3A_196 = arith.addi %iota3A, %add3A_195 : vector<16xi32>
    %jit3A_197 = arith.constant 208 : i32
    %broadcast_in_dim3A_198 = vector.broadcast %jit3A_197 : i32 to vector<16xi32>
    %select_n3A_199 = arith.select %eq3A_193, %add3A_196, %broadcast_in_dim3A_198 : vector<16xi1>, vector<16xi32>
    %min3A_200 = arith.minsi %min3A_191, %select_n3A_199 : vector<16xi32>
    %eq3A_201 = vector.broadcast %max3A_118 : f32 to vector<16xf32>
    %eq3A_202 = arith.cmpf oeq, %get3A_56, %eq3A_201 : vector<16xf32>
    %add3A_203 = arith.constant 160 : i32
    %add3A_204 = vector.broadcast %add3A_203 : i32 to vector<16xi32>
    %add3A_205 = arith.addi %iota3A, %add3A_204 : vector<16xi32>
    %jit3A_206 = arith.constant 208 : i32
    %broadcast_in_dim3A_207 = vector.broadcast %jit3A_206 : i32 to vector<16xi32>
    %select_n3A_208 = arith.select %eq3A_202, %add3A_205, %broadcast_in_dim3A_207 : vector<16xi1>, vector<16xi32>
    %min3A_209 = arith.minsi %min3A_200, %select_n3A_208 : vector<16xi32>
    %eq3A_210 = vector.broadcast %max3A_118 : f32 to vector<16xf32>
    %eq3A_211 = arith.cmpf oeq, %get3A_59, %eq3A_210 : vector<16xf32>
    %add3A_212 = arith.constant 176 : i32
    %add3A_213 = vector.broadcast %add3A_212 : i32 to vector<16xi32>
    %add3A_214 = arith.addi %iota3A, %add3A_213 : vector<16xi32>
    %jit3A_215 = arith.constant 208 : i32
    %broadcast_in_dim3A_216 = vector.broadcast %jit3A_215 : i32 to vector<16xi32>
    %select_n3A_217 = arith.select %eq3A_211, %add3A_214, %broadcast_in_dim3A_216 : vector<16xi1>, vector<16xi32>
    %min3A_218 = arith.minsi %min3A_209, %select_n3A_217 : vector<16xi32>
    %eq3A_219 = vector.broadcast %max3A_118 : f32 to vector<16xf32>
    %eq3A_220 = arith.cmpf oeq, %get3A_62, %eq3A_219 : vector<16xf32>
    %add3A_221 = arith.constant 192 : i32
    %add3A_222 = vector.broadcast %add3A_221 : i32 to vector<16xi32>
    %add3A_223 = arith.addi %iota3A, %add3A_222 : vector<16xi32>
    %jit3A_224 = arith.constant 208 : i32
    %broadcast_in_dim3A_225 = vector.broadcast %jit3A_224 : i32 to vector<16xi32>
    %select_n3A_226 = arith.select %eq3A_220, %add3A_223, %broadcast_in_dim3A_225 : vector<16xi1>, vector<16xi32>
    %min3A_227 = arith.minsi %min3A_218, %select_n3A_226 : vector<16xi32>
    %slice3A_228 = vector.extract_strided_slice %min3A_227 {offsets = [0], sizes = [1], strides = [1]} : vector<16xi32> to vector<1xi32>
    %squeeze3A_229 = vector.extract %slice3A_228[0] : i32 from vector<1xi32>
    %slice3A_230 = vector.extract_strided_slice %min3A_227 {offsets = [1], sizes = [1], strides = [1]} : vector<16xi32> to vector<1xi32>
    %squeeze3A_231 = vector.extract %slice3A_230[0] : i32 from vector<1xi32>
    %min3A_232 = arith.minsi %squeeze3A_229, %squeeze3A_231 : i32
    %slice3A_233 = vector.extract_strided_slice %min3A_227 {offsets = [2], sizes = [1], strides = [1]} : vector<16xi32> to vector<1xi32>
    %squeeze3A_234 = vector.extract %slice3A_233[0] : i32 from vector<1xi32>
    %min3A_235 = arith.minsi %min3A_232, %squeeze3A_234 : i32
    %slice3A_236 = vector.extract_strided_slice %min3A_227 {offsets = [3], sizes = [1], strides = [1]} : vector<16xi32> to vector<1xi32>
    %squeeze3A_237 = vector.extract %slice3A_236[0] : i32 from vector<1xi32>
    %min3A_238 = arith.minsi %min3A_235, %squeeze3A_237 : i32
    %slice3A_239 = vector.extract_strided_slice %min3A_227 {offsets = [4], sizes = [1], strides = [1]} : vector<16xi32> to vector<1xi32>
    %squeeze3A_240 = vector.extract %slice3A_239[0] : i32 from vector<1xi32>
    %min3A_241 = arith.minsi %min3A_238, %squeeze3A_240 : i32
    %slice3A_242 = vector.extract_strided_slice %min3A_227 {offsets = [5], sizes = [1], strides = [1]} : vector<16xi32> to vector<1xi32>
    %squeeze3A_243 = vector.extract %slice3A_242[0] : i32 from vector<1xi32>
    %min3A_244 = arith.minsi %min3A_241, %squeeze3A_243 : i32
    %slice3A_245 = vector.extract_strided_slice %min3A_227 {offsets = [6], sizes = [1], strides = [1]} : vector<16xi32> to vector<1xi32>
    %squeeze3A_246 = vector.extract %slice3A_245[0] : i32 from vector<1xi32>
    %min3A_247 = arith.minsi %min3A_244, %squeeze3A_246 : i32
    %slice3A_248 = vector.extract_strided_slice %min3A_227 {offsets = [7], sizes = [1], strides = [1]} : vector<16xi32> to vector<1xi32>
    %squeeze3A_249 = vector.extract %slice3A_248[0] : i32 from vector<1xi32>
    %min3A_250 = arith.minsi %min3A_247, %squeeze3A_249 : i32
    %slice3A_251 = vector.extract_strided_slice %min3A_227 {offsets = [8], sizes = [1], strides = [1]} : vector<16xi32> to vector<1xi32>
    %squeeze3A_252 = vector.extract %slice3A_251[0] : i32 from vector<1xi32>
    %min3A_253 = arith.minsi %min3A_250, %squeeze3A_252 : i32
    %slice3A_254 = vector.extract_strided_slice %min3A_227 {offsets = [9], sizes = [1], strides = [1]} : vector<16xi32> to vector<1xi32>
    %squeeze3A_255 = vector.extract %slice3A_254[0] : i32 from vector<1xi32>
    %min3A_256 = arith.minsi %min3A_253, %squeeze3A_255 : i32
    %slice3A_257 = vector.extract_strided_slice %min3A_227 {offsets = [10], sizes = [1], strides = [1]} : vector<16xi32> to vector<1xi32>
    %squeeze3A_258 = vector.extract %slice3A_257[0] : i32 from vector<1xi32>
    %min3A_259 = arith.minsi %min3A_256, %squeeze3A_258 : i32
    %slice3A_260 = vector.extract_strided_slice %min3A_227 {offsets = [11], sizes = [1], strides = [1]} : vector<16xi32> to vector<1xi32>
    %squeeze3A_261 = vector.extract %slice3A_260[0] : i32 from vector<1xi32>
    %min3A_262 = arith.minsi %min3A_259, %squeeze3A_261 : i32
    %slice3A_263 = vector.extract_strided_slice %min3A_227 {offsets = [12], sizes = [1], strides = [1]} : vector<16xi32> to vector<1xi32>
    %squeeze3A_264 = vector.extract %slice3A_263[0] : i32 from vector<1xi32>
    %min3A_265 = arith.minsi %min3A_262, %squeeze3A_264 : i32
    %slice3A_266 = vector.extract_strided_slice %min3A_227 {offsets = [13], sizes = [1], strides = [1]} : vector<16xi32> to vector<1xi32>
    %squeeze3A_267 = vector.extract %slice3A_266[0] : i32 from vector<1xi32>
    %min3A_268 = arith.minsi %min3A_265, %squeeze3A_267 : i32
    %slice3A_269 = vector.extract_strided_slice %min3A_227 {offsets = [14], sizes = [1], strides = [1]} : vector<16xi32> to vector<1xi32>
    %squeeze3A_270 = vector.extract %slice3A_269[0] : i32 from vector<1xi32>
    %min3A_271 = arith.minsi %min3A_268, %squeeze3A_270 : i32
    %slice3A_272 = vector.extract_strided_slice %min3A_227 {offsets = [15], sizes = [1], strides = [1]} : vector<16xi32> to vector<1xi32>
    %squeeze3A_273 = vector.extract %slice3A_272[0] : i32 from vector<1xi32>
    %min3A_274 = arith.minsi %min3A_271, %squeeze3A_273 : i32
    %get3A_275 = arith.constant 0 : index
    %get3A_276 = tpu.vector_load %arg10[%get3A_275] {strides = array<i32>} : memref<64xi32, #tpu.memory_space<vmem>>, vector<16xi32>,
    %get3A_277 = vector.shape_cast %get3A_276 : vector<16xi32> to vector<16xi32>
    %add3A_278 = arith.constant 0 : i32
    %add3A_279 = vector.broadcast %add3A_278 : i32 to vector<16xi32>
    %add3A_280 = arith.addi %iota3A, %add3A_279 : vector<16xi32>
    %eq3A_281 = arith.constant 0 : i32
    %eq3A_282 = vector.broadcast %eq3A_281 : i32 to vector<16xi32>
    %eq3A_283 = arith.cmpi eq, %add3A_280, %eq3A_282 : vector<16xi32>
    %broadcast_in_dim3A_284 = vector.broadcast %min3A_274 : i32 to vector<16xi32>
    %select_n3A_285 = arith.select %eq3A_283, %broadcast_in_dim3A_284, %get3A_277 : vector<16xi1>, vector<16xi32>
    %swap3A_286 = arith.constant 0 : index
    %swap3A_287 = tpu.vector_load %arg10[%swap3A_286] {strides = array<i32>} : memref<64xi32, #tpu.memory_space<vmem>>, vector<16xi32>,
    %swap3A_288 = vector.shape_cast %swap3A_287 : vector<16xi32> to vector<16xi32>
    %swap3A_289 = vector.shape_cast %select_n3A_285 : vector<16xi32> to vector<16xi32>
    tpu.vector_store %arg10[%swap3A_286], %swap3A_289 {strides = array<i32>} : memref<64xi32, #tpu.memory_space<vmem>>, vector<16xi32>,
    %get3A_290 = arith.constant 16 : index
    %get3A_291 = tpu.vector_load %arg10[%get3A_290] {strides = array<i32>} : memref<64xi32, #tpu.memory_space<vmem>>, vector<16xi32>,
    %get3A_292 = vector.shape_cast %get3A_291 : vector<16xi32> to vector<16xi32>
    %add3A_293 = arith.constant 16 : i32
    %add3A_294 = vector.broadcast %add3A_293 : i32 to vector<16xi32>
    %add3A_295 = arith.addi %iota3A, %add3A_294 : vector<16xi32>
    %eq3A_296 = arith.constant 0 : i32
    %eq3A_297 = vector.broadcast %eq3A_296 : i32 to vector<16xi32>
    %eq3A_298 = arith.cmpi eq, %add3A_295, %eq3A_297 : vector<16xi32>
    %broadcast_in_dim3A_299 = vector.broadcast %min3A_274 : i32 to vector<16xi32>
    %select_n3A_300 = arith.select %eq3A_298, %broadcast_in_dim3A_299, %get3A_292 : vector<16xi1>, vector<16xi32>
    %swap3A_301 = arith.constant 16 : index
    %swap3A_302 = tpu.vector_load %arg10[%swap3A_301] {strides = array<i32>} : memref<64xi32, #tpu.memory_space<vmem>>, vector<16xi32>,
    %swap3A_303 = vector.shape_cast %swap3A_302 : vector<16xi32> to vector<16xi32>
    %swap3A_304 = vector.shape_cast %select_n3A_300 : vector<16xi32> to vector<16xi32>
    tpu.vector_store %arg10[%swap3A_301], %swap3A_304 {strides = array<i32>} : memref<64xi32, #tpu.memory_space<vmem>>, vector<16xi32>,
    %get3A_305 = arith.constant 32 : index
    %get3A_306 = tpu.vector_load %arg10[%get3A_305] {strides = array<i32>} : memref<64xi32, #tpu.memory_space<vmem>>, vector<16xi32>,
    %get3A_307 = vector.shape_cast %get3A_306 : vector<16xi32> to vector<16xi32>
    %add3A_308 = arith.constant 32 : i32
    %add3A_309 = vector.broadcast %add3A_308 : i32 to vector<16xi32>
    %add3A_310 = arith.addi %iota3A, %add3A_309 : vector<16xi32>
    %eq3A_311 = arith.constant 0 : i32
    %eq3A_312 = vector.broadcast %eq3A_311 : i32 to vector<16xi32>
    %eq3A_313 = arith.cmpi eq, %add3A_310, %eq3A_312 : vector<16xi32>
    %broadcast_in_dim3A_314 = vector.broadcast %min3A_274 : i32 to vector<16xi32>
    %select_n3A_315 = arith.select %eq3A_313, %broadcast_in_dim3A_314, %get3A_307 : vector<16xi1>, vector<16xi32>
    %swap3A_316 = arith.constant 32 : index
    %swap3A_317 = tpu.vector_load %arg10[%swap3A_316] {strides = array<i32>} : memref<64xi32, #tpu.memory_space<vmem>>, vector<16xi32>,
    %swap3A_318 = vector.shape_cast %swap3A_317 : vector<16xi32> to vector<16xi32>
    %swap3A_319 = vector.shape_cast %select_n3A_315 : vector<16xi32> to vector<16xi32>
    tpu.vector_store %arg10[%swap3A_316], %swap3A_319 {strides = array<i32>} : memref<64xi32, #tpu.memory_space<vmem>>, vector<16xi32>,
    %get3A_320 = arith.constant 48 : index
    %get3A_321 = tpu.vector_load %arg10[%get3A_320] {strides = array<i32>} : memref<64xi32, #tpu.memory_space<vmem>>, vector<16xi32>,
    %get3A_322 = vector.shape_cast %get3A_321 : vector<16xi32> to vector<16xi32>
    %add3A_323 = arith.constant 48 : i32
    %add3A_324 = vector.broadcast %add3A_323 : i32 to vector<16xi32>
    %add3A_325 = arith.addi %iota3A, %add3A_324 : vector<16xi32>
    %eq3A_326 = arith.constant 0 : i32
    %eq3A_327 = vector.broadcast %eq3A_326 : i32 to vector<16xi32>
    %eq3A_328 = arith.cmpi eq, %add3A_325, %eq3A_327 : vector<16xi32>
    %broadcast_in_dim3A_329 = vector.broadcast %min3A_274 : i32 to vector<16xi32>
    %select_n3A_330 = arith.select %eq3A_328, %broadcast_in_dim3A_329, %get3A_322 : vector<16xi1>, vector<16xi32>
    %swap3A_331 = arith.constant 48 : index
    %swap3A_332 = tpu.vector_load %arg10[%swap3A_331] {strides = array<i32>} : memref<64xi32, #tpu.memory_space<vmem>>, vector<16xi32>,
    %swap3A_333 = vector.shape_cast %swap3A_332 : vector<16xi32> to vector<16xi32>
    %swap3A_334 = vector.shape_cast %select_n3A_330 : vector<16xi32> to vector<16xi32>
    tpu.vector_store %arg10[%swap3A_331], %swap3A_334 {strides = array<i32>} : memref<64xi32, #tpu.memory_space<vmem>>, vector<16xi32>,
    %broadcast_in_dim3A_335 = arith.constant 0x7F800000 : f32
    %broadcast_in_dim3A_336 = vector.broadcast %broadcast_in_dim3A_335 : f32 to vector<16xf32>
    %scan3A = arith.constant 1 : i32
    %scan3A_337 = arith.constant 48 : i32
    %scan3A_338 = arith.addi %scan3A, %scan3A_337 : i32
    %scan3A_339 = arith.constant 1 : i32
    %scan3A_340:14 = scf.for %scan3A_642 = %scan3A to %scan3A_338 step %scan3A_339 iter_args(%scan3A_643 = %min3A_274, %scan3A_644 = %broadcast_in_dim3A_336, %scan3A_645 = %broadcast_in_dim3A_336, %scan3A_646 = %broadcast_in_dim3A_336, %scan3A_647 = %broadcast_in_dim3A_336, %scan3A_648 = %broadcast_in_dim3A_336, %scan3A_649 = %broadcast_in_dim3A_336, %scan3A_650 = %broadcast_in_dim3A_336, %scan3A_651 = %broadcast_in_dim3A_336, %scan3A_652 = %broadcast_in_dim3A_336, %scan3A_653 = %broadcast_in_dim3A_336, %scan3A_654 = %broadcast_in_dim3A_336, %scan3A_655 = %broadcast_in_dim3A_336, %scan3A_656 = %broadcast_in_dim3A_336) -> (i32, vector<16xf32>, vector<16xf32>, vector<16xf32>, vector<16xf32>, vector<16xf32>, vector<16xf32>, vector<16xf32>, vector<16xf32>, vector<16xf32>, vector<16xf32>, vector<16xf32>, vector<16xf32>, vector<16xf32>)  : i32 {
      %get3A_657 = arith.index_cast %scan3A_643 : i32 to index
      %get3A_658 = arith.constant 0 : index
      %get3A_659 = tpu.vector_load %arg8[%get3A_657, %get3A_658] {strides = array<i32>} : memref<208x208xf32, #tpu.memory_space<vmem>>, vector<1x16xf32>,
      %get3A_660 = vector.shape_cast %get3A_659 : vector<1x16xf32> to vector<16xf32>
      %min3A_661 = arith.minimumf %scan3A_644, %get3A_660 : vector<16xf32>
      %add3A_662 = arith.constant 0 : i32
      %add3A_663 = vector.broadcast %add3A_662 : i32 to vector<16xi32>
      %add3A_664 = arith.addi %iota3A, %add3A_663 : vector<16xi32>
      %eq3A_665 = vector.broadcast %scan3A_643 : i32 to vector<16xi32>
      %eq3A_666 = arith.cmpi eq, %add3A_664, %eq3A_665 : vector<16xi32>
      %jit3A_667 = arith.constant -1.000000e+00 : f32
      %broadcast_in_dim3A_668 = vector.broadcast %jit3A_667 : f32 to vector<16xf32>
      %select_n3A_669 = arith.select %eq3A_666, %broadcast_in_dim3A_668, %min3A_661 : vector<16xi1>, vector<16xf32>
      %get3A_670 = arith.index_cast %scan3A_643 : i32 to index
      %get3A_671 = arith.constant 16 : index
      %get3A_672 = tpu.vector_load %arg8[%get3A_670, %get3A_671] {strides = array<i32>} : memref<208x208xf32, #tpu.memory_space<vmem>>, vector<1x16xf32>,
      %get3A_673 = vector.shape_cast %get3A_672 : vector<1x16xf32> to vector<16xf32>
      %min3A_674 = arith.minimumf %scan3A_645, %get3A_673 : vector<16xf32>
      %add3A_675 = arith.constant 16 : i32
      %add3A_676 = vector.broadcast %add3A_675 : i32 to vector<16xi32>
      %add3A_677 = arith.addi %iota3A, %add3A_676 : vector<16xi32>
      %eq3A_678 = vector.broadcast %scan3A_643 : i32 to vector<16xi32>
      %eq3A_679 = arith.cmpi eq, %add3A_677, %eq3A_678 : vector<16xi32>
      %jit3A_680 = arith.constant -1.000000e+00 : f32
      %broadcast_in_dim3A_681 = vector.broadcast %jit3A_680 : f32 to vector<16xf32>
      %select_n3A_682 = arith.select %eq3A_679, %broadcast_in_dim3A_681, %min3A_674 : vector<16xi1>, vector<16xf32>
      %get3A_683 = arith.index_cast %scan3A_643 : i32 to index
      %get3A_684 = arith.constant 32 : index
      %get3A_685 = tpu.vector_load %arg8[%get3A_683, %get3A_684] {strides = array<i32>} : memref<208x208xf32, #tpu.memory_space<vmem>>, vector<1x16xf32>,
      %get3A_686 = vector.shape_cast %get3A_685 : vector<1x16xf32> to vector<16xf32>
      %min3A_687 = arith.minimumf %scan3A_646, %get3A_686 : vector<16xf32>
      %add3A_688 = arith.constant 32 : i32
      %add3A_689 = vector.broadcast %add3A_688 : i32 to vector<16xi32>
      %add3A_690 = arith.addi %iota3A, %add3A_689 : vector<16xi32>
      %eq3A_691 = vector.broadcast %scan3A_643 : i32 to vector<16xi32>
      %eq3A_692 = arith.cmpi eq, %add3A_690, %eq3A_691 : vector<16xi32>
      %jit3A_693 = arith.constant -1.000000e+00 : f32
      %broadcast_in_dim3A_694 = vector.broadcast %jit3A_693 : f32 to vector<16xf32>
      %select_n3A_695 = arith.select %eq3A_692, %broadcast_in_dim3A_694, %min3A_687 : vector<16xi1>, vector<16xf32>
      %get3A_696 = arith.index_cast %scan3A_643 : i32 to index
      %get3A_697 = arith.constant 48 : index
      %get3A_698 = tpu.vector_load %arg8[%get3A_696, %get3A_697] {strides = array<i32>} : memref<208x208xf32, #tpu.memory_space<vmem>>, vector<1x16xf32>,
      %get3A_699 = vector.shape_cast %get3A_698 : vector<1x16xf32> to vector<16xf32>
      %min3A_700 = arith.minimumf %scan3A_647, %get3A_699 : vector<16xf32>
      %add3A_701 = arith.constant 48 : i32
      %add3A_702 = vector.broadcast %add3A_701 : i32 to vector<16xi32>
      %add3A_703 = arith.addi %iota3A, %add3A_702 : vector<16xi32>
      %eq3A_704 = vector.broadcast %scan3A_643 : i32 to vector<16xi32>
      %eq3A_705 = arith.cmpi eq, %add3A_703, %eq3A_704 : vector<16xi32>
      %jit3A_706 = arith.constant -1.000000e+00 : f32
      %broadcast_in_dim3A_707 = vector.broadcast %jit3A_706 : f32 to vector<16xf32>
      %select_n3A_708 = arith.select %eq3A_705, %broadcast_in_dim3A_707, %min3A_700 : vector<16xi1>, vector<16xf32>
      %get3A_709 = arith.index_cast %scan3A_643 : i32 to index
      %get3A_710 = arith.constant 64 : index
      %get3A_711 = tpu.vector_load %arg8[%get3A_709, %get3A_710] {strides = array<i32>} : memref<208x208xf32, #tpu.memory_space<vmem>>, vector<1x16xf32>,
      %get3A_712 = vector.shape_cast %get3A_711 : vector<1x16xf32> to vector<16xf32>
      %min3A_713 = arith.minimumf %scan3A_648, %get3A_712 : vector<16xf32>
      %add3A_714 = arith.constant 64 : i32
      %add3A_715 = vector.broadcast %add3A_714 : i32 to vector<16xi32>
      %add3A_716 = arith.addi %iota3A, %add3A_715 : vector<16xi32>
      %eq3A_717 = vector.broadcast %scan3A_643 : i32 to vector<16xi32>
      %eq3A_718 = arith.cmpi eq, %add3A_716, %eq3A_717 : vector<16xi32>
      %jit3A_719 = arith.constant -1.000000e+00 : f32
      %broadcast_in_dim3A_720 = vector.broadcast %jit3A_719 : f32 to vector<16xf32>
      %select_n3A_721 = arith.select %eq3A_718, %broadcast_in_dim3A_720, %min3A_713 : vector<16xi1>, vector<16xf32>
      %get3A_722 = arith.index_cast %scan3A_643 : i32 to index
      %get3A_723 = arith.constant 80 : index
      %get3A_724 = tpu.vector_load %arg8[%get3A_722, %get3A_723] {strides = array<i32>} : memref<208x208xf32, #tpu.memory_space<vmem>>, vector<1x16xf32>,
      %get3A_725 = vector.shape_cast %get3A_724 : vector<1x16xf32> to vector<16xf32>
      %min3A_726 = arith.minimumf %scan3A_649, %get3A_725 : vector<16xf32>
      %add3A_727 = arith.constant 80 : i32
      %add3A_728 = vector.broadcast %add3A_727 : i32 to vector<16xi32>
      %add3A_729 = arith.addi %iota3A, %add3A_728 : vector<16xi32>
      %eq3A_730 = vector.broadcast %scan3A_643 : i32 to vector<16xi32>
      %eq3A_731 = arith.cmpi eq, %add3A_729, %eq3A_730 : vector<16xi32>
      %jit3A_732 = arith.constant -1.000000e+00 : f32
      %broadcast_in_dim3A_733 = vector.broadcast %jit3A_732 : f32 to vector<16xf32>
      %select_n3A_734 = arith.select %eq3A_731, %broadcast_in_dim3A_733, %min3A_726 : vector<16xi1>, vector<16xf32>
      %get3A_735 = arith.index_cast %scan3A_643 : i32 to index
      %get3A_736 = arith.constant 96 : index
      %get3A_737 = tpu.vector_load %arg8[%get3A_735, %get3A_736] {strides = array<i32>} : memref<208x208xf32, #tpu.memory_space<vmem>>, vector<1x16xf32>,
      %get3A_738 = vector.shape_cast %get3A_737 : vector<1x16xf32> to vector<16xf32>
      %min3A_739 = arith.minimumf %scan3A_650, %get3A_738 : vector<16xf32>
      %add3A_740 = arith.constant 96 : i32
      %add3A_741 = vector.broadcast %add3A_740 : i32 to vector<16xi32>
      %add3A_742 = arith.addi %iota3A, %add3A_741 : vector<16xi32>
      %eq3A_743 = vector.broadcast %scan3A_643 : i32 to vector<16xi32>
      %eq3A_744 = arith.cmpi eq, %add3A_742, %eq3A_743 : vector<16xi32>
      %jit3A_745 = arith.constant -1.000000e+00 : f32
      %broadcast_in_dim3A_746 = vector.broadcast %jit3A_745 : f32 to vector<16xf32>
      %select_n3A_747 = arith.select %eq3A_744, %broadcast_in_dim3A_746, %min3A_739 : vector<16xi1>, vector<16xf32>
      %get3A_748 = arith.index_cast %scan3A_643 : i32 to index
      %get3A_749 = arith.constant 112 : index
      %get3A_750 = tpu.vector_load %arg8[%get3A_748, %get3A_749] {strides = array<i32>} : memref<208x208xf32, #tpu.memory_space<vmem>>, vector<1x16xf32>,
      %get3A_751 = vector.shape_cast %get3A_750 : vector<1x16xf32> to vector<16xf32>
      %min3A_752 = arith.minimumf %scan3A_651, %get3A_751 : vector<16xf32>
      %add3A_753 = arith.constant 112 : i32
      %add3A_754 = vector.broadcast %add3A_753 : i32 to vector<16xi32>
      %add3A_755 = arith.addi %iota3A, %add3A_754 : vector<16xi32>
      %eq3A_756 = vector.broadcast %scan3A_643 : i32 to vector<16xi32>
      %eq3A_757 = arith.cmpi eq, %add3A_755, %eq3A_756 : vector<16xi32>
      %jit3A_758 = arith.constant -1.000000e+00 : f32
      %broadcast_in_dim3A_759 = vector.broadcast %jit3A_758 : f32 to vector<16xf32>
      %select_n3A_760 = arith.select %eq3A_757, %broadcast_in_dim3A_759, %min3A_752 : vector<16xi1>, vector<16xf32>
      %get3A_761 = arith.index_cast %scan3A_643 : i32 to index
      %get3A_762 = arith.constant 128 : index
      %get3A_763 = tpu.vector_load %arg8[%get3A_761, %get3A_762] {strides = array<i32>} : memref<208x208xf32, #tpu.memory_space<vmem>>, vector<1x16xf32>,
      %get3A_764 = vector.shape_cast %get3A_763 : vector<1x16xf32> to vector<16xf32>
      %min3A_765 = arith.minimumf %scan3A_652, %get3A_764 : vector<16xf32>
      %add3A_766 = arith.constant 128 : i32
      %add3A_767 = vector.broadcast %add3A_766 : i32 to vector<16xi32>
      %add3A_768 = arith.addi %iota3A, %add3A_767 : vector<16xi32>
      %eq3A_769 = vector.broadcast %scan3A_643 : i32 to vector<16xi32>
      %eq3A_770 = arith.cmpi eq, %add3A_768, %eq3A_769 : vector<16xi32>
      %jit3A_771 = arith.constant -1.000000e+00 : f32
      %broadcast_in_dim3A_772 = vector.broadcast %jit3A_771 : f32 to vector<16xf32>
      %select_n3A_773 = arith.select %eq3A_770, %broadcast_in_dim3A_772, %min3A_765 : vector<16xi1>, vector<16xf32>
      %get3A_774 = arith.index_cast %scan3A_643 : i32 to index
      %get3A_775 = arith.constant 144 : index
      %get3A_776 = tpu.vector_load %arg8[%get3A_774, %get3A_775] {strides = array<i32>} : memref<208x208xf32, #tpu.memory_space<vmem>>, vector<1x16xf32>,
      %get3A_777 = vector.shape_cast %get3A_776 : vector<1x16xf32> to vector<16xf32>
      %min3A_778 = arith.minimumf %scan3A_653, %get3A_777 : vector<16xf32>
      %add3A_779 = arith.constant 144 : i32
      %add3A_780 = vector.broadcast %add3A_779 : i32 to vector<16xi32>
      %add3A_781 = arith.addi %iota3A, %add3A_780 : vector<16xi32>
      %eq3A_782 = vector.broadcast %scan3A_643 : i32 to vector<16xi32>
      %eq3A_783 = arith.cmpi eq, %add3A_781, %eq3A_782 : vector<16xi32>
      %jit3A_784 = arith.constant -1.000000e+00 : f32
      %broadcast_in_dim3A_785 = vector.broadcast %jit3A_784 : f32 to vector<16xf32>
      %select_n3A_786 = arith.select %eq3A_783, %broadcast_in_dim3A_785, %min3A_778 : vector<16xi1>, vector<16xf32>
      %get3A_787 = arith.index_cast %scan3A_643 : i32 to index
      %get3A_788 = arith.constant 160 : index
      %get3A_789 = tpu.vector_load %arg8[%get3A_787, %get3A_788] {strides = array<i32>} : memref<208x208xf32, #tpu.memory_space<vmem>>, vector<1x16xf32>,
      %get3A_790 = vector.shape_cast %get3A_789 : vector<1x16xf32> to vector<16xf32>
      %min3A_791 = arith.minimumf %scan3A_654, %get3A_790 : vector<16xf32>
      %add3A_792 = arith.constant 160 : i32
      %add3A_793 = vector.broadcast %add3A_792 : i32 to vector<16xi32>
      %add3A_794 = arith.addi %iota3A, %add3A_793 : vector<16xi32>
      %eq3A_795 = vector.broadcast %scan3A_643 : i32 to vector<16xi32>
      %eq3A_796 = arith.cmpi eq, %add3A_794, %eq3A_795 : vector<16xi32>
      %jit3A_797 = arith.constant -1.000000e+00 : f32
      %broadcast_in_dim3A_798 = vector.broadcast %jit3A_797 : f32 to vector<16xf32>
      %select_n3A_799 = arith.select %eq3A_796, %broadcast_in_dim3A_798, %min3A_791 : vector<16xi1>, vector<16xf32>
      %get3A_800 = arith.index_cast %scan3A_643 : i32 to index
      %get3A_801 = arith.constant 176 : index
      %get3A_802 = tpu.vector_load %arg8[%get3A_800, %get3A_801] {strides = array<i32>} : memref<208x208xf32, #tpu.memory_space<vmem>>, vector<1x16xf32>,
      %get3A_803 = vector.shape_cast %get3A_802 : vector<1x16xf32> to vector<16xf32>
      %min3A_804 = arith.minimumf %scan3A_655, %get3A_803 : vector<16xf32>
      %add3A_805 = arith.constant 176 : i32
      %add3A_806 = vector.broadcast %add3A_805 : i32 to vector<16xi32>
      %add3A_807 = arith.addi %iota3A, %add3A_806 : vector<16xi32>
      %eq3A_808 = vector.broadcast %scan3A_643 : i32 to vector<16xi32>
      %eq3A_809 = arith.cmpi eq, %add3A_807, %eq3A_808 : vector<16xi32>
      %jit3A_810 = arith.constant -1.000000e+00 : f32
      %broadcast_in_dim3A_811 = vector.broadcast %jit3A_810 : f32 to vector<16xf32>
      %select_n3A_812 = arith.select %eq3A_809, %broadcast_in_dim3A_811, %min3A_804 : vector<16xi1>, vector<16xf32>
      %get3A_813 = arith.index_cast %scan3A_643 : i32 to index
      %get3A_814 = arith.constant 192 : index
      %get3A_815 = tpu.vector_load %arg8[%get3A_813, %get3A_814] {strides = array<i32>} : memref<208x208xf32, #tpu.memory_space<vmem>>, vector<1x16xf32>,
      %get3A_816 = vector.shape_cast %get3A_815 : vector<1x16xf32> to vector<16xf32>
      %min3A_817 = arith.minimumf %scan3A_656, %get3A_816 : vector<16xf32>
      %add3A_818 = arith.constant 192 : i32
      %add3A_819 = vector.broadcast %add3A_818 : i32 to vector<16xi32>
      %add3A_820 = arith.addi %iota3A, %add3A_819 : vector<16xi32>
      %eq3A_821 = vector.broadcast %scan3A_643 : i32 to vector<16xi32>
      %eq3A_822 = arith.cmpi eq, %add3A_820, %eq3A_821 : vector<16xi32>
      %jit3A_823 = arith.constant -1.000000e+00 : f32
      %broadcast_in_dim3A_824 = vector.broadcast %jit3A_823 : f32 to vector<16xf32>
      %select_n3A_825 = arith.select %eq3A_822, %broadcast_in_dim3A_824, %min3A_817 : vector<16xi1>, vector<16xf32>
      %max3A_826 = arith.maximumf %select_n3A_669, %select_n3A_682 : vector<16xf32>
      %max3A_827 = arith.maximumf %max3A_826, %select_n3A_695 : vector<16xf32>
      %max3A_828 = arith.maximumf %max3A_827, %select_n3A_708 : vector<16xf32>
      %max3A_829 = arith.maximumf %max3A_828, %select_n3A_721 : vector<16xf32>
      %max3A_830 = arith.maximumf %max3A_829, %select_n3A_734 : vector<16xf32>
      %max3A_831 = arith.maximumf %max3A_830, %select_n3A_747 : vector<16xf32>
      %max3A_832 = arith.maximumf %max3A_831, %select_n3A_760 : vector<16xf32>
      %max3A_833 = arith.maximumf %max3A_832, %select_n3A_773 : vector<16xf32>
      %max3A_834 = arith.maximumf %max3A_833, %select_n3A_786 : vector<16xf32>
      %max3A_835 = arith.maximumf %max3A_834, %select_n3A_799 : vector<16xf32>
      %max3A_836 = arith.maximumf %max3A_835, %select_n3A_812 : vector<16xf32>
      %max3A_837 = arith.maximumf %max3A_836, %select_n3A_825 : vector<16xf32>
      %slice3A_838 = vector.extract_strided_slice %max3A_837 {offsets = [0], sizes = [1], strides = [1]} : vector<16xf32> to vector<1xf32>
      %squeeze3A_839 = vector.extract %slice3A_838[0] : f32 from vector<1xf32>
      %slice3A_840 = vector.extract_strided_slice %max3A_837 {offsets = [1], sizes = [1], strides = [1]} : vector<16xf32> to vector<1xf32>
      %squeeze3A_841 = vector.extract %slice3A_840[0] : f32 from vector<1xf32>
      %max3A_842 = arith.maximumf %squeeze3A_839, %squeeze3A_841 : f32
      %slice3A_843 = vector.extract_strided_slice %max3A_837 {offsets = [2], sizes = [1], strides = [1]} : vector<16xf32> to vector<1xf32>
      %squeeze3A_844 = vector.extract %slice3A_843[0] : f32 from vector<1xf32>
      %max3A_845 = arith.maximumf %max3A_842, %squeeze3A_844 : f32
      %slice3A_846 = vector.extract_strided_slice %max3A_837 {offsets = [3], sizes = [1], strides = [1]} : vector<16xf32> to vector<1xf32>
      %squeeze3A_847 = vector.extract %slice3A_846[0] : f32 from vector<1xf32>
      %max3A_848 = arith.maximumf %max3A_845, %squeeze3A_847 : f32
      %slice3A_849 = vector.extract_strided_slice %max3A_837 {offsets = [4], sizes = [1], strides = [1]} : vector<16xf32> to vector<1xf32>
      %squeeze3A_850 = vector.extract %slice3A_849[0] : f32 from vector<1xf32>
      %max3A_851 = arith.maximumf %max3A_848, %squeeze3A_850 : f32
      %slice3A_852 = vector.extract_strided_slice %max3A_837 {offsets = [5], sizes = [1], strides = [1]} : vector<16xf32> to vector<1xf32>
      %squeeze3A_853 = vector.extract %slice3A_852[0] : f32 from vector<1xf32>
      %max3A_854 = arith.maximumf %max3A_851, %squeeze3A_853 : f32
      %slice3A_855 = vector.extract_strided_slice %max3A_837 {offsets = [6], sizes = [1], strides = [1]} : vector<16xf32> to vector<1xf32>
      %squeeze3A_856 = vector.extract %slice3A_855[0] : f32 from vector<1xf32>
      %max3A_857 = arith.maximumf %max3A_854, %squeeze3A_856 : f32
      %slice3A_858 = vector.extract_strided_slice %max3A_837 {offsets = [7], sizes = [1], strides = [1]} : vector<16xf32> to vector<1xf32>
      %squeeze3A_859 = vector.extract %slice3A_858[0] : f32 from vector<1xf32>
      %max3A_860 = arith.maximumf %max3A_857, %squeeze3A_859 : f32
      %slice3A_861 = vector.extract_strided_slice %max3A_837 {offsets = [8], sizes = [1], strides = [1]} : vector<16xf32> to vector<1xf32>
      %squeeze3A_862 = vector.extract %slice3A_861[0] : f32 from vector<1xf32>
      %max3A_863 = arith.maximumf %max3A_860, %squeeze3A_862 : f32
      %slice3A_864 = vector.extract_strided_slice %max3A_837 {offsets = [9], sizes = [1], strides = [1]} : vector<16xf32> to vector<1xf32>
      %squeeze3A_865 = vector.extract %slice3A_864[0] : f32 from vector<1xf32>
      %max3A_866 = arith.maximumf %max3A_863, %squeeze3A_865 : f32
      %slice3A_867 = vector.extract_strided_slice %max3A_837 {offsets = [10], sizes = [1], strides = [1]} : vector<16xf32> to vector<1xf32>
      %squeeze3A_868 = vector.extract %slice3A_867[0] : f32 from vector<1xf32>
      %max3A_869 = arith.maximumf %max3A_866, %squeeze3A_868 : f32
      %slice3A_870 = vector.extract_strided_slice %max3A_837 {offsets = [11], sizes = [1], strides = [1]} : vector<16xf32> to vector<1xf32>
      %squeeze3A_871 = vector.extract %slice3A_870[0] : f32 from vector<1xf32>
      %max3A_872 = arith.maximumf %max3A_869, %squeeze3A_871 : f32
      %slice3A_873 = vector.extract_strided_slice %max3A_837 {offsets = [12], sizes = [1], strides = [1]} : vector<16xf32> to vector<1xf32>
      %squeeze3A_874 = vector.extract %slice3A_873[0] : f32 from vector<1xf32>
      %max3A_875 = arith.maximumf %max3A_872, %squeeze3A_874 : f32
      %slice3A_876 = vector.extract_strided_slice %max3A_837 {offsets = [13], sizes = [1], strides = [1]} : vector<16xf32> to vector<1xf32>
      %squeeze3A_877 = vector.extract %slice3A_876[0] : f32 from vector<1xf32>
      %max3A_878 = arith.maximumf %max3A_875, %squeeze3A_877 : f32
      %slice3A_879 = vector.extract_strided_slice %max3A_837 {offsets = [14], sizes = [1], strides = [1]} : vector<16xf32> to vector<1xf32>
      %squeeze3A_880 = vector.extract %slice3A_879[0] : f32 from vector<1xf32>
      %max3A_881 = arith.maximumf %max3A_878, %squeeze3A_880 : f32
      %slice3A_882 = vector.extract_strided_slice %max3A_837 {offsets = [15], sizes = [1], strides = [1]} : vector<16xf32> to vector<1xf32>
      %squeeze3A_883 = vector.extract %slice3A_882[0] : f32 from vector<1xf32>
      %max3A_884 = arith.maximumf %max3A_881, %squeeze3A_883 : f32
      %eq3A_885 = vector.broadcast %max3A_884 : f32 to vector<16xf32>
      %eq3A_886 = arith.cmpf oeq, %select_n3A_669, %eq3A_885 : vector<16xf32>
      %jit3A_887 = arith.constant 208 : i32
      %broadcast_in_dim3A_888 = vector.broadcast %jit3A_887 : i32 to vector<16xi32>
      %select_n3A_889 = arith.select %eq3A_886, %iota3A, %broadcast_in_dim3A_888 : vector<16xi1>, vector<16xi32>
      %eq3A_890 = vector.broadcast %max3A_884 : f32 to vector<16xf32>
      %eq3A_891 = arith.cmpf oeq, %select_n3A_682, %eq3A_890 : vector<16xf32>
      %add3A_892 = arith.constant 16 : i32
      %add3A_893 = vector.broadcast %add3A_892 : i32 to vector<16xi32>
      %add3A_894 = arith.addi %iota3A, %add3A_893 : vector<16xi32>
      %jit3A_895 = arith.constant 208 : i32
      %broadcast_in_dim3A_896 = vector.broadcast %jit3A_895 : i32 to vector<16xi32>
      %select_n3A_897 = arith.select %eq3A_891, %add3A_894, %broadcast_in_dim3A_896 : vector<16xi1>, vector<16xi32>
      %min3A_898 = arith.minsi %select_n3A_889, %select_n3A_897 : vector<16xi32>
      %eq3A_899 = vector.broadcast %max3A_884 : f32 to vector<16xf32>
      %eq3A_900 = arith.cmpf oeq, %select_n3A_695, %eq3A_899 : vector<16xf32>
      %add3A_901 = arith.constant 32 : i32
      %add3A_902 = vector.broadcast %add3A_901 : i32 to vector<16xi32>
      %add3A_903 = arith.addi %iota3A, %add3A_902 : vector<16xi32>
      %jit3A_904 = arith.constant 208 : i32
      %broadcast_in_dim3A_905 = vector.broadcast %jit3A_904 : i32 to vector<16xi32>
      %select_n3A_906 = arith.select %eq3A_900, %add3A_903, %broadcast_in_dim3A_905 : vector<16xi1>, vector<16xi32>
      %min3A_907 = arith.minsi %min3A_898, %select_n3A_906 : vector<16xi32>
      %eq3A_908 = vector.broadcast %max3A_884 : f32 to vector<16xf32>
      %eq3A_909 = arith.cmpf oeq, %select_n3A_708, %eq3A_908 : vector<16xf32>
      %add3A_910 = arith.constant 48 : i32
      %add3A_911 = vector.broadcast %add3A_910 : i32 to vector<16xi32>
      %add3A_912 = arith.addi %iota3A, %add3A_911 : vector<16xi32>
      %jit3A_913 = arith.constant 208 : i32
      %broadcast_in_dim3A_914 = vector.broadcast %jit3A_913 : i32 to vector<16xi32>
      %select_n3A_915 = arith.select %eq3A_909, %add3A_912, %broadcast_in_dim3A_914 : vector<16xi1>, vector<16xi32>
      %min3A_916 = arith.minsi %min3A_907, %select_n3A_915 : vector<16xi32>
      %eq3A_917 = vector.broadcast %max3A_884 : f32 to vector<16xf32>
      %eq3A_918 = arith.cmpf oeq, %select_n3A_721, %eq3A_917 : vector<16xf32>
      %add3A_919 = arith.constant 64 : i32
      %add3A_920 = vector.broadcast %add3A_919 : i32 to vector<16xi32>
      %add3A_921 = arith.addi %iota3A, %add3A_920 : vector<16xi32>
      %jit3A_922 = arith.constant 208 : i32
      %broadcast_in_dim3A_923 = vector.broadcast %jit3A_922 : i32 to vector<16xi32>
      %select_n3A_924 = arith.select %eq3A_918, %add3A_921, %broadcast_in_dim3A_923 : vector<16xi1>, vector<16xi32>
      %min3A_925 = arith.minsi %min3A_916, %select_n3A_924 : vector<16xi32>
      %eq3A_926 = vector.broadcast %max3A_884 : f32 to vector<16xf32>
      %eq3A_927 = arith.cmpf oeq, %select_n3A_734, %eq3A_926 : vector<16xf32>
      %add3A_928 = arith.constant 80 : i32
      %add3A_929 = vector.broadcast %add3A_928 : i32 to vector<16xi32>
      %add3A_930 = arith.addi %iota3A, %add3A_929 : vector<16xi32>
      %jit3A_931 = arith.constant 208 : i32
      %broadcast_in_dim3A_932 = vector.broadcast %jit3A_931 : i32 to vector<16xi32>
      %select_n3A_933 = arith.select %eq3A_927, %add3A_930, %broadcast_in_dim3A_932 : vector<16xi1>, vector<16xi32>
      %min3A_934 = arith.minsi %min3A_925, %select_n3A_933 : vector<16xi32>
      %eq3A_935 = vector.broadcast %max3A_884 : f32 to vector<16xf32>
      %eq3A_936 = arith.cmpf oeq, %select_n3A_747, %eq3A_935 : vector<16xf32>
      %add3A_937 = arith.constant 96 : i32
      %add3A_938 = vector.broadcast %add3A_937 : i32 to vector<16xi32>
      %add3A_939 = arith.addi %iota3A, %add3A_938 : vector<16xi32>
      %jit3A_940 = arith.constant 208 : i32
      %broadcast_in_dim3A_941 = vector.broadcast %jit3A_940 : i32 to vector<16xi32>
      %select_n3A_942 = arith.select %eq3A_936, %add3A_939, %broadcast_in_dim3A_941 : vector<16xi1>, vector<16xi32>
      %min3A_943 = arith.minsi %min3A_934, %select_n3A_942 : vector<16xi32>
      %eq3A_944 = vector.broadcast %max3A_884 : f32 to vector<16xf32>
      %eq3A_945 = arith.cmpf oeq, %select_n3A_760, %eq3A_944 : vector<16xf32>
      %add3A_946 = arith.constant 112 : i32
      %add3A_947 = vector.broadcast %add3A_946 : i32 to vector<16xi32>
      %add3A_948 = arith.addi %iota3A, %add3A_947 : vector<16xi32>
      %jit3A_949 = arith.constant 208 : i32
      %broadcast_in_dim3A_950 = vector.broadcast %jit3A_949 : i32 to vector<16xi32>
      %select_n3A_951 = arith.select %eq3A_945, %add3A_948, %broadcast_in_dim3A_950 : vector<16xi1>, vector<16xi32>
      %min3A_952 = arith.minsi %min3A_943, %select_n3A_951 : vector<16xi32>
      %eq3A_953 = vector.broadcast %max3A_884 : f32 to vector<16xf32>
      %eq3A_954 = arith.cmpf oeq, %select_n3A_773, %eq3A_953 : vector<16xf32>
      %add3A_955 = arith.constant 128 : i32
      %add3A_956 = vector.broadcast %add3A_955 : i32 to vector<16xi32>
      %add3A_957 = arith.addi %iota3A, %add3A_956 : vector<16xi32>
      %jit3A_958 = arith.constant 208 : i32
      %broadcast_in_dim3A_959 = vector.broadcast %jit3A_958 : i32 to vector<16xi32>
      %select_n3A_960 = arith.select %eq3A_954, %add3A_957, %broadcast_in_dim3A_959 : vector<16xi1>, vector<16xi32>
      %min3A_961 = arith.minsi %min3A_952, %select_n3A_960 : vector<16xi32>
      %eq3A_962 = vector.broadcast %max3A_884 : f32 to vector<16xf32>
      %eq3A_963 = arith.cmpf oeq, %select_n3A_786, %eq3A_962 : vector<16xf32>
      %add3A_964 = arith.constant 144 : i32
      %add3A_965 = vector.broadcast %add3A_964 : i32 to vector<16xi32>
      %add3A_966 = arith.addi %iota3A, %add3A_965 : vector<16xi32>
      %jit3A_967 = arith.constant 208 : i32
      %broadcast_in_dim3A_968 = vector.broadcast %jit3A_967 : i32 to vector<16xi32>
      %select_n3A_969 = arith.select %eq3A_963, %add3A_966, %broadcast_in_dim3A_968 : vector<16xi1>, vector<16xi32>
      %min3A_970 = arith.minsi %min3A_961, %select_n3A_969 : vector<16xi32>
      %eq3A_971 = vector.broadcast %max3A_884 : f32 to vector<16xf32>
      %eq3A_972 = arith.cmpf oeq, %select_n3A_799, %eq3A_971 : vector<16xf32>
      %add3A_973 = arith.constant 160 : i32
      %add3A_974 = vector.broadcast %add3A_973 : i32 to vector<16xi32>
      %add3A_975 = arith.addi %iota3A, %add3A_974 : vector<16xi32>
      %jit3A_976 = arith.constant 208 : i32
      %broadcast_in_dim3A_977 = vector.broadcast %jit3A_976 : i32 to vector<16xi32>
      %select_n3A_978 = arith.select %eq3A_972, %add3A_975, %broadcast_in_dim3A_977 : vector<16xi1>, vector<16xi32>
      %min3A_979 = arith.minsi %min3A_970, %select_n3A_978 : vector<16xi32>
      %eq3A_980 = vector.broadcast %max3A_884 : f32 to vector<16xf32>
      %eq3A_981 = arith.cmpf oeq, %select_n3A_812, %eq3A_980 : vector<16xf32>
      %add3A_982 = arith.constant 176 : i32
      %add3A_983 = vector.broadcast %add3A_982 : i32 to vector<16xi32>
      %add3A_984 = arith.addi %iota3A, %add3A_983 : vector<16xi32>
      %jit3A_985 = arith.constant 208 : i32
      %broadcast_in_dim3A_986 = vector.broadcast %jit3A_985 : i32 to vector<16xi32>
      %select_n3A_987 = arith.select %eq3A_981, %add3A_984, %broadcast_in_dim3A_986 : vector<16xi1>, vector<16xi32>
      %min3A_988 = arith.minsi %min3A_979, %select_n3A_987 : vector<16xi32>
      %eq3A_989 = vector.broadcast %max3A_884 : f32 to vector<16xf32>
      %eq3A_990 = arith.cmpf oeq, %select_n3A_825, %eq3A_989 : vector<16xf32>
      %add3A_991 = arith.constant 192 : i32
      %add3A_992 = vector.broadcast %add3A_991 : i32 to vector<16xi32>
      %add3A_993 = arith.addi %iota3A, %add3A_992 : vector<16xi32>
      %jit3A_994 = arith.constant 208 : i32
      %broadcast_in_dim3A_995 = vector.broadcast %jit3A_994 : i32 to vector<16xi32>
      %select_n3A_996 = arith.select %eq3A_990, %add3A_993, %broadcast_in_dim3A_995 : vector<16xi1>, vector<16xi32>
      %min3A_997 = arith.minsi %min3A_988, %select_n3A_996 : vector<16xi32>
      %slice3A_998 = vector.extract_strided_slice %min3A_997 {offsets = [0], sizes = [1], strides = [1]} : vector<16xi32> to vector<1xi32>
      %squeeze3A_999 = vector.extract %slice3A_998[0] : i32 from vector<1xi32>
      %slice3A_1000 = vector.extract_strided_slice %min3A_997 {offsets = [1], sizes = [1], strides = [1]} : vector<16xi32> to vector<1xi32>
      %squeeze3A_1001 = vector.extract %slice3A_1000[0] : i32 from vector<1xi32>
      %min3A_1002 = arith.minsi %squeeze3A_999, %squeeze3A_1001 : i32
      %slice3A_1003 = vector.extract_strided_slice %min3A_997 {offsets = [2], sizes = [1], strides = [1]} : vector<16xi32> to vector<1xi32>
      %squeeze3A_1004 = vector.extract %slice3A_1003[0] : i32 from vector<1xi32>
      %min3A_1005 = arith.minsi %min3A_1002, %squeeze3A_1004 : i32
      %slice3A_1006 = vector.extract_strided_slice %min3A_997 {offsets = [3], sizes = [1], strides = [1]} : vector<16xi32> to vector<1xi32>
      %squeeze3A_1007 = vector.extract %slice3A_1006[0] : i32 from vector<1xi32>
      %min3A_1008 = arith.minsi %min3A_1005, %squeeze3A_1007 : i32
      %slice3A_1009 = vector.extract_strided_slice %min3A_997 {offsets = [4], sizes = [1], strides = [1]} : vector<16xi32> to vector<1xi32>
      %squeeze3A_1010 = vector.extract %slice3A_1009[0] : i32 from vector<1xi32>
      %min3A_1011 = arith.minsi %min3A_1008, %squeeze3A_1010 : i32
      %slice3A_1012 = vector.extract_strided_slice %min3A_997 {offsets = [5], sizes = [1], strides = [1]} : vector<16xi32> to vector<1xi32>
      %squeeze3A_1013 = vector.extract %slice3A_1012[0] : i32 from vector<1xi32>
      %min3A_1014 = arith.minsi %min3A_1011, %squeeze3A_1013 : i32
      %slice3A_1015 = vector.extract_strided_slice %min3A_997 {offsets = [6], sizes = [1], strides = [1]} : vector<16xi32> to vector<1xi32>
      %squeeze3A_1016 = vector.extract %slice3A_1015[0] : i32 from vector<1xi32>
      %min3A_1017 = arith.minsi %min3A_1014, %squeeze3A_1016 : i32
      %slice3A_1018 = vector.extract_strided_slice %min3A_997 {offsets = [7], sizes = [1], strides = [1]} : vector<16xi32> to vector<1xi32>
      %squeeze3A_1019 = vector.extract %slice3A_1018[0] : i32 from vector<1xi32>
      %min3A_1020 = arith.minsi %min3A_1017, %squeeze3A_1019 : i32
      %slice3A_1021 = vector.extract_strided_slice %min3A_997 {offsets = [8], sizes = [1], strides = [1]} : vector<16xi32> to vector<1xi32>
      %squeeze3A_1022 = vector.extract %slice3A_1021[0] : i32 from vector<1xi32>
      %min3A_1023 = arith.minsi %min3A_1020, %squeeze3A_1022 : i32
      %slice3A_1024 = vector.extract_strided_slice %min3A_997 {offsets = [9], sizes = [1], strides = [1]} : vector<16xi32> to vector<1xi32>
      %squeeze3A_1025 = vector.extract %slice3A_1024[0] : i32 from vector<1xi32>
      %min3A_1026 = arith.minsi %min3A_1023, %squeeze3A_1025 : i32
      %slice3A_1027 = vector.extract_strided_slice %min3A_997 {offsets = [10], sizes = [1], strides = [1]} : vector<16xi32> to vector<1xi32>
      %squeeze3A_1028 = vector.extract %slice3A_1027[0] : i32 from vector<1xi32>
      %min3A_1029 = arith.minsi %min3A_1026, %squeeze3A_1028 : i32
      %slice3A_1030 = vector.extract_strided_slice %min3A_997 {offsets = [11], sizes = [1], strides = [1]} : vector<16xi32> to vector<1xi32>
      %squeeze3A_1031 = vector.extract %slice3A_1030[0] : i32 from vector<1xi32>
      %min3A_1032 = arith.minsi %min3A_1029, %squeeze3A_1031 : i32
      %slice3A_1033 = vector.extract_strided_slice %min3A_997 {offsets = [12], sizes = [1], strides = [1]} : vector<16xi32> to vector<1xi32>
      %squeeze3A_1034 = vector.extract %slice3A_1033[0] : i32 from vector<1xi32>
      %min3A_1035 = arith.minsi %min3A_1032, %squeeze3A_1034 : i32
      %slice3A_1036 = vector.extract_strided_slice %min3A_997 {offsets = [13], sizes = [1], strides = [1]} : vector<16xi32> to vector<1xi32>
      %squeeze3A_1037 = vector.extract %slice3A_1036[0] : i32 from vector<1xi32>
      %min3A_1038 = arith.minsi %min3A_1035, %squeeze3A_1037 : i32
      %slice3A_1039 = vector.extract_strided_slice %min3A_997 {offsets = [14], sizes = [1], strides = [1]} : vector<16xi32> to vector<1xi32>
      %squeeze3A_1040 = vector.extract %slice3A_1039[0] : i32 from vector<1xi32>
      %min3A_1041 = arith.minsi %min3A_1038, %squeeze3A_1040 : i32
      %slice3A_1042 = vector.extract_strided_slice %min3A_997 {offsets = [15], sizes = [1], strides = [1]} : vector<16xi32> to vector<1xi32>
      %squeeze3A_1043 = vector.extract %slice3A_1042[0] : i32 from vector<1xi32>
      %min3A_1044 = arith.minsi %min3A_1041, %squeeze3A_1043 : i32
      %get3A_1045 = arith.constant 0 : index
      %get3A_1046 = tpu.vector_load %arg10[%get3A_1045] {strides = array<i32>} : memref<64xi32, #tpu.memory_space<vmem>>, vector<16xi32>,
      %get3A_1047 = vector.shape_cast %get3A_1046 : vector<16xi32> to vector<16xi32>
      %add3A_1048 = arith.constant 0 : i32
      %add3A_1049 = vector.broadcast %add3A_1048 : i32 to vector<16xi32>
      %add3A_1050 = arith.addi %iota3A, %add3A_1049 : vector<16xi32>
      %eq3A_1051 = vector.broadcast %scan3A_642 : i32 to vector<16xi32>
      %eq3A_1052 = arith.cmpi eq, %add3A_1050, %eq3A_1051 : vector<16xi32>
      %broadcast_in_dim3A_1053 = vector.broadcast %min3A_1044 : i32 to vector<16xi32>
      %select_n3A_1054 = arith.select %eq3A_1052, %broadcast_in_dim3A_1053, %get3A_1047 : vector<16xi1>, vector<16xi32>
      %swap3A_1055 = arith.constant 0 : index
      %swap3A_1056 = tpu.vector_load %arg10[%swap3A_1055] {strides = array<i32>} : memref<64xi32, #tpu.memory_space<vmem>>, vector<16xi32>,
      %swap3A_1057 = vector.shape_cast %swap3A_1056 : vector<16xi32> to vector<16xi32>
      %swap3A_1058 = vector.shape_cast %select_n3A_1054 : vector<16xi32> to vector<16xi32>
      tpu.vector_store %arg10[%swap3A_1055], %swap3A_1058 {strides = array<i32>} : memref<64xi32, #tpu.memory_space<vmem>>, vector<16xi32>,
      %get3A_1059 = arith.constant 16 : index
      %get3A_1060 = tpu.vector_load %arg10[%get3A_1059] {strides = array<i32>} : memref<64xi32, #tpu.memory_space<vmem>>, vector<16xi32>,
      %get3A_1061 = vector.shape_cast %get3A_1060 : vector<16xi32> to vector<16xi32>
      %add3A_1062 = arith.constant 16 : i32
      %add3A_1063 = vector.broadcast %add3A_1062 : i32 to vector<16xi32>
      %add3A_1064 = arith.addi %iota3A, %add3A_1063 : vector<16xi32>
      %eq3A_1065 = vector.broadcast %scan3A_642 : i32 to vector<16xi32>
      %eq3A_1066 = arith.cmpi eq, %add3A_1064, %eq3A_1065 : vector<16xi32>
      %broadcast_in_dim3A_1067 = vector.broadcast %min3A_1044 : i32 to vector<16xi32>
      %select_n3A_1068 = arith.select %eq3A_1066, %broadcast_in_dim3A_1067, %get3A_1061 : vector<16xi1>, vector<16xi32>
      %swap3A_1069 = arith.constant 16 : index
      %swap3A_1070 = tpu.vector_load %arg10[%swap3A_1069] {strides = array<i32>} : memref<64xi32, #tpu.memory_space<vmem>>, vector<16xi32>,
      %swap3A_1071 = vector.shape_cast %swap3A_1070 : vector<16xi32> to vector<16xi32>
      %swap3A_1072 = vector.shape_cast %select_n3A_1068 : vector<16xi32> to vector<16xi32>
      tpu.vector_store %arg10[%swap3A_1069], %swap3A_1072 {strides = array<i32>} : memref<64xi32, #tpu.memory_space<vmem>>, vector<16xi32>,
      %get3A_1073 = arith.constant 32 : index
      %get3A_1074 = tpu.vector_load %arg10[%get3A_1073] {strides = array<i32>} : memref<64xi32, #tpu.memory_space<vmem>>, vector<16xi32>,
      %get3A_1075 = vector.shape_cast %get3A_1074 : vector<16xi32> to vector<16xi32>
      %add3A_1076 = arith.constant 32 : i32
      %add3A_1077 = vector.broadcast %add3A_1076 : i32 to vector<16xi32>
      %add3A_1078 = arith.addi %iota3A, %add3A_1077 : vector<16xi32>
      %eq3A_1079 = vector.broadcast %scan3A_642 : i32 to vector<16xi32>
      %eq3A_1080 = arith.cmpi eq, %add3A_1078, %eq3A_1079 : vector<16xi32>
      %broadcast_in_dim3A_1081 = vector.broadcast %min3A_1044 : i32 to vector<16xi32>
      %select_n3A_1082 = arith.select %eq3A_1080, %broadcast_in_dim3A_1081, %get3A_1075 : vector<16xi1>, vector<16xi32>
      %swap3A_1083 = arith.constant 32 : index
      %swap3A_1084 = tpu.vector_load %arg10[%swap3A_1083] {strides = array<i32>} : memref<64xi32, #tpu.memory_space<vmem>>, vector<16xi32>,
      %swap3A_1085 = vector.shape_cast %swap3A_1084 : vector<16xi32> to vector<16xi32>
      %swap3A_1086 = vector.shape_cast %select_n3A_1082 : vector<16xi32> to vector<16xi32>
      tpu.vector_store %arg10[%swap3A_1083], %swap3A_1086 {strides = array<i32>} : memref<64xi32, #tpu.memory_space<vmem>>, vector<16xi32>,
      %get3A_1087 = arith.constant 48 : index
      %get3A_1088 = tpu.vector_load %arg10[%get3A_1087] {strides = array<i32>} : memref<64xi32, #tpu.memory_space<vmem>>, vector<16xi32>,
      %get3A_1089 = vector.shape_cast %get3A_1088 : vector<16xi32> to vector<16xi32>
      %add3A_1090 = arith.constant 48 : i32
      %add3A_1091 = vector.broadcast %add3A_1090 : i32 to vector<16xi32>
      %add3A_1092 = arith.addi %iota3A, %add3A_1091 : vector<16xi32>
      %eq3A_1093 = vector.broadcast %scan3A_642 : i32 to vector<16xi32>
      %eq3A_1094 = arith.cmpi eq, %add3A_1092, %eq3A_1093 : vector<16xi32>
      %broadcast_in_dim3A_1095 = vector.broadcast %min3A_1044 : i32 to vector<16xi32>
      %select_n3A_1096 = arith.select %eq3A_1094, %broadcast_in_dim3A_1095, %get3A_1089 : vector<16xi1>, vector<16xi32>
      %swap3A_1097 = arith.constant 48 : index
      %swap3A_1098 = tpu.vector_load %arg10[%swap3A_1097] {strides = array<i32>} : memref<64xi32, #tpu.memory_space<vmem>>, vector<16xi32>,
      %swap3A_1099 = vector.shape_cast %swap3A_1098 : vector<16xi32> to vector<16xi32>
      %swap3A_1100 = vector.shape_cast %select_n3A_1096 : vector<16xi32> to vector<16xi32>
      tpu.vector_store %arg10[%swap3A_1097], %swap3A_1100 {strides = array<i32>} : memref<64xi32, #tpu.memory_space<vmem>>, vector<16xi32>,
      scf.yield %min3A_1044, %select_n3A_669, %select_n3A_682, %select_n3A_695, %select_n3A_708, %select_n3A_721, %select_n3A_734, %select_n3A_747, %select_n3A_760, %select_n3A_773, %select_n3A_786, %select_n3A_799, %select_n3A_812, %select_n3A_825 : i32, vector<16xf32>, vector<16xf32>, vector<16xf32>, vector<16xf32>, vector<16xf32>, vector<16xf32>, vector<16xf32>, vector<16xf32>, vector<16xf32>, vector<16xf32>, vector<16xf32>, vector<16xf32>, vector<16xf32>
    }
    %scan3A_341 = arith.constant 48 : i32
    %add3A_342 = arith.constant 0 : i32
    %add3A_343 = vector.broadcast %add3A_342 : i32 to vector<16xi32>
    %add3A_344 = arith.addi %iota3A, %add3A_343 : vector<16xi32>
    %eq3A_345 = vector.broadcast %scan3A_340#0 : i32 to vector<16xi32>
    %eq3A_346 = arith.cmpi eq, %add3A_344, %eq3A_345 : vector<16xi32>
    %jit3A_347 = arith.constant -1.000000e+00 : f32
    %broadcast_in_dim3A_348 = vector.broadcast %jit3A_347 : f32 to vector<16xf32>
    %select_n3A_349 = arith.select %eq3A_346, %broadcast_in_dim3A_348, %scan3A_340#1 : vector<16xi1>, vector<16xf32>
    %eq3A_350 = arith.constant -1.000000e+00 : f32
    %eq3A_351 = vector.broadcast %eq3A_350 : f32 to vector<16xf32>
    %eq3A_352 = arith.cmpf oeq, %select_n3A_349, %eq3A_351 : vector<16xf32>
    %jit3A_353 = arith.constant 1.000000e+00 : f32
    %jit3A_354 = arith.constant 0.000000e+00 : f32
    %broadcast_in_dim3A_355 = vector.broadcast %jit3A_353 : f32 to vector<16xf32>
    %broadcast_in_dim3A_356 = vector.broadcast %jit3A_354 : f32 to vector<16xf32>
    %select_n3A_357 = arith.select %eq3A_352, %broadcast_in_dim3A_355, %broadcast_in_dim3A_356 : vector<16xi1>, vector<16xf32>
    %swap3A_358 = arith.constant 0 : index
    %swap3A_359 = tpu.vector_load %arg12[%swap3A_358] {strides = array<i32>} : memref<208xf32, #tpu.memory_space<vmem>>, vector<16xf32>,
    %swap3A_360 = vector.shape_cast %swap3A_359 : vector<16xf32> to vector<16xf32>
    %swap3A_361 = vector.shape_cast %select_n3A_357 : vector<16xf32> to vector<16xf32>
    tpu.vector_store %arg12[%swap3A_358], %swap3A_361 {strides = array<i32>} : memref<208xf32, #tpu.memory_space<vmem>>, vector<16xf32>,
    %add3A_362 = arith.constant 16 : i32
    %add3A_363 = vector.broadcast %add3A_362 : i32 to vector<16xi32>
    %add3A_364 = arith.addi %iota3A, %add3A_363 : vector<16xi32>
    %eq3A_365 = vector.broadcast %scan3A_340#0 : i32 to vector<16xi32>
    %eq3A_366 = arith.cmpi eq, %add3A_364, %eq3A_365 : vector<16xi32>
    %jit3A_367 = arith.constant -1.000000e+00 : f32
    %broadcast_in_dim3A_368 = vector.broadcast %jit3A_367 : f32 to vector<16xf32>
    %select_n3A_369 = arith.select %eq3A_366, %broadcast_in_dim3A_368, %scan3A_340#2 : vector<16xi1>, vector<16xf32>
    %eq3A_370 = arith.constant -1.000000e+00 : f32
    %eq3A_371 = vector.broadcast %eq3A_370 : f32 to vector<16xf32>
    %eq3A_372 = arith.cmpf oeq, %select_n3A_369, %eq3A_371 : vector<16xf32>
    %jit3A_373 = arith.constant 1.000000e+00 : f32
    %jit3A_374 = arith.constant 0.000000e+00 : f32
    %broadcast_in_dim3A_375 = vector.broadcast %jit3A_373 : f32 to vector<16xf32>
    %broadcast_in_dim3A_376 = vector.broadcast %jit3A_374 : f32 to vector<16xf32>
    %select_n3A_377 = arith.select %eq3A_372, %broadcast_in_dim3A_375, %broadcast_in_dim3A_376 : vector<16xi1>, vector<16xf32>
    %swap3A_378 = arith.constant 16 : index
    %swap3A_379 = tpu.vector_load %arg12[%swap3A_378] {strides = array<i32>} : memref<208xf32, #tpu.memory_space<vmem>>, vector<16xf32>,
    %swap3A_380 = vector.shape_cast %swap3A_379 : vector<16xf32> to vector<16xf32>
    %swap3A_381 = vector.shape_cast %select_n3A_377 : vector<16xf32> to vector<16xf32>
    tpu.vector_store %arg12[%swap3A_378], %swap3A_381 {strides = array<i32>} : memref<208xf32, #tpu.memory_space<vmem>>, vector<16xf32>,
    %add3A_382 = arith.constant 32 : i32
    %add3A_383 = vector.broadcast %add3A_382 : i32 to vector<16xi32>
    %add3A_384 = arith.addi %iota3A, %add3A_383 : vector<16xi32>
    %eq3A_385 = vector.broadcast %scan3A_340#0 : i32 to vector<16xi32>
    %eq3A_386 = arith.cmpi eq, %add3A_384, %eq3A_385 : vector<16xi32>
    %jit3A_387 = arith.constant -1.000000e+00 : f32
    %broadcast_in_dim3A_388 = vector.broadcast %jit3A_387 : f32 to vector<16xf32>
    %select_n3A_389 = arith.select %eq3A_386, %broadcast_in_dim3A_388, %scan3A_340#3 : vector<16xi1>, vector<16xf32>
    %eq3A_390 = arith.constant -1.000000e+00 : f32
    %eq3A_391 = vector.broadcast %eq3A_390 : f32 to vector<16xf32>
    %eq3A_392 = arith.cmpf oeq, %select_n3A_389, %eq3A_391 : vector<16xf32>
    %jit3A_393 = arith.constant 1.000000e+00 : f32
    %jit3A_394 = arith.constant 0.000000e+00 : f32
    %broadcast_in_dim3A_395 = vector.broadcast %jit3A_393 : f32 to vector<16xf32>
    %broadcast_in_dim3A_396 = vector.broadcast %jit3A_394 : f32 to vector<16xf32>
    %select_n3A_397 = arith.select %eq3A_392, %broadcast_in_dim3A_395, %broadcast_in_dim3A_396 : vector<16xi1>, vector<16xf32>
    %swap3A_398 = arith.constant 32 : index
    %swap3A_399 = tpu.vector_load %arg12[%swap3A_398] {strides = array<i32>} : memref<208xf32, #tpu.memory_space<vmem>>, vector<16xf32>,
    %swap3A_400 = vector.shape_cast %swap3A_399 : vector<16xf32> to vector<16xf32>
    %swap3A_401 = vector.shape_cast %select_n3A_397 : vector<16xf32> to vector<16xf32>
    tpu.vector_store %arg12[%swap3A_398], %swap3A_401 {strides = array<i32>} : memref<208xf32, #tpu.memory_space<vmem>>, vector<16xf32>,
    %add3A_402 = arith.constant 48 : i32
    %add3A_403 = vector.broadcast %add3A_402 : i32 to vector<16xi32>
    %add3A_404 = arith.addi %iota3A, %add3A_403 : vector<16xi32>
    %eq3A_405 = vector.broadcast %scan3A_340#0 : i32 to vector<16xi32>
    %eq3A_406 = arith.cmpi eq, %add3A_404, %eq3A_405 : vector<16xi32>
    %jit3A_407 = arith.constant -1.000000e+00 : f32
    %broadcast_in_dim3A_408 = vector.broadcast %jit3A_407 : f32 to vector<16xf32>
    %select_n3A_409 = arith.select %eq3A_406, %broadcast_in_dim3A_408, %scan3A_340#4 : vector<16xi1>, vector<16xf32>
    %eq3A_410 = arith.constant -1.000000e+00 : f32
    %eq3A_411 = vector.broadcast %eq3A_410 : f32 to vector<16xf32>
    %eq3A_412 = arith.cmpf oeq, %select_n3A_409, %eq3A_411 : vector<16xf32>
    %jit3A_413 = arith.constant 1.000000e+00 : f32
    %jit3A_414 = arith.constant 0.000000e+00 : f32
    %broadcast_in_dim3A_415 = vector.broadcast %jit3A_413 : f32 to vector<16xf32>
    %broadcast_in_dim3A_416 = vector.broadcast %jit3A_414 : f32 to vector<16xf32>
    %select_n3A_417 = arith.select %eq3A_412, %broadcast_in_dim3A_415, %broadcast_in_dim3A_416 : vector<16xi1>, vector<16xf32>
    %swap3A_418 = arith.constant 48 : index
    %swap3A_419 = tpu.vector_load %arg12[%swap3A_418] {strides = array<i32>} : memref<208xf32, #tpu.memory_space<vmem>>, vector<16xf32>,
    %swap3A_420 = vector.shape_cast %swap3A_419 : vector<16xf32> to vector<16xf32>
    %swap3A_421 = vector.shape_cast %select_n3A_417 : vector<16xf32> to vector<16xf32>
    tpu.vector_store %arg12[%swap3A_418], %swap3A_421 {strides = array<i32>} : memref<208xf32, #tpu.memory_space<vmem>>, vector<16xf32>,
    %add3A_422 = arith.constant 64 : i32
    %add3A_423 = vector.broadcast %add3A_422 : i32 to vector<16xi32>
    %add3A_424 = arith.addi %iota3A, %add3A_423 : vector<16xi32>
    %eq3A_425 = vector.broadcast %scan3A_340#0 : i32 to vector<16xi32>
    %eq3A_426 = arith.cmpi eq, %add3A_424, %eq3A_425 : vector<16xi32>
    %jit3A_427 = arith.constant -1.000000e+00 : f32
    %broadcast_in_dim3A_428 = vector.broadcast %jit3A_427 : f32 to vector<16xf32>
    %select_n3A_429 = arith.select %eq3A_426, %broadcast_in_dim3A_428, %scan3A_340#5 : vector<16xi1>, vector<16xf32>
    %eq3A_430 = arith.constant -1.000000e+00 : f32
    %eq3A_431 = vector.broadcast %eq3A_430 : f32 to vector<16xf32>
    %eq3A_432 = arith.cmpf oeq, %select_n3A_429, %eq3A_431 : vector<16xf32>
    %jit3A_433 = arith.constant 1.000000e+00 : f32
    %jit3A_434 = arith.constant 0.000000e+00 : f32
    %broadcast_in_dim3A_435 = vector.broadcast %jit3A_433 : f32 to vector<16xf32>
    %broadcast_in_dim3A_436 = vector.broadcast %jit3A_434 : f32 to vector<16xf32>
    %select_n3A_437 = arith.select %eq3A_432, %broadcast_in_dim3A_435, %broadcast_in_dim3A_436 : vector<16xi1>, vector<16xf32>
    %swap3A_438 = arith.constant 64 : index
    %swap3A_439 = tpu.vector_load %arg12[%swap3A_438] {strides = array<i32>} : memref<208xf32, #tpu.memory_space<vmem>>, vector<16xf32>,
    %swap3A_440 = vector.shape_cast %swap3A_439 : vector<16xf32> to vector<16xf32>
    %swap3A_441 = vector.shape_cast %select_n3A_437 : vector<16xf32> to vector<16xf32>
    tpu.vector_store %arg12[%swap3A_438], %swap3A_441 {strides = array<i32>} : memref<208xf32, #tpu.memory_space<vmem>>, vector<16xf32>,
    %add3A_442 = arith.constant 80 : i32
    %add3A_443 = vector.broadcast %add3A_442 : i32 to vector<16xi32>
    %add3A_444 = arith.addi %iota3A, %add3A_443 : vector<16xi32>
    %eq3A_445 = vector.broadcast %scan3A_340#0 : i32 to vector<16xi32>
    %eq3A_446 = arith.cmpi eq, %add3A_444, %eq3A_445 : vector<16xi32>
    %jit3A_447 = arith.constant -1.000000e+00 : f32
    %broadcast_in_dim3A_448 = vector.broadcast %jit3A_447 : f32 to vector<16xf32>
    %select_n3A_449 = arith.select %eq3A_446, %broadcast_in_dim3A_448, %scan3A_340#6 : vector<16xi1>, vector<16xf32>
    %eq3A_450 = arith.constant -1.000000e+00 : f32
    %eq3A_451 = vector.broadcast %eq3A_450 : f32 to vector<16xf32>
    %eq3A_452 = arith.cmpf oeq, %select_n3A_449, %eq3A_451 : vector<16xf32>
    %jit3A_453 = arith.constant 1.000000e+00 : f32
    %jit3A_454 = arith.constant 0.000000e+00 : f32
    %broadcast_in_dim3A_455 = vector.broadcast %jit3A_453 : f32 to vector<16xf32>
    %broadcast_in_dim3A_456 = vector.broadcast %jit3A_454 : f32 to vector<16xf32>
    %select_n3A_457 = arith.select %eq3A_452, %broadcast_in_dim3A_455, %broadcast_in_dim3A_456 : vector<16xi1>, vector<16xf32>
    %swap3A_458 = arith.constant 80 : index
    %swap3A_459 = tpu.vector_load %arg12[%swap3A_458] {strides = array<i32>} : memref<208xf32, #tpu.memory_space<vmem>>, vector<16xf32>,
    %swap3A_460 = vector.shape_cast %swap3A_459 : vector<16xf32> to vector<16xf32>
    %swap3A_461 = vector.shape_cast %select_n3A_457 : vector<16xf32> to vector<16xf32>
    tpu.vector_store %arg12[%swap3A_458], %swap3A_461 {strides = array<i32>} : memref<208xf32, #tpu.memory_space<vmem>>, vector<16xf32>,
    %add3A_462 = arith.constant 96 : i32
    %add3A_463 = vector.broadcast %add3A_462 : i32 to vector<16xi32>
    %add3A_464 = arith.addi %iota3A, %add3A_463 : vector<16xi32>
    %eq3A_465 = vector.broadcast %scan3A_340#0 : i32 to vector<16xi32>
    %eq3A_466 = arith.cmpi eq, %add3A_464, %eq3A_465 : vector<16xi32>
    %jit3A_467 = arith.constant -1.000000e+00 : f32
    %broadcast_in_dim3A_468 = vector.broadcast %jit3A_467 : f32 to vector<16xf32>
    %select_n3A_469 = arith.select %eq3A_466, %broadcast_in_dim3A_468, %scan3A_340#7 : vector<16xi1>, vector<16xf32>
    %eq3A_470 = arith.constant -1.000000e+00 : f32
    %eq3A_471 = vector.broadcast %eq3A_470 : f32 to vector<16xf32>
    %eq3A_472 = arith.cmpf oeq, %select_n3A_469, %eq3A_471 : vector<16xf32>
    %jit3A_473 = arith.constant 1.000000e+00 : f32
    %jit3A_474 = arith.constant 0.000000e+00 : f32
    %broadcast_in_dim3A_475 = vector.broadcast %jit3A_473 : f32 to vector<16xf32>
    %broadcast_in_dim3A_476 = vector.broadcast %jit3A_474 : f32 to vector<16xf32>
    %select_n3A_477 = arith.select %eq3A_472, %broadcast_in_dim3A_475, %broadcast_in_dim3A_476 : vector<16xi1>, vector<16xf32>
    %swap3A_478 = arith.constant 96 : index
    %swap3A_479 = tpu.vector_load %arg12[%swap3A_478] {strides = array<i32>} : memref<208xf32, #tpu.memory_space<vmem>>, vector<16xf32>,
    %swap3A_480 = vector.shape_cast %swap3A_479 : vector<16xf32> to vector<16xf32>
    %swap3A_481 = vector.shape_cast %select_n3A_477 : vector<16xf32> to vector<16xf32>
    tpu.vector_store %arg12[%swap3A_478], %swap3A_481 {strides = array<i32>} : memref<208xf32, #tpu.memory_space<vmem>>, vector<16xf32>,
    %add3A_482 = arith.constant 112 : i32
    %add3A_483 = vector.broadcast %add3A_482 : i32 to vector<16xi32>
    %add3A_484 = arith.addi %iota3A, %add3A_483 : vector<16xi32>
    %eq3A_485 = vector.broadcast %scan3A_340#0 : i32 to vector<16xi32>
    %eq3A_486 = arith.cmpi eq, %add3A_484, %eq3A_485 : vector<16xi32>
    %jit3A_487 = arith.constant -1.000000e+00 : f32
    %broadcast_in_dim3A_488 = vector.broadcast %jit3A_487 : f32 to vector<16xf32>
    %select_n3A_489 = arith.select %eq3A_486, %broadcast_in_dim3A_488, %scan3A_340#8 : vector<16xi1>, vector<16xf32>
    %eq3A_490 = arith.constant -1.000000e+00 : f32
    %eq3A_491 = vector.broadcast %eq3A_490 : f32 to vector<16xf32>
    %eq3A_492 = arith.cmpf oeq, %select_n3A_489, %eq3A_491 : vector<16xf32>
    %jit3A_493 = arith.constant 1.000000e+00 : f32
    %jit3A_494 = arith.constant 0.000000e+00 : f32
    %broadcast_in_dim3A_495 = vector.broadcast %jit3A_493 : f32 to vector<16xf32>
    %broadcast_in_dim3A_496 = vector.broadcast %jit3A_494 : f32 to vector<16xf32>
    %select_n3A_497 = arith.select %eq3A_492, %broadcast_in_dim3A_495, %broadcast_in_dim3A_496 : vector<16xi1>, vector<16xf32>
    %swap3A_498 = arith.constant 112 : index
    %swap3A_499 = tpu.vector_load %arg12[%swap3A_498] {strides = array<i32>} : memref<208xf32, #tpu.memory_space<vmem>>, vector<16xf32>,
    %swap3A_500 = vector.shape_cast %swap3A_499 : vector<16xf32> to vector<16xf32>
    %swap3A_501 = vector.shape_cast %select_n3A_497 : vector<16xf32> to vector<16xf32>
    tpu.vector_store %arg12[%swap3A_498], %swap3A_501 {strides = array<i32>} : memref<208xf32, #tpu.memory_space<vmem>>, vector<16xf32>,
    %add3A_502 = arith.constant 128 : i32
    %add3A_503 = vector.broadcast %add3A_502 : i32 to vector<16xi32>
    %add3A_504 = arith.addi %iota3A, %add3A_503 : vector<16xi32>
    %eq3A_505 = vector.broadcast %scan3A_340#0 : i32 to vector<16xi32>
    %eq3A_506 = arith.cmpi eq, %add3A_504, %eq3A_505 : vector<16xi32>
    %jit3A_507 = arith.constant -1.000000e+00 : f32
    %broadcast_in_dim3A_508 = vector.broadcast %jit3A_507 : f32 to vector<16xf32>
    %select_n3A_509 = arith.select %eq3A_506, %broadcast_in_dim3A_508, %scan3A_340#9 : vector<16xi1>, vector<16xf32>
    %eq3A_510 = arith.constant -1.000000e+00 : f32
    %eq3A_511 = vector.broadcast %eq3A_510 : f32 to vector<16xf32>
    %eq3A_512 = arith.cmpf oeq, %select_n3A_509, %eq3A_511 : vector<16xf32>
    %jit3A_513 = arith.constant 1.000000e+00 : f32
    %jit3A_514 = arith.constant 0.000000e+00 : f32
    %broadcast_in_dim3A_515 = vector.broadcast %jit3A_513 : f32 to vector<16xf32>
    %broadcast_in_dim3A_516 = vector.broadcast %jit3A_514 : f32 to vector<16xf32>
    %select_n3A_517 = arith.select %eq3A_512, %broadcast_in_dim3A_515, %broadcast_in_dim3A_516 : vector<16xi1>, vector<16xf32>
    %swap3A_518 = arith.constant 128 : index
    %swap3A_519 = tpu.vector_load %arg12[%swap3A_518] {strides = array<i32>} : memref<208xf32, #tpu.memory_space<vmem>>, vector<16xf32>,
    %swap3A_520 = vector.shape_cast %swap3A_519 : vector<16xf32> to vector<16xf32>
    %swap3A_521 = vector.shape_cast %select_n3A_517 : vector<16xf32> to vector<16xf32>
    tpu.vector_store %arg12[%swap3A_518], %swap3A_521 {strides = array<i32>} : memref<208xf32, #tpu.memory_space<vmem>>, vector<16xf32>,
    %add3A_522 = arith.constant 144 : i32
    %add3A_523 = vector.broadcast %add3A_522 : i32 to vector<16xi32>
    %add3A_524 = arith.addi %iota3A, %add3A_523 : vector<16xi32>
    %eq3A_525 = vector.broadcast %scan3A_340#0 : i32 to vector<16xi32>
    %eq3A_526 = arith.cmpi eq, %add3A_524, %eq3A_525 : vector<16xi32>
    %jit3A_527 = arith.constant -1.000000e+00 : f32
    %broadcast_in_dim3A_528 = vector.broadcast %jit3A_527 : f32 to vector<16xf32>
    %select_n3A_529 = arith.select %eq3A_526, %broadcast_in_dim3A_528, %scan3A_340#10 : vector<16xi1>, vector<16xf32>
    %eq3A_530 = arith.constant -1.000000e+00 : f32
    %eq3A_531 = vector.broadcast %eq3A_530 : f32 to vector<16xf32>
    %eq3A_532 = arith.cmpf oeq, %select_n3A_529, %eq3A_531 : vector<16xf32>
    %jit3A_533 = arith.constant 1.000000e+00 : f32
    %jit3A_534 = arith.constant 0.000000e+00 : f32
    %broadcast_in_dim3A_535 = vector.broadcast %jit3A_533 : f32 to vector<16xf32>
    %broadcast_in_dim3A_536 = vector.broadcast %jit3A_534 : f32 to vector<16xf32>
    %select_n3A_537 = arith.select %eq3A_532, %broadcast_in_dim3A_535, %broadcast_in_dim3A_536 : vector<16xi1>, vector<16xf32>
    %swap3A_538 = arith.constant 144 : index
    %swap3A_539 = tpu.vector_load %arg12[%swap3A_538] {strides = array<i32>} : memref<208xf32, #tpu.memory_space<vmem>>, vector<16xf32>,
    %swap3A_540 = vector.shape_cast %swap3A_539 : vector<16xf32> to vector<16xf32>
    %swap3A_541 = vector.shape_cast %select_n3A_537 : vector<16xf32> to vector<16xf32>
    tpu.vector_store %arg12[%swap3A_538], %swap3A_541 {strides = array<i32>} : memref<208xf32, #tpu.memory_space<vmem>>, vector<16xf32>,
    %add3A_542 = arith.constant 160 : i32
    %add3A_543 = vector.broadcast %add3A_542 : i32 to vector<16xi32>
    %add3A_544 = arith.addi %iota3A, %add3A_543 : vector<16xi32>
    %eq3A_545 = vector.broadcast %scan3A_340#0 : i32 to vector<16xi32>
    %eq3A_546 = arith.cmpi eq, %add3A_544, %eq3A_545 : vector<16xi32>
    %jit3A_547 = arith.constant -1.000000e+00 : f32
    %broadcast_in_dim3A_548 = vector.broadcast %jit3A_547 : f32 to vector<16xf32>
    %select_n3A_549 = arith.select %eq3A_546, %broadcast_in_dim3A_548, %scan3A_340#11 : vector<16xi1>, vector<16xf32>
    %eq3A_550 = arith.constant -1.000000e+00 : f32
    %eq3A_551 = vector.broadcast %eq3A_550 : f32 to vector<16xf32>
    %eq3A_552 = arith.cmpf oeq, %select_n3A_549, %eq3A_551 : vector<16xf32>
    %jit3A_553 = arith.constant 1.000000e+00 : f32
    %jit3A_554 = arith.constant 0.000000e+00 : f32
    %broadcast_in_dim3A_555 = vector.broadcast %jit3A_553 : f32 to vector<16xf32>
    %broadcast_in_dim3A_556 = vector.broadcast %jit3A_554 : f32 to vector<16xf32>
    %select_n3A_557 = arith.select %eq3A_552, %broadcast_in_dim3A_555, %broadcast_in_dim3A_556 : vector<16xi1>, vector<16xf32>
    %swap3A_558 = arith.constant 160 : index
    %swap3A_559 = tpu.vector_load %arg12[%swap3A_558] {strides = array<i32>} : memref<208xf32, #tpu.memory_space<vmem>>, vector<16xf32>,
    %swap3A_560 = vector.shape_cast %swap3A_559 : vector<16xf32> to vector<16xf32>
    %swap3A_561 = vector.shape_cast %select_n3A_557 : vector<16xf32> to vector<16xf32>
    tpu.vector_store %arg12[%swap3A_558], %swap3A_561 {strides = array<i32>} : memref<208xf32, #tpu.memory_space<vmem>>, vector<16xf32>,
    %add3A_562 = arith.constant 176 : i32
    %add3A_563 = vector.broadcast %add3A_562 : i32 to vector<16xi32>
    %add3A_564 = arith.addi %iota3A, %add3A_563 : vector<16xi32>
    %eq3A_565 = vector.broadcast %scan3A_340#0 : i32 to vector<16xi32>
    %eq3A_566 = arith.cmpi eq, %add3A_564, %eq3A_565 : vector<16xi32>
    %jit3A_567 = arith.constant -1.000000e+00 : f32
    %broadcast_in_dim3A_568 = vector.broadcast %jit3A_567 : f32 to vector<16xf32>
    %select_n3A_569 = arith.select %eq3A_566, %broadcast_in_dim3A_568, %scan3A_340#12 : vector<16xi1>, vector<16xf32>
    %eq3A_570 = arith.constant -1.000000e+00 : f32
    %eq3A_571 = vector.broadcast %eq3A_570 : f32 to vector<16xf32>
    %eq3A_572 = arith.cmpf oeq, %select_n3A_569, %eq3A_571 : vector<16xf32>
    %jit3A_573 = arith.constant 1.000000e+00 : f32
    %jit3A_574 = arith.constant 0.000000e+00 : f32
    %broadcast_in_dim3A_575 = vector.broadcast %jit3A_573 : f32 to vector<16xf32>
    %broadcast_in_dim3A_576 = vector.broadcast %jit3A_574 : f32 to vector<16xf32>
    %select_n3A_577 = arith.select %eq3A_572, %broadcast_in_dim3A_575, %broadcast_in_dim3A_576 : vector<16xi1>, vector<16xf32>
    %swap3A_578 = arith.constant 176 : index
    %swap3A_579 = tpu.vector_load %arg12[%swap3A_578] {strides = array<i32>} : memref<208xf32, #tpu.memory_space<vmem>>, vector<16xf32>,
    %swap3A_580 = vector.shape_cast %swap3A_579 : vector<16xf32> to vector<16xf32>
    %swap3A_581 = vector.shape_cast %select_n3A_577 : vector<16xf32> to vector<16xf32>
    tpu.vector_store %arg12[%swap3A_578], %swap3A_581 {strides = array<i32>} : memref<208xf32, #tpu.memory_space<vmem>>, vector<16xf32>,
    %add3A_582 = arith.constant 192 : i32
    %add3A_583 = vector.broadcast %add3A_582 : i32 to vector<16xi32>
    %add3A_584 = arith.addi %iota3A, %add3A_583 : vector<16xi32>
    %eq3A_585 = vector.broadcast %scan3A_340#0 : i32 to vector<16xi32>
    %eq3A_586 = arith.cmpi eq, %add3A_584, %eq3A_585 : vector<16xi32>
    %jit3A_587 = arith.constant -1.000000e+00 : f32
    %broadcast_in_dim3A_588 = vector.broadcast %jit3A_587 : f32 to vector<16xf32>
    %select_n3A_589 = arith.select %eq3A_586, %broadcast_in_dim3A_588, %scan3A_340#13 : vector<16xi1>, vector<16xf32>
    %eq3A_590 = arith.constant -1.000000e+00 : f32
    %eq3A_591 = vector.broadcast %eq3A_590 : f32 to vector<16xf32>
    %eq3A_592 = arith.cmpf oeq, %select_n3A_589, %eq3A_591 : vector<16xf32>
    %jit3A_593 = arith.constant 1.000000e+00 : f32
    %jit3A_594 = arith.constant 0.000000e+00 : f32
    %broadcast_in_dim3A_595 = vector.broadcast %jit3A_593 : f32 to vector<16xf32>
    %broadcast_in_dim3A_596 = vector.broadcast %jit3A_594 : f32 to vector<16xf32>
    %select_n3A_597 = arith.select %eq3A_592, %broadcast_in_dim3A_595, %broadcast_in_dim3A_596 : vector<16xi1>, vector<16xf32>
    %swap3A_598 = arith.constant 192 : index
    %swap3A_599 = tpu.vector_load %arg12[%swap3A_598] {strides = array<i32>} : memref<208xf32, #tpu.memory_space<vmem>>, vector<16xf32>,
    %swap3A_600 = vector.shape_cast %swap3A_599 : vector<16xf32> to vector<16xf32>
    %swap3A_601 = vector.shape_cast %select_n3A_597 : vector<16xf32> to vector<16xf32>
    tpu.vector_store %arg12[%swap3A_598], %swap3A_601 {strides = array<i32>} : memref<208xf32, #tpu.memory_space<vmem>>, vector<16xf32>,
    %get3A_602 = arith.constant 0 : index
    %get3A_603 = tpu.vector_load %arg10[%get3A_602] {strides = array<i32>} : memref<64xi32, #tpu.memory_space<vmem>>, vector<16xi32>,
    %get3A_604 = vector.shape_cast %get3A_603 : vector<16xi32> to vector<16xi32>
    %add3A_605 = vector.broadcast %mul3A_2 : i32 to vector<16xi32>
    %add3A_606 = arith.addi %get3A_604, %add3A_605 : vector<16xi32>
    %swap3A_607 = arith.constant 0 : index
    %swap3A_608 = tpu.vector_load %arg11[%swap3A_607] {strides = array<i32>} : memref<64xi32, #tpu.memory_space<vmem>>, vector<16xi32>,
    %swap3A_609 = vector.shape_cast %swap3A_608 : vector<16xi32> to vector<16xi32>
    %swap3A_610 = vector.shape_cast %add3A_606 : vector<16xi32> to vector<16xi32>
    tpu.vector_store %arg11[%swap3A_607], %swap3A_610 {strides = array<i32>} : memref<64xi32, #tpu.memory_space<vmem>>, vector<16xi32>,
    %get3A_611 = arith.constant 16 : index
    %get3A_612 = tpu.vector_load %arg10[%get3A_611] {strides = array<i32>} : memref<64xi32, #tpu.memory_space<vmem>>, vector<16xi32>,
    %get3A_613 = vector.shape_cast %get3A_612 : vector<16xi32> to vector<16xi32>
    %add3A_614 = vector.broadcast %mul3A_2 : i32 to vector<16xi32>
    %add3A_615 = arith.addi %get3A_613, %add3A_614 : vector<16xi32>
    %swap3A_616 = arith.constant 16 : index
    %swap3A_617 = tpu.vector_load %arg11[%swap3A_616] {strides = array<i32>} : memref<64xi32, #tpu.memory_space<vmem>>, vector<16xi32>,
    %swap3A_618 = vector.shape_cast %swap3A_617 : vector<16xi32> to vector<16xi32>
    %swap3A_619 = vector.shape_cast %add3A_615 : vector<16xi32> to vector<16xi32>
    tpu.vector_store %arg11[%swap3A_616], %swap3A_619 {strides = array<i32>} : memref<64xi32, #tpu.memory_space<vmem>>, vector<16xi32>,
    %get3A_620 = arith.constant 32 : index
    %get3A_621 = tpu.vector_load %arg10[%get3A_620] {strides = array<i32>} : memref<64xi32, #tpu.memory_space<vmem>>, vector<16xi32>,
    %get3A_622 = vector.shape_cast %get3A_621 : vector<16xi32> to vector<16xi32>
    %add3A_623 = vector.broadcast %mul3A_2 : i32 to vector<16xi32>
    %add3A_624 = arith.addi %get3A_622, %add3A_623 : vector<16xi32>
    %swap3A_625 = arith.constant 32 : index
    %swap3A_626 = tpu.vector_load %arg11[%swap3A_625] {strides = array<i32>} : memref<64xi32, #tpu.memory_space<vmem>>, vector<16xi32>,
    %swap3A_627 = vector.shape_cast %swap3A_626 : vector<16xi32> to vector<16xi32>
    %swap3A_628 = vector.shape_cast %add3A_624 : vector<16xi32> to vector<16xi32>
    tpu.vector_store %arg11[%swap3A_625], %swap3A_628 {strides = array<i32>} : memref<64xi32, #tpu.memory_space<vmem>>, vector<16xi32>,
    %get3A_629 = arith.constant 48 : index
    %get3A_630 = tpu.vector_load %arg10[%get3A_629] {strides = array<i32>} : memref<64xi32, #tpu.memory_space<vmem>>, vector<16xi32>,
    %get3A_631 = vector.shape_cast %get3A_630 : vector<16xi32> to vector<16xi32>
    %add3A_632 = vector.broadcast %mul3A_2 : i32 to vector<16xi32>
    %add3A_633 = arith.addi %get3A_631, %add3A_632 : vector<16xi32>
    %swap3A_634 = arith.constant 48 : index
    %swap3A_635 = tpu.vector_load %arg11[%swap3A_634] {strides = array<i32>} : memref<64xi32, #tpu.memory_space<vmem>>, vector<16xi32>,
    %swap3A_636 = vector.shape_cast %swap3A_635 : vector<16xi32> to vector<16xi32>
    %swap3A_637 = vector.shape_cast %add3A_633 : vector<16xi32> to vector<16xi32>
    tpu.vector_store %arg11[%swap3A_634], %swap3A_637 {strides = array<i32>} : memref<64xi32, #tpu.memory_space<vmem>>, vector<16xi32>,
    %dma_start3A = arith.constant 0 : i32
    %dma_start3A_638 = arith.constant 0 : i32
    %dma_start3A_639 = tpu.memref_slice %arg4[%dma_start3A, %dma_start3A_638] : memref<6656x768xf32, #tpu.memory_space<hbm>> -> memref<6656x768xf32, #tpu.memory_space<hbm>>
    tpu.enqueue_indirect_dma source(%dma_start3A_639 : memref<6656x768xf32, #tpu.memory_space<hbm>>) target(%arg13 : memref<64x768xf32, #tpu.memory_space<vmem>>) offsets(%arg11 : memref<64xi32, #tpu.memory_space<vmem>>) semaphore(%arg14 : memref<!tpu.dma_semaphore, #tpu.memory_space<semaphore_mem>>)
    %dma_wait3A = arith.constant 0 : i32
    %dma_wait3A_640 = arith.constant 0 : i32
    %dma_wait3A_641 = tpu.memref_slice %arg4[%dma_wait3A, %dma_wait3A_640] : memref<6656x768xf32, #tpu.memory_space<hbm>> -> memref<6656x768xf32, #tpu.memory_space<hbm>>
    tpu.wait_indirect_dma semaphore(%arg14 : memref<!tpu.dma_semaphore, #tpu.memory_space<semaphore_mem>>) src(%dma_wait3A_641 : memref<6656x768xf32, #tpu.memory_space<hbm>>) dst(%arg13 : memref<64x768xf32, #tpu.memory_space<vmem>>)
    "tpu.region"() ({
      %run_scoped3A = tpu.sem_alloc : memref<!tpu.dma_semaphore, #tpu.memory_space<semaphore_mem>>
      %dma_start3A_642 = arith.constant 0 : i32
      %dma_start3A_643 = arith.constant 0 : i32
      %dma_start3A_644 = tpu.memref_slice %arg7[%add3A, %dma_start3A_642, %dma_start3A_643] : memref<32x64x768xf32, #tpu.memory_space<hbm>> -> memref<1x64x768xf32, #tpu.memory_space<hbm>>
      %dma_start3A_645 = tpu.memref_squeeze %dma_start3A_644 : memref<1x64x768xf32, #tpu.memory_space<hbm>> -> memref<64x768xf32, #tpu.memory_space<hbm>>
      %dma_start3A_646 = arith.constant 0 : i32
      %dma_start3A_647 = arith.constant 0 : i32
      %dma_start3A_648 = tpu.memref_slice %arg7[%add3A, %dma_start3A_646, %dma_start3A_647] : memref<32x64x768xf32, #tpu.memory_space<hbm>> -> memref<1x64x768xf32, #tpu.memory_space<hbm>>
      %dma_start3A_649 = tpu.memref_squeeze %dma_start3A_648 : memref<1x64x768xf32, #tpu.memory_space<hbm>> -> memref<64x768xf32, #tpu.memory_space<hbm>>
      tpu.enqueue_dma source(%arg13 : memref<64x768xf32, #tpu.memory_space<vmem>>) target(%dma_start3A_649 : memref<64x768xf32, #tpu.memory_space<hbm>>) target_semaphore(%run_scoped3A : memref<!tpu.dma_semaphore, #tpu.memory_space<semaphore_mem>>)
      %dma_wait3A_650 = arith.constant 0 : i32
      %dma_wait3A_651 = arith.constant 0 : i32
      %dma_wait3A_652 = tpu.memref_slice %arg7[%add3A, %dma_wait3A_650, %dma_wait3A_651] : memref<32x64x768xf32, #tpu.memory_space<hbm>> -> memref<1x64x768xf32, #tpu.memory_space<hbm>>
      %dma_wait3A_653 = tpu.memref_squeeze %dma_wait3A_652 : memref<1x64x768xf32, #tpu.memory_space<hbm>> -> memref<64x768xf32, #tpu.memory_space<hbm>>
      %dma_wait3A_654 = arith.constant 0 : i32
      %dma_wait3A_655 = arith.constant 0 : i32
      %dma_wait3A_656 = tpu.memref_slice %arg7[%add3A, %dma_wait3A_654, %dma_wait3A_655] : memref<32x64x768xf32, #tpu.memory_space<hbm>> -> memref<1x64x768xf32, #tpu.memory_space<hbm>>
      %dma_wait3A_657 = tpu.memref_squeeze %dma_wait3A_656 : memref<1x64x768xf32, #tpu.memory_space<hbm>> -> memref<64x768xf32, #tpu.memory_space<hbm>>
      tpu.wait_dma2 semaphore(%run_scoped3A : memref<!tpu.dma_semaphore, #tpu.memory_space<semaphore_mem>>) src(%arg13 : memref<64x768xf32, #tpu.memory_space<vmem>>) dst(%dma_wait3A_657 : memref<64x768xf32, #tpu.memory_space<hbm>>)
      tpu.yield
    }) : () -> ()
    "tpu.region"() ({
      %run_scoped3A = tpu.sem_alloc : memref<!tpu.dma_semaphore, #tpu.memory_space<semaphore_mem>>
      %dma_start3A_642 = arith.constant 0 : i32
      %dma_start3A_643 = tpu.memref_slice %arg6[%add3A, %dma_start3A_642] : memref<32x208xf32, #tpu.memory_space<hbm>> -> memref<1x208xf32, #tpu.memory_space<hbm>>
      %dma_start3A_644 = tpu.memref_squeeze %dma_start3A_643 : memref<1x208xf32, #tpu.memory_space<hbm>> -> memref<208xf32, #tpu.memory_space<hbm>>
      %dma_start3A_645 = arith.constant 0 : i32
      %dma_start3A_646 = tpu.memref_slice %arg6[%add3A, %dma_start3A_645] : memref<32x208xf32, #tpu.memory_space<hbm>> -> memref<1x208xf32, #tpu.memory_space<hbm>>
      %dma_start3A_647 = tpu.memref_squeeze %dma_start3A_646 : memref<1x208xf32, #tpu.memory_space<hbm>> -> memref<208xf32, #tpu.memory_space<hbm>>
      tpu.enqueue_dma source(%arg12 : memref<208xf32, #tpu.memory_space<vmem>>) target(%dma_start3A_647 : memref<208xf32, #tpu.memory_space<hbm>>) target_semaphore(%run_scoped3A : memref<!tpu.dma_semaphore, #tpu.memory_space<semaphore_mem>>)
      %dma_wait3A_648 = arith.constant 0 : i32
      %dma_wait3A_649 = tpu.memref_slice %arg6[%add3A, %dma_wait3A_648] : memref<32x208xf32, #tpu.memory_space<hbm>> -> memref<1x208xf32, #tpu.memory_space<hbm>>
      %dma_wait3A_650 = tpu.memref_squeeze %dma_wait3A_649 : memref<1x208xf32, #tpu.memory_space<hbm>> -> memref<208xf32, #tpu.memory_space<hbm>>
      %dma_wait3A_651 = arith.constant 0 : i32
      %dma_wait3A_652 = tpu.memref_slice %arg6[%add3A, %dma_wait3A_651] : memref<32x208xf32, #tpu.memory_space<hbm>> -> memref<1x208xf32, #tpu.memory_space<hbm>>
      %dma_wait3A_653 = tpu.memref_squeeze %dma_wait3A_652 : memref<1x208xf32, #tpu.memory_space<hbm>> -> memref<208xf32, #tpu.memory_space<hbm>>
      tpu.wait_dma2 semaphore(%run_scoped3A : memref<!tpu.dma_semaphore, #tpu.memory_space<semaphore_mem>>) src(%arg12 : memref<208xf32, #tpu.memory_space<vmem>>) dst(%dma_wait3A_653 : memref<208xf32, #tpu.memory_space<hbm>>)
      tpu.yield
    }) : () -> ()
    "tpu.region"() ({
      %run_scoped3A = tpu.sem_alloc : memref<!tpu.dma_semaphore, #tpu.memory_space<semaphore_mem>>
      %dma_start3A_642 = arith.constant 0 : i32
      %dma_start3A_643 = tpu.memref_slice %arg5[%add3A, %dma_start3A_642] : memref<32x64xi32, #tpu.memory_space<hbm>> -> memref<1x64xi32, #tpu.memory_space<hbm>>
      %dma_start3A_644 = tpu.memref_squeeze %dma_start3A_643 : memref<1x64xi32, #tpu.memory_space<hbm>> -> memref<64xi32, #tpu.memory_space<hbm>>
      %dma_start3A_645 = arith.constant 0 : i32
      %dma_start3A_646 = tpu.memref_slice %arg5[%add3A, %dma_start3A_645] : memref<32x64xi32, #tpu.memory_space<hbm>> -> memref<1x64xi32, #tpu.memory_space<hbm>>
      %dma_start3A_647 = tpu.memref_squeeze %dma_start3A_646 : memref<1x64xi32, #tpu.memory_space<hbm>> -> memref<64xi32, #tpu.memory_space<hbm>>
      tpu.enqueue_dma source(%arg10 : memref<64xi32, #tpu.memory_space<vmem>>) target(%dma_start3A_647 : memref<64xi32, #tpu.memory_space<hbm>>) target_semaphore(%run_scoped3A : memref<!tpu.dma_semaphore, #tpu.memory_space<semaphore_mem>>)
      %dma_wait3A_648 = arith.constant 0 : i32
      %dma_wait3A_649 = tpu.memref_slice %arg5[%add3A, %dma_wait3A_648] : memref<32x64xi32, #tpu.memory_space<hbm>> -> memref<1x64xi32, #tpu.memory_space<hbm>>
      %dma_wait3A_650 = tpu.memref_squeeze %dma_wait3A_649 : memref<1x64xi32, #tpu.memory_space<hbm>> -> memref<64xi32, #tpu.memory_space<hbm>>
      %dma_wait3A_651 = arith.constant 0 : i32
      %dma_wait3A_652 = tpu.memref_slice %arg5[%add3A, %dma_wait3A_651] : memref<32x64xi32, #tpu.memory_space<hbm>> -> memref<1x64xi32, #tpu.memory_space<hbm>>
      %dma_wait3A_653 = tpu.memref_squeeze %dma_wait3A_652 : memref<1x64xi32, #tpu.memory_space<hbm>> -> memref<64xi32, #tpu.memory_space<hbm>>
      tpu.wait_dma2 semaphore(%run_scoped3A : memref<!tpu.dma_semaphore, #tpu.memory_space<semaphore_mem>>) src(%arg10 : memref<64xi32, #tpu.memory_space<vmem>>) dst(%dma_wait3A_653 : memref<64xi32, #tpu.memory_space<hbm>>)
      tpu.yield
    }) : () -> ()
    return
  }
}

#map = affine_map<(d0, d1) -> (0, 0)>
#map1 = affine_map<(d0, d1) -> (0, 0, 0)>
module attributes {stable_mosaic.version = 14 : i64} {
  func.func @_frame_gather_sc_body(%arg0: i32, %arg1: i32, %arg2: memref<32x16xi32, #tpu.memory_space<hbm>>, %arg3: memref<25088x768xf32, #tpu.memory_space<hbm>>, %arg4: memref<32x208x768xf32, #tpu.memory_space<hbm>>, %arg5: memref<16xi32, #tpu.memory_space<vmem>>, %arg6: memref<208xi32, #tpu.memory_space<vmem>>, %arg7: memref<104x768xf32, #tpu.memory_space<vmem>>, %arg8: memref<!tpu.dma_semaphore, #tpu.memory_space<semaphore_mem>>) attributes {dimension_semantics = [#tpu.dimension_semantics<core_parallel>, #tpu.dimension_semantics<subcore_parallel>], iteration_bounds = array<i64: 2, 16>, scalar_prefetch = 0 : i64, scratch_operands = 4 : i64, tpu.core_type = #tpu.core_type<sc_vector_subcore>, window_params = [{transform_indices = #map}, {transform_indices = #map}, {transform_indices = #map1}]} {
    %mul3A = arith.constant 2 : i32
    %mul3A_0 = arith.muli %arg1, %mul3A : i32
    %add3A = arith.addi %mul3A_0, %arg0 : i32
    "tpu.region"() ({
      %run_scoped3A = tpu.sem_alloc : memref<!tpu.dma_semaphore, #tpu.memory_space<semaphore_mem>>
      %dma_start3A_214 = arith.constant 0 : i32
      %dma_start3A_215 = tpu.memref_slice %arg2[%add3A, %dma_start3A_214] : memref<32x16xi32, #tpu.memory_space<hbm>> -> memref<1x16xi32, #tpu.memory_space<hbm>>
      %dma_start3A_216 = tpu.memref_squeeze %dma_start3A_215 : memref<1x16xi32, #tpu.memory_space<hbm>> -> memref<16xi32, #tpu.memory_space<hbm>>
      %dma_start3A_217 = arith.constant 0 : i32
      %dma_start3A_218 = tpu.memref_slice %arg2[%add3A, %dma_start3A_217] : memref<32x16xi32, #tpu.memory_space<hbm>> -> memref<1x16xi32, #tpu.memory_space<hbm>>
      %dma_start3A_219 = tpu.memref_squeeze %dma_start3A_218 : memref<1x16xi32, #tpu.memory_space<hbm>> -> memref<16xi32, #tpu.memory_space<hbm>>
      tpu.enqueue_dma source(%dma_start3A_219 : memref<16xi32, #tpu.memory_space<hbm>>) target(%arg5 : memref<16xi32, #tpu.memory_space<vmem>>) target_semaphore(%run_scoped3A : memref<!tpu.dma_semaphore, #tpu.memory_space<semaphore_mem>>)
      %dma_wait3A_220 = arith.constant 0 : i32
      %dma_wait3A_221 = tpu.memref_slice %arg2[%add3A, %dma_wait3A_220] : memref<32x16xi32, #tpu.memory_space<hbm>> -> memref<1x16xi32, #tpu.memory_space<hbm>>
      %dma_wait3A_222 = tpu.memref_squeeze %dma_wait3A_221 : memref<1x16xi32, #tpu.memory_space<hbm>> -> memref<16xi32, #tpu.memory_space<hbm>>
      %dma_wait3A_223 = arith.constant 0 : i32
      %dma_wait3A_224 = tpu.memref_slice %arg2[%add3A, %dma_wait3A_223] : memref<32x16xi32, #tpu.memory_space<hbm>> -> memref<1x16xi32, #tpu.memory_space<hbm>>
      %dma_wait3A_225 = tpu.memref_squeeze %dma_wait3A_224 : memref<1x16xi32, #tpu.memory_space<hbm>> -> memref<16xi32, #tpu.memory_space<hbm>>
      tpu.wait_dma2 semaphore(%run_scoped3A : memref<!tpu.dma_semaphore, #tpu.memory_space<semaphore_mem>>) src(%dma_wait3A_225 : memref<16xi32, #tpu.memory_space<hbm>>) dst(%arg5 : memref<16xi32, #tpu.memory_space<vmem>>)
      tpu.yield
    }) : () -> ()
    %get3A = arith.constant 0 : index
    %get3A_1 = tpu.vector_load %arg5[%get3A] {strides = array<i32>} : memref<16xi32, #tpu.memory_space<vmem>>, vector<16xi32>,
    %get3A_2 = vector.shape_cast %get3A_1 : vector<16xi32> to vector<16xi32>
    %slice3A = vector.extract_strided_slice %get3A_2 {offsets = [0], sizes = [1], strides = [1]} : vector<16xi32> to vector<1xi32>
    %squeeze3A = vector.extract %slice3A[0] : i32 from vector<1xi32>
    %iota3A = tpu.iota {dimensions = array<i32: 0>} : vector<16xi32>
    %add3A_3 = arith.constant 0 : i32
    %add3A_4 = vector.broadcast %add3A_3 : i32 to vector<16xi32>
    %add3A_5 = arith.addi %iota3A, %add3A_4 : vector<16xi32>
    %min3A = arith.constant 195 : i32
    %min3A_6 = vector.broadcast %min3A : i32 to vector<16xi32>
    %min3A_7 = arith.minsi %add3A_5, %min3A_6 : vector<16xi32>
    %mul3A_8 = arith.constant 64 : i32
    %mul3A_9 = vector.broadcast %mul3A_8 : i32 to vector<16xi32>
    %mul3A_10 = arith.muli %min3A_7, %mul3A_9 : vector<16xi32>
    %add3A_11 = vector.broadcast %squeeze3A : i32 to vector<16xi32>
    %add3A_12 = arith.addi %add3A_11, %mul3A_10 : vector<16xi32>
    %swap3A = arith.constant 0 : index
    %swap3A_13 = tpu.vector_load %arg6[%swap3A] {strides = array<i32>} : memref<208xi32, #tpu.memory_space<vmem>>, vector<16xi32>,
    %swap3A_14 = vector.shape_cast %swap3A_13 : vector<16xi32> to vector<16xi32>
    %swap3A_15 = vector.shape_cast %add3A_12 : vector<16xi32> to vector<16xi32>
    tpu.vector_store %arg6[%swap3A], %swap3A_15 {strides = array<i32>} : memref<208xi32, #tpu.memory_space<vmem>>, vector<16xi32>,
    %add3A_16 = arith.constant 16 : i32
    %add3A_17 = vector.broadcast %add3A_16 : i32 to vector<16xi32>
    %add3A_18 = arith.addi %iota3A, %add3A_17 : vector<16xi32>
    %min3A_19 = arith.constant 195 : i32
    %min3A_20 = vector.broadcast %min3A_19 : i32 to vector<16xi32>
    %min3A_21 = arith.minsi %add3A_18, %min3A_20 : vector<16xi32>
    %mul3A_22 = arith.constant 64 : i32
    %mul3A_23 = vector.broadcast %mul3A_22 : i32 to vector<16xi32>
    %mul3A_24 = arith.muli %min3A_21, %mul3A_23 : vector<16xi32>
    %add3A_25 = vector.broadcast %squeeze3A : i32 to vector<16xi32>
    %add3A_26 = arith.addi %add3A_25, %mul3A_24 : vector<16xi32>
    %swap3A_27 = arith.constant 16 : index
    %swap3A_28 = tpu.vector_load %arg6[%swap3A_27] {strides = array<i32>} : memref<208xi32, #tpu.memory_space<vmem>>, vector<16xi32>,
    %swap3A_29 = vector.shape_cast %swap3A_28 : vector<16xi32> to vector<16xi32>
    %swap3A_30 = vector.shape_cast %add3A_26 : vector<16xi32> to vector<16xi32>
    tpu.vector_store %arg6[%swap3A_27], %swap3A_30 {strides = array<i32>} : memref<208xi32, #tpu.memory_space<vmem>>, vector<16xi32>,
    %add3A_31 = arith.constant 32 : i32
    %add3A_32 = vector.broadcast %add3A_31 : i32 to vector<16xi32>
    %add3A_33 = arith.addi %iota3A, %add3A_32 : vector<16xi32>
    %min3A_34 = arith.constant 195 : i32
    %min3A_35 = vector.broadcast %min3A_34 : i32 to vector<16xi32>
    %min3A_36 = arith.minsi %add3A_33, %min3A_35 : vector<16xi32>
    %mul3A_37 = arith.constant 64 : i32
    %mul3A_38 = vector.broadcast %mul3A_37 : i32 to vector<16xi32>
    %mul3A_39 = arith.muli %min3A_36, %mul3A_38 : vector<16xi32>
    %add3A_40 = vector.broadcast %squeeze3A : i32 to vector<16xi32>
    %add3A_41 = arith.addi %add3A_40, %mul3A_39 : vector<16xi32>
    %swap3A_42 = arith.constant 32 : index
    %swap3A_43 = tpu.vector_load %arg6[%swap3A_42] {strides = array<i32>} : memref<208xi32, #tpu.memory_space<vmem>>, vector<16xi32>,
    %swap3A_44 = vector.shape_cast %swap3A_43 : vector<16xi32> to vector<16xi32>
    %swap3A_45 = vector.shape_cast %add3A_41 : vector<16xi32> to vector<16xi32>
    tpu.vector_store %arg6[%swap3A_42], %swap3A_45 {strides = array<i32>} : memref<208xi32, #tpu.memory_space<vmem>>, vector<16xi32>,
    %add3A_46 = arith.constant 48 : i32
    %add3A_47 = vector.broadcast %add3A_46 : i32 to vector<16xi32>
    %add3A_48 = arith.addi %iota3A, %add3A_47 : vector<16xi32>
    %min3A_49 = arith.constant 195 : i32
    %min3A_50 = vector.broadcast %min3A_49 : i32 to vector<16xi32>
    %min3A_51 = arith.minsi %add3A_48, %min3A_50 : vector<16xi32>
    %mul3A_52 = arith.constant 64 : i32
    %mul3A_53 = vector.broadcast %mul3A_52 : i32 to vector<16xi32>
    %mul3A_54 = arith.muli %min3A_51, %mul3A_53 : vector<16xi32>
    %add3A_55 = vector.broadcast %squeeze3A : i32 to vector<16xi32>
    %add3A_56 = arith.addi %add3A_55, %mul3A_54 : vector<16xi32>
    %swap3A_57 = arith.constant 48 : index
    %swap3A_58 = tpu.vector_load %arg6[%swap3A_57] {strides = array<i32>} : memref<208xi32, #tpu.memory_space<vmem>>, vector<16xi32>,
    %swap3A_59 = vector.shape_cast %swap3A_58 : vector<16xi32> to vector<16xi32>
    %swap3A_60 = vector.shape_cast %add3A_56 : vector<16xi32> to vector<16xi32>
    tpu.vector_store %arg6[%swap3A_57], %swap3A_60 {strides = array<i32>} : memref<208xi32, #tpu.memory_space<vmem>>, vector<16xi32>,
    %add3A_61 = arith.constant 64 : i32
    %add3A_62 = vector.broadcast %add3A_61 : i32 to vector<16xi32>
    %add3A_63 = arith.addi %iota3A, %add3A_62 : vector<16xi32>
    %min3A_64 = arith.constant 195 : i32
    %min3A_65 = vector.broadcast %min3A_64 : i32 to vector<16xi32>
    %min3A_66 = arith.minsi %add3A_63, %min3A_65 : vector<16xi32>
    %mul3A_67 = arith.constant 64 : i32
    %mul3A_68 = vector.broadcast %mul3A_67 : i32 to vector<16xi32>
    %mul3A_69 = arith.muli %min3A_66, %mul3A_68 : vector<16xi32>
    %add3A_70 = vector.broadcast %squeeze3A : i32 to vector<16xi32>
    %add3A_71 = arith.addi %add3A_70, %mul3A_69 : vector<16xi32>
    %swap3A_72 = arith.constant 64 : index
    %swap3A_73 = tpu.vector_load %arg6[%swap3A_72] {strides = array<i32>} : memref<208xi32, #tpu.memory_space<vmem>>, vector<16xi32>,
    %swap3A_74 = vector.shape_cast %swap3A_73 : vector<16xi32> to vector<16xi32>
    %swap3A_75 = vector.shape_cast %add3A_71 : vector<16xi32> to vector<16xi32>
    tpu.vector_store %arg6[%swap3A_72], %swap3A_75 {strides = array<i32>} : memref<208xi32, #tpu.memory_space<vmem>>, vector<16xi32>,
    %add3A_76 = arith.constant 80 : i32
    %add3A_77 = vector.broadcast %add3A_76 : i32 to vector<16xi32>
    %add3A_78 = arith.addi %iota3A, %add3A_77 : vector<16xi32>
    %min3A_79 = arith.constant 195 : i32
    %min3A_80 = vector.broadcast %min3A_79 : i32 to vector<16xi32>
    %min3A_81 = arith.minsi %add3A_78, %min3A_80 : vector<16xi32>
    %mul3A_82 = arith.constant 64 : i32
    %mul3A_83 = vector.broadcast %mul3A_82 : i32 to vector<16xi32>
    %mul3A_84 = arith.muli %min3A_81, %mul3A_83 : vector<16xi32>
    %add3A_85 = vector.broadcast %squeeze3A : i32 to vector<16xi32>
    %add3A_86 = arith.addi %add3A_85, %mul3A_84 : vector<16xi32>
    %swap3A_87 = arith.constant 80 : index
    %swap3A_88 = tpu.vector_load %arg6[%swap3A_87] {strides = array<i32>} : memref<208xi32, #tpu.memory_space<vmem>>, vector<16xi32>,
    %swap3A_89 = vector.shape_cast %swap3A_88 : vector<16xi32> to vector<16xi32>
    %swap3A_90 = vector.shape_cast %add3A_86 : vector<16xi32> to vector<16xi32>
    tpu.vector_store %arg6[%swap3A_87], %swap3A_90 {strides = array<i32>} : memref<208xi32, #tpu.memory_space<vmem>>, vector<16xi32>,
    %add3A_91 = arith.constant 96 : i32
    %add3A_92 = vector.broadcast %add3A_91 : i32 to vector<16xi32>
    %add3A_93 = arith.addi %iota3A, %add3A_92 : vector<16xi32>
    %min3A_94 = arith.constant 195 : i32
    %min3A_95 = vector.broadcast %min3A_94 : i32 to vector<16xi32>
    %min3A_96 = arith.minsi %add3A_93, %min3A_95 : vector<16xi32>
    %mul3A_97 = arith.constant 64 : i32
    %mul3A_98 = vector.broadcast %mul3A_97 : i32 to vector<16xi32>
    %mul3A_99 = arith.muli %min3A_96, %mul3A_98 : vector<16xi32>
    %add3A_100 = vector.broadcast %squeeze3A : i32 to vector<16xi32>
    %add3A_101 = arith.addi %add3A_100, %mul3A_99 : vector<16xi32>
    %swap3A_102 = arith.constant 96 : index
    %swap3A_103 = tpu.vector_load %arg6[%swap3A_102] {strides = array<i32>} : memref<208xi32, #tpu.memory_space<vmem>>, vector<16xi32>,
    %swap3A_104 = vector.shape_cast %swap3A_103 : vector<16xi32> to vector<16xi32>
    %swap3A_105 = vector.shape_cast %add3A_101 : vector<16xi32> to vector<16xi32>
    tpu.vector_store %arg6[%swap3A_102], %swap3A_105 {strides = array<i32>} : memref<208xi32, #tpu.memory_space<vmem>>, vector<16xi32>,
    %add3A_106 = arith.constant 112 : i32
    %add3A_107 = vector.broadcast %add3A_106 : i32 to vector<16xi32>
    %add3A_108 = arith.addi %iota3A, %add3A_107 : vector<16xi32>
    %min3A_109 = arith.constant 195 : i32
    %min3A_110 = vector.broadcast %min3A_109 : i32 to vector<16xi32>
    %min3A_111 = arith.minsi %add3A_108, %min3A_110 : vector<16xi32>
    %mul3A_112 = arith.constant 64 : i32
    %mul3A_113 = vector.broadcast %mul3A_112 : i32 to vector<16xi32>
    %mul3A_114 = arith.muli %min3A_111, %mul3A_113 : vector<16xi32>
    %add3A_115 = vector.broadcast %squeeze3A : i32 to vector<16xi32>
    %add3A_116 = arith.addi %add3A_115, %mul3A_114 : vector<16xi32>
    %swap3A_117 = arith.constant 112 : index
    %swap3A_118 = tpu.vector_load %arg6[%swap3A_117] {strides = array<i32>} : memref<208xi32, #tpu.memory_space<vmem>>, vector<16xi32>,
    %swap3A_119 = vector.shape_cast %swap3A_118 : vector<16xi32> to vector<16xi32>
    %swap3A_120 = vector.shape_cast %add3A_116 : vector<16xi32> to vector<16xi32>
    tpu.vector_store %arg6[%swap3A_117], %swap3A_120 {strides = array<i32>} : memref<208xi32, #tpu.memory_space<vmem>>, vector<16xi32>,
    %add3A_121 = arith.constant 128 : i32
    %add3A_122 = vector.broadcast %add3A_121 : i32 to vector<16xi32>
    %add3A_123 = arith.addi %iota3A, %add3A_122 : vector<16xi32>
    %min3A_124 = arith.constant 195 : i32
    %min3A_125 = vector.broadcast %min3A_124 : i32 to vector<16xi32>
    %min3A_126 = arith.minsi %add3A_123, %min3A_125 : vector<16xi32>
    %mul3A_127 = arith.constant 64 : i32
    %mul3A_128 = vector.broadcast %mul3A_127 : i32 to vector<16xi32>
    %mul3A_129 = arith.muli %min3A_126, %mul3A_128 : vector<16xi32>
    %add3A_130 = vector.broadcast %squeeze3A : i32 to vector<16xi32>
    %add3A_131 = arith.addi %add3A_130, %mul3A_129 : vector<16xi32>
    %swap3A_132 = arith.constant 128 : index
    %swap3A_133 = tpu.vector_load %arg6[%swap3A_132] {strides = array<i32>} : memref<208xi32, #tpu.memory_space<vmem>>, vector<16xi32>,
    %swap3A_134 = vector.shape_cast %swap3A_133 : vector<16xi32> to vector<16xi32>
    %swap3A_135 = vector.shape_cast %add3A_131 : vector<16xi32> to vector<16xi32>
    tpu.vector_store %arg6[%swap3A_132], %swap3A_135 {strides = array<i32>} : memref<208xi32, #tpu.memory_space<vmem>>, vector<16xi32>,
    %add3A_136 = arith.constant 144 : i32
    %add3A_137 = vector.broadcast %add3A_136 : i32 to vector<16xi32>
    %add3A_138 = arith.addi %iota3A, %add3A_137 : vector<16xi32>
    %min3A_139 = arith.constant 195 : i32
    %min3A_140 = vector.broadcast %min3A_139 : i32 to vector<16xi32>
    %min3A_141 = arith.minsi %add3A_138, %min3A_140 : vector<16xi32>
    %mul3A_142 = arith.constant 64 : i32
    %mul3A_143 = vector.broadcast %mul3A_142 : i32 to vector<16xi32>
    %mul3A_144 = arith.muli %min3A_141, %mul3A_143 : vector<16xi32>
    %add3A_145 = vector.broadcast %squeeze3A : i32 to vector<16xi32>
    %add3A_146 = arith.addi %add3A_145, %mul3A_144 : vector<16xi32>
    %swap3A_147 = arith.constant 144 : index
    %swap3A_148 = tpu.vector_load %arg6[%swap3A_147] {strides = array<i32>} : memref<208xi32, #tpu.memory_space<vmem>>, vector<16xi32>,
    %swap3A_149 = vector.shape_cast %swap3A_148 : vector<16xi32> to vector<16xi32>
    %swap3A_150 = vector.shape_cast %add3A_146 : vector<16xi32> to vector<16xi32>
    tpu.vector_store %arg6[%swap3A_147], %swap3A_150 {strides = array<i32>} : memref<208xi32, #tpu.memory_space<vmem>>, vector<16xi32>,
    %add3A_151 = arith.constant 160 : i32
    %add3A_152 = vector.broadcast %add3A_151 : i32 to vector<16xi32>
    %add3A_153 = arith.addi %iota3A, %add3A_152 : vector<16xi32>
    %min3A_154 = arith.constant 195 : i32
    %min3A_155 = vector.broadcast %min3A_154 : i32 to vector<16xi32>
    %min3A_156 = arith.minsi %add3A_153, %min3A_155 : vector<16xi32>
    %mul3A_157 = arith.constant 64 : i32
    %mul3A_158 = vector.broadcast %mul3A_157 : i32 to vector<16xi32>
    %mul3A_159 = arith.muli %min3A_156, %mul3A_158 : vector<16xi32>
    %add3A_160 = vector.broadcast %squeeze3A : i32 to vector<16xi32>
    %add3A_161 = arith.addi %add3A_160, %mul3A_159 : vector<16xi32>
    %swap3A_162 = arith.constant 160 : index
    %swap3A_163 = tpu.vector_load %arg6[%swap3A_162] {strides = array<i32>} : memref<208xi32, #tpu.memory_space<vmem>>, vector<16xi32>,
    %swap3A_164 = vector.shape_cast %swap3A_163 : vector<16xi32> to vector<16xi32>
    %swap3A_165 = vector.shape_cast %add3A_161 : vector<16xi32> to vector<16xi32>
    tpu.vector_store %arg6[%swap3A_162], %swap3A_165 {strides = array<i32>} : memref<208xi32, #tpu.memory_space<vmem>>, vector<16xi32>,
    %add3A_166 = arith.constant 176 : i32
    %add3A_167 = vector.broadcast %add3A_166 : i32 to vector<16xi32>
    %add3A_168 = arith.addi %iota3A, %add3A_167 : vector<16xi32>
    %min3A_169 = arith.constant 195 : i32
    %min3A_170 = vector.broadcast %min3A_169 : i32 to vector<16xi32>
    %min3A_171 = arith.minsi %add3A_168, %min3A_170 : vector<16xi32>
    %mul3A_172 = arith.constant 64 : i32
    %mul3A_173 = vector.broadcast %mul3A_172 : i32 to vector<16xi32>
    %mul3A_174 = arith.muli %min3A_171, %mul3A_173 : vector<16xi32>
    %add3A_175 = vector.broadcast %squeeze3A : i32 to vector<16xi32>
    %add3A_176 = arith.addi %add3A_175, %mul3A_174 : vector<16xi32>
    %swap3A_177 = arith.constant 176 : index
    %swap3A_178 = tpu.vector_load %arg6[%swap3A_177] {strides = array<i32>} : memref<208xi32, #tpu.memory_space<vmem>>, vector<16xi32>,
    %swap3A_179 = vector.shape_cast %swap3A_178 : vector<16xi32> to vector<16xi32>
    %swap3A_180 = vector.shape_cast %add3A_176 : vector<16xi32> to vector<16xi32>
    tpu.vector_store %arg6[%swap3A_177], %swap3A_180 {strides = array<i32>} : memref<208xi32, #tpu.memory_space<vmem>>, vector<16xi32>,
    %add3A_181 = arith.constant 192 : i32
    %add3A_182 = vector.broadcast %add3A_181 : i32 to vector<16xi32>
    %add3A_183 = arith.addi %iota3A, %add3A_182 : vector<16xi32>
    %min3A_184 = arith.constant 195 : i32
    %min3A_185 = vector.broadcast %min3A_184 : i32 to vector<16xi32>
    %min3A_186 = arith.minsi %add3A_183, %min3A_185 : vector<16xi32>
    %mul3A_187 = arith.constant 64 : i32
    %mul3A_188 = vector.broadcast %mul3A_187 : i32 to vector<16xi32>
    %mul3A_189 = arith.muli %min3A_186, %mul3A_188 : vector<16xi32>
    %add3A_190 = vector.broadcast %squeeze3A : i32 to vector<16xi32>
    %add3A_191 = arith.addi %add3A_190, %mul3A_189 : vector<16xi32>
    %swap3A_192 = arith.constant 192 : index
    %swap3A_193 = tpu.vector_load %arg6[%swap3A_192] {strides = array<i32>} : memref<208xi32, #tpu.memory_space<vmem>>, vector<16xi32>,
    %swap3A_194 = vector.shape_cast %swap3A_193 : vector<16xi32> to vector<16xi32>
    %swap3A_195 = vector.shape_cast %add3A_191 : vector<16xi32> to vector<16xi32>
    tpu.vector_store %arg6[%swap3A_192], %swap3A_195 {strides = array<i32>} : memref<208xi32, #tpu.memory_space<vmem>>, vector<16xi32>,
    %dma_start3A = arith.constant 0 : i32
    %dma_start3A_196 = tpu.memref_slice %arg6[%dma_start3A] : memref<208xi32, #tpu.memory_space<vmem>> -> memref<104xi32, #tpu.memory_space<vmem>>
    %dma_start3A_197 = arith.constant 0 : i32
    %dma_start3A_198 = arith.constant 0 : i32
    %dma_start3A_199 = tpu.memref_slice %arg3[%dma_start3A_197, %dma_start3A_198] : memref<25088x768xf32, #tpu.memory_space<hbm>> -> memref<25088x768xf32, #tpu.memory_space<hbm>>
    tpu.enqueue_indirect_dma source(%dma_start3A_199 : memref<25088x768xf32, #tpu.memory_space<hbm>>) target(%arg7 : memref<104x768xf32, #tpu.memory_space<vmem>>) offsets(%dma_start3A_196 : memref<104xi32, #tpu.memory_space<vmem>>) semaphore(%arg8 : memref<!tpu.dma_semaphore, #tpu.memory_space<semaphore_mem>>)
    %dma_wait3A = arith.constant 0 : i32
    %dma_wait3A_200 = tpu.memref_slice %arg6[%dma_wait3A] : memref<208xi32, #tpu.memory_space<vmem>> -> memref<104xi32, #tpu.memory_space<vmem>>
    %dma_wait3A_201 = arith.constant 0 : i32
    %dma_wait3A_202 = arith.constant 0 : i32
    %dma_wait3A_203 = tpu.memref_slice %arg3[%dma_wait3A_201, %dma_wait3A_202] : memref<25088x768xf32, #tpu.memory_space<hbm>> -> memref<25088x768xf32, #tpu.memory_space<hbm>>
    tpu.wait_indirect_dma semaphore(%arg8 : memref<!tpu.dma_semaphore, #tpu.memory_space<semaphore_mem>>) src(%dma_wait3A_203 : memref<25088x768xf32, #tpu.memory_space<hbm>>) dst(%arg7 : memref<104x768xf32, #tpu.memory_space<vmem>>)
    "tpu.region"() ({
      %run_scoped3A = tpu.sem_alloc : memref<!tpu.dma_semaphore, #tpu.memory_space<semaphore_mem>>
      %dma_start3A_214 = arith.constant 0 : i32
      %dma_start3A_215 = arith.constant 0 : i32
      %dma_start3A_216 = tpu.memref_slice %arg4[%add3A, %dma_start3A_214, %dma_start3A_215] : memref<32x208x768xf32, #tpu.memory_space<hbm>> -> memref<1x104x768xf32, #tpu.memory_space<hbm>>
      %dma_start3A_217 = tpu.memref_squeeze %dma_start3A_216 : memref<1x104x768xf32, #tpu.memory_space<hbm>> -> memref<104x768xf32, #tpu.memory_space<hbm>>
      %dma_start3A_218 = arith.constant 0 : i32
      %dma_start3A_219 = arith.constant 0 : i32
      %dma_start3A_220 = tpu.memref_slice %arg4[%add3A, %dma_start3A_218, %dma_start3A_219] : memref<32x208x768xf32, #tpu.memory_space<hbm>> -> memref<1x104x768xf32, #tpu.memory_space<hbm>>
      %dma_start3A_221 = tpu.memref_squeeze %dma_start3A_220 : memref<1x104x768xf32, #tpu.memory_space<hbm>> -> memref<104x768xf32, #tpu.memory_space<hbm>>
      tpu.enqueue_dma source(%arg7 : memref<104x768xf32, #tpu.memory_space<vmem>>) target(%dma_start3A_221 : memref<104x768xf32, #tpu.memory_space<hbm>>) target_semaphore(%run_scoped3A : memref<!tpu.dma_semaphore, #tpu.memory_space<semaphore_mem>>)
      %dma_wait3A_222 = arith.constant 0 : i32
      %dma_wait3A_223 = arith.constant 0 : i32
      %dma_wait3A_224 = tpu.memref_slice %arg4[%add3A, %dma_wait3A_222, %dma_wait3A_223] : memref<32x208x768xf32, #tpu.memory_space<hbm>> -> memref<1x104x768xf32, #tpu.memory_space<hbm>>
      %dma_wait3A_225 = tpu.memref_squeeze %dma_wait3A_224 : memref<1x104x768xf32, #tpu.memory_space<hbm>> -> memref<104x768xf32, #tpu.memory_space<hbm>>
      %dma_wait3A_226 = arith.constant 0 : i32
      %dma_wait3A_227 = arith.constant 0 : i32
      %dma_wait3A_228 = tpu.memref_slice %arg4[%add3A, %dma_wait3A_226, %dma_wait3A_227] : memref<32x208x768xf32, #tpu.memory_space<hbm>> -> memref<1x104x768xf32, #tpu.memory_space<hbm>>
      %dma_wait3A_229 = tpu.memref_squeeze %dma_wait3A_228 : memref<1x104x768xf32, #tpu.memory_space<hbm>> -> memref<104x768xf32, #tpu.memory_space<hbm>>
      tpu.wait_dma2 semaphore(%run_scoped3A : memref<!tpu.dma_semaphore, #tpu.memory_space<semaphore_mem>>) src(%arg7 : memref<104x768xf32, #tpu.memory_space<vmem>>) dst(%dma_wait3A_229 : memref<104x768xf32, #tpu.memory_space<hbm>>)
      tpu.yield
    }) : () -> ()
    %dma_start3A_204 = arith.constant 104 : i32
    %dma_start3A_205 = tpu.memref_slice %arg6[%dma_start3A_204] : memref<208xi32, #tpu.memory_space<vmem>> -> memref<104xi32, #tpu.memory_space<vmem>>
    %dma_start3A_206 = arith.constant 0 : i32
    %dma_start3A_207 = arith.constant 0 : i32
    %dma_start3A_208 = tpu.memref_slice %arg3[%dma_start3A_206, %dma_start3A_207] : memref<25088x768xf32, #tpu.memory_space<hbm>> -> memref<25088x768xf32, #tpu.memory_space<hbm>>
    tpu.enqueue_indirect_dma source(%dma_start3A_208 : memref<25088x768xf32, #tpu.memory_space<hbm>>) target(%arg7 : memref<104x768xf32, #tpu.memory_space<vmem>>) offsets(%dma_start3A_205 : memref<104xi32, #tpu.memory_space<vmem>>) semaphore(%arg8 : memref<!tpu.dma_semaphore, #tpu.memory_space<semaphore_mem>>)
    %dma_wait3A_209 = arith.constant 104 : i32
    %dma_wait3A_210 = tpu.memref_slice %arg6[%dma_wait3A_209] : memref<208xi32, #tpu.memory_space<vmem>> -> memref<104xi32, #tpu.memory_space<vmem>>
    %dma_wait3A_211 = arith.constant 0 : i32
    %dma_wait3A_212 = arith.constant 0 : i32
    %dma_wait3A_213 = tpu.memref_slice %arg3[%dma_wait3A_211, %dma_wait3A_212] : memref<25088x768xf32, #tpu.memory_space<hbm>> -> memref<25088x768xf32, #tpu.memory_space<hbm>>
    tpu.wait_indirect_dma semaphore(%arg8 : memref<!tpu.dma_semaphore, #tpu.memory_space<semaphore_mem>>) src(%dma_wait3A_213 : memref<25088x768xf32, #tpu.memory_space<hbm>>) dst(%arg7 : memref<104x768xf32, #tpu.memory_space<vmem>>)
    "tpu.region"() ({
      %run_scoped3A = tpu.sem_alloc : memref<!tpu.dma_semaphore, #tpu.memory_space<semaphore_mem>>
      %dma_start3A_214 = arith.constant 104 : i32
      %dma_start3A_215 = arith.constant 0 : i32
      %dma_start3A_216 = tpu.memref_slice %arg4[%add3A, %dma_start3A_214, %dma_start3A_215] : memref<32x208x768xf32, #tpu.memory_space<hbm>> -> memref<1x104x768xf32, #tpu.memory_space<hbm>>
      %dma_start3A_217 = tpu.memref_squeeze %dma_start3A_216 : memref<1x104x768xf32, #tpu.memory_space<hbm>> -> memref<104x768xf32, #tpu.memory_space<hbm>>
      %dma_start3A_218 = arith.constant 104 : i32
      %dma_start3A_219 = arith.constant 0 : i32
      %dma_start3A_220 = tpu.memref_slice %arg4[%add3A, %dma_start3A_218, %dma_start3A_219] : memref<32x208x768xf32, #tpu.memory_space<hbm>> -> memref<1x104x768xf32, #tpu.memory_space<hbm>>
      %dma_start3A_221 = tpu.memref_squeeze %dma_start3A_220 : memref<1x104x768xf32, #tpu.memory_space<hbm>> -> memref<104x768xf32, #tpu.memory_space<hbm>>
      tpu.enqueue_dma source(%arg7 : memref<104x768xf32, #tpu.memory_space<vmem>>) target(%dma_start3A_221 : memref<104x768xf32, #tpu.memory_space<hbm>>) target_semaphore(%run_scoped3A : memref<!tpu.dma_semaphore, #tpu.memory_space<semaphore_mem>>)
      %dma_wait3A_222 = arith.constant 104 : i32
      %dma_wait3A_223 = arith.constant 0 : i32
      %dma_wait3A_224 = tpu.memref_slice %arg4[%add3A, %dma_wait3A_222, %dma_wait3A_223] : memref<32x208x768xf32, #tpu.memory_space<hbm>> -> memref<1x104x768xf32, #tpu.memory_space<hbm>>
      %dma_wait3A_225 = tpu.memref_squeeze %dma_wait3A_224 : memref<1x104x768xf32, #tpu.memory_space<hbm>> -> memref<104x768xf32, #tpu.memory_space<hbm>>
      %dma_wait3A_226 = arith.constant 104 : i32
      %dma_wait3A_227 = arith.constant 0 : i32
      %dma_wait3A_228 = tpu.memref_slice %arg4[%add3A, %dma_wait3A_226, %dma_wait3A_227] : memref<32x208x768xf32, #tpu.memory_space<hbm>> -> memref<1x104x768xf32, #tpu.memory_space<hbm>>
      %dma_wait3A_229 = tpu.memref_squeeze %dma_wait3A_228 : memref<1x104x768xf32, #tpu.memory_space<hbm>> -> memref<104x768xf32, #tpu.memory_space<hbm>>
      tpu.wait_dma2 semaphore(%run_scoped3A : memref<!tpu.dma_semaphore, #tpu.memory_space<semaphore_mem>>) src(%arg7 : memref<104x768xf32, #tpu.memory_space<vmem>>) dst(%dma_wait3A_229 : memref<104x768xf32, #tpu.memory_space<hbm>>)
      tpu.yield
    }) : () -> ()
    return
  }
}

module attributes {stable_mosaic.version = 14 : i64} {
  func.func @_frame_repr_kernel(%arg0: i32, %arg1: i32, %arg2: memref<1x196x8x768xf32, #tpu.memory_space<vmem>>, %arg3: memref<1x1x8x768xf32, #tpu.memory_space<vmem>>) attributes {dimension_semantics = [#tpu.dimension_semantics<arbitrary>, #tpu.dimension_semantics<arbitrary>], iteration_bounds = array<i64: 2, 8>, scalar_prefetch = 0 : i64, scratch_operands = 0 : i64, tpu.core_type = #tpu.core_type<tc>, window_params = [{transform_indices = @transform_0, window_bounds = array<i64: 1, 196, 8, 768>}, {transform_indices = @transform_1, window_bounds = array<i64: 1, 1, 8, 768>}]} {
    %get3A = arith.constant 0 : index
    %get3A_0 = arith.constant 0 : index
    %get3A_1 = arith.constant 0 : index
    %get3A_2 = arith.constant 0 : index
    %get3A_3 = vector.load %arg2[%get3A, %get3A_0, %get3A_1, %get3A_2] : memref<1x196x8x768xf32, #tpu.memory_space<vmem>>, vector<1x196x8x768xf32>
    %reduce_sum3A = arith.constant dense<0.000000e+00> : vector<1x8x768xf32>
    %reduce_sum3A_4 = vector.multi_reduction <add>, %get3A_3, %reduce_sum3A [1] : vector<1x196x8x768xf32> to vector<1x8x768xf32>
    %broadcast_in_dim3A = vector.shape_cast %reduce_sum3A_4 : vector<1x8x768xf32> to vector<1x1x8x768xf32>
    %div3A = arith.constant 1.960000e+02 : f32
    %div3A_5 = vector.broadcast %div3A : f32 to vector<1x1x8x768xf32>
    %div3A_6 = arith.divf %broadcast_in_dim3A, %div3A_5 : vector<1x1x8x768xf32>
    %swap3A = arith.constant 0 : index
    %swap3A_7 = arith.constant 0 : index
    %swap3A_8 = arith.constant 0 : index
    %swap3A_9 = arith.constant 0 : index
    %swap3A_10 = vector.load %arg3[%swap3A, %swap3A_7, %swap3A_8, %swap3A_9] : memref<1x1x8x768xf32, #tpu.memory_space<vmem>>, vector<1x1x8x768xf32>
    tpu.vector_store %arg3[%swap3A, %swap3A_7, %swap3A_8, %swap3A_9], %div3A_6 {strides = array<i32>} : memref<1x1x8x768xf32, #tpu.memory_space<vmem>>, vector<1x1x8x768xf32>,
    return
  }
  func.func @transform_0(%arg0: i32, %arg1: i32) -> (i32, i32, i32, i32) {
    %c0_i32 = arith.constant 0 : i32
    %c0_i32_0 = arith.constant 0 : i32
    %c0_i32_1 = arith.constant 0 : i32
    return %arg0, %c0_i32, %arg1, %c0_i32_0 : i32, i32, i32, i32
  }
  func.func @transform_1(%arg0: i32, %arg1: i32) -> (i32, i32, i32, i32) {
    %c0_i32 = arith.constant 0 : i32
    %c0_i32_0 = arith.constant 0 : i32
    %c0_i32_1 = arith.constant 0 : i32
    return %arg0, %c0_i32, %arg1, %c0_i32_0 : i32, i32, i32, i32
  }
}

module attributes {stable_mosaic.version = 14 : i64} {
  func.func @_frame_sel_kernel(%arg0: i32, %arg1: memref<1x64x768xf32, #tpu.memory_space<vmem>>, %arg2: memref<1x1x16xi32, #tpu.memory_space<vmem>>, %arg3: memref<1x1x64xf32, #tpu.memory_space<vmem>>) attributes {dimension_semantics = [#tpu.dimension_semantics<arbitrary>], iteration_bounds = array<i64: 2>, scalar_prefetch = 0 : i64, scratch_operands = 0 : i64, tpu.core_type = #tpu.core_type<tc>, window_params = [{transform_indices = @transform_0, window_bounds = array<i64: 1, 64, 768>}, {transform_indices = @transform_1, window_bounds = array<i64: 1, 1, 16>}, {transform_indices = @transform_2, window_bounds = array<i64: 1, 1, 64>}]} {
    %get3A = arith.constant 0 : index
    %get3A_0 = arith.constant 0 : index
    %get3A_1 = arith.constant 0 : index
    %get3A_2 = vector.load %arg1[%get3A, %get3A_0, %get3A_1] : memref<1x64x768xf32, #tpu.memory_space<vmem>>, vector<1x64x768xf32>
    %get3A_3 = vector.shape_cast %get3A_2 : vector<1x64x768xf32> to vector<64x768xf32>
    %iota3A = tpu.iota {dimensions = array<i32: 0>} : vector<64x1xi32>
    %iota3A_4 = tpu.iota {dimensions = array<i32: 1>} : vector<1x64xi32>
    %iota3A_5 = tpu.iota {dimensions = array<i32: 1>} : vector<1x16xi32>
    %get3A_6 = arith.constant 0 : index
    %get3A_7 = arith.constant 0 : index
    %get3A_8 = arith.constant 0 : index
    %get3A_9 = vector.load %arg1[%get3A_6, %get3A_7, %get3A_8] : memref<1x64x768xf32, #tpu.memory_space<vmem>>, vector<1x1x768xf32>
    %get3A_10 = vector.shape_cast %get3A_9 : vector<1x1x768xf32> to vector<1x768xf32>
    %broadcast_in_dim3A = arith.constant 0.000000e+00 : f32
    %broadcast_in_dim3A_11 = vector.broadcast %broadcast_in_dim3A : f32 to vector<64x1xf32>
    %get3A_12 = arith.constant 0 : index
    %get3A_13 = arith.constant 0 : index
    %get3A_14 = arith.constant 0 : index
    %get3A_15 = vector.load %arg1[%get3A_12, %get3A_13, %get3A_14] : memref<1x64x768xf32, #tpu.memory_space<vmem>>, vector<1x1x768xf32>
    %get3A_16 = vector.shape_cast %get3A_15 : vector<1x1x768xf32> to vector<1x768xf32>
    %sub3A = arith.subf %get3A_16, %get3A_10 : vector<1x768xf32>
    %mul3A = arith.mulf %sub3A, %sub3A : vector<1x768xf32>
    %reduce_sum3A = vector.shape_cast %mul3A : vector<1x768xf32> to vector<1x1x768xf32>
    %reduce_sum3A_17 = arith.constant dense<0.000000e+00> : vector<1xf32>
    %reduce_sum3A_18 = vector.multi_reduction <add>, %reduce_sum3A, %reduce_sum3A_17 [1, 2] : vector<1x1x768xf32> to vector<1xf32>
    %reduce_sum3A_19 = vector.shape_cast %reduce_sum3A_18 : vector<1xf32> to vector<1x1x1xf32>
    %reduce_sum3A_20 = vector.extract %reduce_sum3A_19[0, 0, 0] : f32 from vector<1x1x1xf32>
    %eq3A = arith.constant 0 : i32
    %eq3A_21 = vector.broadcast %eq3A : i32 to vector<64x1xi32>
    %eq3A_22 = arith.cmpi eq, %iota3A, %eq3A_21 : vector<64x1xi32>
    %broadcast_in_dim3A_23 = vector.broadcast %reduce_sum3A_20 : f32 to vector<64x1xf32>
    %select_n3A = arith.select %eq3A_22, %broadcast_in_dim3A_23, %broadcast_in_dim3A_11 : vector<64x1xi1>, vector<64x1xf32>
    %mul3A_24 = arith.constant 0.899999976 : f32
    %mul3A_25 = vector.broadcast %mul3A_24 : f32 to vector<1x768xf32>
    %mul3A_26 = arith.mulf %mul3A_25, %get3A_10 : vector<1x768xf32>
    %mul3A_27 = arith.constant 1.000000e-01 : f32
    %mul3A_28 = vector.broadcast %mul3A_27 : f32 to vector<1x768xf32>
    %mul3A_29 = arith.mulf %mul3A_28, %get3A_16 : vector<1x768xf32>
    %add3A = arith.addf %mul3A_26, %mul3A_29 : vector<1x768xf32>
    %get3A_30 = arith.constant 0 : index
    %get3A_31 = arith.constant 1 : index
    %get3A_32 = arith.constant 0 : index
    %get3A_33 = vector.load %arg1[%get3A_30, %get3A_31, %get3A_32] : memref<1x64x768xf32, #tpu.memory_space<vmem>>, vector<1x1x768xf32>
    %get3A_34 = vector.shape_cast %get3A_33 : vector<1x1x768xf32> to vector<1x768xf32>
    %sub3A_35 = arith.subf %get3A_34, %add3A : vector<1x768xf32>
    %mul3A_36 = arith.mulf %sub3A_35, %sub3A_35 : vector<1x768xf32>
    %reduce_sum3A_37 = vector.shape_cast %mul3A_36 : vector<1x768xf32> to vector<1x1x768xf32>
    %reduce_sum3A_38 = arith.constant dense<0.000000e+00> : vector<1xf32>
    %reduce_sum3A_39 = vector.multi_reduction <add>, %reduce_sum3A_37, %reduce_sum3A_38 [1, 2] : vector<1x1x768xf32> to vector<1xf32>
    %reduce_sum3A_40 = vector.shape_cast %reduce_sum3A_39 : vector<1xf32> to vector<1x1x1xf32>
    %reduce_sum3A_41 = vector.extract %reduce_sum3A_40[0, 0, 0] : f32 from vector<1x1x1xf32>
    %eq3A_42 = arith.constant 1 : i32
    %eq3A_43 = vector.broadcast %eq3A_42 : i32 to vector<64x1xi32>
    %eq3A_44 = arith.cmpi eq, %iota3A, %eq3A_43 : vector<64x1xi32>
    %broadcast_in_dim3A_45 = vector.broadcast %reduce_sum3A_41 : f32 to vector<64x1xf32>
    %select_n3A_46 = arith.select %eq3A_44, %broadcast_in_dim3A_45, %select_n3A : vector<64x1xi1>, vector<64x1xf32>
    %mul3A_47 = arith.constant 0.899999976 : f32
    %mul3A_48 = vector.broadcast %mul3A_47 : f32 to vector<1x768xf32>
    %mul3A_49 = arith.mulf %mul3A_48, %add3A : vector<1x768xf32>
    %mul3A_50 = arith.constant 1.000000e-01 : f32
    %mul3A_51 = vector.broadcast %mul3A_50 : f32 to vector<1x768xf32>
    %mul3A_52 = arith.mulf %mul3A_51, %get3A_34 : vector<1x768xf32>
    %add3A_53 = arith.addf %mul3A_49, %mul3A_52 : vector<1x768xf32>
    %get3A_54 = arith.constant 0 : index
    %get3A_55 = arith.constant 2 : index
    %get3A_56 = arith.constant 0 : index
    %get3A_57 = vector.load %arg1[%get3A_54, %get3A_55, %get3A_56] : memref<1x64x768xf32, #tpu.memory_space<vmem>>, vector<1x1x768xf32>
    %get3A_58 = vector.shape_cast %get3A_57 : vector<1x1x768xf32> to vector<1x768xf32>
    %sub3A_59 = arith.subf %get3A_58, %add3A_53 : vector<1x768xf32>
    %mul3A_60 = arith.mulf %sub3A_59, %sub3A_59 : vector<1x768xf32>
    %reduce_sum3A_61 = vector.shape_cast %mul3A_60 : vector<1x768xf32> to vector<1x1x768xf32>
    %reduce_sum3A_62 = arith.constant dense<0.000000e+00> : vector<1xf32>
    %reduce_sum3A_63 = vector.multi_reduction <add>, %reduce_sum3A_61, %reduce_sum3A_62 [1, 2] : vector<1x1x768xf32> to vector<1xf32>
    %reduce_sum3A_64 = vector.shape_cast %reduce_sum3A_63 : vector<1xf32> to vector<1x1x1xf32>
    %reduce_sum3A_65 = vector.extract %reduce_sum3A_64[0, 0, 0] : f32 from vector<1x1x1xf32>
    %eq3A_66 = arith.constant 2 : i32
    %eq3A_67 = vector.broadcast %eq3A_66 : i32 to vector<64x1xi32>
    %eq3A_68 = arith.cmpi eq, %iota3A, %eq3A_67 : vector<64x1xi32>
    %broadcast_in_dim3A_69 = vector.broadcast %reduce_sum3A_65 : f32 to vector<64x1xf32>
    %select_n3A_70 = arith.select %eq3A_68, %broadcast_in_dim3A_69, %select_n3A_46 : vector<64x1xi1>, vector<64x1xf32>
    %mul3A_71 = arith.constant 0.899999976 : f32
    %mul3A_72 = vector.broadcast %mul3A_71 : f32 to vector<1x768xf32>
    %mul3A_73 = arith.mulf %mul3A_72, %add3A_53 : vector<1x768xf32>
    %mul3A_74 = arith.constant 1.000000e-01 : f32
    %mul3A_75 = vector.broadcast %mul3A_74 : f32 to vector<1x768xf32>
    %mul3A_76 = arith.mulf %mul3A_75, %get3A_58 : vector<1x768xf32>
    %add3A_77 = arith.addf %mul3A_73, %mul3A_76 : vector<1x768xf32>
    %get3A_78 = arith.constant 0 : index
    %get3A_79 = arith.constant 3 : index
    %get3A_80 = arith.constant 0 : index
    %get3A_81 = vector.load %arg1[%get3A_78, %get3A_79, %get3A_80] : memref<1x64x768xf32, #tpu.memory_space<vmem>>, vector<1x1x768xf32>
    %get3A_82 = vector.shape_cast %get3A_81 : vector<1x1x768xf32> to vector<1x768xf32>
    %sub3A_83 = arith.subf %get3A_82, %add3A_77 : vector<1x768xf32>
    %mul3A_84 = arith.mulf %sub3A_83, %sub3A_83 : vector<1x768xf32>
    %reduce_sum3A_85 = vector.shape_cast %mul3A_84 : vector<1x768xf32> to vector<1x1x768xf32>
    %reduce_sum3A_86 = arith.constant dense<0.000000e+00> : vector<1xf32>
    %reduce_sum3A_87 = vector.multi_reduction <add>, %reduce_sum3A_85, %reduce_sum3A_86 [1, 2] : vector<1x1x768xf32> to vector<1xf32>
    %reduce_sum3A_88 = vector.shape_cast %reduce_sum3A_87 : vector<1xf32> to vector<1x1x1xf32>
    %reduce_sum3A_89 = vector.extract %reduce_sum3A_88[0, 0, 0] : f32 from vector<1x1x1xf32>
    %eq3A_90 = arith.constant 3 : i32
    %eq3A_91 = vector.broadcast %eq3A_90 : i32 to vector<64x1xi32>
    %eq3A_92 = arith.cmpi eq, %iota3A, %eq3A_91 : vector<64x1xi32>
    %broadcast_in_dim3A_93 = vector.broadcast %reduce_sum3A_89 : f32 to vector<64x1xf32>
    %select_n3A_94 = arith.select %eq3A_92, %broadcast_in_dim3A_93, %select_n3A_70 : vector<64x1xi1>, vector<64x1xf32>
    %mul3A_95 = arith.constant 0.899999976 : f32
    %mul3A_96 = vector.broadcast %mul3A_95 : f32 to vector<1x768xf32>
    %mul3A_97 = arith.mulf %mul3A_96, %add3A_77 : vector<1x768xf32>
    %mul3A_98 = arith.constant 1.000000e-01 : f32
    %mul3A_99 = vector.broadcast %mul3A_98 : f32 to vector<1x768xf32>
    %mul3A_100 = arith.mulf %mul3A_99, %get3A_82 : vector<1x768xf32>
    %add3A_101 = arith.addf %mul3A_97, %mul3A_100 : vector<1x768xf32>
    %get3A_102 = arith.constant 0 : index
    %get3A_103 = arith.constant 4 : index
    %get3A_104 = arith.constant 0 : index
    %get3A_105 = vector.load %arg1[%get3A_102, %get3A_103, %get3A_104] : memref<1x64x768xf32, #tpu.memory_space<vmem>>, vector<1x1x768xf32>
    %get3A_106 = vector.shape_cast %get3A_105 : vector<1x1x768xf32> to vector<1x768xf32>
    %sub3A_107 = arith.subf %get3A_106, %add3A_101 : vector<1x768xf32>
    %mul3A_108 = arith.mulf %sub3A_107, %sub3A_107 : vector<1x768xf32>
    %reduce_sum3A_109 = vector.shape_cast %mul3A_108 : vector<1x768xf32> to vector<1x1x768xf32>
    %reduce_sum3A_110 = arith.constant dense<0.000000e+00> : vector<1xf32>
    %reduce_sum3A_111 = vector.multi_reduction <add>, %reduce_sum3A_109, %reduce_sum3A_110 [1, 2] : vector<1x1x768xf32> to vector<1xf32>
    %reduce_sum3A_112 = vector.shape_cast %reduce_sum3A_111 : vector<1xf32> to vector<1x1x1xf32>
    %reduce_sum3A_113 = vector.extract %reduce_sum3A_112[0, 0, 0] : f32 from vector<1x1x1xf32>
    %eq3A_114 = arith.constant 4 : i32
    %eq3A_115 = vector.broadcast %eq3A_114 : i32 to vector<64x1xi32>
    %eq3A_116 = arith.cmpi eq, %iota3A, %eq3A_115 : vector<64x1xi32>
    %broadcast_in_dim3A_117 = vector.broadcast %reduce_sum3A_113 : f32 to vector<64x1xf32>
    %select_n3A_118 = arith.select %eq3A_116, %broadcast_in_dim3A_117, %select_n3A_94 : vector<64x1xi1>, vector<64x1xf32>
    %mul3A_119 = arith.constant 0.899999976 : f32
    %mul3A_120 = vector.broadcast %mul3A_119 : f32 to vector<1x768xf32>
    %mul3A_121 = arith.mulf %mul3A_120, %add3A_101 : vector<1x768xf32>
    %mul3A_122 = arith.constant 1.000000e-01 : f32
    %mul3A_123 = vector.broadcast %mul3A_122 : f32 to vector<1x768xf32>
    %mul3A_124 = arith.mulf %mul3A_123, %get3A_106 : vector<1x768xf32>
    %add3A_125 = arith.addf %mul3A_121, %mul3A_124 : vector<1x768xf32>
    %get3A_126 = arith.constant 0 : index
    %get3A_127 = arith.constant 5 : index
    %get3A_128 = arith.constant 0 : index
    %get3A_129 = vector.load %arg1[%get3A_126, %get3A_127, %get3A_128] : memref<1x64x768xf32, #tpu.memory_space<vmem>>, vector<1x1x768xf32>
    %get3A_130 = vector.shape_cast %get3A_129 : vector<1x1x768xf32> to vector<1x768xf32>
    %sub3A_131 = arith.subf %get3A_130, %add3A_125 : vector<1x768xf32>
    %mul3A_132 = arith.mulf %sub3A_131, %sub3A_131 : vector<1x768xf32>
    %reduce_sum3A_133 = vector.shape_cast %mul3A_132 : vector<1x768xf32> to vector<1x1x768xf32>
    %reduce_sum3A_134 = arith.constant dense<0.000000e+00> : vector<1xf32>
    %reduce_sum3A_135 = vector.multi_reduction <add>, %reduce_sum3A_133, %reduce_sum3A_134 [1, 2] : vector<1x1x768xf32> to vector<1xf32>
    %reduce_sum3A_136 = vector.shape_cast %reduce_sum3A_135 : vector<1xf32> to vector<1x1x1xf32>
    %reduce_sum3A_137 = vector.extract %reduce_sum3A_136[0, 0, 0] : f32 from vector<1x1x1xf32>
    %eq3A_138 = arith.constant 5 : i32
    %eq3A_139 = vector.broadcast %eq3A_138 : i32 to vector<64x1xi32>
    %eq3A_140 = arith.cmpi eq, %iota3A, %eq3A_139 : vector<64x1xi32>
    %broadcast_in_dim3A_141 = vector.broadcast %reduce_sum3A_137 : f32 to vector<64x1xf32>
    %select_n3A_142 = arith.select %eq3A_140, %broadcast_in_dim3A_141, %select_n3A_118 : vector<64x1xi1>, vector<64x1xf32>
    %mul3A_143 = arith.constant 0.899999976 : f32
    %mul3A_144 = vector.broadcast %mul3A_143 : f32 to vector<1x768xf32>
    %mul3A_145 = arith.mulf %mul3A_144, %add3A_125 : vector<1x768xf32>
    %mul3A_146 = arith.constant 1.000000e-01 : f32
    %mul3A_147 = vector.broadcast %mul3A_146 : f32 to vector<1x768xf32>
    %mul3A_148 = arith.mulf %mul3A_147, %get3A_130 : vector<1x768xf32>
    %add3A_149 = arith.addf %mul3A_145, %mul3A_148 : vector<1x768xf32>
    %get3A_150 = arith.constant 0 : index
    %get3A_151 = arith.constant 6 : index
    %get3A_152 = arith.constant 0 : index
    %get3A_153 = vector.load %arg1[%get3A_150, %get3A_151, %get3A_152] : memref<1x64x768xf32, #tpu.memory_space<vmem>>, vector<1x1x768xf32>
    %get3A_154 = vector.shape_cast %get3A_153 : vector<1x1x768xf32> to vector<1x768xf32>
    %sub3A_155 = arith.subf %get3A_154, %add3A_149 : vector<1x768xf32>
    %mul3A_156 = arith.mulf %sub3A_155, %sub3A_155 : vector<1x768xf32>
    %reduce_sum3A_157 = vector.shape_cast %mul3A_156 : vector<1x768xf32> to vector<1x1x768xf32>
    %reduce_sum3A_158 = arith.constant dense<0.000000e+00> : vector<1xf32>
    %reduce_sum3A_159 = vector.multi_reduction <add>, %reduce_sum3A_157, %reduce_sum3A_158 [1, 2] : vector<1x1x768xf32> to vector<1xf32>
    %reduce_sum3A_160 = vector.shape_cast %reduce_sum3A_159 : vector<1xf32> to vector<1x1x1xf32>
    %reduce_sum3A_161 = vector.extract %reduce_sum3A_160[0, 0, 0] : f32 from vector<1x1x1xf32>
    %eq3A_162 = arith.constant 6 : i32
    %eq3A_163 = vector.broadcast %eq3A_162 : i32 to vector<64x1xi32>
    %eq3A_164 = arith.cmpi eq, %iota3A, %eq3A_163 : vector<64x1xi32>
    %broadcast_in_dim3A_165 = vector.broadcast %reduce_sum3A_161 : f32 to vector<64x1xf32>
    %select_n3A_166 = arith.select %eq3A_164, %broadcast_in_dim3A_165, %select_n3A_142 : vector<64x1xi1>, vector<64x1xf32>
    %mul3A_167 = arith.constant 0.899999976 : f32
    %mul3A_168 = vector.broadcast %mul3A_167 : f32 to vector<1x768xf32>
    %mul3A_169 = arith.mulf %mul3A_168, %add3A_149 : vector<1x768xf32>
    %mul3A_170 = arith.constant 1.000000e-01 : f32
    %mul3A_171 = vector.broadcast %mul3A_170 : f32 to vector<1x768xf32>
    %mul3A_172 = arith.mulf %mul3A_171, %get3A_154 : vector<1x768xf32>
    %add3A_173 = arith.addf %mul3A_169, %mul3A_172 : vector<1x768xf32>
    %get3A_174 = arith.constant 0 : index
    %get3A_175 = arith.constant 7 : index
    %get3A_176 = arith.constant 0 : index
    %get3A_177 = vector.load %arg1[%get3A_174, %get3A_175, %get3A_176] : memref<1x64x768xf32, #tpu.memory_space<vmem>>, vector<1x1x768xf32>
    %get3A_178 = vector.shape_cast %get3A_177 : vector<1x1x768xf32> to vector<1x768xf32>
    %sub3A_179 = arith.subf %get3A_178, %add3A_173 : vector<1x768xf32>
    %mul3A_180 = arith.mulf %sub3A_179, %sub3A_179 : vector<1x768xf32>
    %reduce_sum3A_181 = vector.shape_cast %mul3A_180 : vector<1x768xf32> to vector<1x1x768xf32>
    %reduce_sum3A_182 = arith.constant dense<0.000000e+00> : vector<1xf32>
    %reduce_sum3A_183 = vector.multi_reduction <add>, %reduce_sum3A_181, %reduce_sum3A_182 [1, 2] : vector<1x1x768xf32> to vector<1xf32>
    %reduce_sum3A_184 = vector.shape_cast %reduce_sum3A_183 : vector<1xf32> to vector<1x1x1xf32>
    %reduce_sum3A_185 = vector.extract %reduce_sum3A_184[0, 0, 0] : f32 from vector<1x1x1xf32>
    %eq3A_186 = arith.constant 7 : i32
    %eq3A_187 = vector.broadcast %eq3A_186 : i32 to vector<64x1xi32>
    %eq3A_188 = arith.cmpi eq, %iota3A, %eq3A_187 : vector<64x1xi32>
    %broadcast_in_dim3A_189 = vector.broadcast %reduce_sum3A_185 : f32 to vector<64x1xf32>
    %select_n3A_190 = arith.select %eq3A_188, %broadcast_in_dim3A_189, %select_n3A_166 : vector<64x1xi1>, vector<64x1xf32>
    %mul3A_191 = arith.constant 0.899999976 : f32
    %mul3A_192 = vector.broadcast %mul3A_191 : f32 to vector<1x768xf32>
    %mul3A_193 = arith.mulf %mul3A_192, %add3A_173 : vector<1x768xf32>
    %mul3A_194 = arith.constant 1.000000e-01 : f32
    %mul3A_195 = vector.broadcast %mul3A_194 : f32 to vector<1x768xf32>
    %mul3A_196 = arith.mulf %mul3A_195, %get3A_178 : vector<1x768xf32>
    %add3A_197 = arith.addf %mul3A_193, %mul3A_196 : vector<1x768xf32>
    %get3A_198 = arith.constant 0 : index
    %get3A_199 = arith.constant 8 : index
    %get3A_200 = arith.constant 0 : index
    %get3A_201 = vector.load %arg1[%get3A_198, %get3A_199, %get3A_200] : memref<1x64x768xf32, #tpu.memory_space<vmem>>, vector<1x1x768xf32>
    %get3A_202 = vector.shape_cast %get3A_201 : vector<1x1x768xf32> to vector<1x768xf32>
    %sub3A_203 = arith.subf %get3A_202, %add3A_197 : vector<1x768xf32>
    %mul3A_204 = arith.mulf %sub3A_203, %sub3A_203 : vector<1x768xf32>
    %reduce_sum3A_205 = vector.shape_cast %mul3A_204 : vector<1x768xf32> to vector<1x1x768xf32>
    %reduce_sum3A_206 = arith.constant dense<0.000000e+00> : vector<1xf32>
    %reduce_sum3A_207 = vector.multi_reduction <add>, %reduce_sum3A_205, %reduce_sum3A_206 [1, 2] : vector<1x1x768xf32> to vector<1xf32>
    %reduce_sum3A_208 = vector.shape_cast %reduce_sum3A_207 : vector<1xf32> to vector<1x1x1xf32>
    %reduce_sum3A_209 = vector.extract %reduce_sum3A_208[0, 0, 0] : f32 from vector<1x1x1xf32>
    %eq3A_210 = arith.constant 8 : i32
    %eq3A_211 = vector.broadcast %eq3A_210 : i32 to vector<64x1xi32>
    %eq3A_212 = arith.cmpi eq, %iota3A, %eq3A_211 : vector<64x1xi32>
    %broadcast_in_dim3A_213 = vector.broadcast %reduce_sum3A_209 : f32 to vector<64x1xf32>
    %select_n3A_214 = arith.select %eq3A_212, %broadcast_in_dim3A_213, %select_n3A_190 : vector<64x1xi1>, vector<64x1xf32>
    %mul3A_215 = arith.constant 0.899999976 : f32
    %mul3A_216 = vector.broadcast %mul3A_215 : f32 to vector<1x768xf32>
    %mul3A_217 = arith.mulf %mul3A_216, %add3A_197 : vector<1x768xf32>
    %mul3A_218 = arith.constant 1.000000e-01 : f32
    %mul3A_219 = vector.broadcast %mul3A_218 : f32 to vector<1x768xf32>
    %mul3A_220 = arith.mulf %mul3A_219, %get3A_202 : vector<1x768xf32>
    %add3A_221 = arith.addf %mul3A_217, %mul3A_220 : vector<1x768xf32>
    %get3A_222 = arith.constant 0 : index
    %get3A_223 = arith.constant 9 : index
    %get3A_224 = arith.constant 0 : index
    %get3A_225 = vector.load %arg1[%get3A_222, %get3A_223, %get3A_224] : memref<1x64x768xf32, #tpu.memory_space<vmem>>, vector<1x1x768xf32>
    %get3A_226 = vector.shape_cast %get3A_225 : vector<1x1x768xf32> to vector<1x768xf32>
    %sub3A_227 = arith.subf %get3A_226, %add3A_221 : vector<1x768xf32>
    %mul3A_228 = arith.mulf %sub3A_227, %sub3A_227 : vector<1x768xf32>
    %reduce_sum3A_229 = vector.shape_cast %mul3A_228 : vector<1x768xf32> to vector<1x1x768xf32>
    %reduce_sum3A_230 = arith.constant dense<0.000000e+00> : vector<1xf32>
    %reduce_sum3A_231 = vector.multi_reduction <add>, %reduce_sum3A_229, %reduce_sum3A_230 [1, 2] : vector<1x1x768xf32> to vector<1xf32>
    %reduce_sum3A_232 = vector.shape_cast %reduce_sum3A_231 : vector<1xf32> to vector<1x1x1xf32>
    %reduce_sum3A_233 = vector.extract %reduce_sum3A_232[0, 0, 0] : f32 from vector<1x1x1xf32>
    %eq3A_234 = arith.constant 9 : i32
    %eq3A_235 = vector.broadcast %eq3A_234 : i32 to vector<64x1xi32>
    %eq3A_236 = arith.cmpi eq, %iota3A, %eq3A_235 : vector<64x1xi32>
    %broadcast_in_dim3A_237 = vector.broadcast %reduce_sum3A_233 : f32 to vector<64x1xf32>
    %select_n3A_238 = arith.select %eq3A_236, %broadcast_in_dim3A_237, %select_n3A_214 : vector<64x1xi1>, vector<64x1xf32>
    %mul3A_239 = arith.constant 0.899999976 : f32
    %mul3A_240 = vector.broadcast %mul3A_239 : f32 to vector<1x768xf32>
    %mul3A_241 = arith.mulf %mul3A_240, %add3A_221 : vector<1x768xf32>
    %mul3A_242 = arith.constant 1.000000e-01 : f32
    %mul3A_243 = vector.broadcast %mul3A_242 : f32 to vector<1x768xf32>
    %mul3A_244 = arith.mulf %mul3A_243, %get3A_226 : vector<1x768xf32>
    %add3A_245 = arith.addf %mul3A_241, %mul3A_244 : vector<1x768xf32>
    %get3A_246 = arith.constant 0 : index
    %get3A_247 = arith.constant 10 : index
    %get3A_248 = arith.constant 0 : index
    %get3A_249 = vector.load %arg1[%get3A_246, %get3A_247, %get3A_248] : memref<1x64x768xf32, #tpu.memory_space<vmem>>, vector<1x1x768xf32>
    %get3A_250 = vector.shape_cast %get3A_249 : vector<1x1x768xf32> to vector<1x768xf32>
    %sub3A_251 = arith.subf %get3A_250, %add3A_245 : vector<1x768xf32>
    %mul3A_252 = arith.mulf %sub3A_251, %sub3A_251 : vector<1x768xf32>
    %reduce_sum3A_253 = vector.shape_cast %mul3A_252 : vector<1x768xf32> to vector<1x1x768xf32>
    %reduce_sum3A_254 = arith.constant dense<0.000000e+00> : vector<1xf32>
    %reduce_sum3A_255 = vector.multi_reduction <add>, %reduce_sum3A_253, %reduce_sum3A_254 [1, 2] : vector<1x1x768xf32> to vector<1xf32>
    %reduce_sum3A_256 = vector.shape_cast %reduce_sum3A_255 : vector<1xf32> to vector<1x1x1xf32>
    %reduce_sum3A_257 = vector.extract %reduce_sum3A_256[0, 0, 0] : f32 from vector<1x1x1xf32>
    %eq3A_258 = arith.constant 10 : i32
    %eq3A_259 = vector.broadcast %eq3A_258 : i32 to vector<64x1xi32>
    %eq3A_260 = arith.cmpi eq, %iota3A, %eq3A_259 : vector<64x1xi32>
    %broadcast_in_dim3A_261 = vector.broadcast %reduce_sum3A_257 : f32 to vector<64x1xf32>
    %select_n3A_262 = arith.select %eq3A_260, %broadcast_in_dim3A_261, %select_n3A_238 : vector<64x1xi1>, vector<64x1xf32>
    %mul3A_263 = arith.constant 0.899999976 : f32
    %mul3A_264 = vector.broadcast %mul3A_263 : f32 to vector<1x768xf32>
    %mul3A_265 = arith.mulf %mul3A_264, %add3A_245 : vector<1x768xf32>
    %mul3A_266 = arith.constant 1.000000e-01 : f32
    %mul3A_267 = vector.broadcast %mul3A_266 : f32 to vector<1x768xf32>
    %mul3A_268 = arith.mulf %mul3A_267, %get3A_250 : vector<1x768xf32>
    %add3A_269 = arith.addf %mul3A_265, %mul3A_268 : vector<1x768xf32>
    %get3A_270 = arith.constant 0 : index
    %get3A_271 = arith.constant 11 : index
    %get3A_272 = arith.constant 0 : index
    %get3A_273 = vector.load %arg1[%get3A_270, %get3A_271, %get3A_272] : memref<1x64x768xf32, #tpu.memory_space<vmem>>, vector<1x1x768xf32>
    %get3A_274 = vector.shape_cast %get3A_273 : vector<1x1x768xf32> to vector<1x768xf32>
    %sub3A_275 = arith.subf %get3A_274, %add3A_269 : vector<1x768xf32>
    %mul3A_276 = arith.mulf %sub3A_275, %sub3A_275 : vector<1x768xf32>
    %reduce_sum3A_277 = vector.shape_cast %mul3A_276 : vector<1x768xf32> to vector<1x1x768xf32>
    %reduce_sum3A_278 = arith.constant dense<0.000000e+00> : vector<1xf32>
    %reduce_sum3A_279 = vector.multi_reduction <add>, %reduce_sum3A_277, %reduce_sum3A_278 [1, 2] : vector<1x1x768xf32> to vector<1xf32>
    %reduce_sum3A_280 = vector.shape_cast %reduce_sum3A_279 : vector<1xf32> to vector<1x1x1xf32>
    %reduce_sum3A_281 = vector.extract %reduce_sum3A_280[0, 0, 0] : f32 from vector<1x1x1xf32>
    %eq3A_282 = arith.constant 11 : i32
    %eq3A_283 = vector.broadcast %eq3A_282 : i32 to vector<64x1xi32>
    %eq3A_284 = arith.cmpi eq, %iota3A, %eq3A_283 : vector<64x1xi32>
    %broadcast_in_dim3A_285 = vector.broadcast %reduce_sum3A_281 : f32 to vector<64x1xf32>
    %select_n3A_286 = arith.select %eq3A_284, %broadcast_in_dim3A_285, %select_n3A_262 : vector<64x1xi1>, vector<64x1xf32>
    %mul3A_287 = arith.constant 0.899999976 : f32
    %mul3A_288 = vector.broadcast %mul3A_287 : f32 to vector<1x768xf32>
    %mul3A_289 = arith.mulf %mul3A_288, %add3A_269 : vector<1x768xf32>
    %mul3A_290 = arith.constant 1.000000e-01 : f32
    %mul3A_291 = vector.broadcast %mul3A_290 : f32 to vector<1x768xf32>
    %mul3A_292 = arith.mulf %mul3A_291, %get3A_274 : vector<1x768xf32>
    %add3A_293 = arith.addf %mul3A_289, %mul3A_292 : vector<1x768xf32>
    %get3A_294 = arith.constant 0 : index
    %get3A_295 = arith.constant 12 : index
    %get3A_296 = arith.constant 0 : index
    %get3A_297 = vector.load %arg1[%get3A_294, %get3A_295, %get3A_296] : memref<1x64x768xf32, #tpu.memory_space<vmem>>, vector<1x1x768xf32>
    %get3A_298 = vector.shape_cast %get3A_297 : vector<1x1x768xf32> to vector<1x768xf32>
    %sub3A_299 = arith.subf %get3A_298, %add3A_293 : vector<1x768xf32>
    %mul3A_300 = arith.mulf %sub3A_299, %sub3A_299 : vector<1x768xf32>
    %reduce_sum3A_301 = vector.shape_cast %mul3A_300 : vector<1x768xf32> to vector<1x1x768xf32>
    %reduce_sum3A_302 = arith.constant dense<0.000000e+00> : vector<1xf32>
    %reduce_sum3A_303 = vector.multi_reduction <add>, %reduce_sum3A_301, %reduce_sum3A_302 [1, 2] : vector<1x1x768xf32> to vector<1xf32>
    %reduce_sum3A_304 = vector.shape_cast %reduce_sum3A_303 : vector<1xf32> to vector<1x1x1xf32>
    %reduce_sum3A_305 = vector.extract %reduce_sum3A_304[0, 0, 0] : f32 from vector<1x1x1xf32>
    %eq3A_306 = arith.constant 12 : i32
    %eq3A_307 = vector.broadcast %eq3A_306 : i32 to vector<64x1xi32>
    %eq3A_308 = arith.cmpi eq, %iota3A, %eq3A_307 : vector<64x1xi32>
    %broadcast_in_dim3A_309 = vector.broadcast %reduce_sum3A_305 : f32 to vector<64x1xf32>
    %select_n3A_310 = arith.select %eq3A_308, %broadcast_in_dim3A_309, %select_n3A_286 : vector<64x1xi1>, vector<64x1xf32>
    %mul3A_311 = arith.constant 0.899999976 : f32
    %mul3A_312 = vector.broadcast %mul3A_311 : f32 to vector<1x768xf32>
    %mul3A_313 = arith.mulf %mul3A_312, %add3A_293 : vector<1x768xf32>
    %mul3A_314 = arith.constant 1.000000e-01 : f32
    %mul3A_315 = vector.broadcast %mul3A_314 : f32 to vector<1x768xf32>
    %mul3A_316 = arith.mulf %mul3A_315, %get3A_298 : vector<1x768xf32>
    %add3A_317 = arith.addf %mul3A_313, %mul3A_316 : vector<1x768xf32>
    %get3A_318 = arith.constant 0 : index
    %get3A_319 = arith.constant 13 : index
    %get3A_320 = arith.constant 0 : index
    %get3A_321 = vector.load %arg1[%get3A_318, %get3A_319, %get3A_320] : memref<1x64x768xf32, #tpu.memory_space<vmem>>, vector<1x1x768xf32>
    %get3A_322 = vector.shape_cast %get3A_321 : vector<1x1x768xf32> to vector<1x768xf32>
    %sub3A_323 = arith.subf %get3A_322, %add3A_317 : vector<1x768xf32>
    %mul3A_324 = arith.mulf %sub3A_323, %sub3A_323 : vector<1x768xf32>
    %reduce_sum3A_325 = vector.shape_cast %mul3A_324 : vector<1x768xf32> to vector<1x1x768xf32>
    %reduce_sum3A_326 = arith.constant dense<0.000000e+00> : vector<1xf32>
    %reduce_sum3A_327 = vector.multi_reduction <add>, %reduce_sum3A_325, %reduce_sum3A_326 [1, 2] : vector<1x1x768xf32> to vector<1xf32>
    %reduce_sum3A_328 = vector.shape_cast %reduce_sum3A_327 : vector<1xf32> to vector<1x1x1xf32>
    %reduce_sum3A_329 = vector.extract %reduce_sum3A_328[0, 0, 0] : f32 from vector<1x1x1xf32>
    %eq3A_330 = arith.constant 13 : i32
    %eq3A_331 = vector.broadcast %eq3A_330 : i32 to vector<64x1xi32>
    %eq3A_332 = arith.cmpi eq, %iota3A, %eq3A_331 : vector<64x1xi32>
    %broadcast_in_dim3A_333 = vector.broadcast %reduce_sum3A_329 : f32 to vector<64x1xf32>
    %select_n3A_334 = arith.select %eq3A_332, %broadcast_in_dim3A_333, %select_n3A_310 : vector<64x1xi1>, vector<64x1xf32>
    %mul3A_335 = arith.constant 0.899999976 : f32
    %mul3A_336 = vector.broadcast %mul3A_335 : f32 to vector<1x768xf32>
    %mul3A_337 = arith.mulf %mul3A_336, %add3A_317 : vector<1x768xf32>
    %mul3A_338 = arith.constant 1.000000e-01 : f32
    %mul3A_339 = vector.broadcast %mul3A_338 : f32 to vector<1x768xf32>
    %mul3A_340 = arith.mulf %mul3A_339, %get3A_322 : vector<1x768xf32>
    %add3A_341 = arith.addf %mul3A_337, %mul3A_340 : vector<1x768xf32>
    %get3A_342 = arith.constant 0 : index
    %get3A_343 = arith.constant 14 : index
    %get3A_344 = arith.constant 0 : index
    %get3A_345 = vector.load %arg1[%get3A_342, %get3A_343, %get3A_344] : memref<1x64x768xf32, #tpu.memory_space<vmem>>, vector<1x1x768xf32>
    %get3A_346 = vector.shape_cast %get3A_345 : vector<1x1x768xf32> to vector<1x768xf32>
    %sub3A_347 = arith.subf %get3A_346, %add3A_341 : vector<1x768xf32>
    %mul3A_348 = arith.mulf %sub3A_347, %sub3A_347 : vector<1x768xf32>
    %reduce_sum3A_349 = vector.shape_cast %mul3A_348 : vector<1x768xf32> to vector<1x1x768xf32>
    %reduce_sum3A_350 = arith.constant dense<0.000000e+00> : vector<1xf32>
    %reduce_sum3A_351 = vector.multi_reduction <add>, %reduce_sum3A_349, %reduce_sum3A_350 [1, 2] : vector<1x1x768xf32> to vector<1xf32>
    %reduce_sum3A_352 = vector.shape_cast %reduce_sum3A_351 : vector<1xf32> to vector<1x1x1xf32>
    %reduce_sum3A_353 = vector.extract %reduce_sum3A_352[0, 0, 0] : f32 from vector<1x1x1xf32>
    %eq3A_354 = arith.constant 14 : i32
    %eq3A_355 = vector.broadcast %eq3A_354 : i32 to vector<64x1xi32>
    %eq3A_356 = arith.cmpi eq, %iota3A, %eq3A_355 : vector<64x1xi32>
    %broadcast_in_dim3A_357 = vector.broadcast %reduce_sum3A_353 : f32 to vector<64x1xf32>
    %select_n3A_358 = arith.select %eq3A_356, %broadcast_in_dim3A_357, %select_n3A_334 : vector<64x1xi1>, vector<64x1xf32>
    %mul3A_359 = arith.constant 0.899999976 : f32
    %mul3A_360 = vector.broadcast %mul3A_359 : f32 to vector<1x768xf32>
    %mul3A_361 = arith.mulf %mul3A_360, %add3A_341 : vector<1x768xf32>
    %mul3A_362 = arith.constant 1.000000e-01 : f32
    %mul3A_363 = vector.broadcast %mul3A_362 : f32 to vector<1x768xf32>
    %mul3A_364 = arith.mulf %mul3A_363, %get3A_346 : vector<1x768xf32>
    %add3A_365 = arith.addf %mul3A_361, %mul3A_364 : vector<1x768xf32>
    %get3A_366 = arith.constant 0 : index
    %get3A_367 = arith.constant 15 : index
    %get3A_368 = arith.constant 0 : index
    %get3A_369 = vector.load %arg1[%get3A_366, %get3A_367, %get3A_368] : memref<1x64x768xf32, #tpu.memory_space<vmem>>, vector<1x1x768xf32>
    %get3A_370 = vector.shape_cast %get3A_369 : vector<1x1x768xf32> to vector<1x768xf32>
    %sub3A_371 = arith.subf %get3A_370, %add3A_365 : vector<1x768xf32>
    %mul3A_372 = arith.mulf %sub3A_371, %sub3A_371 : vector<1x768xf32>
    %reduce_sum3A_373 = vector.shape_cast %mul3A_372 : vector<1x768xf32> to vector<1x1x768xf32>
    %reduce_sum3A_374 = arith.constant dense<0.000000e+00> : vector<1xf32>
    %reduce_sum3A_375 = vector.multi_reduction <add>, %reduce_sum3A_373, %reduce_sum3A_374 [1, 2] : vector<1x1x768xf32> to vector<1xf32>
    %reduce_sum3A_376 = vector.shape_cast %reduce_sum3A_375 : vector<1xf32> to vector<1x1x1xf32>
    %reduce_sum3A_377 = vector.extract %reduce_sum3A_376[0, 0, 0] : f32 from vector<1x1x1xf32>
    %eq3A_378 = arith.constant 15 : i32
    %eq3A_379 = vector.broadcast %eq3A_378 : i32 to vector<64x1xi32>
    %eq3A_380 = arith.cmpi eq, %iota3A, %eq3A_379 : vector<64x1xi32>
    %broadcast_in_dim3A_381 = vector.broadcast %reduce_sum3A_377 : f32 to vector<64x1xf32>
    %select_n3A_382 = arith.select %eq3A_380, %broadcast_in_dim3A_381, %select_n3A_358 : vector<64x1xi1>, vector<64x1xf32>
    %mul3A_383 = arith.constant 0.899999976 : f32
    %mul3A_384 = vector.broadcast %mul3A_383 : f32 to vector<1x768xf32>
    %mul3A_385 = arith.mulf %mul3A_384, %add3A_365 : vector<1x768xf32>
    %mul3A_386 = arith.constant 1.000000e-01 : f32
    %mul3A_387 = vector.broadcast %mul3A_386 : f32 to vector<1x768xf32>
    %mul3A_388 = arith.mulf %mul3A_387, %get3A_370 : vector<1x768xf32>
    %add3A_389 = arith.addf %mul3A_385, %mul3A_388 : vector<1x768xf32>
    %get3A_390 = arith.constant 0 : index
    %get3A_391 = arith.constant 16 : index
    %get3A_392 = arith.constant 0 : index
    %get3A_393 = vector.load %arg1[%get3A_390, %get3A_391, %get3A_392] : memref<1x64x768xf32, #tpu.memory_space<vmem>>, vector<1x1x768xf32>
    %get3A_394 = vector.shape_cast %get3A_393 : vector<1x1x768xf32> to vector<1x768xf32>
    %sub3A_395 = arith.subf %get3A_394, %add3A_389 : vector<1x768xf32>
    %mul3A_396 = arith.mulf %sub3A_395, %sub3A_395 : vector<1x768xf32>
    %reduce_sum3A_397 = vector.shape_cast %mul3A_396 : vector<1x768xf32> to vector<1x1x768xf32>
    %reduce_sum3A_398 = arith.constant dense<0.000000e+00> : vector<1xf32>
    %reduce_sum3A_399 = vector.multi_reduction <add>, %reduce_sum3A_397, %reduce_sum3A_398 [1, 2] : vector<1x1x768xf32> to vector<1xf32>
    %reduce_sum3A_400 = vector.shape_cast %reduce_sum3A_399 : vector<1xf32> to vector<1x1x1xf32>
    %reduce_sum3A_401 = vector.extract %reduce_sum3A_400[0, 0, 0] : f32 from vector<1x1x1xf32>
    %eq3A_402 = arith.constant 16 : i32
    %eq3A_403 = vector.broadcast %eq3A_402 : i32 to vector<64x1xi32>
    %eq3A_404 = arith.cmpi eq, %iota3A, %eq3A_403 : vector<64x1xi32>
    %broadcast_in_dim3A_405 = vector.broadcast %reduce_sum3A_401 : f32 to vector<64x1xf32>
    %select_n3A_406 = arith.select %eq3A_404, %broadcast_in_dim3A_405, %select_n3A_382 : vector<64x1xi1>, vector<64x1xf32>
    %mul3A_407 = arith.constant 0.899999976 : f32
    %mul3A_408 = vector.broadcast %mul3A_407 : f32 to vector<1x768xf32>
    %mul3A_409 = arith.mulf %mul3A_408, %add3A_389 : vector<1x768xf32>
    %mul3A_410 = arith.constant 1.000000e-01 : f32
    %mul3A_411 = vector.broadcast %mul3A_410 : f32 to vector<1x768xf32>
    %mul3A_412 = arith.mulf %mul3A_411, %get3A_394 : vector<1x768xf32>
    %add3A_413 = arith.addf %mul3A_409, %mul3A_412 : vector<1x768xf32>
    %get3A_414 = arith.constant 0 : index
    %get3A_415 = arith.constant 17 : index
    %get3A_416 = arith.constant 0 : index
    %get3A_417 = vector.load %arg1[%get3A_414, %get3A_415, %get3A_416] : memref<1x64x768xf32, #tpu.memory_space<vmem>>, vector<1x1x768xf32>
    %get3A_418 = vector.shape_cast %get3A_417 : vector<1x1x768xf32> to vector<1x768xf32>
    %sub3A_419 = arith.subf %get3A_418, %add3A_413 : vector<1x768xf32>
    %mul3A_420 = arith.mulf %sub3A_419, %sub3A_419 : vector<1x768xf32>
    %reduce_sum3A_421 = vector.shape_cast %mul3A_420 : vector<1x768xf32> to vector<1x1x768xf32>
    %reduce_sum3A_422 = arith.constant dense<0.000000e+00> : vector<1xf32>
    %reduce_sum3A_423 = vector.multi_reduction <add>, %reduce_sum3A_421, %reduce_sum3A_422 [1, 2] : vector<1x1x768xf32> to vector<1xf32>
    %reduce_sum3A_424 = vector.shape_cast %reduce_sum3A_423 : vector<1xf32> to vector<1x1x1xf32>
    %reduce_sum3A_425 = vector.extract %reduce_sum3A_424[0, 0, 0] : f32 from vector<1x1x1xf32>
    %eq3A_426 = arith.constant 17 : i32
    %eq3A_427 = vector.broadcast %eq3A_426 : i32 to vector<64x1xi32>
    %eq3A_428 = arith.cmpi eq, %iota3A, %eq3A_427 : vector<64x1xi32>
    %broadcast_in_dim3A_429 = vector.broadcast %reduce_sum3A_425 : f32 to vector<64x1xf32>
    %select_n3A_430 = arith.select %eq3A_428, %broadcast_in_dim3A_429, %select_n3A_406 : vector<64x1xi1>, vector<64x1xf32>
    %mul3A_431 = arith.constant 0.899999976 : f32
    %mul3A_432 = vector.broadcast %mul3A_431 : f32 to vector<1x768xf32>
    %mul3A_433 = arith.mulf %mul3A_432, %add3A_413 : vector<1x768xf32>
    %mul3A_434 = arith.constant 1.000000e-01 : f32
    %mul3A_435 = vector.broadcast %mul3A_434 : f32 to vector<1x768xf32>
    %mul3A_436 = arith.mulf %mul3A_435, %get3A_418 : vector<1x768xf32>
    %add3A_437 = arith.addf %mul3A_433, %mul3A_436 : vector<1x768xf32>
    %get3A_438 = arith.constant 0 : index
    %get3A_439 = arith.constant 18 : index
    %get3A_440 = arith.constant 0 : index
    %get3A_441 = vector.load %arg1[%get3A_438, %get3A_439, %get3A_440] : memref<1x64x768xf32, #tpu.memory_space<vmem>>, vector<1x1x768xf32>
    %get3A_442 = vector.shape_cast %get3A_441 : vector<1x1x768xf32> to vector<1x768xf32>
    %sub3A_443 = arith.subf %get3A_442, %add3A_437 : vector<1x768xf32>
    %mul3A_444 = arith.mulf %sub3A_443, %sub3A_443 : vector<1x768xf32>
    %reduce_sum3A_445 = vector.shape_cast %mul3A_444 : vector<1x768xf32> to vector<1x1x768xf32>
    %reduce_sum3A_446 = arith.constant dense<0.000000e+00> : vector<1xf32>
    %reduce_sum3A_447 = vector.multi_reduction <add>, %reduce_sum3A_445, %reduce_sum3A_446 [1, 2] : vector<1x1x768xf32> to vector<1xf32>
    %reduce_sum3A_448 = vector.shape_cast %reduce_sum3A_447 : vector<1xf32> to vector<1x1x1xf32>
    %reduce_sum3A_449 = vector.extract %reduce_sum3A_448[0, 0, 0] : f32 from vector<1x1x1xf32>
    %eq3A_450 = arith.constant 18 : i32
    %eq3A_451 = vector.broadcast %eq3A_450 : i32 to vector<64x1xi32>
    %eq3A_452 = arith.cmpi eq, %iota3A, %eq3A_451 : vector<64x1xi32>
    %broadcast_in_dim3A_453 = vector.broadcast %reduce_sum3A_449 : f32 to vector<64x1xf32>
    %select_n3A_454 = arith.select %eq3A_452, %broadcast_in_dim3A_453, %select_n3A_430 : vector<64x1xi1>, vector<64x1xf32>
    %mul3A_455 = arith.constant 0.899999976 : f32
    %mul3A_456 = vector.broadcast %mul3A_455 : f32 to vector<1x768xf32>
    %mul3A_457 = arith.mulf %mul3A_456, %add3A_437 : vector<1x768xf32>
    %mul3A_458 = arith.constant 1.000000e-01 : f32
    %mul3A_459 = vector.broadcast %mul3A_458 : f32 to vector<1x768xf32>
    %mul3A_460 = arith.mulf %mul3A_459, %get3A_442 : vector<1x768xf32>
    %add3A_461 = arith.addf %mul3A_457, %mul3A_460 : vector<1x768xf32>
    %get3A_462 = arith.constant 0 : index
    %get3A_463 = arith.constant 19 : index
    %get3A_464 = arith.constant 0 : index
    %get3A_465 = vector.load %arg1[%get3A_462, %get3A_463, %get3A_464] : memref<1x64x768xf32, #tpu.memory_space<vmem>>, vector<1x1x768xf32>
    %get3A_466 = vector.shape_cast %get3A_465 : vector<1x1x768xf32> to vector<1x768xf32>
    %sub3A_467 = arith.subf %get3A_466, %add3A_461 : vector<1x768xf32>
    %mul3A_468 = arith.mulf %sub3A_467, %sub3A_467 : vector<1x768xf32>
    %reduce_sum3A_469 = vector.shape_cast %mul3A_468 : vector<1x768xf32> to vector<1x1x768xf32>
    %reduce_sum3A_470 = arith.constant dense<0.000000e+00> : vector<1xf32>
    %reduce_sum3A_471 = vector.multi_reduction <add>, %reduce_sum3A_469, %reduce_sum3A_470 [1, 2] : vector<1x1x768xf32> to vector<1xf32>
    %reduce_sum3A_472 = vector.shape_cast %reduce_sum3A_471 : vector<1xf32> to vector<1x1x1xf32>
    %reduce_sum3A_473 = vector.extract %reduce_sum3A_472[0, 0, 0] : f32 from vector<1x1x1xf32>
    %eq3A_474 = arith.constant 19 : i32
    %eq3A_475 = vector.broadcast %eq3A_474 : i32 to vector<64x1xi32>
    %eq3A_476 = arith.cmpi eq, %iota3A, %eq3A_475 : vector<64x1xi32>
    %broadcast_in_dim3A_477 = vector.broadcast %reduce_sum3A_473 : f32 to vector<64x1xf32>
    %select_n3A_478 = arith.select %eq3A_476, %broadcast_in_dim3A_477, %select_n3A_454 : vector<64x1xi1>, vector<64x1xf32>
    %mul3A_479 = arith.constant 0.899999976 : f32
    %mul3A_480 = vector.broadcast %mul3A_479 : f32 to vector<1x768xf32>
    %mul3A_481 = arith.mulf %mul3A_480, %add3A_461 : vector<1x768xf32>
    %mul3A_482 = arith.constant 1.000000e-01 : f32
    %mul3A_483 = vector.broadcast %mul3A_482 : f32 to vector<1x768xf32>
    %mul3A_484 = arith.mulf %mul3A_483, %get3A_466 : vector<1x768xf32>
    %add3A_485 = arith.addf %mul3A_481, %mul3A_484 : vector<1x768xf32>
    %get3A_486 = arith.constant 0 : index
    %get3A_487 = arith.constant 20 : index
    %get3A_488 = arith.constant 0 : index
    %get3A_489 = vector.load %arg1[%get3A_486, %get3A_487, %get3A_488] : memref<1x64x768xf32, #tpu.memory_space<vmem>>, vector<1x1x768xf32>
    %get3A_490 = vector.shape_cast %get3A_489 : vector<1x1x768xf32> to vector<1x768xf32>
    %sub3A_491 = arith.subf %get3A_490, %add3A_485 : vector<1x768xf32>
    %mul3A_492 = arith.mulf %sub3A_491, %sub3A_491 : vector<1x768xf32>
    %reduce_sum3A_493 = vector.shape_cast %mul3A_492 : vector<1x768xf32> to vector<1x1x768xf32>
    %reduce_sum3A_494 = arith.constant dense<0.000000e+00> : vector<1xf32>
    %reduce_sum3A_495 = vector.multi_reduction <add>, %reduce_sum3A_493, %reduce_sum3A_494 [1, 2] : vector<1x1x768xf32> to vector<1xf32>
    %reduce_sum3A_496 = vector.shape_cast %reduce_sum3A_495 : vector<1xf32> to vector<1x1x1xf32>
    %reduce_sum3A_497 = vector.extract %reduce_sum3A_496[0, 0, 0] : f32 from vector<1x1x1xf32>
    %eq3A_498 = arith.constant 20 : i32
    %eq3A_499 = vector.broadcast %eq3A_498 : i32 to vector<64x1xi32>
    %eq3A_500 = arith.cmpi eq, %iota3A, %eq3A_499 : vector<64x1xi32>
    %broadcast_in_dim3A_501 = vector.broadcast %reduce_sum3A_497 : f32 to vector<64x1xf32>
    %select_n3A_502 = arith.select %eq3A_500, %broadcast_in_dim3A_501, %select_n3A_478 : vector<64x1xi1>, vector<64x1xf32>
    %mul3A_503 = arith.constant 0.899999976 : f32
    %mul3A_504 = vector.broadcast %mul3A_503 : f32 to vector<1x768xf32>
    %mul3A_505 = arith.mulf %mul3A_504, %add3A_485 : vector<1x768xf32>
    %mul3A_506 = arith.constant 1.000000e-01 : f32
    %mul3A_507 = vector.broadcast %mul3A_506 : f32 to vector<1x768xf32>
    %mul3A_508 = arith.mulf %mul3A_507, %get3A_490 : vector<1x768xf32>
    %add3A_509 = arith.addf %mul3A_505, %mul3A_508 : vector<1x768xf32>
    %get3A_510 = arith.constant 0 : index
    %get3A_511 = arith.constant 21 : index
    %get3A_512 = arith.constant 0 : index
    %get3A_513 = vector.load %arg1[%get3A_510, %get3A_511, %get3A_512] : memref<1x64x768xf32, #tpu.memory_space<vmem>>, vector<1x1x768xf32>
    %get3A_514 = vector.shape_cast %get3A_513 : vector<1x1x768xf32> to vector<1x768xf32>
    %sub3A_515 = arith.subf %get3A_514, %add3A_509 : vector<1x768xf32>
    %mul3A_516 = arith.mulf %sub3A_515, %sub3A_515 : vector<1x768xf32>
    %reduce_sum3A_517 = vector.shape_cast %mul3A_516 : vector<1x768xf32> to vector<1x1x768xf32>
    %reduce_sum3A_518 = arith.constant dense<0.000000e+00> : vector<1xf32>
    %reduce_sum3A_519 = vector.multi_reduction <add>, %reduce_sum3A_517, %reduce_sum3A_518 [1, 2] : vector<1x1x768xf32> to vector<1xf32>
    %reduce_sum3A_520 = vector.shape_cast %reduce_sum3A_519 : vector<1xf32> to vector<1x1x1xf32>
    %reduce_sum3A_521 = vector.extract %reduce_sum3A_520[0, 0, 0] : f32 from vector<1x1x1xf32>
    %eq3A_522 = arith.constant 21 : i32
    %eq3A_523 = vector.broadcast %eq3A_522 : i32 to vector<64x1xi32>
    %eq3A_524 = arith.cmpi eq, %iota3A, %eq3A_523 : vector<64x1xi32>
    %broadcast_in_dim3A_525 = vector.broadcast %reduce_sum3A_521 : f32 to vector<64x1xf32>
    %select_n3A_526 = arith.select %eq3A_524, %broadcast_in_dim3A_525, %select_n3A_502 : vector<64x1xi1>, vector<64x1xf32>
    %mul3A_527 = arith.constant 0.899999976 : f32
    %mul3A_528 = vector.broadcast %mul3A_527 : f32 to vector<1x768xf32>
    %mul3A_529 = arith.mulf %mul3A_528, %add3A_509 : vector<1x768xf32>
    %mul3A_530 = arith.constant 1.000000e-01 : f32
    %mul3A_531 = vector.broadcast %mul3A_530 : f32 to vector<1x768xf32>
    %mul3A_532 = arith.mulf %mul3A_531, %get3A_514 : vector<1x768xf32>
    %add3A_533 = arith.addf %mul3A_529, %mul3A_532 : vector<1x768xf32>
    %get3A_534 = arith.constant 0 : index
    %get3A_535 = arith.constant 22 : index
    %get3A_536 = arith.constant 0 : index
    %get3A_537 = vector.load %arg1[%get3A_534, %get3A_535, %get3A_536] : memref<1x64x768xf32, #tpu.memory_space<vmem>>, vector<1x1x768xf32>
    %get3A_538 = vector.shape_cast %get3A_537 : vector<1x1x768xf32> to vector<1x768xf32>
    %sub3A_539 = arith.subf %get3A_538, %add3A_533 : vector<1x768xf32>
    %mul3A_540 = arith.mulf %sub3A_539, %sub3A_539 : vector<1x768xf32>
    %reduce_sum3A_541 = vector.shape_cast %mul3A_540 : vector<1x768xf32> to vector<1x1x768xf32>
    %reduce_sum3A_542 = arith.constant dense<0.000000e+00> : vector<1xf32>
    %reduce_sum3A_543 = vector.multi_reduction <add>, %reduce_sum3A_541, %reduce_sum3A_542 [1, 2] : vector<1x1x768xf32> to vector<1xf32>
    %reduce_sum3A_544 = vector.shape_cast %reduce_sum3A_543 : vector<1xf32> to vector<1x1x1xf32>
    %reduce_sum3A_545 = vector.extract %reduce_sum3A_544[0, 0, 0] : f32 from vector<1x1x1xf32>
    %eq3A_546 = arith.constant 22 : i32
    %eq3A_547 = vector.broadcast %eq3A_546 : i32 to vector<64x1xi32>
    %eq3A_548 = arith.cmpi eq, %iota3A, %eq3A_547 : vector<64x1xi32>
    %broadcast_in_dim3A_549 = vector.broadcast %reduce_sum3A_545 : f32 to vector<64x1xf32>
    %select_n3A_550 = arith.select %eq3A_548, %broadcast_in_dim3A_549, %select_n3A_526 : vector<64x1xi1>, vector<64x1xf32>
    %mul3A_551 = arith.constant 0.899999976 : f32
    %mul3A_552 = vector.broadcast %mul3A_551 : f32 to vector<1x768xf32>
    %mul3A_553 = arith.mulf %mul3A_552, %add3A_533 : vector<1x768xf32>
    %mul3A_554 = arith.constant 1.000000e-01 : f32
    %mul3A_555 = vector.broadcast %mul3A_554 : f32 to vector<1x768xf32>
    %mul3A_556 = arith.mulf %mul3A_555, %get3A_538 : vector<1x768xf32>
    %add3A_557 = arith.addf %mul3A_553, %mul3A_556 : vector<1x768xf32>
    %get3A_558 = arith.constant 0 : index
    %get3A_559 = arith.constant 23 : index
    %get3A_560 = arith.constant 0 : index
    %get3A_561 = vector.load %arg1[%get3A_558, %get3A_559, %get3A_560] : memref<1x64x768xf32, #tpu.memory_space<vmem>>, vector<1x1x768xf32>
    %get3A_562 = vector.shape_cast %get3A_561 : vector<1x1x768xf32> to vector<1x768xf32>
    %sub3A_563 = arith.subf %get3A_562, %add3A_557 : vector<1x768xf32>
    %mul3A_564 = arith.mulf %sub3A_563, %sub3A_563 : vector<1x768xf32>
    %reduce_sum3A_565 = vector.shape_cast %mul3A_564 : vector<1x768xf32> to vector<1x1x768xf32>
    %reduce_sum3A_566 = arith.constant dense<0.000000e+00> : vector<1xf32>
    %reduce_sum3A_567 = vector.multi_reduction <add>, %reduce_sum3A_565, %reduce_sum3A_566 [1, 2] : vector<1x1x768xf32> to vector<1xf32>
    %reduce_sum3A_568 = vector.shape_cast %reduce_sum3A_567 : vector<1xf32> to vector<1x1x1xf32>
    %reduce_sum3A_569 = vector.extract %reduce_sum3A_568[0, 0, 0] : f32 from vector<1x1x1xf32>
    %eq3A_570 = arith.constant 23 : i32
    %eq3A_571 = vector.broadcast %eq3A_570 : i32 to vector<64x1xi32>
    %eq3A_572 = arith.cmpi eq, %iota3A, %eq3A_571 : vector<64x1xi32>
    %broadcast_in_dim3A_573 = vector.broadcast %reduce_sum3A_569 : f32 to vector<64x1xf32>
    %select_n3A_574 = arith.select %eq3A_572, %broadcast_in_dim3A_573, %select_n3A_550 : vector<64x1xi1>, vector<64x1xf32>
    %mul3A_575 = arith.constant 0.899999976 : f32
    %mul3A_576 = vector.broadcast %mul3A_575 : f32 to vector<1x768xf32>
    %mul3A_577 = arith.mulf %mul3A_576, %add3A_557 : vector<1x768xf32>
    %mul3A_578 = arith.constant 1.000000e-01 : f32
    %mul3A_579 = vector.broadcast %mul3A_578 : f32 to vector<1x768xf32>
    %mul3A_580 = arith.mulf %mul3A_579, %get3A_562 : vector<1x768xf32>
    %add3A_581 = arith.addf %mul3A_577, %mul3A_580 : vector<1x768xf32>
    %get3A_582 = arith.constant 0 : index
    %get3A_583 = arith.constant 24 : index
    %get3A_584 = arith.constant 0 : index
    %get3A_585 = vector.load %arg1[%get3A_582, %get3A_583, %get3A_584] : memref<1x64x768xf32, #tpu.memory_space<vmem>>, vector<1x1x768xf32>
    %get3A_586 = vector.shape_cast %get3A_585 : vector<1x1x768xf32> to vector<1x768xf32>
    %sub3A_587 = arith.subf %get3A_586, %add3A_581 : vector<1x768xf32>
    %mul3A_588 = arith.mulf %sub3A_587, %sub3A_587 : vector<1x768xf32>
    %reduce_sum3A_589 = vector.shape_cast %mul3A_588 : vector<1x768xf32> to vector<1x1x768xf32>
    %reduce_sum3A_590 = arith.constant dense<0.000000e+00> : vector<1xf32>
    %reduce_sum3A_591 = vector.multi_reduction <add>, %reduce_sum3A_589, %reduce_sum3A_590 [1, 2] : vector<1x1x768xf32> to vector<1xf32>
    %reduce_sum3A_592 = vector.shape_cast %reduce_sum3A_591 : vector<1xf32> to vector<1x1x1xf32>
    %reduce_sum3A_593 = vector.extract %reduce_sum3A_592[0, 0, 0] : f32 from vector<1x1x1xf32>
    %eq3A_594 = arith.constant 24 : i32
    %eq3A_595 = vector.broadcast %eq3A_594 : i32 to vector<64x1xi32>
    %eq3A_596 = arith.cmpi eq, %iota3A, %eq3A_595 : vector<64x1xi32>
    %broadcast_in_dim3A_597 = vector.broadcast %reduce_sum3A_593 : f32 to vector<64x1xf32>
    %select_n3A_598 = arith.select %eq3A_596, %broadcast_in_dim3A_597, %select_n3A_574 : vector<64x1xi1>, vector<64x1xf32>
    %mul3A_599 = arith.constant 0.899999976 : f32
    %mul3A_600 = vector.broadcast %mul3A_599 : f32 to vector<1x768xf32>
    %mul3A_601 = arith.mulf %mul3A_600, %add3A_581 : vector<1x768xf32>
    %mul3A_602 = arith.constant 1.000000e-01 : f32
    %mul3A_603 = vector.broadcast %mul3A_602 : f32 to vector<1x768xf32>
    %mul3A_604 = arith.mulf %mul3A_603, %get3A_586 : vector<1x768xf32>
    %add3A_605 = arith.addf %mul3A_601, %mul3A_604 : vector<1x768xf32>
    %get3A_606 = arith.constant 0 : index
    %get3A_607 = arith.constant 25 : index
    %get3A_608 = arith.constant 0 : index
    %get3A_609 = vector.load %arg1[%get3A_606, %get3A_607, %get3A_608] : memref<1x64x768xf32, #tpu.memory_space<vmem>>, vector<1x1x768xf32>
    %get3A_610 = vector.shape_cast %get3A_609 : vector<1x1x768xf32> to vector<1x768xf32>
    %sub3A_611 = arith.subf %get3A_610, %add3A_605 : vector<1x768xf32>
    %mul3A_612 = arith.mulf %sub3A_611, %sub3A_611 : vector<1x768xf32>
    %reduce_sum3A_613 = vector.shape_cast %mul3A_612 : vector<1x768xf32> to vector<1x1x768xf32>
    %reduce_sum3A_614 = arith.constant dense<0.000000e+00> : vector<1xf32>
    %reduce_sum3A_615 = vector.multi_reduction <add>, %reduce_sum3A_613, %reduce_sum3A_614 [1, 2] : vector<1x1x768xf32> to vector<1xf32>
    %reduce_sum3A_616 = vector.shape_cast %reduce_sum3A_615 : vector<1xf32> to vector<1x1x1xf32>
    %reduce_sum3A_617 = vector.extract %reduce_sum3A_616[0, 0, 0] : f32 from vector<1x1x1xf32>
    %eq3A_618 = arith.constant 25 : i32
    %eq3A_619 = vector.broadcast %eq3A_618 : i32 to vector<64x1xi32>
    %eq3A_620 = arith.cmpi eq, %iota3A, %eq3A_619 : vector<64x1xi32>
    %broadcast_in_dim3A_621 = vector.broadcast %reduce_sum3A_617 : f32 to vector<64x1xf32>
    %select_n3A_622 = arith.select %eq3A_620, %broadcast_in_dim3A_621, %select_n3A_598 : vector<64x1xi1>, vector<64x1xf32>
    %mul3A_623 = arith.constant 0.899999976 : f32
    %mul3A_624 = vector.broadcast %mul3A_623 : f32 to vector<1x768xf32>
    %mul3A_625 = arith.mulf %mul3A_624, %add3A_605 : vector<1x768xf32>
    %mul3A_626 = arith.constant 1.000000e-01 : f32
    %mul3A_627 = vector.broadcast %mul3A_626 : f32 to vector<1x768xf32>
    %mul3A_628 = arith.mulf %mul3A_627, %get3A_610 : vector<1x768xf32>
    %add3A_629 = arith.addf %mul3A_625, %mul3A_628 : vector<1x768xf32>
    %get3A_630 = arith.constant 0 : index
    %get3A_631 = arith.constant 26 : index
    %get3A_632 = arith.constant 0 : index
    %get3A_633 = vector.load %arg1[%get3A_630, %get3A_631, %get3A_632] : memref<1x64x768xf32, #tpu.memory_space<vmem>>, vector<1x1x768xf32>
    %get3A_634 = vector.shape_cast %get3A_633 : vector<1x1x768xf32> to vector<1x768xf32>
    %sub3A_635 = arith.subf %get3A_634, %add3A_629 : vector<1x768xf32>
    %mul3A_636 = arith.mulf %sub3A_635, %sub3A_635 : vector<1x768xf32>
    %reduce_sum3A_637 = vector.shape_cast %mul3A_636 : vector<1x768xf32> to vector<1x1x768xf32>
    %reduce_sum3A_638 = arith.constant dense<0.000000e+00> : vector<1xf32>
    %reduce_sum3A_639 = vector.multi_reduction <add>, %reduce_sum3A_637, %reduce_sum3A_638 [1, 2] : vector<1x1x768xf32> to vector<1xf32>
    %reduce_sum3A_640 = vector.shape_cast %reduce_sum3A_639 : vector<1xf32> to vector<1x1x1xf32>
    %reduce_sum3A_641 = vector.extract %reduce_sum3A_640[0, 0, 0] : f32 from vector<1x1x1xf32>
    %eq3A_642 = arith.constant 26 : i32
    %eq3A_643 = vector.broadcast %eq3A_642 : i32 to vector<64x1xi32>
    %eq3A_644 = arith.cmpi eq, %iota3A, %eq3A_643 : vector<64x1xi32>
    %broadcast_in_dim3A_645 = vector.broadcast %reduce_sum3A_641 : f32 to vector<64x1xf32>
    %select_n3A_646 = arith.select %eq3A_644, %broadcast_in_dim3A_645, %select_n3A_622 : vector<64x1xi1>, vector<64x1xf32>
    %mul3A_647 = arith.constant 0.899999976 : f32
    %mul3A_648 = vector.broadcast %mul3A_647 : f32 to vector<1x768xf32>
    %mul3A_649 = arith.mulf %mul3A_648, %add3A_629 : vector<1x768xf32>
    %mul3A_650 = arith.constant 1.000000e-01 : f32
    %mul3A_651 = vector.broadcast %mul3A_650 : f32 to vector<1x768xf32>
    %mul3A_652 = arith.mulf %mul3A_651, %get3A_634 : vector<1x768xf32>
    %add3A_653 = arith.addf %mul3A_649, %mul3A_652 : vector<1x768xf32>
    %get3A_654 = arith.constant 0 : index
    %get3A_655 = arith.constant 27 : index
    %get3A_656 = arith.constant 0 : index
    %get3A_657 = vector.load %arg1[%get3A_654, %get3A_655, %get3A_656] : memref<1x64x768xf32, #tpu.memory_space<vmem>>, vector<1x1x768xf32>
    %get3A_658 = vector.shape_cast %get3A_657 : vector<1x1x768xf32> to vector<1x768xf32>
    %sub3A_659 = arith.subf %get3A_658, %add3A_653 : vector<1x768xf32>
    %mul3A_660 = arith.mulf %sub3A_659, %sub3A_659 : vector<1x768xf32>
    %reduce_sum3A_661 = vector.shape_cast %mul3A_660 : vector<1x768xf32> to vector<1x1x768xf32>
    %reduce_sum3A_662 = arith.constant dense<0.000000e+00> : vector<1xf32>
    %reduce_sum3A_663 = vector.multi_reduction <add>, %reduce_sum3A_661, %reduce_sum3A_662 [1, 2] : vector<1x1x768xf32> to vector<1xf32>
    %reduce_sum3A_664 = vector.shape_cast %reduce_sum3A_663 : vector<1xf32> to vector<1x1x1xf32>
    %reduce_sum3A_665 = vector.extract %reduce_sum3A_664[0, 0, 0] : f32 from vector<1x1x1xf32>
    %eq3A_666 = arith.constant 27 : i32
    %eq3A_667 = vector.broadcast %eq3A_666 : i32 to vector<64x1xi32>
    %eq3A_668 = arith.cmpi eq, %iota3A, %eq3A_667 : vector<64x1xi32>
    %broadcast_in_dim3A_669 = vector.broadcast %reduce_sum3A_665 : f32 to vector<64x1xf32>
    %select_n3A_670 = arith.select %eq3A_668, %broadcast_in_dim3A_669, %select_n3A_646 : vector<64x1xi1>, vector<64x1xf32>
    %mul3A_671 = arith.constant 0.899999976 : f32
    %mul3A_672 = vector.broadcast %mul3A_671 : f32 to vector<1x768xf32>
    %mul3A_673 = arith.mulf %mul3A_672, %add3A_653 : vector<1x768xf32>
    %mul3A_674 = arith.constant 1.000000e-01 : f32
    %mul3A_675 = vector.broadcast %mul3A_674 : f32 to vector<1x768xf32>
    %mul3A_676 = arith.mulf %mul3A_675, %get3A_658 : vector<1x768xf32>
    %add3A_677 = arith.addf %mul3A_673, %mul3A_676 : vector<1x768xf32>
    %get3A_678 = arith.constant 0 : index
    %get3A_679 = arith.constant 28 : index
    %get3A_680 = arith.constant 0 : index
    %get3A_681 = vector.load %arg1[%get3A_678, %get3A_679, %get3A_680] : memref<1x64x768xf32, #tpu.memory_space<vmem>>, vector<1x1x768xf32>
    %get3A_682 = vector.shape_cast %get3A_681 : vector<1x1x768xf32> to vector<1x768xf32>
    %sub3A_683 = arith.subf %get3A_682, %add3A_677 : vector<1x768xf32>
    %mul3A_684 = arith.mulf %sub3A_683, %sub3A_683 : vector<1x768xf32>
    %reduce_sum3A_685 = vector.shape_cast %mul3A_684 : vector<1x768xf32> to vector<1x1x768xf32>
    %reduce_sum3A_686 = arith.constant dense<0.000000e+00> : vector<1xf32>
    %reduce_sum3A_687 = vector.multi_reduction <add>, %reduce_sum3A_685, %reduce_sum3A_686 [1, 2] : vector<1x1x768xf32> to vector<1xf32>
    %reduce_sum3A_688 = vector.shape_cast %reduce_sum3A_687 : vector<1xf32> to vector<1x1x1xf32>
    %reduce_sum3A_689 = vector.extract %reduce_sum3A_688[0, 0, 0] : f32 from vector<1x1x1xf32>
    %eq3A_690 = arith.constant 28 : i32
    %eq3A_691 = vector.broadcast %eq3A_690 : i32 to vector<64x1xi32>
    %eq3A_692 = arith.cmpi eq, %iota3A, %eq3A_691 : vector<64x1xi32>
    %broadcast_in_dim3A_693 = vector.broadcast %reduce_sum3A_689 : f32 to vector<64x1xf32>
    %select_n3A_694 = arith.select %eq3A_692, %broadcast_in_dim3A_693, %select_n3A_670 : vector<64x1xi1>, vector<64x1xf32>
    %mul3A_695 = arith.constant 0.899999976 : f32
    %mul3A_696 = vector.broadcast %mul3A_695 : f32 to vector<1x768xf32>
    %mul3A_697 = arith.mulf %mul3A_696, %add3A_677 : vector<1x768xf32>
    %mul3A_698 = arith.constant 1.000000e-01 : f32
    %mul3A_699 = vector.broadcast %mul3A_698 : f32 to vector<1x768xf32>
    %mul3A_700 = arith.mulf %mul3A_699, %get3A_682 : vector<1x768xf32>
    %add3A_701 = arith.addf %mul3A_697, %mul3A_700 : vector<1x768xf32>
    %get3A_702 = arith.constant 0 : index
    %get3A_703 = arith.constant 29 : index
    %get3A_704 = arith.constant 0 : index
    %get3A_705 = vector.load %arg1[%get3A_702, %get3A_703, %get3A_704] : memref<1x64x768xf32, #tpu.memory_space<vmem>>, vector<1x1x768xf32>
    %get3A_706 = vector.shape_cast %get3A_705 : vector<1x1x768xf32> to vector<1x768xf32>
    %sub3A_707 = arith.subf %get3A_706, %add3A_701 : vector<1x768xf32>
    %mul3A_708 = arith.mulf %sub3A_707, %sub3A_707 : vector<1x768xf32>
    %reduce_sum3A_709 = vector.shape_cast %mul3A_708 : vector<1x768xf32> to vector<1x1x768xf32>
    %reduce_sum3A_710 = arith.constant dense<0.000000e+00> : vector<1xf32>
    %reduce_sum3A_711 = vector.multi_reduction <add>, %reduce_sum3A_709, %reduce_sum3A_710 [1, 2] : vector<1x1x768xf32> to vector<1xf32>
    %reduce_sum3A_712 = vector.shape_cast %reduce_sum3A_711 : vector<1xf32> to vector<1x1x1xf32>
    %reduce_sum3A_713 = vector.extract %reduce_sum3A_712[0, 0, 0] : f32 from vector<1x1x1xf32>
    %eq3A_714 = arith.constant 29 : i32
    %eq3A_715 = vector.broadcast %eq3A_714 : i32 to vector<64x1xi32>
    %eq3A_716 = arith.cmpi eq, %iota3A, %eq3A_715 : vector<64x1xi32>
    %broadcast_in_dim3A_717 = vector.broadcast %reduce_sum3A_713 : f32 to vector<64x1xf32>
    %select_n3A_718 = arith.select %eq3A_716, %broadcast_in_dim3A_717, %select_n3A_694 : vector<64x1xi1>, vector<64x1xf32>
    %mul3A_719 = arith.constant 0.899999976 : f32
    %mul3A_720 = vector.broadcast %mul3A_719 : f32 to vector<1x768xf32>
    %mul3A_721 = arith.mulf %mul3A_720, %add3A_701 : vector<1x768xf32>
    %mul3A_722 = arith.constant 1.000000e-01 : f32
    %mul3A_723 = vector.broadcast %mul3A_722 : f32 to vector<1x768xf32>
    %mul3A_724 = arith.mulf %mul3A_723, %get3A_706 : vector<1x768xf32>
    %add3A_725 = arith.addf %mul3A_721, %mul3A_724 : vector<1x768xf32>
    %get3A_726 = arith.constant 0 : index
    %get3A_727 = arith.constant 30 : index
    %get3A_728 = arith.constant 0 : index
    %get3A_729 = vector.load %arg1[%get3A_726, %get3A_727, %get3A_728] : memref<1x64x768xf32, #tpu.memory_space<vmem>>, vector<1x1x768xf32>
    %get3A_730 = vector.shape_cast %get3A_729 : vector<1x1x768xf32> to vector<1x768xf32>
    %sub3A_731 = arith.subf %get3A_730, %add3A_725 : vector<1x768xf32>
    %mul3A_732 = arith.mulf %sub3A_731, %sub3A_731 : vector<1x768xf32>
    %reduce_sum3A_733 = vector.shape_cast %mul3A_732 : vector<1x768xf32> to vector<1x1x768xf32>
    %reduce_sum3A_734 = arith.constant dense<0.000000e+00> : vector<1xf32>
    %reduce_sum3A_735 = vector.multi_reduction <add>, %reduce_sum3A_733, %reduce_sum3A_734 [1, 2] : vector<1x1x768xf32> to vector<1xf32>
    %reduce_sum3A_736 = vector.shape_cast %reduce_sum3A_735 : vector<1xf32> to vector<1x1x1xf32>
    %reduce_sum3A_737 = vector.extract %reduce_sum3A_736[0, 0, 0] : f32 from vector<1x1x1xf32>
    %eq3A_738 = arith.constant 30 : i32
    %eq3A_739 = vector.broadcast %eq3A_738 : i32 to vector<64x1xi32>
    %eq3A_740 = arith.cmpi eq, %iota3A, %eq3A_739 : vector<64x1xi32>
    %broadcast_in_dim3A_741 = vector.broadcast %reduce_sum3A_737 : f32 to vector<64x1xf32>
    %select_n3A_742 = arith.select %eq3A_740, %broadcast_in_dim3A_741, %select_n3A_718 : vector<64x1xi1>, vector<64x1xf32>
    %mul3A_743 = arith.constant 0.899999976 : f32
    %mul3A_744 = vector.broadcast %mul3A_743 : f32 to vector<1x768xf32>
    %mul3A_745 = arith.mulf %mul3A_744, %add3A_725 : vector<1x768xf32>
    %mul3A_746 = arith.constant 1.000000e-01 : f32
    %mul3A_747 = vector.broadcast %mul3A_746 : f32 to vector<1x768xf32>
    %mul3A_748 = arith.mulf %mul3A_747, %get3A_730 : vector<1x768xf32>
    %add3A_749 = arith.addf %mul3A_745, %mul3A_748 : vector<1x768xf32>
    %get3A_750 = arith.constant 0 : index
    %get3A_751 = arith.constant 31 : index
    %get3A_752 = arith.constant 0 : index
    %get3A_753 = vector.load %arg1[%get3A_750, %get3A_751, %get3A_752] : memref<1x64x768xf32, #tpu.memory_space<vmem>>, vector<1x1x768xf32>
    %get3A_754 = vector.shape_cast %get3A_753 : vector<1x1x768xf32> to vector<1x768xf32>
    %sub3A_755 = arith.subf %get3A_754, %add3A_749 : vector<1x768xf32>
    %mul3A_756 = arith.mulf %sub3A_755, %sub3A_755 : vector<1x768xf32>
    %reduce_sum3A_757 = vector.shape_cast %mul3A_756 : vector<1x768xf32> to vector<1x1x768xf32>
    %reduce_sum3A_758 = arith.constant dense<0.000000e+00> : vector<1xf32>
    %reduce_sum3A_759 = vector.multi_reduction <add>, %reduce_sum3A_757, %reduce_sum3A_758 [1, 2] : vector<1x1x768xf32> to vector<1xf32>
    %reduce_sum3A_760 = vector.shape_cast %reduce_sum3A_759 : vector<1xf32> to vector<1x1x1xf32>
    %reduce_sum3A_761 = vector.extract %reduce_sum3A_760[0, 0, 0] : f32 from vector<1x1x1xf32>
    %eq3A_762 = arith.constant 31 : i32
    %eq3A_763 = vector.broadcast %eq3A_762 : i32 to vector<64x1xi32>
    %eq3A_764 = arith.cmpi eq, %iota3A, %eq3A_763 : vector<64x1xi32>
    %broadcast_in_dim3A_765 = vector.broadcast %reduce_sum3A_761 : f32 to vector<64x1xf32>
    %select_n3A_766 = arith.select %eq3A_764, %broadcast_in_dim3A_765, %select_n3A_742 : vector<64x1xi1>, vector<64x1xf32>
    %mul3A_767 = arith.constant 0.899999976 : f32
    %mul3A_768 = vector.broadcast %mul3A_767 : f32 to vector<1x768xf32>
    %mul3A_769 = arith.mulf %mul3A_768, %add3A_749 : vector<1x768xf32>
    %mul3A_770 = arith.constant 1.000000e-01 : f32
    %mul3A_771 = vector.broadcast %mul3A_770 : f32 to vector<1x768xf32>
    %mul3A_772 = arith.mulf %mul3A_771, %get3A_754 : vector<1x768xf32>
    %add3A_773 = arith.addf %mul3A_769, %mul3A_772 : vector<1x768xf32>
    %get3A_774 = arith.constant 0 : index
    %get3A_775 = arith.constant 32 : index
    %get3A_776 = arith.constant 0 : index
    %get3A_777 = vector.load %arg1[%get3A_774, %get3A_775, %get3A_776] : memref<1x64x768xf32, #tpu.memory_space<vmem>>, vector<1x1x768xf32>
    %get3A_778 = vector.shape_cast %get3A_777 : vector<1x1x768xf32> to vector<1x768xf32>
    %sub3A_779 = arith.subf %get3A_778, %add3A_773 : vector<1x768xf32>
    %mul3A_780 = arith.mulf %sub3A_779, %sub3A_779 : vector<1x768xf32>
    %reduce_sum3A_781 = vector.shape_cast %mul3A_780 : vector<1x768xf32> to vector<1x1x768xf32>
    %reduce_sum3A_782 = arith.constant dense<0.000000e+00> : vector<1xf32>
    %reduce_sum3A_783 = vector.multi_reduction <add>, %reduce_sum3A_781, %reduce_sum3A_782 [1, 2] : vector<1x1x768xf32> to vector<1xf32>
    %reduce_sum3A_784 = vector.shape_cast %reduce_sum3A_783 : vector<1xf32> to vector<1x1x1xf32>
    %reduce_sum3A_785 = vector.extract %reduce_sum3A_784[0, 0, 0] : f32 from vector<1x1x1xf32>
    %eq3A_786 = arith.constant 32 : i32
    %eq3A_787 = vector.broadcast %eq3A_786 : i32 to vector<64x1xi32>
    %eq3A_788 = arith.cmpi eq, %iota3A, %eq3A_787 : vector<64x1xi32>
    %broadcast_in_dim3A_789 = vector.broadcast %reduce_sum3A_785 : f32 to vector<64x1xf32>
    %select_n3A_790 = arith.select %eq3A_788, %broadcast_in_dim3A_789, %select_n3A_766 : vector<64x1xi1>, vector<64x1xf32>
    %mul3A_791 = arith.constant 0.899999976 : f32
    %mul3A_792 = vector.broadcast %mul3A_791 : f32 to vector<1x768xf32>
    %mul3A_793 = arith.mulf %mul3A_792, %add3A_773 : vector<1x768xf32>
    %mul3A_794 = arith.constant 1.000000e-01 : f32
    %mul3A_795 = vector.broadcast %mul3A_794 : f32 to vector<1x768xf32>
    %mul3A_796 = arith.mulf %mul3A_795, %get3A_778 : vector<1x768xf32>
    %add3A_797 = arith.addf %mul3A_793, %mul3A_796 : vector<1x768xf32>
    %get3A_798 = arith.constant 0 : index
    %get3A_799 = arith.constant 33 : index
    %get3A_800 = arith.constant 0 : index
    %get3A_801 = vector.load %arg1[%get3A_798, %get3A_799, %get3A_800] : memref<1x64x768xf32, #tpu.memory_space<vmem>>, vector<1x1x768xf32>
    %get3A_802 = vector.shape_cast %get3A_801 : vector<1x1x768xf32> to vector<1x768xf32>
    %sub3A_803 = arith.subf %get3A_802, %add3A_797 : vector<1x768xf32>
    %mul3A_804 = arith.mulf %sub3A_803, %sub3A_803 : vector<1x768xf32>
    %reduce_sum3A_805 = vector.shape_cast %mul3A_804 : vector<1x768xf32> to vector<1x1x768xf32>
    %reduce_sum3A_806 = arith.constant dense<0.000000e+00> : vector<1xf32>
    %reduce_sum3A_807 = vector.multi_reduction <add>, %reduce_sum3A_805, %reduce_sum3A_806 [1, 2] : vector<1x1x768xf32> to vector<1xf32>
    %reduce_sum3A_808 = vector.shape_cast %reduce_sum3A_807 : vector<1xf32> to vector<1x1x1xf32>
    %reduce_sum3A_809 = vector.extract %reduce_sum3A_808[0, 0, 0] : f32 from vector<1x1x1xf32>
    %eq3A_810 = arith.constant 33 : i32
    %eq3A_811 = vector.broadcast %eq3A_810 : i32 to vector<64x1xi32>
    %eq3A_812 = arith.cmpi eq, %iota3A, %eq3A_811 : vector<64x1xi32>
    %broadcast_in_dim3A_813 = vector.broadcast %reduce_sum3A_809 : f32 to vector<64x1xf32>
    %select_n3A_814 = arith.select %eq3A_812, %broadcast_in_dim3A_813, %select_n3A_790 : vector<64x1xi1>, vector<64x1xf32>
    %mul3A_815 = arith.constant 0.899999976 : f32
    %mul3A_816 = vector.broadcast %mul3A_815 : f32 to vector<1x768xf32>
    %mul3A_817 = arith.mulf %mul3A_816, %add3A_797 : vector<1x768xf32>
    %mul3A_818 = arith.constant 1.000000e-01 : f32
    %mul3A_819 = vector.broadcast %mul3A_818 : f32 to vector<1x768xf32>
    %mul3A_820 = arith.mulf %mul3A_819, %get3A_802 : vector<1x768xf32>
    %add3A_821 = arith.addf %mul3A_817, %mul3A_820 : vector<1x768xf32>
    %get3A_822 = arith.constant 0 : index
    %get3A_823 = arith.constant 34 : index
    %get3A_824 = arith.constant 0 : index
    %get3A_825 = vector.load %arg1[%get3A_822, %get3A_823, %get3A_824] : memref<1x64x768xf32, #tpu.memory_space<vmem>>, vector<1x1x768xf32>
    %get3A_826 = vector.shape_cast %get3A_825 : vector<1x1x768xf32> to vector<1x768xf32>
    %sub3A_827 = arith.subf %get3A_826, %add3A_821 : vector<1x768xf32>
    %mul3A_828 = arith.mulf %sub3A_827, %sub3A_827 : vector<1x768xf32>
    %reduce_sum3A_829 = vector.shape_cast %mul3A_828 : vector<1x768xf32> to vector<1x1x768xf32>
    %reduce_sum3A_830 = arith.constant dense<0.000000e+00> : vector<1xf32>
    %reduce_sum3A_831 = vector.multi_reduction <add>, %reduce_sum3A_829, %reduce_sum3A_830 [1, 2] : vector<1x1x768xf32> to vector<1xf32>
    %reduce_sum3A_832 = vector.shape_cast %reduce_sum3A_831 : vector<1xf32> to vector<1x1x1xf32>
    %reduce_sum3A_833 = vector.extract %reduce_sum3A_832[0, 0, 0] : f32 from vector<1x1x1xf32>
    %eq3A_834 = arith.constant 34 : i32
    %eq3A_835 = vector.broadcast %eq3A_834 : i32 to vector<64x1xi32>
    %eq3A_836 = arith.cmpi eq, %iota3A, %eq3A_835 : vector<64x1xi32>
    %broadcast_in_dim3A_837 = vector.broadcast %reduce_sum3A_833 : f32 to vector<64x1xf32>
    %select_n3A_838 = arith.select %eq3A_836, %broadcast_in_dim3A_837, %select_n3A_814 : vector<64x1xi1>, vector<64x1xf32>
    %mul3A_839 = arith.constant 0.899999976 : f32
    %mul3A_840 = vector.broadcast %mul3A_839 : f32 to vector<1x768xf32>
    %mul3A_841 = arith.mulf %mul3A_840, %add3A_821 : vector<1x768xf32>
    %mul3A_842 = arith.constant 1.000000e-01 : f32
    %mul3A_843 = vector.broadcast %mul3A_842 : f32 to vector<1x768xf32>
    %mul3A_844 = arith.mulf %mul3A_843, %get3A_826 : vector<1x768xf32>
    %add3A_845 = arith.addf %mul3A_841, %mul3A_844 : vector<1x768xf32>
    %get3A_846 = arith.constant 0 : index
    %get3A_847 = arith.constant 35 : index
    %get3A_848 = arith.constant 0 : index
    %get3A_849 = vector.load %arg1[%get3A_846, %get3A_847, %get3A_848] : memref<1x64x768xf32, #tpu.memory_space<vmem>>, vector<1x1x768xf32>
    %get3A_850 = vector.shape_cast %get3A_849 : vector<1x1x768xf32> to vector<1x768xf32>
    %sub3A_851 = arith.subf %get3A_850, %add3A_845 : vector<1x768xf32>
    %mul3A_852 = arith.mulf %sub3A_851, %sub3A_851 : vector<1x768xf32>
    %reduce_sum3A_853 = vector.shape_cast %mul3A_852 : vector<1x768xf32> to vector<1x1x768xf32>
    %reduce_sum3A_854 = arith.constant dense<0.000000e+00> : vector<1xf32>
    %reduce_sum3A_855 = vector.multi_reduction <add>, %reduce_sum3A_853, %reduce_sum3A_854 [1, 2] : vector<1x1x768xf32> to vector<1xf32>
    %reduce_sum3A_856 = vector.shape_cast %reduce_sum3A_855 : vector<1xf32> to vector<1x1x1xf32>
    %reduce_sum3A_857 = vector.extract %reduce_sum3A_856[0, 0, 0] : f32 from vector<1x1x1xf32>
    %eq3A_858 = arith.constant 35 : i32
    %eq3A_859 = vector.broadcast %eq3A_858 : i32 to vector<64x1xi32>
    %eq3A_860 = arith.cmpi eq, %iota3A, %eq3A_859 : vector<64x1xi32>
    %broadcast_in_dim3A_861 = vector.broadcast %reduce_sum3A_857 : f32 to vector<64x1xf32>
    %select_n3A_862 = arith.select %eq3A_860, %broadcast_in_dim3A_861, %select_n3A_838 : vector<64x1xi1>, vector<64x1xf32>
    %mul3A_863 = arith.constant 0.899999976 : f32
    %mul3A_864 = vector.broadcast %mul3A_863 : f32 to vector<1x768xf32>
    %mul3A_865 = arith.mulf %mul3A_864, %add3A_845 : vector<1x768xf32>
    %mul3A_866 = arith.constant 1.000000e-01 : f32
    %mul3A_867 = vector.broadcast %mul3A_866 : f32 to vector<1x768xf32>
    %mul3A_868 = arith.mulf %mul3A_867, %get3A_850 : vector<1x768xf32>
    %add3A_869 = arith.addf %mul3A_865, %mul3A_868 : vector<1x768xf32>
    %get3A_870 = arith.constant 0 : index
    %get3A_871 = arith.constant 36 : index
    %get3A_872 = arith.constant 0 : index
    %get3A_873 = vector.load %arg1[%get3A_870, %get3A_871, %get3A_872] : memref<1x64x768xf32, #tpu.memory_space<vmem>>, vector<1x1x768xf32>
    %get3A_874 = vector.shape_cast %get3A_873 : vector<1x1x768xf32> to vector<1x768xf32>
    %sub3A_875 = arith.subf %get3A_874, %add3A_869 : vector<1x768xf32>
    %mul3A_876 = arith.mulf %sub3A_875, %sub3A_875 : vector<1x768xf32>
    %reduce_sum3A_877 = vector.shape_cast %mul3A_876 : vector<1x768xf32> to vector<1x1x768xf32>
    %reduce_sum3A_878 = arith.constant dense<0.000000e+00> : vector<1xf32>
    %reduce_sum3A_879 = vector.multi_reduction <add>, %reduce_sum3A_877, %reduce_sum3A_878 [1, 2] : vector<1x1x768xf32> to vector<1xf32>
    %reduce_sum3A_880 = vector.shape_cast %reduce_sum3A_879 : vector<1xf32> to vector<1x1x1xf32>
    %reduce_sum3A_881 = vector.extract %reduce_sum3A_880[0, 0, 0] : f32 from vector<1x1x1xf32>
    %eq3A_882 = arith.constant 36 : i32
    %eq3A_883 = vector.broadcast %eq3A_882 : i32 to vector<64x1xi32>
    %eq3A_884 = arith.cmpi eq, %iota3A, %eq3A_883 : vector<64x1xi32>
    %broadcast_in_dim3A_885 = vector.broadcast %reduce_sum3A_881 : f32 to vector<64x1xf32>
    %select_n3A_886 = arith.select %eq3A_884, %broadcast_in_dim3A_885, %select_n3A_862 : vector<64x1xi1>, vector<64x1xf32>
    %mul3A_887 = arith.constant 0.899999976 : f32
    %mul3A_888 = vector.broadcast %mul3A_887 : f32 to vector<1x768xf32>
    %mul3A_889 = arith.mulf %mul3A_888, %add3A_869 : vector<1x768xf32>
    %mul3A_890 = arith.constant 1.000000e-01 : f32
    %mul3A_891 = vector.broadcast %mul3A_890 : f32 to vector<1x768xf32>
    %mul3A_892 = arith.mulf %mul3A_891, %get3A_874 : vector<1x768xf32>
    %add3A_893 = arith.addf %mul3A_889, %mul3A_892 : vector<1x768xf32>
    %get3A_894 = arith.constant 0 : index
    %get3A_895 = arith.constant 37 : index
    %get3A_896 = arith.constant 0 : index
    %get3A_897 = vector.load %arg1[%get3A_894, %get3A_895, %get3A_896] : memref<1x64x768xf32, #tpu.memory_space<vmem>>, vector<1x1x768xf32>
    %get3A_898 = vector.shape_cast %get3A_897 : vector<1x1x768xf32> to vector<1x768xf32>
    %sub3A_899 = arith.subf %get3A_898, %add3A_893 : vector<1x768xf32>
    %mul3A_900 = arith.mulf %sub3A_899, %sub3A_899 : vector<1x768xf32>
    %reduce_sum3A_901 = vector.shape_cast %mul3A_900 : vector<1x768xf32> to vector<1x1x768xf32>
    %reduce_sum3A_902 = arith.constant dense<0.000000e+00> : vector<1xf32>
    %reduce_sum3A_903 = vector.multi_reduction <add>, %reduce_sum3A_901, %reduce_sum3A_902 [1, 2] : vector<1x1x768xf32> to vector<1xf32>
    %reduce_sum3A_904 = vector.shape_cast %reduce_sum3A_903 : vector<1xf32> to vector<1x1x1xf32>
    %reduce_sum3A_905 = vector.extract %reduce_sum3A_904[0, 0, 0] : f32 from vector<1x1x1xf32>
    %eq3A_906 = arith.constant 37 : i32
    %eq3A_907 = vector.broadcast %eq3A_906 : i32 to vector<64x1xi32>
    %eq3A_908 = arith.cmpi eq, %iota3A, %eq3A_907 : vector<64x1xi32>
    %broadcast_in_dim3A_909 = vector.broadcast %reduce_sum3A_905 : f32 to vector<64x1xf32>
    %select_n3A_910 = arith.select %eq3A_908, %broadcast_in_dim3A_909, %select_n3A_886 : vector<64x1xi1>, vector<64x1xf32>
    %mul3A_911 = arith.constant 0.899999976 : f32
    %mul3A_912 = vector.broadcast %mul3A_911 : f32 to vector<1x768xf32>
    %mul3A_913 = arith.mulf %mul3A_912, %add3A_893 : vector<1x768xf32>
    %mul3A_914 = arith.constant 1.000000e-01 : f32
    %mul3A_915 = vector.broadcast %mul3A_914 : f32 to vector<1x768xf32>
    %mul3A_916 = arith.mulf %mul3A_915, %get3A_898 : vector<1x768xf32>
    %add3A_917 = arith.addf %mul3A_913, %mul3A_916 : vector<1x768xf32>
    %get3A_918 = arith.constant 0 : index
    %get3A_919 = arith.constant 38 : index
    %get3A_920 = arith.constant 0 : index
    %get3A_921 = vector.load %arg1[%get3A_918, %get3A_919, %get3A_920] : memref<1x64x768xf32, #tpu.memory_space<vmem>>, vector<1x1x768xf32>
    %get3A_922 = vector.shape_cast %get3A_921 : vector<1x1x768xf32> to vector<1x768xf32>
    %sub3A_923 = arith.subf %get3A_922, %add3A_917 : vector<1x768xf32>
    %mul3A_924 = arith.mulf %sub3A_923, %sub3A_923 : vector<1x768xf32>
    %reduce_sum3A_925 = vector.shape_cast %mul3A_924 : vector<1x768xf32> to vector<1x1x768xf32>
    %reduce_sum3A_926 = arith.constant dense<0.000000e+00> : vector<1xf32>
    %reduce_sum3A_927 = vector.multi_reduction <add>, %reduce_sum3A_925, %reduce_sum3A_926 [1, 2] : vector<1x1x768xf32> to vector<1xf32>
    %reduce_sum3A_928 = vector.shape_cast %reduce_sum3A_927 : vector<1xf32> to vector<1x1x1xf32>
    %reduce_sum3A_929 = vector.extract %reduce_sum3A_928[0, 0, 0] : f32 from vector<1x1x1xf32>
    %eq3A_930 = arith.constant 38 : i32
    %eq3A_931 = vector.broadcast %eq3A_930 : i32 to vector<64x1xi32>
    %eq3A_932 = arith.cmpi eq, %iota3A, %eq3A_931 : vector<64x1xi32>
    %broadcast_in_dim3A_933 = vector.broadcast %reduce_sum3A_929 : f32 to vector<64x1xf32>
    %select_n3A_934 = arith.select %eq3A_932, %broadcast_in_dim3A_933, %select_n3A_910 : vector<64x1xi1>, vector<64x1xf32>
    %mul3A_935 = arith.constant 0.899999976 : f32
    %mul3A_936 = vector.broadcast %mul3A_935 : f32 to vector<1x768xf32>
    %mul3A_937 = arith.mulf %mul3A_936, %add3A_917 : vector<1x768xf32>
    %mul3A_938 = arith.constant 1.000000e-01 : f32
    %mul3A_939 = vector.broadcast %mul3A_938 : f32 to vector<1x768xf32>
    %mul3A_940 = arith.mulf %mul3A_939, %get3A_922 : vector<1x768xf32>
    %add3A_941 = arith.addf %mul3A_937, %mul3A_940 : vector<1x768xf32>
    %get3A_942 = arith.constant 0 : index
    %get3A_943 = arith.constant 39 : index
    %get3A_944 = arith.constant 0 : index
    %get3A_945 = vector.load %arg1[%get3A_942, %get3A_943, %get3A_944] : memref<1x64x768xf32, #tpu.memory_space<vmem>>, vector<1x1x768xf32>
    %get3A_946 = vector.shape_cast %get3A_945 : vector<1x1x768xf32> to vector<1x768xf32>
    %sub3A_947 = arith.subf %get3A_946, %add3A_941 : vector<1x768xf32>
    %mul3A_948 = arith.mulf %sub3A_947, %sub3A_947 : vector<1x768xf32>
    %reduce_sum3A_949 = vector.shape_cast %mul3A_948 : vector<1x768xf32> to vector<1x1x768xf32>
    %reduce_sum3A_950 = arith.constant dense<0.000000e+00> : vector<1xf32>
    %reduce_sum3A_951 = vector.multi_reduction <add>, %reduce_sum3A_949, %reduce_sum3A_950 [1, 2] : vector<1x1x768xf32> to vector<1xf32>
    %reduce_sum3A_952 = vector.shape_cast %reduce_sum3A_951 : vector<1xf32> to vector<1x1x1xf32>
    %reduce_sum3A_953 = vector.extract %reduce_sum3A_952[0, 0, 0] : f32 from vector<1x1x1xf32>
    %eq3A_954 = arith.constant 39 : i32
    %eq3A_955 = vector.broadcast %eq3A_954 : i32 to vector<64x1xi32>
    %eq3A_956 = arith.cmpi eq, %iota3A, %eq3A_955 : vector<64x1xi32>
    %broadcast_in_dim3A_957 = vector.broadcast %reduce_sum3A_953 : f32 to vector<64x1xf32>
    %select_n3A_958 = arith.select %eq3A_956, %broadcast_in_dim3A_957, %select_n3A_934 : vector<64x1xi1>, vector<64x1xf32>
    %mul3A_959 = arith.constant 0.899999976 : f32
    %mul3A_960 = vector.broadcast %mul3A_959 : f32 to vector<1x768xf32>
    %mul3A_961 = arith.mulf %mul3A_960, %add3A_941 : vector<1x768xf32>
    %mul3A_962 = arith.constant 1.000000e-01 : f32
    %mul3A_963 = vector.broadcast %mul3A_962 : f32 to vector<1x768xf32>
    %mul3A_964 = arith.mulf %mul3A_963, %get3A_946 : vector<1x768xf32>
    %add3A_965 = arith.addf %mul3A_961, %mul3A_964 : vector<1x768xf32>
    %get3A_966 = arith.constant 0 : index
    %get3A_967 = arith.constant 40 : index
    %get3A_968 = arith.constant 0 : index
    %get3A_969 = vector.load %arg1[%get3A_966, %get3A_967, %get3A_968] : memref<1x64x768xf32, #tpu.memory_space<vmem>>, vector<1x1x768xf32>
    %get3A_970 = vector.shape_cast %get3A_969 : vector<1x1x768xf32> to vector<1x768xf32>
    %sub3A_971 = arith.subf %get3A_970, %add3A_965 : vector<1x768xf32>
    %mul3A_972 = arith.mulf %sub3A_971, %sub3A_971 : vector<1x768xf32>
    %reduce_sum3A_973 = vector.shape_cast %mul3A_972 : vector<1x768xf32> to vector<1x1x768xf32>
    %reduce_sum3A_974 = arith.constant dense<0.000000e+00> : vector<1xf32>
    %reduce_sum3A_975 = vector.multi_reduction <add>, %reduce_sum3A_973, %reduce_sum3A_974 [1, 2] : vector<1x1x768xf32> to vector<1xf32>
    %reduce_sum3A_976 = vector.shape_cast %reduce_sum3A_975 : vector<1xf32> to vector<1x1x1xf32>
    %reduce_sum3A_977 = vector.extract %reduce_sum3A_976[0, 0, 0] : f32 from vector<1x1x1xf32>
    %eq3A_978 = arith.constant 40 : i32
    %eq3A_979 = vector.broadcast %eq3A_978 : i32 to vector<64x1xi32>
    %eq3A_980 = arith.cmpi eq, %iota3A, %eq3A_979 : vector<64x1xi32>
    %broadcast_in_dim3A_981 = vector.broadcast %reduce_sum3A_977 : f32 to vector<64x1xf32>
    %select_n3A_982 = arith.select %eq3A_980, %broadcast_in_dim3A_981, %select_n3A_958 : vector<64x1xi1>, vector<64x1xf32>
    %mul3A_983 = arith.constant 0.899999976 : f32
    %mul3A_984 = vector.broadcast %mul3A_983 : f32 to vector<1x768xf32>
    %mul3A_985 = arith.mulf %mul3A_984, %add3A_965 : vector<1x768xf32>
    %mul3A_986 = arith.constant 1.000000e-01 : f32
    %mul3A_987 = vector.broadcast %mul3A_986 : f32 to vector<1x768xf32>
    %mul3A_988 = arith.mulf %mul3A_987, %get3A_970 : vector<1x768xf32>
    %add3A_989 = arith.addf %mul3A_985, %mul3A_988 : vector<1x768xf32>
    %get3A_990 = arith.constant 0 : index
    %get3A_991 = arith.constant 41 : index
    %get3A_992 = arith.constant 0 : index
    %get3A_993 = vector.load %arg1[%get3A_990, %get3A_991, %get3A_992] : memref<1x64x768xf32, #tpu.memory_space<vmem>>, vector<1x1x768xf32>
    %get3A_994 = vector.shape_cast %get3A_993 : vector<1x1x768xf32> to vector<1x768xf32>
    %sub3A_995 = arith.subf %get3A_994, %add3A_989 : vector<1x768xf32>
    %mul3A_996 = arith.mulf %sub3A_995, %sub3A_995 : vector<1x768xf32>
    %reduce_sum3A_997 = vector.shape_cast %mul3A_996 : vector<1x768xf32> to vector<1x1x768xf32>
    %reduce_sum3A_998 = arith.constant dense<0.000000e+00> : vector<1xf32>
    %reduce_sum3A_999 = vector.multi_reduction <add>, %reduce_sum3A_997, %reduce_sum3A_998 [1, 2] : vector<1x1x768xf32> to vector<1xf32>
    %reduce_sum3A_1000 = vector.shape_cast %reduce_sum3A_999 : vector<1xf32> to vector<1x1x1xf32>
    %reduce_sum3A_1001 = vector.extract %reduce_sum3A_1000[0, 0, 0] : f32 from vector<1x1x1xf32>
    %eq3A_1002 = arith.constant 41 : i32
    %eq3A_1003 = vector.broadcast %eq3A_1002 : i32 to vector<64x1xi32>
    %eq3A_1004 = arith.cmpi eq, %iota3A, %eq3A_1003 : vector<64x1xi32>
    %broadcast_in_dim3A_1005 = vector.broadcast %reduce_sum3A_1001 : f32 to vector<64x1xf32>
    %select_n3A_1006 = arith.select %eq3A_1004, %broadcast_in_dim3A_1005, %select_n3A_982 : vector<64x1xi1>, vector<64x1xf32>
    %mul3A_1007 = arith.constant 0.899999976 : f32
    %mul3A_1008 = vector.broadcast %mul3A_1007 : f32 to vector<1x768xf32>
    %mul3A_1009 = arith.mulf %mul3A_1008, %add3A_989 : vector<1x768xf32>
    %mul3A_1010 = arith.constant 1.000000e-01 : f32
    %mul3A_1011 = vector.broadcast %mul3A_1010 : f32 to vector<1x768xf32>
    %mul3A_1012 = arith.mulf %mul3A_1011, %get3A_994 : vector<1x768xf32>
    %add3A_1013 = arith.addf %mul3A_1009, %mul3A_1012 : vector<1x768xf32>
    %get3A_1014 = arith.constant 0 : index
    %get3A_1015 = arith.constant 42 : index
    %get3A_1016 = arith.constant 0 : index
    %get3A_1017 = vector.load %arg1[%get3A_1014, %get3A_1015, %get3A_1016] : memref<1x64x768xf32, #tpu.memory_space<vmem>>, vector<1x1x768xf32>
    %get3A_1018 = vector.shape_cast %get3A_1017 : vector<1x1x768xf32> to vector<1x768xf32>
    %sub3A_1019 = arith.subf %get3A_1018, %add3A_1013 : vector<1x768xf32>
    %mul3A_1020 = arith.mulf %sub3A_1019, %sub3A_1019 : vector<1x768xf32>
    %reduce_sum3A_1021 = vector.shape_cast %mul3A_1020 : vector<1x768xf32> to vector<1x1x768xf32>
    %reduce_sum3A_1022 = arith.constant dense<0.000000e+00> : vector<1xf32>
    %reduce_sum3A_1023 = vector.multi_reduction <add>, %reduce_sum3A_1021, %reduce_sum3A_1022 [1, 2] : vector<1x1x768xf32> to vector<1xf32>
    %reduce_sum3A_1024 = vector.shape_cast %reduce_sum3A_1023 : vector<1xf32> to vector<1x1x1xf32>
    %reduce_sum3A_1025 = vector.extract %reduce_sum3A_1024[0, 0, 0] : f32 from vector<1x1x1xf32>
    %eq3A_1026 = arith.constant 42 : i32
    %eq3A_1027 = vector.broadcast %eq3A_1026 : i32 to vector<64x1xi32>
    %eq3A_1028 = arith.cmpi eq, %iota3A, %eq3A_1027 : vector<64x1xi32>
    %broadcast_in_dim3A_1029 = vector.broadcast %reduce_sum3A_1025 : f32 to vector<64x1xf32>
    %select_n3A_1030 = arith.select %eq3A_1028, %broadcast_in_dim3A_1029, %select_n3A_1006 : vector<64x1xi1>, vector<64x1xf32>
    %mul3A_1031 = arith.constant 0.899999976 : f32
    %mul3A_1032 = vector.broadcast %mul3A_1031 : f32 to vector<1x768xf32>
    %mul3A_1033 = arith.mulf %mul3A_1032, %add3A_1013 : vector<1x768xf32>
    %mul3A_1034 = arith.constant 1.000000e-01 : f32
    %mul3A_1035 = vector.broadcast %mul3A_1034 : f32 to vector<1x768xf32>
    %mul3A_1036 = arith.mulf %mul3A_1035, %get3A_1018 : vector<1x768xf32>
    %add3A_1037 = arith.addf %mul3A_1033, %mul3A_1036 : vector<1x768xf32>
    %get3A_1038 = arith.constant 0 : index
    %get3A_1039 = arith.constant 43 : index
    %get3A_1040 = arith.constant 0 : index
    %get3A_1041 = vector.load %arg1[%get3A_1038, %get3A_1039, %get3A_1040] : memref<1x64x768xf32, #tpu.memory_space<vmem>>, vector<1x1x768xf32>
    %get3A_1042 = vector.shape_cast %get3A_1041 : vector<1x1x768xf32> to vector<1x768xf32>
    %sub3A_1043 = arith.subf %get3A_1042, %add3A_1037 : vector<1x768xf32>
    %mul3A_1044 = arith.mulf %sub3A_1043, %sub3A_1043 : vector<1x768xf32>
    %reduce_sum3A_1045 = vector.shape_cast %mul3A_1044 : vector<1x768xf32> to vector<1x1x768xf32>
    %reduce_sum3A_1046 = arith.constant dense<0.000000e+00> : vector<1xf32>
    %reduce_sum3A_1047 = vector.multi_reduction <add>, %reduce_sum3A_1045, %reduce_sum3A_1046 [1, 2] : vector<1x1x768xf32> to vector<1xf32>
    %reduce_sum3A_1048 = vector.shape_cast %reduce_sum3A_1047 : vector<1xf32> to vector<1x1x1xf32>
    %reduce_sum3A_1049 = vector.extract %reduce_sum3A_1048[0, 0, 0] : f32 from vector<1x1x1xf32>
    %eq3A_1050 = arith.constant 43 : i32
    %eq3A_1051 = vector.broadcast %eq3A_1050 : i32 to vector<64x1xi32>
    %eq3A_1052 = arith.cmpi eq, %iota3A, %eq3A_1051 : vector<64x1xi32>
    %broadcast_in_dim3A_1053 = vector.broadcast %reduce_sum3A_1049 : f32 to vector<64x1xf32>
    %select_n3A_1054 = arith.select %eq3A_1052, %broadcast_in_dim3A_1053, %select_n3A_1030 : vector<64x1xi1>, vector<64x1xf32>
    %mul3A_1055 = arith.constant 0.899999976 : f32
    %mul3A_1056 = vector.broadcast %mul3A_1055 : f32 to vector<1x768xf32>
    %mul3A_1057 = arith.mulf %mul3A_1056, %add3A_1037 : vector<1x768xf32>
    %mul3A_1058 = arith.constant 1.000000e-01 : f32
    %mul3A_1059 = vector.broadcast %mul3A_1058 : f32 to vector<1x768xf32>
    %mul3A_1060 = arith.mulf %mul3A_1059, %get3A_1042 : vector<1x768xf32>
    %add3A_1061 = arith.addf %mul3A_1057, %mul3A_1060 : vector<1x768xf32>
    %get3A_1062 = arith.constant 0 : index
    %get3A_1063 = arith.constant 44 : index
    %get3A_1064 = arith.constant 0 : index
    %get3A_1065 = vector.load %arg1[%get3A_1062, %get3A_1063, %get3A_1064] : memref<1x64x768xf32, #tpu.memory_space<vmem>>, vector<1x1x768xf32>
    %get3A_1066 = vector.shape_cast %get3A_1065 : vector<1x1x768xf32> to vector<1x768xf32>
    %sub3A_1067 = arith.subf %get3A_1066, %add3A_1061 : vector<1x768xf32>
    %mul3A_1068 = arith.mulf %sub3A_1067, %sub3A_1067 : vector<1x768xf32>
    %reduce_sum3A_1069 = vector.shape_cast %mul3A_1068 : vector<1x768xf32> to vector<1x1x768xf32>
    %reduce_sum3A_1070 = arith.constant dense<0.000000e+00> : vector<1xf32>
    %reduce_sum3A_1071 = vector.multi_reduction <add>, %reduce_sum3A_1069, %reduce_sum3A_1070 [1, 2] : vector<1x1x768xf32> to vector<1xf32>
    %reduce_sum3A_1072 = vector.shape_cast %reduce_sum3A_1071 : vector<1xf32> to vector<1x1x1xf32>
    %reduce_sum3A_1073 = vector.extract %reduce_sum3A_1072[0, 0, 0] : f32 from vector<1x1x1xf32>
    %eq3A_1074 = arith.constant 44 : i32
    %eq3A_1075 = vector.broadcast %eq3A_1074 : i32 to vector<64x1xi32>
    %eq3A_1076 = arith.cmpi eq, %iota3A, %eq3A_1075 : vector<64x1xi32>
    %broadcast_in_dim3A_1077 = vector.broadcast %reduce_sum3A_1073 : f32 to vector<64x1xf32>
    %select_n3A_1078 = arith.select %eq3A_1076, %broadcast_in_dim3A_1077, %select_n3A_1054 : vector<64x1xi1>, vector<64x1xf32>
    %mul3A_1079 = arith.constant 0.899999976 : f32
    %mul3A_1080 = vector.broadcast %mul3A_1079 : f32 to vector<1x768xf32>
    %mul3A_1081 = arith.mulf %mul3A_1080, %add3A_1061 : vector<1x768xf32>
    %mul3A_1082 = arith.constant 1.000000e-01 : f32
    %mul3A_1083 = vector.broadcast %mul3A_1082 : f32 to vector<1x768xf32>
    %mul3A_1084 = arith.mulf %mul3A_1083, %get3A_1066 : vector<1x768xf32>
    %add3A_1085 = arith.addf %mul3A_1081, %mul3A_1084 : vector<1x768xf32>
    %get3A_1086 = arith.constant 0 : index
    %get3A_1087 = arith.constant 45 : index
    %get3A_1088 = arith.constant 0 : index
    %get3A_1089 = vector.load %arg1[%get3A_1086, %get3A_1087, %get3A_1088] : memref<1x64x768xf32, #tpu.memory_space<vmem>>, vector<1x1x768xf32>
    %get3A_1090 = vector.shape_cast %get3A_1089 : vector<1x1x768xf32> to vector<1x768xf32>
    %sub3A_1091 = arith.subf %get3A_1090, %add3A_1085 : vector<1x768xf32>
    %mul3A_1092 = arith.mulf %sub3A_1091, %sub3A_1091 : vector<1x768xf32>
    %reduce_sum3A_1093 = vector.shape_cast %mul3A_1092 : vector<1x768xf32> to vector<1x1x768xf32>
    %reduce_sum3A_1094 = arith.constant dense<0.000000e+00> : vector<1xf32>
    %reduce_sum3A_1095 = vector.multi_reduction <add>, %reduce_sum3A_1093, %reduce_sum3A_1094 [1, 2] : vector<1x1x768xf32> to vector<1xf32>
    %reduce_sum3A_1096 = vector.shape_cast %reduce_sum3A_1095 : vector<1xf32> to vector<1x1x1xf32>
    %reduce_sum3A_1097 = vector.extract %reduce_sum3A_1096[0, 0, 0] : f32 from vector<1x1x1xf32>
    %eq3A_1098 = arith.constant 45 : i32
    %eq3A_1099 = vector.broadcast %eq3A_1098 : i32 to vector<64x1xi32>
    %eq3A_1100 = arith.cmpi eq, %iota3A, %eq3A_1099 : vector<64x1xi32>
    %broadcast_in_dim3A_1101 = vector.broadcast %reduce_sum3A_1097 : f32 to vector<64x1xf32>
    %select_n3A_1102 = arith.select %eq3A_1100, %broadcast_in_dim3A_1101, %select_n3A_1078 : vector<64x1xi1>, vector<64x1xf32>
    %mul3A_1103 = arith.constant 0.899999976 : f32
    %mul3A_1104 = vector.broadcast %mul3A_1103 : f32 to vector<1x768xf32>
    %mul3A_1105 = arith.mulf %mul3A_1104, %add3A_1085 : vector<1x768xf32>
    %mul3A_1106 = arith.constant 1.000000e-01 : f32
    %mul3A_1107 = vector.broadcast %mul3A_1106 : f32 to vector<1x768xf32>
    %mul3A_1108 = arith.mulf %mul3A_1107, %get3A_1090 : vector<1x768xf32>
    %add3A_1109 = arith.addf %mul3A_1105, %mul3A_1108 : vector<1x768xf32>
    %get3A_1110 = arith.constant 0 : index
    %get3A_1111 = arith.constant 46 : index
    %get3A_1112 = arith.constant 0 : index
    %get3A_1113 = vector.load %arg1[%get3A_1110, %get3A_1111, %get3A_1112] : memref<1x64x768xf32, #tpu.memory_space<vmem>>, vector<1x1x768xf32>
    %get3A_1114 = vector.shape_cast %get3A_1113 : vector<1x1x768xf32> to vector<1x768xf32>
    %sub3A_1115 = arith.subf %get3A_1114, %add3A_1109 : vector<1x768xf32>
    %mul3A_1116 = arith.mulf %sub3A_1115, %sub3A_1115 : vector<1x768xf32>
    %reduce_sum3A_1117 = vector.shape_cast %mul3A_1116 : vector<1x768xf32> to vector<1x1x768xf32>
    %reduce_sum3A_1118 = arith.constant dense<0.000000e+00> : vector<1xf32>
    %reduce_sum3A_1119 = vector.multi_reduction <add>, %reduce_sum3A_1117, %reduce_sum3A_1118 [1, 2] : vector<1x1x768xf32> to vector<1xf32>
    %reduce_sum3A_1120 = vector.shape_cast %reduce_sum3A_1119 : vector<1xf32> to vector<1x1x1xf32>
    %reduce_sum3A_1121 = vector.extract %reduce_sum3A_1120[0, 0, 0] : f32 from vector<1x1x1xf32>
    %eq3A_1122 = arith.constant 46 : i32
    %eq3A_1123 = vector.broadcast %eq3A_1122 : i32 to vector<64x1xi32>
    %eq3A_1124 = arith.cmpi eq, %iota3A, %eq3A_1123 : vector<64x1xi32>
    %broadcast_in_dim3A_1125 = vector.broadcast %reduce_sum3A_1121 : f32 to vector<64x1xf32>
    %select_n3A_1126 = arith.select %eq3A_1124, %broadcast_in_dim3A_1125, %select_n3A_1102 : vector<64x1xi1>, vector<64x1xf32>
    %mul3A_1127 = arith.constant 0.899999976 : f32
    %mul3A_1128 = vector.broadcast %mul3A_1127 : f32 to vector<1x768xf32>
    %mul3A_1129 = arith.mulf %mul3A_1128, %add3A_1109 : vector<1x768xf32>
    %mul3A_1130 = arith.constant 1.000000e-01 : f32
    %mul3A_1131 = vector.broadcast %mul3A_1130 : f32 to vector<1x768xf32>
    %mul3A_1132 = arith.mulf %mul3A_1131, %get3A_1114 : vector<1x768xf32>
    %add3A_1133 = arith.addf %mul3A_1129, %mul3A_1132 : vector<1x768xf32>
    %get3A_1134 = arith.constant 0 : index
    %get3A_1135 = arith.constant 47 : index
    %get3A_1136 = arith.constant 0 : index
    %get3A_1137 = vector.load %arg1[%get3A_1134, %get3A_1135, %get3A_1136] : memref<1x64x768xf32, #tpu.memory_space<vmem>>, vector<1x1x768xf32>
    %get3A_1138 = vector.shape_cast %get3A_1137 : vector<1x1x768xf32> to vector<1x768xf32>
    %sub3A_1139 = arith.subf %get3A_1138, %add3A_1133 : vector<1x768xf32>
    %mul3A_1140 = arith.mulf %sub3A_1139, %sub3A_1139 : vector<1x768xf32>
    %reduce_sum3A_1141 = vector.shape_cast %mul3A_1140 : vector<1x768xf32> to vector<1x1x768xf32>
    %reduce_sum3A_1142 = arith.constant dense<0.000000e+00> : vector<1xf32>
    %reduce_sum3A_1143 = vector.multi_reduction <add>, %reduce_sum3A_1141, %reduce_sum3A_1142 [1, 2] : vector<1x1x768xf32> to vector<1xf32>
    %reduce_sum3A_1144 = vector.shape_cast %reduce_sum3A_1143 : vector<1xf32> to vector<1x1x1xf32>
    %reduce_sum3A_1145 = vector.extract %reduce_sum3A_1144[0, 0, 0] : f32 from vector<1x1x1xf32>
    %eq3A_1146 = arith.constant 47 : i32
    %eq3A_1147 = vector.broadcast %eq3A_1146 : i32 to vector<64x1xi32>
    %eq3A_1148 = arith.cmpi eq, %iota3A, %eq3A_1147 : vector<64x1xi32>
    %broadcast_in_dim3A_1149 = vector.broadcast %reduce_sum3A_1145 : f32 to vector<64x1xf32>
    %select_n3A_1150 = arith.select %eq3A_1148, %broadcast_in_dim3A_1149, %select_n3A_1126 : vector<64x1xi1>, vector<64x1xf32>
    %mul3A_1151 = arith.constant 0.899999976 : f32
    %mul3A_1152 = vector.broadcast %mul3A_1151 : f32 to vector<1x768xf32>
    %mul3A_1153 = arith.mulf %mul3A_1152, %add3A_1133 : vector<1x768xf32>
    %mul3A_1154 = arith.constant 1.000000e-01 : f32
    %mul3A_1155 = vector.broadcast %mul3A_1154 : f32 to vector<1x768xf32>
    %mul3A_1156 = arith.mulf %mul3A_1155, %get3A_1138 : vector<1x768xf32>
    %add3A_1157 = arith.addf %mul3A_1153, %mul3A_1156 : vector<1x768xf32>
    %get3A_1158 = arith.constant 0 : index
    %get3A_1159 = arith.constant 48 : index
    %get3A_1160 = arith.constant 0 : index
    %get3A_1161 = vector.load %arg1[%get3A_1158, %get3A_1159, %get3A_1160] : memref<1x64x768xf32, #tpu.memory_space<vmem>>, vector<1x1x768xf32>
    %get3A_1162 = vector.shape_cast %get3A_1161 : vector<1x1x768xf32> to vector<1x768xf32>
    %sub3A_1163 = arith.subf %get3A_1162, %add3A_1157 : vector<1x768xf32>
    %mul3A_1164 = arith.mulf %sub3A_1163, %sub3A_1163 : vector<1x768xf32>
    %reduce_sum3A_1165 = vector.shape_cast %mul3A_1164 : vector<1x768xf32> to vector<1x1x768xf32>
    %reduce_sum3A_1166 = arith.constant dense<0.000000e+00> : vector<1xf32>
    %reduce_sum3A_1167 = vector.multi_reduction <add>, %reduce_sum3A_1165, %reduce_sum3A_1166 [1, 2] : vector<1x1x768xf32> to vector<1xf32>
    %reduce_sum3A_1168 = vector.shape_cast %reduce_sum3A_1167 : vector<1xf32> to vector<1x1x1xf32>
    %reduce_sum3A_1169 = vector.extract %reduce_sum3A_1168[0, 0, 0] : f32 from vector<1x1x1xf32>
    %eq3A_1170 = arith.constant 48 : i32
    %eq3A_1171 = vector.broadcast %eq3A_1170 : i32 to vector<64x1xi32>
    %eq3A_1172 = arith.cmpi eq, %iota3A, %eq3A_1171 : vector<64x1xi32>
    %broadcast_in_dim3A_1173 = vector.broadcast %reduce_sum3A_1169 : f32 to vector<64x1xf32>
    %select_n3A_1174 = arith.select %eq3A_1172, %broadcast_in_dim3A_1173, %select_n3A_1150 : vector<64x1xi1>, vector<64x1xf32>
    %mul3A_1175 = arith.constant 0.899999976 : f32
    %mul3A_1176 = vector.broadcast %mul3A_1175 : f32 to vector<1x768xf32>
    %mul3A_1177 = arith.mulf %mul3A_1176, %add3A_1157 : vector<1x768xf32>
    %mul3A_1178 = arith.constant 1.000000e-01 : f32
    %mul3A_1179 = vector.broadcast %mul3A_1178 : f32 to vector<1x768xf32>
    %mul3A_1180 = arith.mulf %mul3A_1179, %get3A_1162 : vector<1x768xf32>
    %add3A_1181 = arith.addf %mul3A_1177, %mul3A_1180 : vector<1x768xf32>
    %get3A_1182 = arith.constant 0 : index
    %get3A_1183 = arith.constant 49 : index
    %get3A_1184 = arith.constant 0 : index
    %get3A_1185 = vector.load %arg1[%get3A_1182, %get3A_1183, %get3A_1184] : memref<1x64x768xf32, #tpu.memory_space<vmem>>, vector<1x1x768xf32>
    %get3A_1186 = vector.shape_cast %get3A_1185 : vector<1x1x768xf32> to vector<1x768xf32>
    %sub3A_1187 = arith.subf %get3A_1186, %add3A_1181 : vector<1x768xf32>
    %mul3A_1188 = arith.mulf %sub3A_1187, %sub3A_1187 : vector<1x768xf32>
    %reduce_sum3A_1189 = vector.shape_cast %mul3A_1188 : vector<1x768xf32> to vector<1x1x768xf32>
    %reduce_sum3A_1190 = arith.constant dense<0.000000e+00> : vector<1xf32>
    %reduce_sum3A_1191 = vector.multi_reduction <add>, %reduce_sum3A_1189, %reduce_sum3A_1190 [1, 2] : vector<1x1x768xf32> to vector<1xf32>
    %reduce_sum3A_1192 = vector.shape_cast %reduce_sum3A_1191 : vector<1xf32> to vector<1x1x1xf32>
    %reduce_sum3A_1193 = vector.extract %reduce_sum3A_1192[0, 0, 0] : f32 from vector<1x1x1xf32>
    %eq3A_1194 = arith.constant 49 : i32
    %eq3A_1195 = vector.broadcast %eq3A_1194 : i32 to vector<64x1xi32>
    %eq3A_1196 = arith.cmpi eq, %iota3A, %eq3A_1195 : vector<64x1xi32>
    %broadcast_in_dim3A_1197 = vector.broadcast %reduce_sum3A_1193 : f32 to vector<64x1xf32>
    %select_n3A_1198 = arith.select %eq3A_1196, %broadcast_in_dim3A_1197, %select_n3A_1174 : vector<64x1xi1>, vector<64x1xf32>
    %mul3A_1199 = arith.constant 0.899999976 : f32
    %mul3A_1200 = vector.broadcast %mul3A_1199 : f32 to vector<1x768xf32>
    %mul3A_1201 = arith.mulf %mul3A_1200, %add3A_1181 : vector<1x768xf32>
    %mul3A_1202 = arith.constant 1.000000e-01 : f32
    %mul3A_1203 = vector.broadcast %mul3A_1202 : f32 to vector<1x768xf32>
    %mul3A_1204 = arith.mulf %mul3A_1203, %get3A_1186 : vector<1x768xf32>
    %add3A_1205 = arith.addf %mul3A_1201, %mul3A_1204 : vector<1x768xf32>
    %get3A_1206 = arith.constant 0 : index
    %get3A_1207 = arith.constant 50 : index
    %get3A_1208 = arith.constant 0 : index
    %get3A_1209 = vector.load %arg1[%get3A_1206, %get3A_1207, %get3A_1208] : memref<1x64x768xf32, #tpu.memory_space<vmem>>, vector<1x1x768xf32>
    %get3A_1210 = vector.shape_cast %get3A_1209 : vector<1x1x768xf32> to vector<1x768xf32>
    %sub3A_1211 = arith.subf %get3A_1210, %add3A_1205 : vector<1x768xf32>
    %mul3A_1212 = arith.mulf %sub3A_1211, %sub3A_1211 : vector<1x768xf32>
    %reduce_sum3A_1213 = vector.shape_cast %mul3A_1212 : vector<1x768xf32> to vector<1x1x768xf32>
    %reduce_sum3A_1214 = arith.constant dense<0.000000e+00> : vector<1xf32>
    %reduce_sum3A_1215 = vector.multi_reduction <add>, %reduce_sum3A_1213, %reduce_sum3A_1214 [1, 2] : vector<1x1x768xf32> to vector<1xf32>
    %reduce_sum3A_1216 = vector.shape_cast %reduce_sum3A_1215 : vector<1xf32> to vector<1x1x1xf32>
    %reduce_sum3A_1217 = vector.extract %reduce_sum3A_1216[0, 0, 0] : f32 from vector<1x1x1xf32>
    %eq3A_1218 = arith.constant 50 : i32
    %eq3A_1219 = vector.broadcast %eq3A_1218 : i32 to vector<64x1xi32>
    %eq3A_1220 = arith.cmpi eq, %iota3A, %eq3A_1219 : vector<64x1xi32>
    %broadcast_in_dim3A_1221 = vector.broadcast %reduce_sum3A_1217 : f32 to vector<64x1xf32>
    %select_n3A_1222 = arith.select %eq3A_1220, %broadcast_in_dim3A_1221, %select_n3A_1198 : vector<64x1xi1>, vector<64x1xf32>
    %mul3A_1223 = arith.constant 0.899999976 : f32
    %mul3A_1224 = vector.broadcast %mul3A_1223 : f32 to vector<1x768xf32>
    %mul3A_1225 = arith.mulf %mul3A_1224, %add3A_1205 : vector<1x768xf32>
    %mul3A_1226 = arith.constant 1.000000e-01 : f32
    %mul3A_1227 = vector.broadcast %mul3A_1226 : f32 to vector<1x768xf32>
    %mul3A_1228 = arith.mulf %mul3A_1227, %get3A_1210 : vector<1x768xf32>
    %add3A_1229 = arith.addf %mul3A_1225, %mul3A_1228 : vector<1x768xf32>
    %get3A_1230 = arith.constant 0 : index
    %get3A_1231 = arith.constant 51 : index
    %get3A_1232 = arith.constant 0 : index
    %get3A_1233 = vector.load %arg1[%get3A_1230, %get3A_1231, %get3A_1232] : memref<1x64x768xf32, #tpu.memory_space<vmem>>, vector<1x1x768xf32>
    %get3A_1234 = vector.shape_cast %get3A_1233 : vector<1x1x768xf32> to vector<1x768xf32>
    %sub3A_1235 = arith.subf %get3A_1234, %add3A_1229 : vector<1x768xf32>
    %mul3A_1236 = arith.mulf %sub3A_1235, %sub3A_1235 : vector<1x768xf32>
    %reduce_sum3A_1237 = vector.shape_cast %mul3A_1236 : vector<1x768xf32> to vector<1x1x768xf32>
    %reduce_sum3A_1238 = arith.constant dense<0.000000e+00> : vector<1xf32>
    %reduce_sum3A_1239 = vector.multi_reduction <add>, %reduce_sum3A_1237, %reduce_sum3A_1238 [1, 2] : vector<1x1x768xf32> to vector<1xf32>
    %reduce_sum3A_1240 = vector.shape_cast %reduce_sum3A_1239 : vector<1xf32> to vector<1x1x1xf32>
    %reduce_sum3A_1241 = vector.extract %reduce_sum3A_1240[0, 0, 0] : f32 from vector<1x1x1xf32>
    %eq3A_1242 = arith.constant 51 : i32
    %eq3A_1243 = vector.broadcast %eq3A_1242 : i32 to vector<64x1xi32>
    %eq3A_1244 = arith.cmpi eq, %iota3A, %eq3A_1243 : vector<64x1xi32>
    %broadcast_in_dim3A_1245 = vector.broadcast %reduce_sum3A_1241 : f32 to vector<64x1xf32>
    %select_n3A_1246 = arith.select %eq3A_1244, %broadcast_in_dim3A_1245, %select_n3A_1222 : vector<64x1xi1>, vector<64x1xf32>
    %mul3A_1247 = arith.constant 0.899999976 : f32
    %mul3A_1248 = vector.broadcast %mul3A_1247 : f32 to vector<1x768xf32>
    %mul3A_1249 = arith.mulf %mul3A_1248, %add3A_1229 : vector<1x768xf32>
    %mul3A_1250 = arith.constant 1.000000e-01 : f32
    %mul3A_1251 = vector.broadcast %mul3A_1250 : f32 to vector<1x768xf32>
    %mul3A_1252 = arith.mulf %mul3A_1251, %get3A_1234 : vector<1x768xf32>
    %add3A_1253 = arith.addf %mul3A_1249, %mul3A_1252 : vector<1x768xf32>
    %get3A_1254 = arith.constant 0 : index
    %get3A_1255 = arith.constant 52 : index
    %get3A_1256 = arith.constant 0 : index
    %get3A_1257 = vector.load %arg1[%get3A_1254, %get3A_1255, %get3A_1256] : memref<1x64x768xf32, #tpu.memory_space<vmem>>, vector<1x1x768xf32>
    %get3A_1258 = vector.shape_cast %get3A_1257 : vector<1x1x768xf32> to vector<1x768xf32>
    %sub3A_1259 = arith.subf %get3A_1258, %add3A_1253 : vector<1x768xf32>
    %mul3A_1260 = arith.mulf %sub3A_1259, %sub3A_1259 : vector<1x768xf32>
    %reduce_sum3A_1261 = vector.shape_cast %mul3A_1260 : vector<1x768xf32> to vector<1x1x768xf32>
    %reduce_sum3A_1262 = arith.constant dense<0.000000e+00> : vector<1xf32>
    %reduce_sum3A_1263 = vector.multi_reduction <add>, %reduce_sum3A_1261, %reduce_sum3A_1262 [1, 2] : vector<1x1x768xf32> to vector<1xf32>
    %reduce_sum3A_1264 = vector.shape_cast %reduce_sum3A_1263 : vector<1xf32> to vector<1x1x1xf32>
    %reduce_sum3A_1265 = vector.extract %reduce_sum3A_1264[0, 0, 0] : f32 from vector<1x1x1xf32>
    %eq3A_1266 = arith.constant 52 : i32
    %eq3A_1267 = vector.broadcast %eq3A_1266 : i32 to vector<64x1xi32>
    %eq3A_1268 = arith.cmpi eq, %iota3A, %eq3A_1267 : vector<64x1xi32>
    %broadcast_in_dim3A_1269 = vector.broadcast %reduce_sum3A_1265 : f32 to vector<64x1xf32>
    %select_n3A_1270 = arith.select %eq3A_1268, %broadcast_in_dim3A_1269, %select_n3A_1246 : vector<64x1xi1>, vector<64x1xf32>
    %mul3A_1271 = arith.constant 0.899999976 : f32
    %mul3A_1272 = vector.broadcast %mul3A_1271 : f32 to vector<1x768xf32>
    %mul3A_1273 = arith.mulf %mul3A_1272, %add3A_1253 : vector<1x768xf32>
    %mul3A_1274 = arith.constant 1.000000e-01 : f32
    %mul3A_1275 = vector.broadcast %mul3A_1274 : f32 to vector<1x768xf32>
    %mul3A_1276 = arith.mulf %mul3A_1275, %get3A_1258 : vector<1x768xf32>
    %add3A_1277 = arith.addf %mul3A_1273, %mul3A_1276 : vector<1x768xf32>
    %get3A_1278 = arith.constant 0 : index
    %get3A_1279 = arith.constant 53 : index
    %get3A_1280 = arith.constant 0 : index
    %get3A_1281 = vector.load %arg1[%get3A_1278, %get3A_1279, %get3A_1280] : memref<1x64x768xf32, #tpu.memory_space<vmem>>, vector<1x1x768xf32>
    %get3A_1282 = vector.shape_cast %get3A_1281 : vector<1x1x768xf32> to vector<1x768xf32>
    %sub3A_1283 = arith.subf %get3A_1282, %add3A_1277 : vector<1x768xf32>
    %mul3A_1284 = arith.mulf %sub3A_1283, %sub3A_1283 : vector<1x768xf32>
    %reduce_sum3A_1285 = vector.shape_cast %mul3A_1284 : vector<1x768xf32> to vector<1x1x768xf32>
    %reduce_sum3A_1286 = arith.constant dense<0.000000e+00> : vector<1xf32>
    %reduce_sum3A_1287 = vector.multi_reduction <add>, %reduce_sum3A_1285, %reduce_sum3A_1286 [1, 2] : vector<1x1x768xf32> to vector<1xf32>
    %reduce_sum3A_1288 = vector.shape_cast %reduce_sum3A_1287 : vector<1xf32> to vector<1x1x1xf32>
    %reduce_sum3A_1289 = vector.extract %reduce_sum3A_1288[0, 0, 0] : f32 from vector<1x1x1xf32>
    %eq3A_1290 = arith.constant 53 : i32
    %eq3A_1291 = vector.broadcast %eq3A_1290 : i32 to vector<64x1xi32>
    %eq3A_1292 = arith.cmpi eq, %iota3A, %eq3A_1291 : vector<64x1xi32>
    %broadcast_in_dim3A_1293 = vector.broadcast %reduce_sum3A_1289 : f32 to vector<64x1xf32>
    %select_n3A_1294 = arith.select %eq3A_1292, %broadcast_in_dim3A_1293, %select_n3A_1270 : vector<64x1xi1>, vector<64x1xf32>
    %mul3A_1295 = arith.constant 0.899999976 : f32
    %mul3A_1296 = vector.broadcast %mul3A_1295 : f32 to vector<1x768xf32>
    %mul3A_1297 = arith.mulf %mul3A_1296, %add3A_1277 : vector<1x768xf32>
    %mul3A_1298 = arith.constant 1.000000e-01 : f32
    %mul3A_1299 = vector.broadcast %mul3A_1298 : f32 to vector<1x768xf32>
    %mul3A_1300 = arith.mulf %mul3A_1299, %get3A_1282 : vector<1x768xf32>
    %add3A_1301 = arith.addf %mul3A_1297, %mul3A_1300 : vector<1x768xf32>
    %get3A_1302 = arith.constant 0 : index
    %get3A_1303 = arith.constant 54 : index
    %get3A_1304 = arith.constant 0 : index
    %get3A_1305 = vector.load %arg1[%get3A_1302, %get3A_1303, %get3A_1304] : memref<1x64x768xf32, #tpu.memory_space<vmem>>, vector<1x1x768xf32>
    %get3A_1306 = vector.shape_cast %get3A_1305 : vector<1x1x768xf32> to vector<1x768xf32>
    %sub3A_1307 = arith.subf %get3A_1306, %add3A_1301 : vector<1x768xf32>
    %mul3A_1308 = arith.mulf %sub3A_1307, %sub3A_1307 : vector<1x768xf32>
    %reduce_sum3A_1309 = vector.shape_cast %mul3A_1308 : vector<1x768xf32> to vector<1x1x768xf32>
    %reduce_sum3A_1310 = arith.constant dense<0.000000e+00> : vector<1xf32>
    %reduce_sum3A_1311 = vector.multi_reduction <add>, %reduce_sum3A_1309, %reduce_sum3A_1310 [1, 2] : vector<1x1x768xf32> to vector<1xf32>
    %reduce_sum3A_1312 = vector.shape_cast %reduce_sum3A_1311 : vector<1xf32> to vector<1x1x1xf32>
    %reduce_sum3A_1313 = vector.extract %reduce_sum3A_1312[0, 0, 0] : f32 from vector<1x1x1xf32>
    %eq3A_1314 = arith.constant 54 : i32
    %eq3A_1315 = vector.broadcast %eq3A_1314 : i32 to vector<64x1xi32>
    %eq3A_1316 = arith.cmpi eq, %iota3A, %eq3A_1315 : vector<64x1xi32>
    %broadcast_in_dim3A_1317 = vector.broadcast %reduce_sum3A_1313 : f32 to vector<64x1xf32>
    %select_n3A_1318 = arith.select %eq3A_1316, %broadcast_in_dim3A_1317, %select_n3A_1294 : vector<64x1xi1>, vector<64x1xf32>
    %mul3A_1319 = arith.constant 0.899999976 : f32
    %mul3A_1320 = vector.broadcast %mul3A_1319 : f32 to vector<1x768xf32>
    %mul3A_1321 = arith.mulf %mul3A_1320, %add3A_1301 : vector<1x768xf32>
    %mul3A_1322 = arith.constant 1.000000e-01 : f32
    %mul3A_1323 = vector.broadcast %mul3A_1322 : f32 to vector<1x768xf32>
    %mul3A_1324 = arith.mulf %mul3A_1323, %get3A_1306 : vector<1x768xf32>
    %add3A_1325 = arith.addf %mul3A_1321, %mul3A_1324 : vector<1x768xf32>
    %get3A_1326 = arith.constant 0 : index
    %get3A_1327 = arith.constant 55 : index
    %get3A_1328 = arith.constant 0 : index
    %get3A_1329 = vector.load %arg1[%get3A_1326, %get3A_1327, %get3A_1328] : memref<1x64x768xf32, #tpu.memory_space<vmem>>, vector<1x1x768xf32>
    %get3A_1330 = vector.shape_cast %get3A_1329 : vector<1x1x768xf32> to vector<1x768xf32>
    %sub3A_1331 = arith.subf %get3A_1330, %add3A_1325 : vector<1x768xf32>
    %mul3A_1332 = arith.mulf %sub3A_1331, %sub3A_1331 : vector<1x768xf32>
    %reduce_sum3A_1333 = vector.shape_cast %mul3A_1332 : vector<1x768xf32> to vector<1x1x768xf32>
    %reduce_sum3A_1334 = arith.constant dense<0.000000e+00> : vector<1xf32>
    %reduce_sum3A_1335 = vector.multi_reduction <add>, %reduce_sum3A_1333, %reduce_sum3A_1334 [1, 2] : vector<1x1x768xf32> to vector<1xf32>
    %reduce_sum3A_1336 = vector.shape_cast %reduce_sum3A_1335 : vector<1xf32> to vector<1x1x1xf32>
    %reduce_sum3A_1337 = vector.extract %reduce_sum3A_1336[0, 0, 0] : f32 from vector<1x1x1xf32>
    %eq3A_1338 = arith.constant 55 : i32
    %eq3A_1339 = vector.broadcast %eq3A_1338 : i32 to vector<64x1xi32>
    %eq3A_1340 = arith.cmpi eq, %iota3A, %eq3A_1339 : vector<64x1xi32>
    %broadcast_in_dim3A_1341 = vector.broadcast %reduce_sum3A_1337 : f32 to vector<64x1xf32>
    %select_n3A_1342 = arith.select %eq3A_1340, %broadcast_in_dim3A_1341, %select_n3A_1318 : vector<64x1xi1>, vector<64x1xf32>
    %mul3A_1343 = arith.constant 0.899999976 : f32
    %mul3A_1344 = vector.broadcast %mul3A_1343 : f32 to vector<1x768xf32>
    %mul3A_1345 = arith.mulf %mul3A_1344, %add3A_1325 : vector<1x768xf32>
    %mul3A_1346 = arith.constant 1.000000e-01 : f32
    %mul3A_1347 = vector.broadcast %mul3A_1346 : f32 to vector<1x768xf32>
    %mul3A_1348 = arith.mulf %mul3A_1347, %get3A_1330 : vector<1x768xf32>
    %add3A_1349 = arith.addf %mul3A_1345, %mul3A_1348 : vector<1x768xf32>
    %get3A_1350 = arith.constant 0 : index
    %get3A_1351 = arith.constant 56 : index
    %get3A_1352 = arith.constant 0 : index
    %get3A_1353 = vector.load %arg1[%get3A_1350, %get3A_1351, %get3A_1352] : memref<1x64x768xf32, #tpu.memory_space<vmem>>, vector<1x1x768xf32>
    %get3A_1354 = vector.shape_cast %get3A_1353 : vector<1x1x768xf32> to vector<1x768xf32>
    %sub3A_1355 = arith.subf %get3A_1354, %add3A_1349 : vector<1x768xf32>
    %mul3A_1356 = arith.mulf %sub3A_1355, %sub3A_1355 : vector<1x768xf32>
    %reduce_sum3A_1357 = vector.shape_cast %mul3A_1356 : vector<1x768xf32> to vector<1x1x768xf32>
    %reduce_sum3A_1358 = arith.constant dense<0.000000e+00> : vector<1xf32>
    %reduce_sum3A_1359 = vector.multi_reduction <add>, %reduce_sum3A_1357, %reduce_sum3A_1358 [1, 2] : vector<1x1x768xf32> to vector<1xf32>
    %reduce_sum3A_1360 = vector.shape_cast %reduce_sum3A_1359 : vector<1xf32> to vector<1x1x1xf32>
    %reduce_sum3A_1361 = vector.extract %reduce_sum3A_1360[0, 0, 0] : f32 from vector<1x1x1xf32>
    %eq3A_1362 = arith.constant 56 : i32
    %eq3A_1363 = vector.broadcast %eq3A_1362 : i32 to vector<64x1xi32>
    %eq3A_1364 = arith.cmpi eq, %iota3A, %eq3A_1363 : vector<64x1xi32>
    %broadcast_in_dim3A_1365 = vector.broadcast %reduce_sum3A_1361 : f32 to vector<64x1xf32>
    %select_n3A_1366 = arith.select %eq3A_1364, %broadcast_in_dim3A_1365, %select_n3A_1342 : vector<64x1xi1>, vector<64x1xf32>
    %mul3A_1367 = arith.constant 0.899999976 : f32
    %mul3A_1368 = vector.broadcast %mul3A_1367 : f32 to vector<1x768xf32>
    %mul3A_1369 = arith.mulf %mul3A_1368, %add3A_1349 : vector<1x768xf32>
    %mul3A_1370 = arith.constant 1.000000e-01 : f32
    %mul3A_1371 = vector.broadcast %mul3A_1370 : f32 to vector<1x768xf32>
    %mul3A_1372 = arith.mulf %mul3A_1371, %get3A_1354 : vector<1x768xf32>
    %add3A_1373 = arith.addf %mul3A_1369, %mul3A_1372 : vector<1x768xf32>
    %get3A_1374 = arith.constant 0 : index
    %get3A_1375 = arith.constant 57 : index
    %get3A_1376 = arith.constant 0 : index
    %get3A_1377 = vector.load %arg1[%get3A_1374, %get3A_1375, %get3A_1376] : memref<1x64x768xf32, #tpu.memory_space<vmem>>, vector<1x1x768xf32>
    %get3A_1378 = vector.shape_cast %get3A_1377 : vector<1x1x768xf32> to vector<1x768xf32>
    %sub3A_1379 = arith.subf %get3A_1378, %add3A_1373 : vector<1x768xf32>
    %mul3A_1380 = arith.mulf %sub3A_1379, %sub3A_1379 : vector<1x768xf32>
    %reduce_sum3A_1381 = vector.shape_cast %mul3A_1380 : vector<1x768xf32> to vector<1x1x768xf32>
    %reduce_sum3A_1382 = arith.constant dense<0.000000e+00> : vector<1xf32>
    %reduce_sum3A_1383 = vector.multi_reduction <add>, %reduce_sum3A_1381, %reduce_sum3A_1382 [1, 2] : vector<1x1x768xf32> to vector<1xf32>
    %reduce_sum3A_1384 = vector.shape_cast %reduce_sum3A_1383 : vector<1xf32> to vector<1x1x1xf32>
    %reduce_sum3A_1385 = vector.extract %reduce_sum3A_1384[0, 0, 0] : f32 from vector<1x1x1xf32>
    %eq3A_1386 = arith.constant 57 : i32
    %eq3A_1387 = vector.broadcast %eq3A_1386 : i32 to vector<64x1xi32>
    %eq3A_1388 = arith.cmpi eq, %iota3A, %eq3A_1387 : vector<64x1xi32>
    %broadcast_in_dim3A_1389 = vector.broadcast %reduce_sum3A_1385 : f32 to vector<64x1xf32>
    %select_n3A_1390 = arith.select %eq3A_1388, %broadcast_in_dim3A_1389, %select_n3A_1366 : vector<64x1xi1>, vector<64x1xf32>
    %mul3A_1391 = arith.constant 0.899999976 : f32
    %mul3A_1392 = vector.broadcast %mul3A_1391 : f32 to vector<1x768xf32>
    %mul3A_1393 = arith.mulf %mul3A_1392, %add3A_1373 : vector<1x768xf32>
    %mul3A_1394 = arith.constant 1.000000e-01 : f32
    %mul3A_1395 = vector.broadcast %mul3A_1394 : f32 to vector<1x768xf32>
    %mul3A_1396 = arith.mulf %mul3A_1395, %get3A_1378 : vector<1x768xf32>
    %add3A_1397 = arith.addf %mul3A_1393, %mul3A_1396 : vector<1x768xf32>
    %get3A_1398 = arith.constant 0 : index
    %get3A_1399 = arith.constant 58 : index
    %get3A_1400 = arith.constant 0 : index
    %get3A_1401 = vector.load %arg1[%get3A_1398, %get3A_1399, %get3A_1400] : memref<1x64x768xf32, #tpu.memory_space<vmem>>, vector<1x1x768xf32>
    %get3A_1402 = vector.shape_cast %get3A_1401 : vector<1x1x768xf32> to vector<1x768xf32>
    %sub3A_1403 = arith.subf %get3A_1402, %add3A_1397 : vector<1x768xf32>
    %mul3A_1404 = arith.mulf %sub3A_1403, %sub3A_1403 : vector<1x768xf32>
    %reduce_sum3A_1405 = vector.shape_cast %mul3A_1404 : vector<1x768xf32> to vector<1x1x768xf32>
    %reduce_sum3A_1406 = arith.constant dense<0.000000e+00> : vector<1xf32>
    %reduce_sum3A_1407 = vector.multi_reduction <add>, %reduce_sum3A_1405, %reduce_sum3A_1406 [1, 2] : vector<1x1x768xf32> to vector<1xf32>
    %reduce_sum3A_1408 = vector.shape_cast %reduce_sum3A_1407 : vector<1xf32> to vector<1x1x1xf32>
    %reduce_sum3A_1409 = vector.extract %reduce_sum3A_1408[0, 0, 0] : f32 from vector<1x1x1xf32>
    %eq3A_1410 = arith.constant 58 : i32
    %eq3A_1411 = vector.broadcast %eq3A_1410 : i32 to vector<64x1xi32>
    %eq3A_1412 = arith.cmpi eq, %iota3A, %eq3A_1411 : vector<64x1xi32>
    %broadcast_in_dim3A_1413 = vector.broadcast %reduce_sum3A_1409 : f32 to vector<64x1xf32>
    %select_n3A_1414 = arith.select %eq3A_1412, %broadcast_in_dim3A_1413, %select_n3A_1390 : vector<64x1xi1>, vector<64x1xf32>
    %mul3A_1415 = arith.constant 0.899999976 : f32
    %mul3A_1416 = vector.broadcast %mul3A_1415 : f32 to vector<1x768xf32>
    %mul3A_1417 = arith.mulf %mul3A_1416, %add3A_1397 : vector<1x768xf32>
    %mul3A_1418 = arith.constant 1.000000e-01 : f32
    %mul3A_1419 = vector.broadcast %mul3A_1418 : f32 to vector<1x768xf32>
    %mul3A_1420 = arith.mulf %mul3A_1419, %get3A_1402 : vector<1x768xf32>
    %add3A_1421 = arith.addf %mul3A_1417, %mul3A_1420 : vector<1x768xf32>
    %get3A_1422 = arith.constant 0 : index
    %get3A_1423 = arith.constant 59 : index
    %get3A_1424 = arith.constant 0 : index
    %get3A_1425 = vector.load %arg1[%get3A_1422, %get3A_1423, %get3A_1424] : memref<1x64x768xf32, #tpu.memory_space<vmem>>, vector<1x1x768xf32>
    %get3A_1426 = vector.shape_cast %get3A_1425 : vector<1x1x768xf32> to vector<1x768xf32>
    %sub3A_1427 = arith.subf %get3A_1426, %add3A_1421 : vector<1x768xf32>
    %mul3A_1428 = arith.mulf %sub3A_1427, %sub3A_1427 : vector<1x768xf32>
    %reduce_sum3A_1429 = vector.shape_cast %mul3A_1428 : vector<1x768xf32> to vector<1x1x768xf32>
    %reduce_sum3A_1430 = arith.constant dense<0.000000e+00> : vector<1xf32>
    %reduce_sum3A_1431 = vector.multi_reduction <add>, %reduce_sum3A_1429, %reduce_sum3A_1430 [1, 2] : vector<1x1x768xf32> to vector<1xf32>
    %reduce_sum3A_1432 = vector.shape_cast %reduce_sum3A_1431 : vector<1xf32> to vector<1x1x1xf32>
    %reduce_sum3A_1433 = vector.extract %reduce_sum3A_1432[0, 0, 0] : f32 from vector<1x1x1xf32>
    %eq3A_1434 = arith.constant 59 : i32
    %eq3A_1435 = vector.broadcast %eq3A_1434 : i32 to vector<64x1xi32>
    %eq3A_1436 = arith.cmpi eq, %iota3A, %eq3A_1435 : vector<64x1xi32>
    %broadcast_in_dim3A_1437 = vector.broadcast %reduce_sum3A_1433 : f32 to vector<64x1xf32>
    %select_n3A_1438 = arith.select %eq3A_1436, %broadcast_in_dim3A_1437, %select_n3A_1414 : vector<64x1xi1>, vector<64x1xf32>
    %mul3A_1439 = arith.constant 0.899999976 : f32
    %mul3A_1440 = vector.broadcast %mul3A_1439 : f32 to vector<1x768xf32>
    %mul3A_1441 = arith.mulf %mul3A_1440, %add3A_1421 : vector<1x768xf32>
    %mul3A_1442 = arith.constant 1.000000e-01 : f32
    %mul3A_1443 = vector.broadcast %mul3A_1442 : f32 to vector<1x768xf32>
    %mul3A_1444 = arith.mulf %mul3A_1443, %get3A_1426 : vector<1x768xf32>
    %add3A_1445 = arith.addf %mul3A_1441, %mul3A_1444 : vector<1x768xf32>
    %get3A_1446 = arith.constant 0 : index
    %get3A_1447 = arith.constant 60 : index
    %get3A_1448 = arith.constant 0 : index
    %get3A_1449 = vector.load %arg1[%get3A_1446, %get3A_1447, %get3A_1448] : memref<1x64x768xf32, #tpu.memory_space<vmem>>, vector<1x1x768xf32>
    %get3A_1450 = vector.shape_cast %get3A_1449 : vector<1x1x768xf32> to vector<1x768xf32>
    %sub3A_1451 = arith.subf %get3A_1450, %add3A_1445 : vector<1x768xf32>
    %mul3A_1452 = arith.mulf %sub3A_1451, %sub3A_1451 : vector<1x768xf32>
    %reduce_sum3A_1453 = vector.shape_cast %mul3A_1452 : vector<1x768xf32> to vector<1x1x768xf32>
    %reduce_sum3A_1454 = arith.constant dense<0.000000e+00> : vector<1xf32>
    %reduce_sum3A_1455 = vector.multi_reduction <add>, %reduce_sum3A_1453, %reduce_sum3A_1454 [1, 2] : vector<1x1x768xf32> to vector<1xf32>
    %reduce_sum3A_1456 = vector.shape_cast %reduce_sum3A_1455 : vector<1xf32> to vector<1x1x1xf32>
    %reduce_sum3A_1457 = vector.extract %reduce_sum3A_1456[0, 0, 0] : f32 from vector<1x1x1xf32>
    %eq3A_1458 = arith.constant 60 : i32
    %eq3A_1459 = vector.broadcast %eq3A_1458 : i32 to vector<64x1xi32>
    %eq3A_1460 = arith.cmpi eq, %iota3A, %eq3A_1459 : vector<64x1xi32>
    %broadcast_in_dim3A_1461 = vector.broadcast %reduce_sum3A_1457 : f32 to vector<64x1xf32>
    %select_n3A_1462 = arith.select %eq3A_1460, %broadcast_in_dim3A_1461, %select_n3A_1438 : vector<64x1xi1>, vector<64x1xf32>
    %mul3A_1463 = arith.constant 0.899999976 : f32
    %mul3A_1464 = vector.broadcast %mul3A_1463 : f32 to vector<1x768xf32>
    %mul3A_1465 = arith.mulf %mul3A_1464, %add3A_1445 : vector<1x768xf32>
    %mul3A_1466 = arith.constant 1.000000e-01 : f32
    %mul3A_1467 = vector.broadcast %mul3A_1466 : f32 to vector<1x768xf32>
    %mul3A_1468 = arith.mulf %mul3A_1467, %get3A_1450 : vector<1x768xf32>
    %add3A_1469 = arith.addf %mul3A_1465, %mul3A_1468 : vector<1x768xf32>
    %get3A_1470 = arith.constant 0 : index
    %get3A_1471 = arith.constant 61 : index
    %get3A_1472 = arith.constant 0 : index
    %get3A_1473 = vector.load %arg1[%get3A_1470, %get3A_1471, %get3A_1472] : memref<1x64x768xf32, #tpu.memory_space<vmem>>, vector<1x1x768xf32>
    %get3A_1474 = vector.shape_cast %get3A_1473 : vector<1x1x768xf32> to vector<1x768xf32>
    %sub3A_1475 = arith.subf %get3A_1474, %add3A_1469 : vector<1x768xf32>
    %mul3A_1476 = arith.mulf %sub3A_1475, %sub3A_1475 : vector<1x768xf32>
    %reduce_sum3A_1477 = vector.shape_cast %mul3A_1476 : vector<1x768xf32> to vector<1x1x768xf32>
    %reduce_sum3A_1478 = arith.constant dense<0.000000e+00> : vector<1xf32>
    %reduce_sum3A_1479 = vector.multi_reduction <add>, %reduce_sum3A_1477, %reduce_sum3A_1478 [1, 2] : vector<1x1x768xf32> to vector<1xf32>
    %reduce_sum3A_1480 = vector.shape_cast %reduce_sum3A_1479 : vector<1xf32> to vector<1x1x1xf32>
    %reduce_sum3A_1481 = vector.extract %reduce_sum3A_1480[0, 0, 0] : f32 from vector<1x1x1xf32>
    %eq3A_1482 = arith.constant 61 : i32
    %eq3A_1483 = vector.broadcast %eq3A_1482 : i32 to vector<64x1xi32>
    %eq3A_1484 = arith.cmpi eq, %iota3A, %eq3A_1483 : vector<64x1xi32>
    %broadcast_in_dim3A_1485 = vector.broadcast %reduce_sum3A_1481 : f32 to vector<64x1xf32>
    %select_n3A_1486 = arith.select %eq3A_1484, %broadcast_in_dim3A_1485, %select_n3A_1462 : vector<64x1xi1>, vector<64x1xf32>
    %mul3A_1487 = arith.constant 0.899999976 : f32
    %mul3A_1488 = vector.broadcast %mul3A_1487 : f32 to vector<1x768xf32>
    %mul3A_1489 = arith.mulf %mul3A_1488, %add3A_1469 : vector<1x768xf32>
    %mul3A_1490 = arith.constant 1.000000e-01 : f32
    %mul3A_1491 = vector.broadcast %mul3A_1490 : f32 to vector<1x768xf32>
    %mul3A_1492 = arith.mulf %mul3A_1491, %get3A_1474 : vector<1x768xf32>
    %add3A_1493 = arith.addf %mul3A_1489, %mul3A_1492 : vector<1x768xf32>
    %get3A_1494 = arith.constant 0 : index
    %get3A_1495 = arith.constant 62 : index
    %get3A_1496 = arith.constant 0 : index
    %get3A_1497 = vector.load %arg1[%get3A_1494, %get3A_1495, %get3A_1496] : memref<1x64x768xf32, #tpu.memory_space<vmem>>, vector<1x1x768xf32>
    %get3A_1498 = vector.shape_cast %get3A_1497 : vector<1x1x768xf32> to vector<1x768xf32>
    %sub3A_1499 = arith.subf %get3A_1498, %add3A_1493 : vector<1x768xf32>
    %mul3A_1500 = arith.mulf %sub3A_1499, %sub3A_1499 : vector<1x768xf32>
    %reduce_sum3A_1501 = vector.shape_cast %mul3A_1500 : vector<1x768xf32> to vector<1x1x768xf32>
    %reduce_sum3A_1502 = arith.constant dense<0.000000e+00> : vector<1xf32>
    %reduce_sum3A_1503 = vector.multi_reduction <add>, %reduce_sum3A_1501, %reduce_sum3A_1502 [1, 2] : vector<1x1x768xf32> to vector<1xf32>
    %reduce_sum3A_1504 = vector.shape_cast %reduce_sum3A_1503 : vector<1xf32> to vector<1x1x1xf32>
    %reduce_sum3A_1505 = vector.extract %reduce_sum3A_1504[0, 0, 0] : f32 from vector<1x1x1xf32>
    %eq3A_1506 = arith.constant 62 : i32
    %eq3A_1507 = vector.broadcast %eq3A_1506 : i32 to vector<64x1xi32>
    %eq3A_1508 = arith.cmpi eq, %iota3A, %eq3A_1507 : vector<64x1xi32>
    %broadcast_in_dim3A_1509 = vector.broadcast %reduce_sum3A_1505 : f32 to vector<64x1xf32>
    %select_n3A_1510 = arith.select %eq3A_1508, %broadcast_in_dim3A_1509, %select_n3A_1486 : vector<64x1xi1>, vector<64x1xf32>
    %mul3A_1511 = arith.constant 0.899999976 : f32
    %mul3A_1512 = vector.broadcast %mul3A_1511 : f32 to vector<1x768xf32>
    %mul3A_1513 = arith.mulf %mul3A_1512, %add3A_1493 : vector<1x768xf32>
    %mul3A_1514 = arith.constant 1.000000e-01 : f32
    %mul3A_1515 = vector.broadcast %mul3A_1514 : f32 to vector<1x768xf32>
    %mul3A_1516 = arith.mulf %mul3A_1515, %get3A_1498 : vector<1x768xf32>
    %add3A_1517 = arith.addf %mul3A_1513, %mul3A_1516 : vector<1x768xf32>
    %get3A_1518 = arith.constant 0 : index
    %get3A_1519 = arith.constant 63 : index
    %get3A_1520 = arith.constant 0 : index
    %get3A_1521 = vector.load %arg1[%get3A_1518, %get3A_1519, %get3A_1520] : memref<1x64x768xf32, #tpu.memory_space<vmem>>, vector<1x1x768xf32>
    %get3A_1522 = vector.shape_cast %get3A_1521 : vector<1x1x768xf32> to vector<1x768xf32>
    %sub3A_1523 = arith.subf %get3A_1522, %add3A_1517 : vector<1x768xf32>
    %mul3A_1524 = arith.mulf %sub3A_1523, %sub3A_1523 : vector<1x768xf32>
    %reduce_sum3A_1525 = vector.shape_cast %mul3A_1524 : vector<1x768xf32> to vector<1x1x768xf32>
    %reduce_sum3A_1526 = arith.constant dense<0.000000e+00> : vector<1xf32>
    %reduce_sum3A_1527 = vector.multi_reduction <add>, %reduce_sum3A_1525, %reduce_sum3A_1526 [1, 2] : vector<1x1x768xf32> to vector<1xf32>
    %reduce_sum3A_1528 = vector.shape_cast %reduce_sum3A_1527 : vector<1xf32> to vector<1x1x1xf32>
    %reduce_sum3A_1529 = vector.extract %reduce_sum3A_1528[0, 0, 0] : f32 from vector<1x1x1xf32>
    %eq3A_1530 = arith.constant 63 : i32
    %eq3A_1531 = vector.broadcast %eq3A_1530 : i32 to vector<64x1xi32>
    %eq3A_1532 = arith.cmpi eq, %iota3A, %eq3A_1531 : vector<64x1xi32>
    %broadcast_in_dim3A_1533 = vector.broadcast %reduce_sum3A_1529 : f32 to vector<64x1xf32>
    %select_n3A_1534 = arith.select %eq3A_1532, %broadcast_in_dim3A_1533, %select_n3A_1510 : vector<64x1xi1>, vector<64x1xf32>
    %reduce_max3A = arith.constant dense<0xFF800000> : vector<1xf32>
    %reduce_max3A_1535 = vector.multi_reduction <maximumf>, %select_n3A_1534, %reduce_max3A [0] : vector<64x1xf32> to vector<1xf32>
    %broadcast_in_dim3A_1536 = vector.shape_cast %reduce_max3A_1535 : vector<1xf32> to vector<1x1xf32>
    %eq3A_1537 = vector.broadcast %broadcast_in_dim3A_1536 : vector<1x1xf32> to vector<64x1xf32>
    %eq3A_1538 = arith.cmpf oeq, %select_n3A_1534, %eq3A_1537 : vector<64x1xf32>
    %jit3A = arith.constant 64 : i32
    %broadcast_in_dim3A_1539 = vector.broadcast %jit3A : i32 to vector<64x1xi32>
    %select_n3A_1540 = arith.select %eq3A_1538, %iota3A, %broadcast_in_dim3A_1539 : vector<64x1xi1>, vector<64x1xi32>
    %reduce_min3A = arith.constant dense<2147483647> : vector<1xi32>
    %reduce_min3A_1541 = vector.multi_reduction <minsi>, %select_n3A_1540, %reduce_min3A [0] : vector<64x1xi32> to vector<1xi32>
    %broadcast_in_dim3A_1542 = vector.shape_cast %reduce_min3A_1541 : vector<1xi32> to vector<1x1xi32>
    %eq3A_1543 = vector.broadcast %broadcast_in_dim3A_1542 : vector<1x1xi32> to vector<64x1xi32>
    %eq3A_1544 = arith.cmpi eq, %iota3A, %eq3A_1543 : vector<64x1xi32>
    %convert_element_type3A = arith.extui %eq3A_1544 : vector<64x1xi1> to vector<64x1xi32>
    %convert_element_type3A_1545 = arith.sitofp %convert_element_type3A : vector<64x1xi32> to vector<64x1xf32>
    %eq3A_1546 = arith.constant 0 : i32
    %eq3A_1547 = vector.broadcast %eq3A_1546 : i32 to vector<1x16xi32>
    %eq3A_1548 = arith.cmpi eq, %iota3A_5, %eq3A_1547 : vector<1x16xi32>
    %jit3A_1549 = arith.constant 0 : i32
    %broadcast_in_dim3A_1550 = vector.shape_cast %broadcast_in_dim3A_1542 : vector<1x1xi32> to vector<1x1xi32>
    %broadcast_in_dim3A_1551 = vector.broadcast %broadcast_in_dim3A_1550 : vector<1x1xi32> to vector<1x16xi32>
    %broadcast_in_dim3A_1552 = vector.broadcast %jit3A_1549 : i32 to vector<1x16xi32>
    %select_n3A_1553 = arith.select %eq3A_1548, %broadcast_in_dim3A_1551, %broadcast_in_dim3A_1552 : vector<1x16xi1>, vector<1x16xi32>
    %eq3A_1554 = vector.broadcast %broadcast_in_dim3A_1542 : vector<1x1xi32> to vector<1x64xi32>
    %eq3A_1555 = arith.cmpi eq, %iota3A_4, %eq3A_1554 : vector<1x64xi32>
    %convert_element_type3A_1556 = arith.extui %eq3A_1555 : vector<1x64xi1> to vector<1x64xi32>
    %convert_element_type3A_1557 = arith.sitofp %convert_element_type3A_1556 : vector<1x64xi32> to vector<1x64xf32>
    %broadcast_in_dim3A_1558 = arith.constant 0x7F800000 : f32
    %broadcast_in_dim3A_1559 = vector.broadcast %broadcast_in_dim3A_1558 : f32 to vector<64x1xf32>
    %mul3A_1560 = vector.broadcast %convert_element_type3A_1545 : vector<64x1xf32> to vector<64x768xf32>
    %mul3A_1561 = arith.mulf %mul3A_1560, %get3A_3 : vector<64x768xf32>
    %reduce_sum3A_1562 = arith.constant dense<0.000000e+00> : vector<768xf32>
    %reduce_sum3A_1563 = vector.multi_reduction <add>, %mul3A_1561, %reduce_sum3A_1562 [0] : vector<64x768xf32> to vector<768xf32>
    %broadcast_in_dim3A_1564 = vector.shape_cast %reduce_sum3A_1563 : vector<768xf32> to vector<1x768xf32>
    %sub3A_1565 = vector.broadcast %broadcast_in_dim3A_1564 : vector<1x768xf32> to vector<64x768xf32>
    %sub3A_1566 = arith.subf %get3A_3, %sub3A_1565 : vector<64x768xf32>
    %mul3A_1567 = arith.mulf %sub3A_1566, %sub3A_1566 : vector<64x768xf32>
    %reduce_sum3A_1568 = arith.constant dense<0.000000e+00> : vector<64xf32>
    %reduce_sum3A_1569 = vector.multi_reduction <add>, %mul3A_1567, %reduce_sum3A_1568 [1] : vector<64x768xf32> to vector<64xf32>
    %broadcast_in_dim3A_1570 = vector.shape_cast %reduce_sum3A_1569 : vector<64xf32> to vector<64x1xf32>
    %min3A = arith.minimumf %broadcast_in_dim3A_1559, %broadcast_in_dim3A_1570 : vector<64x1xf32>
    %gt3A = arith.constant 0.000000e+00 : f32
    %gt3A_1571 = vector.broadcast %gt3A : f32 to vector<64x1xf32>
    %gt3A_1572 = arith.cmpf ogt, %convert_element_type3A_1545, %gt3A_1571 : vector<64x1xf32>
    %jit3A_1573 = arith.constant -1.000000e+00 : f32
    %broadcast_in_dim3A_1574 = vector.broadcast %jit3A_1573 : f32 to vector<64x1xf32>
    %select_n3A_1575 = arith.select %gt3A_1572, %broadcast_in_dim3A_1574, %min3A : vector<64x1xi1>, vector<64x1xf32>
    %reduce_max3A_1576 = arith.constant dense<0xFF800000> : vector<1xf32>
    %reduce_max3A_1577 = vector.multi_reduction <maximumf>, %select_n3A_1575, %reduce_max3A_1576 [0] : vector<64x1xf32> to vector<1xf32>
    %broadcast_in_dim3A_1578 = vector.shape_cast %reduce_max3A_1577 : vector<1xf32> to vector<1x1xf32>
    %eq3A_1579 = vector.broadcast %broadcast_in_dim3A_1578 : vector<1x1xf32> to vector<64x1xf32>
    %eq3A_1580 = arith.cmpf oeq, %select_n3A_1575, %eq3A_1579 : vector<64x1xf32>
    %jit3A_1581 = arith.constant 64 : i32
    %broadcast_in_dim3A_1582 = vector.broadcast %jit3A_1581 : i32 to vector<64x1xi32>
    %select_n3A_1583 = arith.select %eq3A_1580, %iota3A, %broadcast_in_dim3A_1582 : vector<64x1xi1>, vector<64x1xi32>
    %reduce_min3A_1584 = arith.constant dense<2147483647> : vector<1xi32>
    %reduce_min3A_1585 = vector.multi_reduction <minsi>, %select_n3A_1583, %reduce_min3A_1584 [0] : vector<64x1xi32> to vector<1xi32>
    %broadcast_in_dim3A_1586 = vector.shape_cast %reduce_min3A_1585 : vector<1xi32> to vector<1x1xi32>
    %eq3A_1587 = vector.broadcast %broadcast_in_dim3A_1586 : vector<1x1xi32> to vector<64x1xi32>
    %eq3A_1588 = arith.cmpi eq, %iota3A, %eq3A_1587 : vector<64x1xi32>
    %convert_element_type3A_1589 = arith.extui %eq3A_1588 : vector<64x1xi1> to vector<64x1xi32>
    %convert_element_type3A_1590 = arith.sitofp %convert_element_type3A_1589 : vector<64x1xi32> to vector<64x1xf32>
    %eq3A_1591 = arith.constant 1 : i32
    %eq3A_1592 = vector.broadcast %eq3A_1591 : i32 to vector<1x16xi32>
    %eq3A_1593 = arith.cmpi eq, %iota3A_5, %eq3A_1592 : vector<1x16xi32>
    %broadcast_in_dim3A_1594 = vector.shape_cast %broadcast_in_dim3A_1586 : vector<1x1xi32> to vector<1x1xi32>
    %broadcast_in_dim3A_1595 = vector.broadcast %broadcast_in_dim3A_1594 : vector<1x1xi32> to vector<1x16xi32>
    %select_n3A_1596 = arith.select %eq3A_1593, %broadcast_in_dim3A_1595, %select_n3A_1553 : vector<1x16xi1>, vector<1x16xi32>
    %eq3A_1597 = vector.broadcast %broadcast_in_dim3A_1586 : vector<1x1xi32> to vector<1x64xi32>
    %eq3A_1598 = arith.cmpi eq, %iota3A_4, %eq3A_1597 : vector<1x64xi32>
    %convert_element_type3A_1599 = arith.extui %eq3A_1598 : vector<1x64xi1> to vector<1x64xi32>
    %convert_element_type3A_1600 = arith.sitofp %convert_element_type3A_1599 : vector<1x64xi32> to vector<1x64xf32>
    %add3A_1601 = arith.addf %convert_element_type3A_1557, %convert_element_type3A_1600 : vector<1x64xf32>
    %mul3A_1602 = vector.broadcast %convert_element_type3A_1590 : vector<64x1xf32> to vector<64x768xf32>
    %mul3A_1603 = arith.mulf %mul3A_1602, %get3A_3 : vector<64x768xf32>
    %reduce_sum3A_1604 = arith.constant dense<0.000000e+00> : vector<768xf32>
    %reduce_sum3A_1605 = vector.multi_reduction <add>, %mul3A_1603, %reduce_sum3A_1604 [0] : vector<64x768xf32> to vector<768xf32>
    %broadcast_in_dim3A_1606 = vector.shape_cast %reduce_sum3A_1605 : vector<768xf32> to vector<1x768xf32>
    %sub3A_1607 = vector.broadcast %broadcast_in_dim3A_1606 : vector<1x768xf32> to vector<64x768xf32>
    %sub3A_1608 = arith.subf %get3A_3, %sub3A_1607 : vector<64x768xf32>
    %mul3A_1609 = arith.mulf %sub3A_1608, %sub3A_1608 : vector<64x768xf32>
    %reduce_sum3A_1610 = arith.constant dense<0.000000e+00> : vector<64xf32>
    %reduce_sum3A_1611 = vector.multi_reduction <add>, %mul3A_1609, %reduce_sum3A_1610 [1] : vector<64x768xf32> to vector<64xf32>
    %broadcast_in_dim3A_1612 = vector.shape_cast %reduce_sum3A_1611 : vector<64xf32> to vector<64x1xf32>
    %min3A_1613 = arith.minimumf %select_n3A_1575, %broadcast_in_dim3A_1612 : vector<64x1xf32>
    %gt3A_1614 = arith.constant 0.000000e+00 : f32
    %gt3A_1615 = vector.broadcast %gt3A_1614 : f32 to vector<64x1xf32>
    %gt3A_1616 = arith.cmpf ogt, %convert_element_type3A_1590, %gt3A_1615 : vector<64x1xf32>
    %jit3A_1617 = arith.constant -1.000000e+00 : f32
    %broadcast_in_dim3A_1618 = vector.broadcast %jit3A_1617 : f32 to vector<64x1xf32>
    %select_n3A_1619 = arith.select %gt3A_1616, %broadcast_in_dim3A_1618, %min3A_1613 : vector<64x1xi1>, vector<64x1xf32>
    %reduce_max3A_1620 = arith.constant dense<0xFF800000> : vector<1xf32>
    %reduce_max3A_1621 = vector.multi_reduction <maximumf>, %select_n3A_1619, %reduce_max3A_1620 [0] : vector<64x1xf32> to vector<1xf32>
    %broadcast_in_dim3A_1622 = vector.shape_cast %reduce_max3A_1621 : vector<1xf32> to vector<1x1xf32>
    %eq3A_1623 = vector.broadcast %broadcast_in_dim3A_1622 : vector<1x1xf32> to vector<64x1xf32>
    %eq3A_1624 = arith.cmpf oeq, %select_n3A_1619, %eq3A_1623 : vector<64x1xf32>
    %jit3A_1625 = arith.constant 64 : i32
    %broadcast_in_dim3A_1626 = vector.broadcast %jit3A_1625 : i32 to vector<64x1xi32>
    %select_n3A_1627 = arith.select %eq3A_1624, %iota3A, %broadcast_in_dim3A_1626 : vector<64x1xi1>, vector<64x1xi32>
    %reduce_min3A_1628 = arith.constant dense<2147483647> : vector<1xi32>
    %reduce_min3A_1629 = vector.multi_reduction <minsi>, %select_n3A_1627, %reduce_min3A_1628 [0] : vector<64x1xi32> to vector<1xi32>
    %broadcast_in_dim3A_1630 = vector.shape_cast %reduce_min3A_1629 : vector<1xi32> to vector<1x1xi32>
    %eq3A_1631 = vector.broadcast %broadcast_in_dim3A_1630 : vector<1x1xi32> to vector<64x1xi32>
    %eq3A_1632 = arith.cmpi eq, %iota3A, %eq3A_1631 : vector<64x1xi32>
    %convert_element_type3A_1633 = arith.extui %eq3A_1632 : vector<64x1xi1> to vector<64x1xi32>
    %convert_element_type3A_1634 = arith.sitofp %convert_element_type3A_1633 : vector<64x1xi32> to vector<64x1xf32>
    %eq3A_1635 = arith.constant 2 : i32
    %eq3A_1636 = vector.broadcast %eq3A_1635 : i32 to vector<1x16xi32>
    %eq3A_1637 = arith.cmpi eq, %iota3A_5, %eq3A_1636 : vector<1x16xi32>
    %broadcast_in_dim3A_1638 = vector.shape_cast %broadcast_in_dim3A_1630 : vector<1x1xi32> to vector<1x1xi32>
    %broadcast_in_dim3A_1639 = vector.broadcast %broadcast_in_dim3A_1638 : vector<1x1xi32> to vector<1x16xi32>
    %select_n3A_1640 = arith.select %eq3A_1637, %broadcast_in_dim3A_1639, %select_n3A_1596 : vector<1x16xi1>, vector<1x16xi32>
    %eq3A_1641 = vector.broadcast %broadcast_in_dim3A_1630 : vector<1x1xi32> to vector<1x64xi32>
    %eq3A_1642 = arith.cmpi eq, %iota3A_4, %eq3A_1641 : vector<1x64xi32>
    %convert_element_type3A_1643 = arith.extui %eq3A_1642 : vector<1x64xi1> to vector<1x64xi32>
    %convert_element_type3A_1644 = arith.sitofp %convert_element_type3A_1643 : vector<1x64xi32> to vector<1x64xf32>
    %add3A_1645 = arith.addf %add3A_1601, %convert_element_type3A_1644 : vector<1x64xf32>
    %mul3A_1646 = vector.broadcast %convert_element_type3A_1634 : vector<64x1xf32> to vector<64x768xf32>
    %mul3A_1647 = arith.mulf %mul3A_1646, %get3A_3 : vector<64x768xf32>
    %reduce_sum3A_1648 = arith.constant dense<0.000000e+00> : vector<768xf32>
    %reduce_sum3A_1649 = vector.multi_reduction <add>, %mul3A_1647, %reduce_sum3A_1648 [0] : vector<64x768xf32> to vector<768xf32>
    %broadcast_in_dim3A_1650 = vector.shape_cast %reduce_sum3A_1649 : vector<768xf32> to vector<1x768xf32>
    %sub3A_1651 = vector.broadcast %broadcast_in_dim3A_1650 : vector<1x768xf32> to vector<64x768xf32>
    %sub3A_1652 = arith.subf %get3A_3, %sub3A_1651 : vector<64x768xf32>
    %mul3A_1653 = arith.mulf %sub3A_1652, %sub3A_1652 : vector<64x768xf32>
    %reduce_sum3A_1654 = arith.constant dense<0.000000e+00> : vector<64xf32>
    %reduce_sum3A_1655 = vector.multi_reduction <add>, %mul3A_1653, %reduce_sum3A_1654 [1] : vector<64x768xf32> to vector<64xf32>
    %broadcast_in_dim3A_1656 = vector.shape_cast %reduce_sum3A_1655 : vector<64xf32> to vector<64x1xf32>
    %min3A_1657 = arith.minimumf %select_n3A_1619, %broadcast_in_dim3A_1656 : vector<64x1xf32>
    %gt3A_1658 = arith.constant 0.000000e+00 : f32
    %gt3A_1659 = vector.broadcast %gt3A_1658 : f32 to vector<64x1xf32>
    %gt3A_1660 = arith.cmpf ogt, %convert_element_type3A_1634, %gt3A_1659 : vector<64x1xf32>
    %jit3A_1661 = arith.constant -1.000000e+00 : f32
    %broadcast_in_dim3A_1662 = vector.broadcast %jit3A_1661 : f32 to vector<64x1xf32>
    %select_n3A_1663 = arith.select %gt3A_1660, %broadcast_in_dim3A_1662, %min3A_1657 : vector<64x1xi1>, vector<64x1xf32>
    %reduce_max3A_1664 = arith.constant dense<0xFF800000> : vector<1xf32>
    %reduce_max3A_1665 = vector.multi_reduction <maximumf>, %select_n3A_1663, %reduce_max3A_1664 [0] : vector<64x1xf32> to vector<1xf32>
    %broadcast_in_dim3A_1666 = vector.shape_cast %reduce_max3A_1665 : vector<1xf32> to vector<1x1xf32>
    %eq3A_1667 = vector.broadcast %broadcast_in_dim3A_1666 : vector<1x1xf32> to vector<64x1xf32>
    %eq3A_1668 = arith.cmpf oeq, %select_n3A_1663, %eq3A_1667 : vector<64x1xf32>
    %jit3A_1669 = arith.constant 64 : i32
    %broadcast_in_dim3A_1670 = vector.broadcast %jit3A_1669 : i32 to vector<64x1xi32>
    %select_n3A_1671 = arith.select %eq3A_1668, %iota3A, %broadcast_in_dim3A_1670 : vector<64x1xi1>, vector<64x1xi32>
    %reduce_min3A_1672 = arith.constant dense<2147483647> : vector<1xi32>
    %reduce_min3A_1673 = vector.multi_reduction <minsi>, %select_n3A_1671, %reduce_min3A_1672 [0] : vector<64x1xi32> to vector<1xi32>
    %broadcast_in_dim3A_1674 = vector.shape_cast %reduce_min3A_1673 : vector<1xi32> to vector<1x1xi32>
    %eq3A_1675 = vector.broadcast %broadcast_in_dim3A_1674 : vector<1x1xi32> to vector<64x1xi32>
    %eq3A_1676 = arith.cmpi eq, %iota3A, %eq3A_1675 : vector<64x1xi32>
    %convert_element_type3A_1677 = arith.extui %eq3A_1676 : vector<64x1xi1> to vector<64x1xi32>
    %convert_element_type3A_1678 = arith.sitofp %convert_element_type3A_1677 : vector<64x1xi32> to vector<64x1xf32>
    %eq3A_1679 = arith.constant 3 : i32
    %eq3A_1680 = vector.broadcast %eq3A_1679 : i32 to vector<1x16xi32>
    %eq3A_1681 = arith.cmpi eq, %iota3A_5, %eq3A_1680 : vector<1x16xi32>
    %broadcast_in_dim3A_1682 = vector.shape_cast %broadcast_in_dim3A_1674 : vector<1x1xi32> to vector<1x1xi32>
    %broadcast_in_dim3A_1683 = vector.broadcast %broadcast_in_dim3A_1682 : vector<1x1xi32> to vector<1x16xi32>
    %select_n3A_1684 = arith.select %eq3A_1681, %broadcast_in_dim3A_1683, %select_n3A_1640 : vector<1x16xi1>, vector<1x16xi32>
    %eq3A_1685 = vector.broadcast %broadcast_in_dim3A_1674 : vector<1x1xi32> to vector<1x64xi32>
    %eq3A_1686 = arith.cmpi eq, %iota3A_4, %eq3A_1685 : vector<1x64xi32>
    %convert_element_type3A_1687 = arith.extui %eq3A_1686 : vector<1x64xi1> to vector<1x64xi32>
    %convert_element_type3A_1688 = arith.sitofp %convert_element_type3A_1687 : vector<1x64xi32> to vector<1x64xf32>
    %add3A_1689 = arith.addf %add3A_1645, %convert_element_type3A_1688 : vector<1x64xf32>
    %mul3A_1690 = vector.broadcast %convert_element_type3A_1678 : vector<64x1xf32> to vector<64x768xf32>
    %mul3A_1691 = arith.mulf %mul3A_1690, %get3A_3 : vector<64x768xf32>
    %reduce_sum3A_1692 = arith.constant dense<0.000000e+00> : vector<768xf32>
    %reduce_sum3A_1693 = vector.multi_reduction <add>, %mul3A_1691, %reduce_sum3A_1692 [0] : vector<64x768xf32> to vector<768xf32>
    %broadcast_in_dim3A_1694 = vector.shape_cast %reduce_sum3A_1693 : vector<768xf32> to vector<1x768xf32>
    %sub3A_1695 = vector.broadcast %broadcast_in_dim3A_1694 : vector<1x768xf32> to vector<64x768xf32>
    %sub3A_1696 = arith.subf %get3A_3, %sub3A_1695 : vector<64x768xf32>
    %mul3A_1697 = arith.mulf %sub3A_1696, %sub3A_1696 : vector<64x768xf32>
    %reduce_sum3A_1698 = arith.constant dense<0.000000e+00> : vector<64xf32>
    %reduce_sum3A_1699 = vector.multi_reduction <add>, %mul3A_1697, %reduce_sum3A_1698 [1] : vector<64x768xf32> to vector<64xf32>
    %broadcast_in_dim3A_1700 = vector.shape_cast %reduce_sum3A_1699 : vector<64xf32> to vector<64x1xf32>
    %min3A_1701 = arith.minimumf %select_n3A_1663, %broadcast_in_dim3A_1700 : vector<64x1xf32>
    %gt3A_1702 = arith.constant 0.000000e+00 : f32
    %gt3A_1703 = vector.broadcast %gt3A_1702 : f32 to vector<64x1xf32>
    %gt3A_1704 = arith.cmpf ogt, %convert_element_type3A_1678, %gt3A_1703 : vector<64x1xf32>
    %jit3A_1705 = arith.constant -1.000000e+00 : f32
    %broadcast_in_dim3A_1706 = vector.broadcast %jit3A_1705 : f32 to vector<64x1xf32>
    %select_n3A_1707 = arith.select %gt3A_1704, %broadcast_in_dim3A_1706, %min3A_1701 : vector<64x1xi1>, vector<64x1xf32>
    %reduce_max3A_1708 = arith.constant dense<0xFF800000> : vector<1xf32>
    %reduce_max3A_1709 = vector.multi_reduction <maximumf>, %select_n3A_1707, %reduce_max3A_1708 [0] : vector<64x1xf32> to vector<1xf32>
    %broadcast_in_dim3A_1710 = vector.shape_cast %reduce_max3A_1709 : vector<1xf32> to vector<1x1xf32>
    %eq3A_1711 = vector.broadcast %broadcast_in_dim3A_1710 : vector<1x1xf32> to vector<64x1xf32>
    %eq3A_1712 = arith.cmpf oeq, %select_n3A_1707, %eq3A_1711 : vector<64x1xf32>
    %jit3A_1713 = arith.constant 64 : i32
    %broadcast_in_dim3A_1714 = vector.broadcast %jit3A_1713 : i32 to vector<64x1xi32>
    %select_n3A_1715 = arith.select %eq3A_1712, %iota3A, %broadcast_in_dim3A_1714 : vector<64x1xi1>, vector<64x1xi32>
    %reduce_min3A_1716 = arith.constant dense<2147483647> : vector<1xi32>
    %reduce_min3A_1717 = vector.multi_reduction <minsi>, %select_n3A_1715, %reduce_min3A_1716 [0] : vector<64x1xi32> to vector<1xi32>
    %broadcast_in_dim3A_1718 = vector.shape_cast %reduce_min3A_1717 : vector<1xi32> to vector<1x1xi32>
    %eq3A_1719 = vector.broadcast %broadcast_in_dim3A_1718 : vector<1x1xi32> to vector<64x1xi32>
    %eq3A_1720 = arith.cmpi eq, %iota3A, %eq3A_1719 : vector<64x1xi32>
    %convert_element_type3A_1721 = arith.extui %eq3A_1720 : vector<64x1xi1> to vector<64x1xi32>
    %convert_element_type3A_1722 = arith.sitofp %convert_element_type3A_1721 : vector<64x1xi32> to vector<64x1xf32>
    %eq3A_1723 = arith.constant 4 : i32
    %eq3A_1724 = vector.broadcast %eq3A_1723 : i32 to vector<1x16xi32>
    %eq3A_1725 = arith.cmpi eq, %iota3A_5, %eq3A_1724 : vector<1x16xi32>
    %broadcast_in_dim3A_1726 = vector.shape_cast %broadcast_in_dim3A_1718 : vector<1x1xi32> to vector<1x1xi32>
    %broadcast_in_dim3A_1727 = vector.broadcast %broadcast_in_dim3A_1726 : vector<1x1xi32> to vector<1x16xi32>
    %select_n3A_1728 = arith.select %eq3A_1725, %broadcast_in_dim3A_1727, %select_n3A_1684 : vector<1x16xi1>, vector<1x16xi32>
    %eq3A_1729 = vector.broadcast %broadcast_in_dim3A_1718 : vector<1x1xi32> to vector<1x64xi32>
    %eq3A_1730 = arith.cmpi eq, %iota3A_4, %eq3A_1729 : vector<1x64xi32>
    %convert_element_type3A_1731 = arith.extui %eq3A_1730 : vector<1x64xi1> to vector<1x64xi32>
    %convert_element_type3A_1732 = arith.sitofp %convert_element_type3A_1731 : vector<1x64xi32> to vector<1x64xf32>
    %add3A_1733 = arith.addf %add3A_1689, %convert_element_type3A_1732 : vector<1x64xf32>
    %mul3A_1734 = vector.broadcast %convert_element_type3A_1722 : vector<64x1xf32> to vector<64x768xf32>
    %mul3A_1735 = arith.mulf %mul3A_1734, %get3A_3 : vector<64x768xf32>
    %reduce_sum3A_1736 = arith.constant dense<0.000000e+00> : vector<768xf32>
    %reduce_sum3A_1737 = vector.multi_reduction <add>, %mul3A_1735, %reduce_sum3A_1736 [0] : vector<64x768xf32> to vector<768xf32>
    %broadcast_in_dim3A_1738 = vector.shape_cast %reduce_sum3A_1737 : vector<768xf32> to vector<1x768xf32>
    %sub3A_1739 = vector.broadcast %broadcast_in_dim3A_1738 : vector<1x768xf32> to vector<64x768xf32>
    %sub3A_1740 = arith.subf %get3A_3, %sub3A_1739 : vector<64x768xf32>
    %mul3A_1741 = arith.mulf %sub3A_1740, %sub3A_1740 : vector<64x768xf32>
    %reduce_sum3A_1742 = arith.constant dense<0.000000e+00> : vector<64xf32>
    %reduce_sum3A_1743 = vector.multi_reduction <add>, %mul3A_1741, %reduce_sum3A_1742 [1] : vector<64x768xf32> to vector<64xf32>
    %broadcast_in_dim3A_1744 = vector.shape_cast %reduce_sum3A_1743 : vector<64xf32> to vector<64x1xf32>
    %min3A_1745 = arith.minimumf %select_n3A_1707, %broadcast_in_dim3A_1744 : vector<64x1xf32>
    %gt3A_1746 = arith.constant 0.000000e+00 : f32
    %gt3A_1747 = vector.broadcast %gt3A_1746 : f32 to vector<64x1xf32>
    %gt3A_1748 = arith.cmpf ogt, %convert_element_type3A_1722, %gt3A_1747 : vector<64x1xf32>
    %jit3A_1749 = arith.constant -1.000000e+00 : f32
    %broadcast_in_dim3A_1750 = vector.broadcast %jit3A_1749 : f32 to vector<64x1xf32>
    %select_n3A_1751 = arith.select %gt3A_1748, %broadcast_in_dim3A_1750, %min3A_1745 : vector<64x1xi1>, vector<64x1xf32>
    %reduce_max3A_1752 = arith.constant dense<0xFF800000> : vector<1xf32>
    %reduce_max3A_1753 = vector.multi_reduction <maximumf>, %select_n3A_1751, %reduce_max3A_1752 [0] : vector<64x1xf32> to vector<1xf32>
    %broadcast_in_dim3A_1754 = vector.shape_cast %reduce_max3A_1753 : vector<1xf32> to vector<1x1xf32>
    %eq3A_1755 = vector.broadcast %broadcast_in_dim3A_1754 : vector<1x1xf32> to vector<64x1xf32>
    %eq3A_1756 = arith.cmpf oeq, %select_n3A_1751, %eq3A_1755 : vector<64x1xf32>
    %jit3A_1757 = arith.constant 64 : i32
    %broadcast_in_dim3A_1758 = vector.broadcast %jit3A_1757 : i32 to vector<64x1xi32>
    %select_n3A_1759 = arith.select %eq3A_1756, %iota3A, %broadcast_in_dim3A_1758 : vector<64x1xi1>, vector<64x1xi32>
    %reduce_min3A_1760 = arith.constant dense<2147483647> : vector<1xi32>
    %reduce_min3A_1761 = vector.multi_reduction <minsi>, %select_n3A_1759, %reduce_min3A_1760 [0] : vector<64x1xi32> to vector<1xi32>
    %broadcast_in_dim3A_1762 = vector.shape_cast %reduce_min3A_1761 : vector<1xi32> to vector<1x1xi32>
    %eq3A_1763 = vector.broadcast %broadcast_in_dim3A_1762 : vector<1x1xi32> to vector<64x1xi32>
    %eq3A_1764 = arith.cmpi eq, %iota3A, %eq3A_1763 : vector<64x1xi32>
    %convert_element_type3A_1765 = arith.extui %eq3A_1764 : vector<64x1xi1> to vector<64x1xi32>
    %convert_element_type3A_1766 = arith.sitofp %convert_element_type3A_1765 : vector<64x1xi32> to vector<64x1xf32>
    %eq3A_1767 = arith.constant 5 : i32
    %eq3A_1768 = vector.broadcast %eq3A_1767 : i32 to vector<1x16xi32>
    %eq3A_1769 = arith.cmpi eq, %iota3A_5, %eq3A_1768 : vector<1x16xi32>
    %broadcast_in_dim3A_1770 = vector.shape_cast %broadcast_in_dim3A_1762 : vector<1x1xi32> to vector<1x1xi32>
    %broadcast_in_dim3A_1771 = vector.broadcast %broadcast_in_dim3A_1770 : vector<1x1xi32> to vector<1x16xi32>
    %select_n3A_1772 = arith.select %eq3A_1769, %broadcast_in_dim3A_1771, %select_n3A_1728 : vector<1x16xi1>, vector<1x16xi32>
    %eq3A_1773 = vector.broadcast %broadcast_in_dim3A_1762 : vector<1x1xi32> to vector<1x64xi32>
    %eq3A_1774 = arith.cmpi eq, %iota3A_4, %eq3A_1773 : vector<1x64xi32>
    %convert_element_type3A_1775 = arith.extui %eq3A_1774 : vector<1x64xi1> to vector<1x64xi32>
    %convert_element_type3A_1776 = arith.sitofp %convert_element_type3A_1775 : vector<1x64xi32> to vector<1x64xf32>
    %add3A_1777 = arith.addf %add3A_1733, %convert_element_type3A_1776 : vector<1x64xf32>
    %mul3A_1778 = vector.broadcast %convert_element_type3A_1766 : vector<64x1xf32> to vector<64x768xf32>
    %mul3A_1779 = arith.mulf %mul3A_1778, %get3A_3 : vector<64x768xf32>
    %reduce_sum3A_1780 = arith.constant dense<0.000000e+00> : vector<768xf32>
    %reduce_sum3A_1781 = vector.multi_reduction <add>, %mul3A_1779, %reduce_sum3A_1780 [0] : vector<64x768xf32> to vector<768xf32>
    %broadcast_in_dim3A_1782 = vector.shape_cast %reduce_sum3A_1781 : vector<768xf32> to vector<1x768xf32>
    %sub3A_1783 = vector.broadcast %broadcast_in_dim3A_1782 : vector<1x768xf32> to vector<64x768xf32>
    %sub3A_1784 = arith.subf %get3A_3, %sub3A_1783 : vector<64x768xf32>
    %mul3A_1785 = arith.mulf %sub3A_1784, %sub3A_1784 : vector<64x768xf32>
    %reduce_sum3A_1786 = arith.constant dense<0.000000e+00> : vector<64xf32>
    %reduce_sum3A_1787 = vector.multi_reduction <add>, %mul3A_1785, %reduce_sum3A_1786 [1] : vector<64x768xf32> to vector<64xf32>
    %broadcast_in_dim3A_1788 = vector.shape_cast %reduce_sum3A_1787 : vector<64xf32> to vector<64x1xf32>
    %min3A_1789 = arith.minimumf %select_n3A_1751, %broadcast_in_dim3A_1788 : vector<64x1xf32>
    %gt3A_1790 = arith.constant 0.000000e+00 : f32
    %gt3A_1791 = vector.broadcast %gt3A_1790 : f32 to vector<64x1xf32>
    %gt3A_1792 = arith.cmpf ogt, %convert_element_type3A_1766, %gt3A_1791 : vector<64x1xf32>
    %jit3A_1793 = arith.constant -1.000000e+00 : f32
    %broadcast_in_dim3A_1794 = vector.broadcast %jit3A_1793 : f32 to vector<64x1xf32>
    %select_n3A_1795 = arith.select %gt3A_1792, %broadcast_in_dim3A_1794, %min3A_1789 : vector<64x1xi1>, vector<64x1xf32>
    %reduce_max3A_1796 = arith.constant dense<0xFF800000> : vector<1xf32>
    %reduce_max3A_1797 = vector.multi_reduction <maximumf>, %select_n3A_1795, %reduce_max3A_1796 [0] : vector<64x1xf32> to vector<1xf32>
    %broadcast_in_dim3A_1798 = vector.shape_cast %reduce_max3A_1797 : vector<1xf32> to vector<1x1xf32>
    %eq3A_1799 = vector.broadcast %broadcast_in_dim3A_1798 : vector<1x1xf32> to vector<64x1xf32>
    %eq3A_1800 = arith.cmpf oeq, %select_n3A_1795, %eq3A_1799 : vector<64x1xf32>
    %jit3A_1801 = arith.constant 64 : i32
    %broadcast_in_dim3A_1802 = vector.broadcast %jit3A_1801 : i32 to vector<64x1xi32>
    %select_n3A_1803 = arith.select %eq3A_1800, %iota3A, %broadcast_in_dim3A_1802 : vector<64x1xi1>, vector<64x1xi32>
    %reduce_min3A_1804 = arith.constant dense<2147483647> : vector<1xi32>
    %reduce_min3A_1805 = vector.multi_reduction <minsi>, %select_n3A_1803, %reduce_min3A_1804 [0] : vector<64x1xi32> to vector<1xi32>
    %broadcast_in_dim3A_1806 = vector.shape_cast %reduce_min3A_1805 : vector<1xi32> to vector<1x1xi32>
    %eq3A_1807 = vector.broadcast %broadcast_in_dim3A_1806 : vector<1x1xi32> to vector<64x1xi32>
    %eq3A_1808 = arith.cmpi eq, %iota3A, %eq3A_1807 : vector<64x1xi32>
    %convert_element_type3A_1809 = arith.extui %eq3A_1808 : vector<64x1xi1> to vector<64x1xi32>
    %convert_element_type3A_1810 = arith.sitofp %convert_element_type3A_1809 : vector<64x1xi32> to vector<64x1xf32>
    %eq3A_1811 = arith.constant 6 : i32
    %eq3A_1812 = vector.broadcast %eq3A_1811 : i32 to vector<1x16xi32>
    %eq3A_1813 = arith.cmpi eq, %iota3A_5, %eq3A_1812 : vector<1x16xi32>
    %broadcast_in_dim3A_1814 = vector.shape_cast %broadcast_in_dim3A_1806 : vector<1x1xi32> to vector<1x1xi32>
    %broadcast_in_dim3A_1815 = vector.broadcast %broadcast_in_dim3A_1814 : vector<1x1xi32> to vector<1x16xi32>
    %select_n3A_1816 = arith.select %eq3A_1813, %broadcast_in_dim3A_1815, %select_n3A_1772 : vector<1x16xi1>, vector<1x16xi32>
    %eq3A_1817 = vector.broadcast %broadcast_in_dim3A_1806 : vector<1x1xi32> to vector<1x64xi32>
    %eq3A_1818 = arith.cmpi eq, %iota3A_4, %eq3A_1817 : vector<1x64xi32>
    %convert_element_type3A_1819 = arith.extui %eq3A_1818 : vector<1x64xi1> to vector<1x64xi32>
    %convert_element_type3A_1820 = arith.sitofp %convert_element_type3A_1819 : vector<1x64xi32> to vector<1x64xf32>
    %add3A_1821 = arith.addf %add3A_1777, %convert_element_type3A_1820 : vector<1x64xf32>
    %mul3A_1822 = vector.broadcast %convert_element_type3A_1810 : vector<64x1xf32> to vector<64x768xf32>
    %mul3A_1823 = arith.mulf %mul3A_1822, %get3A_3 : vector<64x768xf32>
    %reduce_sum3A_1824 = arith.constant dense<0.000000e+00> : vector<768xf32>
    %reduce_sum3A_1825 = vector.multi_reduction <add>, %mul3A_1823, %reduce_sum3A_1824 [0] : vector<64x768xf32> to vector<768xf32>
    %broadcast_in_dim3A_1826 = vector.shape_cast %reduce_sum3A_1825 : vector<768xf32> to vector<1x768xf32>
    %sub3A_1827 = vector.broadcast %broadcast_in_dim3A_1826 : vector<1x768xf32> to vector<64x768xf32>
    %sub3A_1828 = arith.subf %get3A_3, %sub3A_1827 : vector<64x768xf32>
    %mul3A_1829 = arith.mulf %sub3A_1828, %sub3A_1828 : vector<64x768xf32>
    %reduce_sum3A_1830 = arith.constant dense<0.000000e+00> : vector<64xf32>
    %reduce_sum3A_1831 = vector.multi_reduction <add>, %mul3A_1829, %reduce_sum3A_1830 [1] : vector<64x768xf32> to vector<64xf32>
    %broadcast_in_dim3A_1832 = vector.shape_cast %reduce_sum3A_1831 : vector<64xf32> to vector<64x1xf32>
    %min3A_1833 = arith.minimumf %select_n3A_1795, %broadcast_in_dim3A_1832 : vector<64x1xf32>
    %gt3A_1834 = arith.constant 0.000000e+00 : f32
    %gt3A_1835 = vector.broadcast %gt3A_1834 : f32 to vector<64x1xf32>
    %gt3A_1836 = arith.cmpf ogt, %convert_element_type3A_1810, %gt3A_1835 : vector<64x1xf32>
    %jit3A_1837 = arith.constant -1.000000e+00 : f32
    %broadcast_in_dim3A_1838 = vector.broadcast %jit3A_1837 : f32 to vector<64x1xf32>
    %select_n3A_1839 = arith.select %gt3A_1836, %broadcast_in_dim3A_1838, %min3A_1833 : vector<64x1xi1>, vector<64x1xf32>
    %reduce_max3A_1840 = arith.constant dense<0xFF800000> : vector<1xf32>
    %reduce_max3A_1841 = vector.multi_reduction <maximumf>, %select_n3A_1839, %reduce_max3A_1840 [0] : vector<64x1xf32> to vector<1xf32>
    %broadcast_in_dim3A_1842 = vector.shape_cast %reduce_max3A_1841 : vector<1xf32> to vector<1x1xf32>
    %eq3A_1843 = vector.broadcast %broadcast_in_dim3A_1842 : vector<1x1xf32> to vector<64x1xf32>
    %eq3A_1844 = arith.cmpf oeq, %select_n3A_1839, %eq3A_1843 : vector<64x1xf32>
    %jit3A_1845 = arith.constant 64 : i32
    %broadcast_in_dim3A_1846 = vector.broadcast %jit3A_1845 : i32 to vector<64x1xi32>
    %select_n3A_1847 = arith.select %eq3A_1844, %iota3A, %broadcast_in_dim3A_1846 : vector<64x1xi1>, vector<64x1xi32>
    %reduce_min3A_1848 = arith.constant dense<2147483647> : vector<1xi32>
    %reduce_min3A_1849 = vector.multi_reduction <minsi>, %select_n3A_1847, %reduce_min3A_1848 [0] : vector<64x1xi32> to vector<1xi32>
    %broadcast_in_dim3A_1850 = vector.shape_cast %reduce_min3A_1849 : vector<1xi32> to vector<1x1xi32>
    %eq3A_1851 = vector.broadcast %broadcast_in_dim3A_1850 : vector<1x1xi32> to vector<64x1xi32>
    %eq3A_1852 = arith.cmpi eq, %iota3A, %eq3A_1851 : vector<64x1xi32>
    %convert_element_type3A_1853 = arith.extui %eq3A_1852 : vector<64x1xi1> to vector<64x1xi32>
    %convert_element_type3A_1854 = arith.sitofp %convert_element_type3A_1853 : vector<64x1xi32> to vector<64x1xf32>
    %eq3A_1855 = arith.constant 7 : i32
    %eq3A_1856 = vector.broadcast %eq3A_1855 : i32 to vector<1x16xi32>
    %eq3A_1857 = arith.cmpi eq, %iota3A_5, %eq3A_1856 : vector<1x16xi32>
    %broadcast_in_dim3A_1858 = vector.shape_cast %broadcast_in_dim3A_1850 : vector<1x1xi32> to vector<1x1xi32>
    %broadcast_in_dim3A_1859 = vector.broadcast %broadcast_in_dim3A_1858 : vector<1x1xi32> to vector<1x16xi32>
    %select_n3A_1860 = arith.select %eq3A_1857, %broadcast_in_dim3A_1859, %select_n3A_1816 : vector<1x16xi1>, vector<1x16xi32>
    %eq3A_1861 = vector.broadcast %broadcast_in_dim3A_1850 : vector<1x1xi32> to vector<1x64xi32>
    %eq3A_1862 = arith.cmpi eq, %iota3A_4, %eq3A_1861 : vector<1x64xi32>
    %convert_element_type3A_1863 = arith.extui %eq3A_1862 : vector<1x64xi1> to vector<1x64xi32>
    %convert_element_type3A_1864 = arith.sitofp %convert_element_type3A_1863 : vector<1x64xi32> to vector<1x64xf32>
    %add3A_1865 = arith.addf %add3A_1821, %convert_element_type3A_1864 : vector<1x64xf32>
    %mul3A_1866 = vector.broadcast %convert_element_type3A_1854 : vector<64x1xf32> to vector<64x768xf32>
    %mul3A_1867 = arith.mulf %mul3A_1866, %get3A_3 : vector<64x768xf32>
    %reduce_sum3A_1868 = arith.constant dense<0.000000e+00> : vector<768xf32>
    %reduce_sum3A_1869 = vector.multi_reduction <add>, %mul3A_1867, %reduce_sum3A_1868 [0] : vector<64x768xf32> to vector<768xf32>
    %broadcast_in_dim3A_1870 = vector.shape_cast %reduce_sum3A_1869 : vector<768xf32> to vector<1x768xf32>
    %sub3A_1871 = vector.broadcast %broadcast_in_dim3A_1870 : vector<1x768xf32> to vector<64x768xf32>
    %sub3A_1872 = arith.subf %get3A_3, %sub3A_1871 : vector<64x768xf32>
    %mul3A_1873 = arith.mulf %sub3A_1872, %sub3A_1872 : vector<64x768xf32>
    %reduce_sum3A_1874 = arith.constant dense<0.000000e+00> : vector<64xf32>
    %reduce_sum3A_1875 = vector.multi_reduction <add>, %mul3A_1873, %reduce_sum3A_1874 [1] : vector<64x768xf32> to vector<64xf32>
    %broadcast_in_dim3A_1876 = vector.shape_cast %reduce_sum3A_1875 : vector<64xf32> to vector<64x1xf32>
    %min3A_1877 = arith.minimumf %select_n3A_1839, %broadcast_in_dim3A_1876 : vector<64x1xf32>
    %gt3A_1878 = arith.constant 0.000000e+00 : f32
    %gt3A_1879 = vector.broadcast %gt3A_1878 : f32 to vector<64x1xf32>
    %gt3A_1880 = arith.cmpf ogt, %convert_element_type3A_1854, %gt3A_1879 : vector<64x1xf32>
    %jit3A_1881 = arith.constant -1.000000e+00 : f32
    %broadcast_in_dim3A_1882 = vector.broadcast %jit3A_1881 : f32 to vector<64x1xf32>
    %select_n3A_1883 = arith.select %gt3A_1880, %broadcast_in_dim3A_1882, %min3A_1877 : vector<64x1xi1>, vector<64x1xf32>
    %reduce_max3A_1884 = arith.constant dense<0xFF800000> : vector<1xf32>
    %reduce_max3A_1885 = vector.multi_reduction <maximumf>, %select_n3A_1883, %reduce_max3A_1884 [0] : vector<64x1xf32> to vector<1xf32>
    %broadcast_in_dim3A_1886 = vector.shape_cast %reduce_max3A_1885 : vector<1xf32> to vector<1x1xf32>
    %eq3A_1887 = vector.broadcast %broadcast_in_dim3A_1886 : vector<1x1xf32> to vector<64x1xf32>
    %eq3A_1888 = arith.cmpf oeq, %select_n3A_1883, %eq3A_1887 : vector<64x1xf32>
    %jit3A_1889 = arith.constant 64 : i32
    %broadcast_in_dim3A_1890 = vector.broadcast %jit3A_1889 : i32 to vector<64x1xi32>
    %select_n3A_1891 = arith.select %eq3A_1888, %iota3A, %broadcast_in_dim3A_1890 : vector<64x1xi1>, vector<64x1xi32>
    %reduce_min3A_1892 = arith.constant dense<2147483647> : vector<1xi32>
    %reduce_min3A_1893 = vector.multi_reduction <minsi>, %select_n3A_1891, %reduce_min3A_1892 [0] : vector<64x1xi32> to vector<1xi32>
    %broadcast_in_dim3A_1894 = vector.shape_cast %reduce_min3A_1893 : vector<1xi32> to vector<1x1xi32>
    %eq3A_1895 = vector.broadcast %broadcast_in_dim3A_1894 : vector<1x1xi32> to vector<64x1xi32>
    %eq3A_1896 = arith.cmpi eq, %iota3A, %eq3A_1895 : vector<64x1xi32>
    %convert_element_type3A_1897 = arith.extui %eq3A_1896 : vector<64x1xi1> to vector<64x1xi32>
    %convert_element_type3A_1898 = arith.sitofp %convert_element_type3A_1897 : vector<64x1xi32> to vector<64x1xf32>
    %eq3A_1899 = arith.constant 8 : i32
    %eq3A_1900 = vector.broadcast %eq3A_1899 : i32 to vector<1x16xi32>
    %eq3A_1901 = arith.cmpi eq, %iota3A_5, %eq3A_1900 : vector<1x16xi32>
    %broadcast_in_dim3A_1902 = vector.shape_cast %broadcast_in_dim3A_1894 : vector<1x1xi32> to vector<1x1xi32>
    %broadcast_in_dim3A_1903 = vector.broadcast %broadcast_in_dim3A_1902 : vector<1x1xi32> to vector<1x16xi32>
    %select_n3A_1904 = arith.select %eq3A_1901, %broadcast_in_dim3A_1903, %select_n3A_1860 : vector<1x16xi1>, vector<1x16xi32>
    %eq3A_1905 = vector.broadcast %broadcast_in_dim3A_1894 : vector<1x1xi32> to vector<1x64xi32>
    %eq3A_1906 = arith.cmpi eq, %iota3A_4, %eq3A_1905 : vector<1x64xi32>
    %convert_element_type3A_1907 = arith.extui %eq3A_1906 : vector<1x64xi1> to vector<1x64xi32>
    %convert_element_type3A_1908 = arith.sitofp %convert_element_type3A_1907 : vector<1x64xi32> to vector<1x64xf32>
    %add3A_1909 = arith.addf %add3A_1865, %convert_element_type3A_1908 : vector<1x64xf32>
    %mul3A_1910 = vector.broadcast %convert_element_type3A_1898 : vector<64x1xf32> to vector<64x768xf32>
    %mul3A_1911 = arith.mulf %mul3A_1910, %get3A_3 : vector<64x768xf32>
    %reduce_sum3A_1912 = arith.constant dense<0.000000e+00> : vector<768xf32>
    %reduce_sum3A_1913 = vector.multi_reduction <add>, %mul3A_1911, %reduce_sum3A_1912 [0] : vector<64x768xf32> to vector<768xf32>
    %broadcast_in_dim3A_1914 = vector.shape_cast %reduce_sum3A_1913 : vector<768xf32> to vector<1x768xf32>
    %sub3A_1915 = vector.broadcast %broadcast_in_dim3A_1914 : vector<1x768xf32> to vector<64x768xf32>
    %sub3A_1916 = arith.subf %get3A_3, %sub3A_1915 : vector<64x768xf32>
    %mul3A_1917 = arith.mulf %sub3A_1916, %sub3A_1916 : vector<64x768xf32>
    %reduce_sum3A_1918 = arith.constant dense<0.000000e+00> : vector<64xf32>
    %reduce_sum3A_1919 = vector.multi_reduction <add>, %mul3A_1917, %reduce_sum3A_1918 [1] : vector<64x768xf32> to vector<64xf32>
    %broadcast_in_dim3A_1920 = vector.shape_cast %reduce_sum3A_1919 : vector<64xf32> to vector<64x1xf32>
    %min3A_1921 = arith.minimumf %select_n3A_1883, %broadcast_in_dim3A_1920 : vector<64x1xf32>
    %gt3A_1922 = arith.constant 0.000000e+00 : f32
    %gt3A_1923 = vector.broadcast %gt3A_1922 : f32 to vector<64x1xf32>
    %gt3A_1924 = arith.cmpf ogt, %convert_element_type3A_1898, %gt3A_1923 : vector<64x1xf32>
    %jit3A_1925 = arith.constant -1.000000e+00 : f32
    %broadcast_in_dim3A_1926 = vector.broadcast %jit3A_1925 : f32 to vector<64x1xf32>
    %select_n3A_1927 = arith.select %gt3A_1924, %broadcast_in_dim3A_1926, %min3A_1921 : vector<64x1xi1>, vector<64x1xf32>
    %reduce_max3A_1928 = arith.constant dense<0xFF800000> : vector<1xf32>
    %reduce_max3A_1929 = vector.multi_reduction <maximumf>, %select_n3A_1927, %reduce_max3A_1928 [0] : vector<64x1xf32> to vector<1xf32>
    %broadcast_in_dim3A_1930 = vector.shape_cast %reduce_max3A_1929 : vector<1xf32> to vector<1x1xf32>
    %eq3A_1931 = vector.broadcast %broadcast_in_dim3A_1930 : vector<1x1xf32> to vector<64x1xf32>
    %eq3A_1932 = arith.cmpf oeq, %select_n3A_1927, %eq3A_1931 : vector<64x1xf32>
    %jit3A_1933 = arith.constant 64 : i32
    %broadcast_in_dim3A_1934 = vector.broadcast %jit3A_1933 : i32 to vector<64x1xi32>
    %select_n3A_1935 = arith.select %eq3A_1932, %iota3A, %broadcast_in_dim3A_1934 : vector<64x1xi1>, vector<64x1xi32>
    %reduce_min3A_1936 = arith.constant dense<2147483647> : vector<1xi32>
    %reduce_min3A_1937 = vector.multi_reduction <minsi>, %select_n3A_1935, %reduce_min3A_1936 [0] : vector<64x1xi32> to vector<1xi32>
    %broadcast_in_dim3A_1938 = vector.shape_cast %reduce_min3A_1937 : vector<1xi32> to vector<1x1xi32>
    %eq3A_1939 = vector.broadcast %broadcast_in_dim3A_1938 : vector<1x1xi32> to vector<64x1xi32>
    %eq3A_1940 = arith.cmpi eq, %iota3A, %eq3A_1939 : vector<64x1xi32>
    %convert_element_type3A_1941 = arith.extui %eq3A_1940 : vector<64x1xi1> to vector<64x1xi32>
    %convert_element_type3A_1942 = arith.sitofp %convert_element_type3A_1941 : vector<64x1xi32> to vector<64x1xf32>
    %eq3A_1943 = arith.constant 9 : i32
    %eq3A_1944 = vector.broadcast %eq3A_1943 : i32 to vector<1x16xi32>
    %eq3A_1945 = arith.cmpi eq, %iota3A_5, %eq3A_1944 : vector<1x16xi32>
    %broadcast_in_dim3A_1946 = vector.shape_cast %broadcast_in_dim3A_1938 : vector<1x1xi32> to vector<1x1xi32>
    %broadcast_in_dim3A_1947 = vector.broadcast %broadcast_in_dim3A_1946 : vector<1x1xi32> to vector<1x16xi32>
    %select_n3A_1948 = arith.select %eq3A_1945, %broadcast_in_dim3A_1947, %select_n3A_1904 : vector<1x16xi1>, vector<1x16xi32>
    %eq3A_1949 = vector.broadcast %broadcast_in_dim3A_1938 : vector<1x1xi32> to vector<1x64xi32>
    %eq3A_1950 = arith.cmpi eq, %iota3A_4, %eq3A_1949 : vector<1x64xi32>
    %convert_element_type3A_1951 = arith.extui %eq3A_1950 : vector<1x64xi1> to vector<1x64xi32>
    %convert_element_type3A_1952 = arith.sitofp %convert_element_type3A_1951 : vector<1x64xi32> to vector<1x64xf32>
    %add3A_1953 = arith.addf %add3A_1909, %convert_element_type3A_1952 : vector<1x64xf32>
    %mul3A_1954 = vector.broadcast %convert_element_type3A_1942 : vector<64x1xf32> to vector<64x768xf32>
    %mul3A_1955 = arith.mulf %mul3A_1954, %get3A_3 : vector<64x768xf32>
    %reduce_sum3A_1956 = arith.constant dense<0.000000e+00> : vector<768xf32>
    %reduce_sum3A_1957 = vector.multi_reduction <add>, %mul3A_1955, %reduce_sum3A_1956 [0] : vector<64x768xf32> to vector<768xf32>
    %broadcast_in_dim3A_1958 = vector.shape_cast %reduce_sum3A_1957 : vector<768xf32> to vector<1x768xf32>
    %sub3A_1959 = vector.broadcast %broadcast_in_dim3A_1958 : vector<1x768xf32> to vector<64x768xf32>
    %sub3A_1960 = arith.subf %get3A_3, %sub3A_1959 : vector<64x768xf32>
    %mul3A_1961 = arith.mulf %sub3A_1960, %sub3A_1960 : vector<64x768xf32>
    %reduce_sum3A_1962 = arith.constant dense<0.000000e+00> : vector<64xf32>
    %reduce_sum3A_1963 = vector.multi_reduction <add>, %mul3A_1961, %reduce_sum3A_1962 [1] : vector<64x768xf32> to vector<64xf32>
    %broadcast_in_dim3A_1964 = vector.shape_cast %reduce_sum3A_1963 : vector<64xf32> to vector<64x1xf32>
    %min3A_1965 = arith.minimumf %select_n3A_1927, %broadcast_in_dim3A_1964 : vector<64x1xf32>
    %gt3A_1966 = arith.constant 0.000000e+00 : f32
    %gt3A_1967 = vector.broadcast %gt3A_1966 : f32 to vector<64x1xf32>
    %gt3A_1968 = arith.cmpf ogt, %convert_element_type3A_1942, %gt3A_1967 : vector<64x1xf32>
    %jit3A_1969 = arith.constant -1.000000e+00 : f32
    %broadcast_in_dim3A_1970 = vector.broadcast %jit3A_1969 : f32 to vector<64x1xf32>
    %select_n3A_1971 = arith.select %gt3A_1968, %broadcast_in_dim3A_1970, %min3A_1965 : vector<64x1xi1>, vector<64x1xf32>
    %reduce_max3A_1972 = arith.constant dense<0xFF800000> : vector<1xf32>
    %reduce_max3A_1973 = vector.multi_reduction <maximumf>, %select_n3A_1971, %reduce_max3A_1972 [0] : vector<64x1xf32> to vector<1xf32>
    %broadcast_in_dim3A_1974 = vector.shape_cast %reduce_max3A_1973 : vector<1xf32> to vector<1x1xf32>
    %eq3A_1975 = vector.broadcast %broadcast_in_dim3A_1974 : vector<1x1xf32> to vector<64x1xf32>
    %eq3A_1976 = arith.cmpf oeq, %select_n3A_1971, %eq3A_1975 : vector<64x1xf32>
    %jit3A_1977 = arith.constant 64 : i32
    %broadcast_in_dim3A_1978 = vector.broadcast %jit3A_1977 : i32 to vector<64x1xi32>
    %select_n3A_1979 = arith.select %eq3A_1976, %iota3A, %broadcast_in_dim3A_1978 : vector<64x1xi1>, vector<64x1xi32>
    %reduce_min3A_1980 = arith.constant dense<2147483647> : vector<1xi32>
    %reduce_min3A_1981 = vector.multi_reduction <minsi>, %select_n3A_1979, %reduce_min3A_1980 [0] : vector<64x1xi32> to vector<1xi32>
    %broadcast_in_dim3A_1982 = vector.shape_cast %reduce_min3A_1981 : vector<1xi32> to vector<1x1xi32>
    %eq3A_1983 = vector.broadcast %broadcast_in_dim3A_1982 : vector<1x1xi32> to vector<64x1xi32>
    %eq3A_1984 = arith.cmpi eq, %iota3A, %eq3A_1983 : vector<64x1xi32>
    %convert_element_type3A_1985 = arith.extui %eq3A_1984 : vector<64x1xi1> to vector<64x1xi32>
    %convert_element_type3A_1986 = arith.sitofp %convert_element_type3A_1985 : vector<64x1xi32> to vector<64x1xf32>
    %eq3A_1987 = arith.constant 10 : i32
    %eq3A_1988 = vector.broadcast %eq3A_1987 : i32 to vector<1x16xi32>
    %eq3A_1989 = arith.cmpi eq, %iota3A_5, %eq3A_1988 : vector<1x16xi32>
    %broadcast_in_dim3A_1990 = vector.shape_cast %broadcast_in_dim3A_1982 : vector<1x1xi32> to vector<1x1xi32>
    %broadcast_in_dim3A_1991 = vector.broadcast %broadcast_in_dim3A_1990 : vector<1x1xi32> to vector<1x16xi32>
    %select_n3A_1992 = arith.select %eq3A_1989, %broadcast_in_dim3A_1991, %select_n3A_1948 : vector<1x16xi1>, vector<1x16xi32>
    %eq3A_1993 = vector.broadcast %broadcast_in_dim3A_1982 : vector<1x1xi32> to vector<1x64xi32>
    %eq3A_1994 = arith.cmpi eq, %iota3A_4, %eq3A_1993 : vector<1x64xi32>
    %convert_element_type3A_1995 = arith.extui %eq3A_1994 : vector<1x64xi1> to vector<1x64xi32>
    %convert_element_type3A_1996 = arith.sitofp %convert_element_type3A_1995 : vector<1x64xi32> to vector<1x64xf32>
    %add3A_1997 = arith.addf %add3A_1953, %convert_element_type3A_1996 : vector<1x64xf32>
    %mul3A_1998 = vector.broadcast %convert_element_type3A_1986 : vector<64x1xf32> to vector<64x768xf32>
    %mul3A_1999 = arith.mulf %mul3A_1998, %get3A_3 : vector<64x768xf32>
    %reduce_sum3A_2000 = arith.constant dense<0.000000e+00> : vector<768xf32>
    %reduce_sum3A_2001 = vector.multi_reduction <add>, %mul3A_1999, %reduce_sum3A_2000 [0] : vector<64x768xf32> to vector<768xf32>
    %broadcast_in_dim3A_2002 = vector.shape_cast %reduce_sum3A_2001 : vector<768xf32> to vector<1x768xf32>
    %sub3A_2003 = vector.broadcast %broadcast_in_dim3A_2002 : vector<1x768xf32> to vector<64x768xf32>
    %sub3A_2004 = arith.subf %get3A_3, %sub3A_2003 : vector<64x768xf32>
    %mul3A_2005 = arith.mulf %sub3A_2004, %sub3A_2004 : vector<64x768xf32>
    %reduce_sum3A_2006 = arith.constant dense<0.000000e+00> : vector<64xf32>
    %reduce_sum3A_2007 = vector.multi_reduction <add>, %mul3A_2005, %reduce_sum3A_2006 [1] : vector<64x768xf32> to vector<64xf32>
    %broadcast_in_dim3A_2008 = vector.shape_cast %reduce_sum3A_2007 : vector<64xf32> to vector<64x1xf32>
    %min3A_2009 = arith.minimumf %select_n3A_1971, %broadcast_in_dim3A_2008 : vector<64x1xf32>
    %gt3A_2010 = arith.constant 0.000000e+00 : f32
    %gt3A_2011 = vector.broadcast %gt3A_2010 : f32 to vector<64x1xf32>
    %gt3A_2012 = arith.cmpf ogt, %convert_element_type3A_1986, %gt3A_2011 : vector<64x1xf32>
    %jit3A_2013 = arith.constant -1.000000e+00 : f32
    %broadcast_in_dim3A_2014 = vector.broadcast %jit3A_2013 : f32 to vector<64x1xf32>
    %select_n3A_2015 = arith.select %gt3A_2012, %broadcast_in_dim3A_2014, %min3A_2009 : vector<64x1xi1>, vector<64x1xf32>
    %reduce_max3A_2016 = arith.constant dense<0xFF800000> : vector<1xf32>
    %reduce_max3A_2017 = vector.multi_reduction <maximumf>, %select_n3A_2015, %reduce_max3A_2016 [0] : vector<64x1xf32> to vector<1xf32>
    %broadcast_in_dim3A_2018 = vector.shape_cast %reduce_max3A_2017 : vector<1xf32> to vector<1x1xf32>
    %eq3A_2019 = vector.broadcast %broadcast_in_dim3A_2018 : vector<1x1xf32> to vector<64x1xf32>
    %eq3A_2020 = arith.cmpf oeq, %select_n3A_2015, %eq3A_2019 : vector<64x1xf32>
    %jit3A_2021 = arith.constant 64 : i32
    %broadcast_in_dim3A_2022 = vector.broadcast %jit3A_2021 : i32 to vector<64x1xi32>
    %select_n3A_2023 = arith.select %eq3A_2020, %iota3A, %broadcast_in_dim3A_2022 : vector<64x1xi1>, vector<64x1xi32>
    %reduce_min3A_2024 = arith.constant dense<2147483647> : vector<1xi32>
    %reduce_min3A_2025 = vector.multi_reduction <minsi>, %select_n3A_2023, %reduce_min3A_2024 [0] : vector<64x1xi32> to vector<1xi32>
    %broadcast_in_dim3A_2026 = vector.shape_cast %reduce_min3A_2025 : vector<1xi32> to vector<1x1xi32>
    %eq3A_2027 = vector.broadcast %broadcast_in_dim3A_2026 : vector<1x1xi32> to vector<64x1xi32>
    %eq3A_2028 = arith.cmpi eq, %iota3A, %eq3A_2027 : vector<64x1xi32>
    %convert_element_type3A_2029 = arith.extui %eq3A_2028 : vector<64x1xi1> to vector<64x1xi32>
    %convert_element_type3A_2030 = arith.sitofp %convert_element_type3A_2029 : vector<64x1xi32> to vector<64x1xf32>
    %eq3A_2031 = arith.constant 11 : i32
    %eq3A_2032 = vector.broadcast %eq3A_2031 : i32 to vector<1x16xi32>
    %eq3A_2033 = arith.cmpi eq, %iota3A_5, %eq3A_2032 : vector<1x16xi32>
    %broadcast_in_dim3A_2034 = vector.shape_cast %broadcast_in_dim3A_2026 : vector<1x1xi32> to vector<1x1xi32>
    %broadcast_in_dim3A_2035 = vector.broadcast %broadcast_in_dim3A_2034 : vector<1x1xi32> to vector<1x16xi32>
    %select_n3A_2036 = arith.select %eq3A_2033, %broadcast_in_dim3A_2035, %select_n3A_1992 : vector<1x16xi1>, vector<1x16xi32>
    %eq3A_2037 = vector.broadcast %broadcast_in_dim3A_2026 : vector<1x1xi32> to vector<1x64xi32>
    %eq3A_2038 = arith.cmpi eq, %iota3A_4, %eq3A_2037 : vector<1x64xi32>
    %convert_element_type3A_2039 = arith.extui %eq3A_2038 : vector<1x64xi1> to vector<1x64xi32>
    %convert_element_type3A_2040 = arith.sitofp %convert_element_type3A_2039 : vector<1x64xi32> to vector<1x64xf32>
    %add3A_2041 = arith.addf %add3A_1997, %convert_element_type3A_2040 : vector<1x64xf32>
    %mul3A_2042 = vector.broadcast %convert_element_type3A_2030 : vector<64x1xf32> to vector<64x768xf32>
    %mul3A_2043 = arith.mulf %mul3A_2042, %get3A_3 : vector<64x768xf32>
    %reduce_sum3A_2044 = arith.constant dense<0.000000e+00> : vector<768xf32>
    %reduce_sum3A_2045 = vector.multi_reduction <add>, %mul3A_2043, %reduce_sum3A_2044 [0] : vector<64x768xf32> to vector<768xf32>
    %broadcast_in_dim3A_2046 = vector.shape_cast %reduce_sum3A_2045 : vector<768xf32> to vector<1x768xf32>
    %sub3A_2047 = vector.broadcast %broadcast_in_dim3A_2046 : vector<1x768xf32> to vector<64x768xf32>
    %sub3A_2048 = arith.subf %get3A_3, %sub3A_2047 : vector<64x768xf32>
    %mul3A_2049 = arith.mulf %sub3A_2048, %sub3A_2048 : vector<64x768xf32>
    %reduce_sum3A_2050 = arith.constant dense<0.000000e+00> : vector<64xf32>
    %reduce_sum3A_2051 = vector.multi_reduction <add>, %mul3A_2049, %reduce_sum3A_2050 [1] : vector<64x768xf32> to vector<64xf32>
    %broadcast_in_dim3A_2052 = vector.shape_cast %reduce_sum3A_2051 : vector<64xf32> to vector<64x1xf32>
    %min3A_2053 = arith.minimumf %select_n3A_2015, %broadcast_in_dim3A_2052 : vector<64x1xf32>
    %gt3A_2054 = arith.constant 0.000000e+00 : f32
    %gt3A_2055 = vector.broadcast %gt3A_2054 : f32 to vector<64x1xf32>
    %gt3A_2056 = arith.cmpf ogt, %convert_element_type3A_2030, %gt3A_2055 : vector<64x1xf32>
    %jit3A_2057 = arith.constant -1.000000e+00 : f32
    %broadcast_in_dim3A_2058 = vector.broadcast %jit3A_2057 : f32 to vector<64x1xf32>
    %select_n3A_2059 = arith.select %gt3A_2056, %broadcast_in_dim3A_2058, %min3A_2053 : vector<64x1xi1>, vector<64x1xf32>
    %reduce_max3A_2060 = arith.constant dense<0xFF800000> : vector<1xf32>
    %reduce_max3A_2061 = vector.multi_reduction <maximumf>, %select_n3A_2059, %reduce_max3A_2060 [0] : vector<64x1xf32> to vector<1xf32>
    %broadcast_in_dim3A_2062 = vector.shape_cast %reduce_max3A_2061 : vector<1xf32> to vector<1x1xf32>
    %eq3A_2063 = vector.broadcast %broadcast_in_dim3A_2062 : vector<1x1xf32> to vector<64x1xf32>
    %eq3A_2064 = arith.cmpf oeq, %select_n3A_2059, %eq3A_2063 : vector<64x1xf32>
    %jit3A_2065 = arith.constant 64 : i32
    %broadcast_in_dim3A_2066 = vector.broadcast %jit3A_2065 : i32 to vector<64x1xi32>
    %select_n3A_2067 = arith.select %eq3A_2064, %iota3A, %broadcast_in_dim3A_2066 : vector<64x1xi1>, vector<64x1xi32>
    %reduce_min3A_2068 = arith.constant dense<2147483647> : vector<1xi32>
    %reduce_min3A_2069 = vector.multi_reduction <minsi>, %select_n3A_2067, %reduce_min3A_2068 [0] : vector<64x1xi32> to vector<1xi32>
    %broadcast_in_dim3A_2070 = vector.shape_cast %reduce_min3A_2069 : vector<1xi32> to vector<1x1xi32>
    %eq3A_2071 = vector.broadcast %broadcast_in_dim3A_2070 : vector<1x1xi32> to vector<64x1xi32>
    %eq3A_2072 = arith.cmpi eq, %iota3A, %eq3A_2071 : vector<64x1xi32>
    %convert_element_type3A_2073 = arith.extui %eq3A_2072 : vector<64x1xi1> to vector<64x1xi32>
    %convert_element_type3A_2074 = arith.sitofp %convert_element_type3A_2073 : vector<64x1xi32> to vector<64x1xf32>
    %eq3A_2075 = arith.constant 12 : i32
    %eq3A_2076 = vector.broadcast %eq3A_2075 : i32 to vector<1x16xi32>
    %eq3A_2077 = arith.cmpi eq, %iota3A_5, %eq3A_2076 : vector<1x16xi32>
    %broadcast_in_dim3A_2078 = vector.shape_cast %broadcast_in_dim3A_2070 : vector<1x1xi32> to vector<1x1xi32>
    %broadcast_in_dim3A_2079 = vector.broadcast %broadcast_in_dim3A_2078 : vector<1x1xi32> to vector<1x16xi32>
    %select_n3A_2080 = arith.select %eq3A_2077, %broadcast_in_dim3A_2079, %select_n3A_2036 : vector<1x16xi1>, vector<1x16xi32>
    %eq3A_2081 = vector.broadcast %broadcast_in_dim3A_2070 : vector<1x1xi32> to vector<1x64xi32>
    %eq3A_2082 = arith.cmpi eq, %iota3A_4, %eq3A_2081 : vector<1x64xi32>
    %convert_element_type3A_2083 = arith.extui %eq3A_2082 : vector<1x64xi1> to vector<1x64xi32>
    %convert_element_type3A_2084 = arith.sitofp %convert_element_type3A_2083 : vector<1x64xi32> to vector<1x64xf32>
    %add3A_2085 = arith.addf %add3A_2041, %convert_element_type3A_2084 : vector<1x64xf32>
    %mul3A_2086 = vector.broadcast %convert_element_type3A_2074 : vector<64x1xf32> to vector<64x768xf32>
    %mul3A_2087 = arith.mulf %mul3A_2086, %get3A_3 : vector<64x768xf32>
    %reduce_sum3A_2088 = arith.constant dense<0.000000e+00> : vector<768xf32>
    %reduce_sum3A_2089 = vector.multi_reduction <add>, %mul3A_2087, %reduce_sum3A_2088 [0] : vector<64x768xf32> to vector<768xf32>
    %broadcast_in_dim3A_2090 = vector.shape_cast %reduce_sum3A_2089 : vector<768xf32> to vector<1x768xf32>
    %sub3A_2091 = vector.broadcast %broadcast_in_dim3A_2090 : vector<1x768xf32> to vector<64x768xf32>
    %sub3A_2092 = arith.subf %get3A_3, %sub3A_2091 : vector<64x768xf32>
    %mul3A_2093 = arith.mulf %sub3A_2092, %sub3A_2092 : vector<64x768xf32>
    %reduce_sum3A_2094 = arith.constant dense<0.000000e+00> : vector<64xf32>
    %reduce_sum3A_2095 = vector.multi_reduction <add>, %mul3A_2093, %reduce_sum3A_2094 [1] : vector<64x768xf32> to vector<64xf32>
    %broadcast_in_dim3A_2096 = vector.shape_cast %reduce_sum3A_2095 : vector<64xf32> to vector<64x1xf32>
    %min3A_2097 = arith.minimumf %select_n3A_2059, %broadcast_in_dim3A_2096 : vector<64x1xf32>
    %gt3A_2098 = arith.constant 0.000000e+00 : f32
    %gt3A_2099 = vector.broadcast %gt3A_2098 : f32 to vector<64x1xf32>
    %gt3A_2100 = arith.cmpf ogt, %convert_element_type3A_2074, %gt3A_2099 : vector<64x1xf32>
    %jit3A_2101 = arith.constant -1.000000e+00 : f32
    %broadcast_in_dim3A_2102 = vector.broadcast %jit3A_2101 : f32 to vector<64x1xf32>
    %select_n3A_2103 = arith.select %gt3A_2100, %broadcast_in_dim3A_2102, %min3A_2097 : vector<64x1xi1>, vector<64x1xf32>
    %reduce_max3A_2104 = arith.constant dense<0xFF800000> : vector<1xf32>
    %reduce_max3A_2105 = vector.multi_reduction <maximumf>, %select_n3A_2103, %reduce_max3A_2104 [0] : vector<64x1xf32> to vector<1xf32>
    %broadcast_in_dim3A_2106 = vector.shape_cast %reduce_max3A_2105 : vector<1xf32> to vector<1x1xf32>
    %eq3A_2107 = vector.broadcast %broadcast_in_dim3A_2106 : vector<1x1xf32> to vector<64x1xf32>
    %eq3A_2108 = arith.cmpf oeq, %select_n3A_2103, %eq3A_2107 : vector<64x1xf32>
    %jit3A_2109 = arith.constant 64 : i32
    %broadcast_in_dim3A_2110 = vector.broadcast %jit3A_2109 : i32 to vector<64x1xi32>
    %select_n3A_2111 = arith.select %eq3A_2108, %iota3A, %broadcast_in_dim3A_2110 : vector<64x1xi1>, vector<64x1xi32>
    %reduce_min3A_2112 = arith.constant dense<2147483647> : vector<1xi32>
    %reduce_min3A_2113 = vector.multi_reduction <minsi>, %select_n3A_2111, %reduce_min3A_2112 [0] : vector<64x1xi32> to vector<1xi32>
    %broadcast_in_dim3A_2114 = vector.shape_cast %reduce_min3A_2113 : vector<1xi32> to vector<1x1xi32>
    %eq3A_2115 = vector.broadcast %broadcast_in_dim3A_2114 : vector<1x1xi32> to vector<64x1xi32>
    %eq3A_2116 = arith.cmpi eq, %iota3A, %eq3A_2115 : vector<64x1xi32>
    %convert_element_type3A_2117 = arith.extui %eq3A_2116 : vector<64x1xi1> to vector<64x1xi32>
    %convert_element_type3A_2118 = arith.sitofp %convert_element_type3A_2117 : vector<64x1xi32> to vector<64x1xf32>
    %eq3A_2119 = arith.constant 13 : i32
    %eq3A_2120 = vector.broadcast %eq3A_2119 : i32 to vector<1x16xi32>
    %eq3A_2121 = arith.cmpi eq, %iota3A_5, %eq3A_2120 : vector<1x16xi32>
    %broadcast_in_dim3A_2122 = vector.shape_cast %broadcast_in_dim3A_2114 : vector<1x1xi32> to vector<1x1xi32>
    %broadcast_in_dim3A_2123 = vector.broadcast %broadcast_in_dim3A_2122 : vector<1x1xi32> to vector<1x16xi32>
    %select_n3A_2124 = arith.select %eq3A_2121, %broadcast_in_dim3A_2123, %select_n3A_2080 : vector<1x16xi1>, vector<1x16xi32>
    %eq3A_2125 = vector.broadcast %broadcast_in_dim3A_2114 : vector<1x1xi32> to vector<1x64xi32>
    %eq3A_2126 = arith.cmpi eq, %iota3A_4, %eq3A_2125 : vector<1x64xi32>
    %convert_element_type3A_2127 = arith.extui %eq3A_2126 : vector<1x64xi1> to vector<1x64xi32>
    %convert_element_type3A_2128 = arith.sitofp %convert_element_type3A_2127 : vector<1x64xi32> to vector<1x64xf32>
    %add3A_2129 = arith.addf %add3A_2085, %convert_element_type3A_2128 : vector<1x64xf32>
    %mul3A_2130 = vector.broadcast %convert_element_type3A_2118 : vector<64x1xf32> to vector<64x768xf32>
    %mul3A_2131 = arith.mulf %mul3A_2130, %get3A_3 : vector<64x768xf32>
    %reduce_sum3A_2132 = arith.constant dense<0.000000e+00> : vector<768xf32>
    %reduce_sum3A_2133 = vector.multi_reduction <add>, %mul3A_2131, %reduce_sum3A_2132 [0] : vector<64x768xf32> to vector<768xf32>
    %broadcast_in_dim3A_2134 = vector.shape_cast %reduce_sum3A_2133 : vector<768xf32> to vector<1x768xf32>
    %sub3A_2135 = vector.broadcast %broadcast_in_dim3A_2134 : vector<1x768xf32> to vector<64x768xf32>
    %sub3A_2136 = arith.subf %get3A_3, %sub3A_2135 : vector<64x768xf32>
    %mul3A_2137 = arith.mulf %sub3A_2136, %sub3A_2136 : vector<64x768xf32>
    %reduce_sum3A_2138 = arith.constant dense<0.000000e+00> : vector<64xf32>
    %reduce_sum3A_2139 = vector.multi_reduction <add>, %mul3A_2137, %reduce_sum3A_2138 [1] : vector<64x768xf32> to vector<64xf32>
    %broadcast_in_dim3A_2140 = vector.shape_cast %reduce_sum3A_2139 : vector<64xf32> to vector<64x1xf32>
    %min3A_2141 = arith.minimumf %select_n3A_2103, %broadcast_in_dim3A_2140 : vector<64x1xf32>
    %gt3A_2142 = arith.constant 0.000000e+00 : f32
    %gt3A_2143 = vector.broadcast %gt3A_2142 : f32 to vector<64x1xf32>
    %gt3A_2144 = arith.cmpf ogt, %convert_element_type3A_2118, %gt3A_2143 : vector<64x1xf32>
    %jit3A_2145 = arith.constant -1.000000e+00 : f32
    %broadcast_in_dim3A_2146 = vector.broadcast %jit3A_2145 : f32 to vector<64x1xf32>
    %select_n3A_2147 = arith.select %gt3A_2144, %broadcast_in_dim3A_2146, %min3A_2141 : vector<64x1xi1>, vector<64x1xf32>
    %reduce_max3A_2148 = arith.constant dense<0xFF800000> : vector<1xf32>
    %reduce_max3A_2149 = vector.multi_reduction <maximumf>, %select_n3A_2147, %reduce_max3A_2148 [0] : vector<64x1xf32> to vector<1xf32>
    %broadcast_in_dim3A_2150 = vector.shape_cast %reduce_max3A_2149 : vector<1xf32> to vector<1x1xf32>
    %eq3A_2151 = vector.broadcast %broadcast_in_dim3A_2150 : vector<1x1xf32> to vector<64x1xf32>
    %eq3A_2152 = arith.cmpf oeq, %select_n3A_2147, %eq3A_2151 : vector<64x1xf32>
    %jit3A_2153 = arith.constant 64 : i32
    %broadcast_in_dim3A_2154 = vector.broadcast %jit3A_2153 : i32 to vector<64x1xi32>
    %select_n3A_2155 = arith.select %eq3A_2152, %iota3A, %broadcast_in_dim3A_2154 : vector<64x1xi1>, vector<64x1xi32>
    %reduce_min3A_2156 = arith.constant dense<2147483647> : vector<1xi32>
    %reduce_min3A_2157 = vector.multi_reduction <minsi>, %select_n3A_2155, %reduce_min3A_2156 [0] : vector<64x1xi32> to vector<1xi32>
    %broadcast_in_dim3A_2158 = vector.shape_cast %reduce_min3A_2157 : vector<1xi32> to vector<1x1xi32>
    %eq3A_2159 = vector.broadcast %broadcast_in_dim3A_2158 : vector<1x1xi32> to vector<64x1xi32>
    %eq3A_2160 = arith.cmpi eq, %iota3A, %eq3A_2159 : vector<64x1xi32>
    %convert_element_type3A_2161 = arith.extui %eq3A_2160 : vector<64x1xi1> to vector<64x1xi32>
    %convert_element_type3A_2162 = arith.sitofp %convert_element_type3A_2161 : vector<64x1xi32> to vector<64x1xf32>
    %eq3A_2163 = arith.constant 14 : i32
    %eq3A_2164 = vector.broadcast %eq3A_2163 : i32 to vector<1x16xi32>
    %eq3A_2165 = arith.cmpi eq, %iota3A_5, %eq3A_2164 : vector<1x16xi32>
    %broadcast_in_dim3A_2166 = vector.shape_cast %broadcast_in_dim3A_2158 : vector<1x1xi32> to vector<1x1xi32>
    %broadcast_in_dim3A_2167 = vector.broadcast %broadcast_in_dim3A_2166 : vector<1x1xi32> to vector<1x16xi32>
    %select_n3A_2168 = arith.select %eq3A_2165, %broadcast_in_dim3A_2167, %select_n3A_2124 : vector<1x16xi1>, vector<1x16xi32>
    %eq3A_2169 = vector.broadcast %broadcast_in_dim3A_2158 : vector<1x1xi32> to vector<1x64xi32>
    %eq3A_2170 = arith.cmpi eq, %iota3A_4, %eq3A_2169 : vector<1x64xi32>
    %convert_element_type3A_2171 = arith.extui %eq3A_2170 : vector<1x64xi1> to vector<1x64xi32>
    %convert_element_type3A_2172 = arith.sitofp %convert_element_type3A_2171 : vector<1x64xi32> to vector<1x64xf32>
    %add3A_2173 = arith.addf %add3A_2129, %convert_element_type3A_2172 : vector<1x64xf32>
    %mul3A_2174 = vector.broadcast %convert_element_type3A_2162 : vector<64x1xf32> to vector<64x768xf32>
    %mul3A_2175 = arith.mulf %mul3A_2174, %get3A_3 : vector<64x768xf32>
    %reduce_sum3A_2176 = arith.constant dense<0.000000e+00> : vector<768xf32>
    %reduce_sum3A_2177 = vector.multi_reduction <add>, %mul3A_2175, %reduce_sum3A_2176 [0] : vector<64x768xf32> to vector<768xf32>
    %broadcast_in_dim3A_2178 = vector.shape_cast %reduce_sum3A_2177 : vector<768xf32> to vector<1x768xf32>
    %sub3A_2179 = vector.broadcast %broadcast_in_dim3A_2178 : vector<1x768xf32> to vector<64x768xf32>
    %sub3A_2180 = arith.subf %get3A_3, %sub3A_2179 : vector<64x768xf32>
    %mul3A_2181 = arith.mulf %sub3A_2180, %sub3A_2180 : vector<64x768xf32>
    %reduce_sum3A_2182 = arith.constant dense<0.000000e+00> : vector<64xf32>
    %reduce_sum3A_2183 = vector.multi_reduction <add>, %mul3A_2181, %reduce_sum3A_2182 [1] : vector<64x768xf32> to vector<64xf32>
    %broadcast_in_dim3A_2184 = vector.shape_cast %reduce_sum3A_2183 : vector<64xf32> to vector<64x1xf32>
    %min3A_2185 = arith.minimumf %select_n3A_2147, %broadcast_in_dim3A_2184 : vector<64x1xf32>
    %gt3A_2186 = arith.constant 0.000000e+00 : f32
    %gt3A_2187 = vector.broadcast %gt3A_2186 : f32 to vector<64x1xf32>
    %gt3A_2188 = arith.cmpf ogt, %convert_element_type3A_2162, %gt3A_2187 : vector<64x1xf32>
    %jit3A_2189 = arith.constant -1.000000e+00 : f32
    %broadcast_in_dim3A_2190 = vector.broadcast %jit3A_2189 : f32 to vector<64x1xf32>
    %select_n3A_2191 = arith.select %gt3A_2188, %broadcast_in_dim3A_2190, %min3A_2185 : vector<64x1xi1>, vector<64x1xf32>
    %reduce_max3A_2192 = arith.constant dense<0xFF800000> : vector<1xf32>
    %reduce_max3A_2193 = vector.multi_reduction <maximumf>, %select_n3A_2191, %reduce_max3A_2192 [0] : vector<64x1xf32> to vector<1xf32>
    %broadcast_in_dim3A_2194 = vector.shape_cast %reduce_max3A_2193 : vector<1xf32> to vector<1x1xf32>
    %eq3A_2195 = vector.broadcast %broadcast_in_dim3A_2194 : vector<1x1xf32> to vector<64x1xf32>
    %eq3A_2196 = arith.cmpf oeq, %select_n3A_2191, %eq3A_2195 : vector<64x1xf32>
    %jit3A_2197 = arith.constant 64 : i32
    %broadcast_in_dim3A_2198 = vector.broadcast %jit3A_2197 : i32 to vector<64x1xi32>
    %select_n3A_2199 = arith.select %eq3A_2196, %iota3A, %broadcast_in_dim3A_2198 : vector<64x1xi1>, vector<64x1xi32>
    %reduce_min3A_2200 = arith.constant dense<2147483647> : vector<1xi32>
    %reduce_min3A_2201 = vector.multi_reduction <minsi>, %select_n3A_2199, %reduce_min3A_2200 [0] : vector<64x1xi32> to vector<1xi32>
    %broadcast_in_dim3A_2202 = vector.shape_cast %reduce_min3A_2201 : vector<1xi32> to vector<1x1xi32>
    %eq3A_2203 = arith.constant 15 : i32
    %eq3A_2204 = vector.broadcast %eq3A_2203 : i32 to vector<1x16xi32>
    %eq3A_2205 = arith.cmpi eq, %iota3A_5, %eq3A_2204 : vector<1x16xi32>
    %broadcast_in_dim3A_2206 = vector.shape_cast %broadcast_in_dim3A_2202 : vector<1x1xi32> to vector<1x1xi32>
    %broadcast_in_dim3A_2207 = vector.broadcast %broadcast_in_dim3A_2206 : vector<1x1xi32> to vector<1x16xi32>
    %select_n3A_2208 = arith.select %eq3A_2205, %broadcast_in_dim3A_2207, %select_n3A_2168 : vector<1x16xi1>, vector<1x16xi32>
    %eq3A_2209 = vector.broadcast %broadcast_in_dim3A_2202 : vector<1x1xi32> to vector<1x64xi32>
    %eq3A_2210 = arith.cmpi eq, %iota3A_4, %eq3A_2209 : vector<1x64xi32>
    %convert_element_type3A_2211 = arith.extui %eq3A_2210 : vector<1x64xi1> to vector<1x64xi32>
    %convert_element_type3A_2212 = arith.sitofp %convert_element_type3A_2211 : vector<1x64xi32> to vector<1x64xf32>
    %add3A_2213 = arith.addf %add3A_2173, %convert_element_type3A_2212 : vector<1x64xf32>
    %swap3A = arith.constant 0 : index
    %swap3A_2214 = arith.constant 0 : index
    %swap3A_2215 = arith.constant 0 : index
    %swap3A_2216 = vector.load %arg2[%swap3A, %swap3A_2214, %swap3A_2215] : memref<1x1x16xi32, #tpu.memory_space<vmem>>, vector<1x1x16xi32>
    %swap3A_2217 = vector.shape_cast %swap3A_2216 : vector<1x1x16xi32> to vector<1x16xi32>
    %swap3A_2218 = vector.shape_cast %select_n3A_2208 : vector<1x16xi32> to vector<1x1x16xi32>
    tpu.vector_store %arg2[%swap3A, %swap3A_2214, %swap3A_2215], %swap3A_2218 {strides = array<i32>} : memref<1x1x16xi32, #tpu.memory_space<vmem>>, vector<1x1x16xi32>,
    %swap3A_2219 = arith.constant 0 : index
    %swap3A_2220 = arith.constant 0 : index
    %swap3A_2221 = arith.constant 0 : index
    %swap3A_2222 = vector.load %arg3[%swap3A_2219, %swap3A_2220, %swap3A_2221] : memref<1x1x64xf32, #tpu.memory_space<vmem>>, vector<1x1x64xf32>
    %swap3A_2223 = vector.shape_cast %swap3A_2222 : vector<1x1x64xf32> to vector<1x64xf32>
    %swap3A_2224 = vector.shape_cast %add3A_2213 : vector<1x64xf32> to vector<1x1x64xf32>
    tpu.vector_store %arg3[%swap3A_2219, %swap3A_2220, %swap3A_2221], %swap3A_2224 {strides = array<i32>} : memref<1x1x64xf32, #tpu.memory_space<vmem>>, vector<1x1x64xf32>,
    return
  }
  func.func @transform_0(%arg0: i32) -> (i32, i32, i32) {
    %c0_i32 = arith.constant 0 : i32
    %c0_i32_0 = arith.constant 0 : i32
    %c0_i32_1 = arith.constant 0 : i32
    return %arg0, %c0_i32, %c0_i32_0 : i32, i32, i32
  }
  func.func @transform_1(%arg0: i32) -> (i32, i32, i32) {
    %c0_i32 = arith.constant 0 : i32
    %c0_i32_0 = arith.constant 0 : i32
    %c0_i32_1 = arith.constant 0 : i32
    return %arg0, %c0_i32, %c0_i32_0 : i32, i32, i32
  }
  func.func @transform_2(%arg0: i32) -> (i32, i32, i32) {
    %c0_i32 = arith.constant 0 : i32
    %c0_i32_0 = arith.constant 0 : i32
    %c0_i32_1 = arith.constant 0 : i32
    return %arg0, %c0_i32, %c0_i32_0 : i32, i32, i32
  }
}

module attributes {stable_mosaic.version = 14 : i64} {
  func.func @_d2_kernel(%arg0: i32, %arg1: memref<1x208x768xf32, #tpu.memory_space<vmem>>, %arg2: memref<1x208x208xf32, #tpu.memory_space<vmem>>, %arg3: memref<1x1x208xf32, #tpu.memory_space<vmem>>) attributes {dimension_semantics = [#tpu.dimension_semantics<arbitrary>], iteration_bounds = array<i64: 32>, scalar_prefetch = 0 : i64, scratch_operands = 0 : i64, tpu.core_type = #tpu.core_type<tc>, window_params = [{transform_indices = @transform_0, window_bounds = array<i64: 1, 208, 768>}, {transform_indices = @transform_1, window_bounds = array<i64: 1, 208, 208>}, {transform_indices = @transform_2, window_bounds = array<i64: 1, 1, 208>}]} {
    %get3A = arith.constant 0 : index
    %get3A_0 = arith.constant 0 : index
    %get3A_1 = arith.constant 0 : index
    %get3A_2 = vector.load %arg1[%get3A, %get3A_0, %get3A_1] : memref<1x208x768xf32, #tpu.memory_space<vmem>>, vector<1x208x768xf32>
    %get3A_3 = vector.shape_cast %get3A_2 : vector<1x208x768xf32> to vector<208x768xf32>
    %iota3A = tpu.iota {dimensions = array<i32: 0>} : vector<208x1xi32>
    %lt3A = arith.constant 196 : i32
    %lt3A_4 = vector.broadcast %lt3A : i32 to vector<208x1xi32>
    %lt3A_5 = arith.cmpi slt, %iota3A, %lt3A_4 : vector<208x1xi32>
    %jit3A = arith.constant 0.000000e+00 : f32
    %broadcast_in_dim3A = vector.shape_cast %lt3A_5 : vector<208x1xi1> to vector<208x1xi1>
    %broadcast_in_dim3A_6 = vector.broadcast %broadcast_in_dim3A : vector<208x1xi1> to vector<208x768xi1>
    %broadcast_in_dim3A_7 = vector.broadcast %jit3A : f32 to vector<208x768xf32>
    %select_n3A = arith.select %broadcast_in_dim3A_6, %get3A_3, %broadcast_in_dim3A_7 : vector<208x768xi1>, vector<208x768xf32>
    %dot_general3A = arith.constant dense<0.000000e+00> : vector<208x208xf32>
    %dot_general3A_8 = tpu.matmul %select_n3A, %select_n3A, %dot_general3A {dimension_numbers = #tpu.dot_dimension_numbers<[1], [1], [0], [0], [0, 0, 1, 0], [], []>, precision = #tpu.contract_precision<fp32>, transpose_lhs_hint = false} : vector<208x768xf32>, vector<208x768xf32>, vector<208x208xf32> -> vector<208x208xf32>
    %iota3A_9 = tpu.iota {dimensions = array<i32: 0>} : vector<208x208xi32>
    %iota3A_10 = tpu.iota {dimensions = array<i32: 1>} : vector<208x208xi32>
    %eq3A = arith.cmpi eq, %iota3A_9, %iota3A_10 : vector<208x208xi32>
    %convert_element_type3A = arith.extui %eq3A : vector<208x208xi1> to vector<208x208xi32>
    %convert_element_type3A_11 = arith.sitofp %convert_element_type3A : vector<208x208xi32> to vector<208x208xf32>
    %mul3A = arith.mulf %dot_general3A_8, %convert_element_type3A_11 : vector<208x208xf32>
    %reduce_sum3A = arith.constant dense<0.000000e+00> : vector<208xf32>
    %reduce_sum3A_12 = vector.multi_reduction <add>, %mul3A, %reduce_sum3A [1] : vector<208x208xf32> to vector<208xf32>
    %broadcast_in_dim3A_13 = vector.shape_cast %reduce_sum3A_12 : vector<208xf32> to vector<208x1xf32>
    %mul3A_14 = arith.mulf %dot_general3A_8, %convert_element_type3A_11 : vector<208x208xf32>
    %reduce_sum3A_15 = arith.constant dense<0.000000e+00> : vector<208xf32>
    %reduce_sum3A_16 = vector.multi_reduction <add>, %mul3A_14, %reduce_sum3A_15 [0] : vector<208x208xf32> to vector<208xf32>
    %broadcast_in_dim3A_17 = vector.shape_cast %reduce_sum3A_16 : vector<208xf32> to vector<1x208xf32>
    %add3A = vector.broadcast %broadcast_in_dim3A_13 : vector<208x1xf32> to vector<208x208xf32>
    %add3A_18 = vector.broadcast %broadcast_in_dim3A_17 : vector<1x208xf32> to vector<208x208xf32>
    %add3A_19 = arith.addf %add3A, %add3A_18 : vector<208x208xf32>
    %mul3A_20 = arith.constant 2.000000e+00 : f32
    %mul3A_21 = vector.broadcast %mul3A_20 : f32 to vector<208x208xf32>
    %mul3A_22 = arith.mulf %mul3A_21, %dot_general3A_8 : vector<208x208xf32>
    %sub3A = arith.subf %add3A_19, %mul3A_22 : vector<208x208xf32>
    %ge3A = arith.constant 196 : i32
    %ge3A_23 = vector.broadcast %ge3A : i32 to vector<208x208xi32>
    %ge3A_24 = arith.cmpi sge, %iota3A_9, %ge3A_23 : vector<208x208xi32>
    %ge3A_25 = arith.constant 196 : i32
    %ge3A_26 = vector.broadcast %ge3A_25 : i32 to vector<208x208xi32>
    %ge3A_27 = arith.cmpi sge, %iota3A_10, %ge3A_26 : vector<208x208xi32>
    %or3A = arith.ori %ge3A_24, %ge3A_27 : vector<208x208xi1>
    %jit3A_28 = arith.constant -3.000000e+38 : f32
    %broadcast_in_dim3A_29 = vector.broadcast %jit3A_28 : f32 to vector<208x208xf32>
    %select_n3A_30 = arith.select %or3A, %broadcast_in_dim3A_29, %sub3A : vector<208x208xi1>, vector<208x208xf32>
    %swap3A = arith.constant 0 : index
    %swap3A_31 = arith.constant 0 : index
    %swap3A_32 = arith.constant 0 : index
    %swap3A_33 = vector.load %arg2[%swap3A, %swap3A_31, %swap3A_32] : memref<1x208x208xf32, #tpu.memory_space<vmem>>, vector<1x208x208xf32>
    %swap3A_34 = vector.shape_cast %swap3A_33 : vector<1x208x208xf32> to vector<208x208xf32>
    %swap3A_35 = vector.shape_cast %select_n3A_30 : vector<208x208xf32> to vector<1x208x208xf32>
    tpu.vector_store %arg2[%swap3A, %swap3A_31, %swap3A_32], %swap3A_35 {strides = array<i32>} : memref<1x208x208xf32, #tpu.memory_space<vmem>>, vector<1x208x208xf32>,
    %reduce_sum3A_36 = arith.constant dense<0.000000e+00> : vector<208xf32>
    %reduce_sum3A_37 = vector.multi_reduction <add>, %dot_general3A_8, %reduce_sum3A_36 [0] : vector<208x208xf32> to vector<208xf32>
    %broadcast_in_dim3A_38 = vector.shape_cast %reduce_sum3A_37 : vector<208xf32> to vector<1x208xf32>
    %mul3A_39 = arith.constant 0.00510204071 : f32
    %mul3A_40 = vector.broadcast %mul3A_39 : f32 to vector<1x208xf32>
    %mul3A_41 = arith.mulf %broadcast_in_dim3A_38, %mul3A_40 : vector<1x208xf32>
    %reduce_sum3A_42 = vector.shape_cast %dot_general3A_8 : vector<208x208xf32> to vector<1x208x208xf32>
    %reduce_sum3A_43 = arith.constant dense<0.000000e+00> : vector<1xf32>
    %reduce_sum3A_44 = vector.multi_reduction <add>, %reduce_sum3A_42, %reduce_sum3A_43 [1, 2] : vector<1x208x208xf32> to vector<1xf32>
    %reduce_sum3A_45 = vector.shape_cast %reduce_sum3A_44 : vector<1xf32> to vector<1x1x1xf32>
    %reduce_sum3A_46 = vector.extract %reduce_sum3A_45[0, 0, 0] : f32 from vector<1x1x1xf32>
    %mul3A_47 = arith.constant 2.60308207E-5 : f32
    %mul3A_48 = arith.mulf %reduce_sum3A_46, %mul3A_47 : f32
    %mul3A_49 = arith.constant 2.000000e+00 : f32
    %mul3A_50 = vector.broadcast %mul3A_49 : f32 to vector<1x208xf32>
    %mul3A_51 = arith.mulf %mul3A_50, %mul3A_41 : vector<1x208xf32>
    %sub3A_52 = arith.subf %broadcast_in_dim3A_17, %mul3A_51 : vector<1x208xf32>
    %add3A_53 = vector.broadcast %mul3A_48 : f32 to vector<1x208xf32>
    %add3A_54 = arith.addf %sub3A_52, %add3A_53 : vector<1x208xf32>
    %iota3A_55 = tpu.iota {dimensions = array<i32: 1>} : vector<1x208xi32>
    %ge3A_56 = arith.constant 196 : i32
    %ge3A_57 = vector.broadcast %ge3A_56 : i32 to vector<1x208xi32>
    %ge3A_58 = arith.cmpi sge, %iota3A_55, %ge3A_57 : vector<1x208xi32>
    %jit3A_59 = arith.constant -3.000000e+38 : f32
    %broadcast_in_dim3A_60 = vector.broadcast %jit3A_59 : f32 to vector<1x208xf32>
    %select_n3A_61 = arith.select %ge3A_58, %broadcast_in_dim3A_60, %add3A_54 : vector<1x208xi1>, vector<1x208xf32>
    %swap3A_62 = arith.constant 0 : index
    %swap3A_63 = arith.constant 0 : index
    %swap3A_64 = arith.constant 0 : index
    %swap3A_65 = vector.load %arg3[%swap3A_62, %swap3A_63, %swap3A_64] : memref<1x1x208xf32, #tpu.memory_space<vmem>>, vector<1x1x208xf32>
    %swap3A_66 = vector.shape_cast %swap3A_65 : vector<1x1x208xf32> to vector<1x208xf32>
    %swap3A_67 = vector.shape_cast %select_n3A_61 : vector<1x208xf32> to vector<1x1x208xf32>
    tpu.vector_store %arg3[%swap3A_62, %swap3A_63, %swap3A_64], %swap3A_67 {strides = array<i32>} : memref<1x1x208xf32, #tpu.memory_space<vmem>>, vector<1x1x208xf32>,
    return
  }
  func.func @transform_0(%arg0: i32) -> (i32, i32, i32) {
    %c0_i32 = arith.constant 0 : i32
    %c0_i32_0 = arith.constant 0 : i32
    %c0_i32_1 = arith.constant 0 : i32
    return %arg0, %c0_i32, %c0_i32_0 : i32, i32, i32
  }
  func.func @transform_1(%arg0: i32) -> (i32, i32, i32) {
    %c0_i32 = arith.constant 0 : i32
    %c0_i32_0 = arith.constant 0 : i32
    %c0_i32_1 = arith.constant 0 : i32
    return %arg0, %c0_i32, %c0_i32_0 : i32, i32, i32
  }
  func.func @transform_2(%arg0: i32) -> (i32, i32, i32) {
    %c0_i32 = arith.constant 0 : i32
    %c0_i32_0 = arith.constant 0 : i32
    %c0_i32_1 = arith.constant 0 : i32
    return %arg0, %c0_i32, %c0_i32_0 : i32, i32, i32
  }
}

module attributes {stable_mosaic.version = 14 : i64} {
  func.func @_mask_place_kernel(%arg0: i32, %arg1: memref<1x1x16xi32, #tpu.memory_space<vmem>>, %arg2: memref<1x16x196xf32, #tpu.memory_space<vmem>>, %arg3: memref<1x64x196xf32, #tpu.memory_space<vmem>>) attributes {dimension_semantics = [#tpu.dimension_semantics<arbitrary>], iteration_bounds = array<i64: 2>, scalar_prefetch = 0 : i64, scratch_operands = 0 : i64, tpu.core_type = #tpu.core_type<tc>, window_params = [{transform_indices = @transform_0, window_bounds = array<i64: 1, 1, 16>}, {transform_indices = @transform_1, window_bounds = array<i64: 1, 16, 196>}, {transform_indices = @transform_2, window_bounds = array<i64: 1, 64, 196>}]} {
    %get3A = arith.constant 0 : index
    %get3A_0 = arith.constant 0 : index
    %get3A_1 = arith.constant 0 : index
    %get3A_2 = vector.load %arg1[%get3A, %get3A_0, %get3A_1] : memref<1x1x16xi32, #tpu.memory_space<vmem>>, vector<1x1x16xi32>
    %get3A_3 = vector.shape_cast %get3A_2 : vector<1x1x16xi32> to vector<1x16xi32>
    %get3A_4 = arith.constant 0 : index
    %get3A_5 = arith.constant 0 : index
    %get3A_6 = arith.constant 0 : index
    %get3A_7 = vector.load %arg2[%get3A_4, %get3A_5, %get3A_6] : memref<1x16x196xf32, #tpu.memory_space<vmem>>, vector<1x16x196xf32>
    %get3A_8 = vector.shape_cast %get3A_7 : vector<1x16x196xf32> to vector<16x196xf32>
    %iota3A = tpu.iota {dimensions = array<i32: 0>} : vector<64x16xi32>
    %eq3A = vector.broadcast %get3A_3 : vector<1x16xi32> to vector<64x16xi32>
    %eq3A_9 = arith.cmpi eq, %iota3A, %eq3A : vector<64x16xi32>
    %convert_element_type3A = arith.extui %eq3A_9 : vector<64x16xi1> to vector<64x16xi32>
    %convert_element_type3A_10 = arith.sitofp %convert_element_type3A : vector<64x16xi32> to vector<64x16xf32>
    %dot_general3A = arith.constant dense<0.000000e+00> : vector<64x196xf32>
    %dot_general3A_11 = tpu.matmul %convert_element_type3A_10, %get3A_8, %dot_general3A {dimension_numbers = #tpu.dot_dimension_numbers<[1], [0], [0], [1], [0, 0, 1, 1], [], []>, transpose_lhs_hint = false} : vector<64x16xf32>, vector<16x196xf32>, vector<64x196xf32> -> vector<64x196xf32>
    %swap3A = arith.constant 0 : index
    %swap3A_12 = arith.constant 0 : index
    %swap3A_13 = arith.constant 0 : index
    %swap3A_14 = vector.load %arg3[%swap3A, %swap3A_12, %swap3A_13] : memref<1x64x196xf32, #tpu.memory_space<vmem>>, vector<1x64x196xf32>
    %swap3A_15 = vector.shape_cast %swap3A_14 : vector<1x64x196xf32> to vector<64x196xf32>
    %swap3A_16 = vector.shape_cast %dot_general3A_11 : vector<64x196xf32> to vector<1x64x196xf32>
    tpu.vector_store %arg3[%swap3A, %swap3A_12, %swap3A_13], %swap3A_16 {strides = array<i32>} : memref<1x64x196xf32, #tpu.memory_space<vmem>>, vector<1x64x196xf32>,
    return
  }
  func.func @transform_0(%arg0: i32) -> (i32, i32, i32) {
    %c0_i32 = arith.constant 0 : i32
    %c0_i32_0 = arith.constant 0 : i32
    %c0_i32_1 = arith.constant 0 : i32
    return %arg0, %c0_i32, %c0_i32_0 : i32, i32, i32
  }
  func.func @transform_1(%arg0: i32) -> (i32, i32, i32) {
    %c0_i32 = arith.constant 0 : i32
    %c0_i32_0 = arith.constant 0 : i32
    %c0_i32_1 = arith.constant 0 : i32
    return %arg0, %c0_i32, %c0_i32_0 : i32, i32, i32
  }
  func.func @transform_2(%arg0: i32) -> (i32, i32, i32) {
    %c0_i32 = arith.constant 0 : i32
    %c0_i32_0 = arith.constant 0 : i32
    %c0_i32_1 = arith.constant 0 : i32
    return %arg0, %c0_i32, %c0_i32_0 : i32, i32, i32
  }
}

</mosaic_0001>

<sc_bundles>
// kernel: kernel.11.cloned.1.call-start
scs
__scs_entry_jumppad:
0x0: {  	(pc) =	sbr.rel $0x88, $3  }
0x1: {  	(tag) =	ssettag $0x0;
	lr =	simm.s32 $0x1  }
0x2: {  	[smem:$0x3FA0] =	sst lr;
	_ =	strace $0xD0000000  }
0x3: {  	_ = 	snop  }
0x4: {  	_ = 	snop  }
0x5: {  	_ = 	snop  }
0x6: {  	_ = 	snop  }
0x7: {  	_ = 	snop  }
__scs_overlays_trampoline_lowered:
0x8: {  	[smem:$0x3FAF] =	sst s0  }
0x9: {  	[smem:$0x3FB0] =	sst s1  }
0xa: {  	[smem:$0x3FB1] =	sst s2  }
0xb: {  	[smem:$0x3FB2] =	sst s3  }
0xc: {  	[smem:$0x3FB3] =	sst s4  }
0xd: {  	[smem:$0x3FB4] =	sst s5  }
0xe: {  	[smem:$0x3FB5] =	sst s6  }
0xf: {  	[smem:$0x3FB6] =	sst s7  }
0x10: {  	[smem:$0x3FB7] =	sst s8  }
0x11: {  	[smem:$0x3FB8] =	sst s9;
	s0 =	simm.s32 @!p0 $0x0  }
0x12: {  	s1 =	sld [smem:$0x3F9E];
	s0 =	simm.s32 @p0 $0x1  }
0x13: {  	[smem:$0x3FB9] =	sst s0;
	s0 =	simm.s32 @!p1 $0x0  }
0x14: {  	s2 =	sld [smem:$0x3F9D];
	s0 =	simm.s32 @p1 $0x1  }
0x15: {  	[smem:$0x3FBA] =	sst s0;
	s0 =	simm.s32 @!p2 $0x0  }
0x16: {  	s3 =	sld [smem:$0x3FDB];
	s0 =	simm.s32 @p2 $0x1  }
0x17: {  	s4 =	simm.s32 $0x1BF5;
	[smem:$0x3FBC] =	sst s0  }
0x18: {  	s0 =	sld [smem:$0x3F9F];
	_ =	swait.ge [sflag:s4], $0x0  }
0x19: {  	s7 =	sld [smem:$0x3FA0]  }
0x1a: {  	s8 =	sadd.s32 $0xFFFFE003, lr  }
0x1b: {  	s9 =	sadd.s32 $0xFFFFFEF7, lr;
	s5 =	simm.s32 $0xFFFFFFFF;
	p2 =	slt.u32 s8, $0xFFFFF086  }
0x1c: {  	p1 =	slt.u32 s9, $0xF7A;
	s5 =	simm.s32 @!p2 $0x0  }
0x1d: {  	s5 =	simm.s32 @p1 $0x1;
	p0 =	seq.s32 s7, s2  }
0x1e: {  	s7 =	smul.u32 @!p0 $0xF7A, s2;
	p2 =	seq.s32 @!p0 s5, $0x0  }
0x1f: {  	s9 =	smul.u32 $0xF7A, s1;
	s8 =	simm.s32 @!p0 $0x1BF5;
	p2 =	por !p2, p0  }
0x20: {  	[sflag:s8] =	ssyncset.s32 @!p0 $0xFFFFF086;
	s6 =	sadd.s32 @!p0 s3, s7;
	s7 =	simm.s32 @!p0 $0x108  }
0x21: {  	s3 =	sadd.s32 s3, s9;
	s6 =	sadd.s32 @!p0 $0x88, s6;
	s7 =	simm.s32 @p2 $0x1082  }
0x22: {  	[simem:s7], [sflag:s8] =	dma.local @!p0 [hbm:s6], $0xF7A  }
0x23: {  	s9 =	sor.u32 $0xD0000000, s2;
	s6 =	simm.s32 $0x108;
	_ =	swait.ge @!p0 [sflag:s8], $0x0  }
0x24: {  	s3 =	sadd.s32 $0x88, s3;
	s6 =	simm.s32 @!p1 $0x1082;
	[sflag:s4] =	ssyncset.s32 $0xFFFFF086  }
0x25: {  	[simem:s6], [sflag:s4] =	dma.local [hbm:s3], $0xF7A  }
0x26: {  	[smem:$0x3FA0] =	sst s1;
	(tag) =	ssettag s2;
	_ =	strace s9  }
0x27: {  	s1 =	sld [smem:$0x3FB0]  }
0x28: {  	s2 =	sld [smem:$0x3FB1]  }
0x29: {  	s4 =	sld [smem:$0x3FB3]  }
0x2a: {  	p0 =	seq.s32 s5, $0x0;
	s5 =	sld [smem:$0x3FB4]  }
0x2b: {  	s6 =	sld [smem:$0x3FB5]  }
0x2c: {  	s7 =	sld [smem:$0x3FB6]  }
0x2d: {  	s3 =	simm.s32 $0x108;
	s8 =	sld [smem:$0x3FB7]  }
0x2e: {  	s3 =	simm.s32 @!p0 $0x1082;
	s9 =	sld [smem:$0x3FB8]  }
0x2f: {  	lr =	sadd.s32 s0, s3;
	s0 =	sld [smem:$0x3FAF]  }
0x30: {  	s3 =	sld [smem:$0x3FB2]  }
0x31: {  	[smem:$0x3FBB] =	sst s10  }
0x32: {  	s10 =	sld [smem:$0x3FB9];
	_ =	sdelay $0x3  }
0x33: {  	p0 =	seq.s32 s10, $0x1;
	s10 =	sld [smem:$0x3FBB];
	_ =	sdelay $0x3  }
0x34: {  	[smem:$0x3FBB] =	sst s10  }
0x35: {  	s10 =	sld [smem:$0x3FBA];
	_ =	sdelay $0x3  }
0x36: {  	p1 =	seq.s32 s10, $0x1;
	s10 =	sld [smem:$0x3FBB];
	_ =	sdelay $0x3  }
0x37: {  	[smem:$0x3FBB] =	sst s10  }
0x38: {  	s10 =	sld [smem:$0x3FBC]  }
0x39: {  	_ = 	snop;
	(pc) =	sbr.ind lr, $3  }
0x3a: {  	_ = 	snop  }
0x3b: {  	_ = 	snop  }
0x3c: {  	p2 =	seq.s32 s10, $0x1;
	s10 =	sld [smem:$0x3FBB]  }
0x3d: {  	_ =	shalt  }
0x3e: {  	_ =	shalt  }
0x3f: {  	_ =	shalt  }
0x40: {  	_ =	shalt  }
0x41: {  	_ =	shalt  }
0x42: {  	_ =	shalt  }
0x43: {  	_ =	shalt  }
0x44: {  	_ =	shalt  }
0x45: {  	_ =	shalt  }
0x46: {  	_ =	shalt  }
0x47: {  	_ =	shalt  }
0x48: {  	_ =	shalt  }
0x49: {  	_ =	shalt  }
0x4a: {  	_ =	shalt  }
0x4b: {  	_ =	shalt  }
0x4c: {  	_ =	shalt  }
0x4d: {  	_ =	shalt  }
0x4e: {  	_ =	shalt  }
0x4f: {  	_ =	shalt  }
0x50: {  	_ =	shalt  }
0x51: {  	_ =	shalt  }
0x52: {  	_ =	shalt  }
0x53: {  	_ =	shalt  }
0x54: {  	_ =	shalt  }
0x55: {  	_ =	shalt  }
0x56: {  	_ =	shalt  }
0x57: {  	_ =	shalt  }
0x58: {  	_ =	shalt  }
0x59: {  	_ =	shalt  }
0x5a: {  	_ =	shalt  }
0x5b: {  	_ =	shalt  }
0x5c: {  	_ =	shalt  }
0x5d: {  	_ =	shalt  }
0x5e: {  	_ =	shalt  }
0x5f: {  	_ =	shalt  }
0x60: {  	_ =	shalt  }
0x61: {  	_ =	shalt  }
0x62: {  	_ =	shalt  }
0x63: {  	_ =	shalt  }
0x64: {  	_ =	shalt  }
0x65: {  	_ =	shalt  }
0x66: {  	_ =	shalt  }
0x67: {  	_ =	shalt  }
0x68: {  	_ =	shalt  }
0x69: {  	_ =	shalt  }
0x6a: {  	_ =	shalt  }
0x6b: {  	_ =	shalt  }
0x6c: {  	_ =	shalt  }
0x6d: {  	_ =	shalt  }
0x6e: {  	_ =	shalt  }
0x6f: {  	_ =	shalt  }
0x70: {  	_ =	shalt  }
0x71: {  	_ =	shalt  }
0x72: {  	_ =	shalt  }
0x73: {  	_ =	shalt  }
0x74: {  	_ =	shalt  }
0x75: {  	_ =	shalt  }
0x76: {  	_ =	shalt  }
0x77: {  	_ =	shalt  }
0x78: {  	_ =	shalt  }
0x79: {  	_ =	shalt  }
0x7a: {  	_ =	shalt  }
0x7b: {  	_ =	shalt  }
0x7c: {  	_ =	shalt  }
0x7d: {  	_ =	shalt  }
0x7e: {  	_ =	shalt  }
0x7f: {  	_ =	shalt  }
0x80: {  	_ =	shalt  }
0x81: {  	_ =	shalt  }
0x82: {  	_ =	shalt  }
0x83: {  	_ =	shalt  }
0x84: {  	_ =	shalt  }
0x85: {  	_ =	shalt  }
0x86: {  	_ =	shalt  }
0x87: {  	_ =	shalt  }
.Lfunc_end0:
.L_simem_size_0:
called_computation.1_lowered:
.L_overlay_start_0:
0x88: {  	s2 =	sld [smem:$0x3FD9]  }
0x89: {  	s3 =	sld [smem:$0x3FFE];
	_ =	sdelay $0x1  }
0x8a: {  	s1 =	srdreg.scid  }
0x8b: {  	s0 =	sand.u32 $0x1, s1  }
0x8c: {  	s14 =	sshll.u32 s0, $0xA;
	s2 =	sadd.s32 s3, s2  }
0x8d: {  	s2 =	sadd.s32 s2, s14  }
0x8e: {  	[smem:$0x3FC7] =	sst s2  }
0x8f: {  	_ = 	snop  }
0x90: {  	s2 =	sld [smem:$0x3FD0];
	_ =	sdelay $0x2  }
0x91: {  	s15 =	simm.s32 $0xA;
	s4 =	simm.s32 $0x10  }
0x92: {  	[smem:s4], [sflag:s15] =	dma.local [hbm:s2], $0x1  }
0x93: {  	_ =	swait.eq [sflag:s15], $0x1  }
0x94: {  	[sflag:s15] =	ssyncset.done $0x0  }
0x95: {  	s16 =	sld [smem:$0x12];
	[sflag:s15] =	ssyncadd.s32 $0xFFFFFFFF  }
0x96: {  	s17 =	sld [smem:$0x14];
	(tm) =	ssettm $0x1  }
0x97: {  	s18 =	sld [smem:$0x3FFB];
	_ =	sdelay $0x3  }
0x98: {  	_ =	strace s18  }
0x99: {  	s4 =	sld [smem:$0x3FFC];
	_ =	sdelay $0x3  }
0x9a: {  	_ =	strace s4  }
0x9b: {  	s4 =	sld [smem:$0x3FFD];
	_ =	sdelay $0x3  }
0x9c: {  	_ =	strace s4  }
0x9d: {  	_ =	strace $0x8FFFFFFF  }
0x9e: {  	s19 =	sld [smem:$0x3FDB];
	_ =	sdelay $0x1  }
0x9f: {  	s5 =	simm.s32 $_scs_section_size  }
0xa0: {  	s6 =	simm.s32 $_size__tile_overlayer_lowered;
	s7 =	simm.s32 $_tile_overlayer_lowered  }
0xa1: {  	s22 =	simm.s32 $0x1BFF;
	s21 =	sshll.u32 s7, $0x1;
	s4 =	sadd.s32 s5, s19  }
0xa2: {  	s8 =	simm.s32 $0x0;
	s20 =	sshll.u32 s6, $0x1;
	s6 =	sadd.s32 s21, s4  }
0xa3: {  	[timem:s8], [sflag:s22] =	dma.local [hbm:s6], s20  }
0xa4: {  	_ =	swait.ge [sflag:s22], s20  }
0xa5: {  	s5 =	ssub.s32 $0x0, s20;
	[sflag:s22] =	ssyncset.done $0x0  }
0xa6: {  	[sflag:s22] =	ssyncadd.s32 s5;
	_ =	sdelay $0x1  }
0xa7: {  	s23 =	simm.s32 $0x1B8B  }
0xa8: {  	_ =	swait.ge [sflag:s23], $0x1  }
0xa9: {  	[sflag:s23] =	ssyncset.done $0x0  }
0xaa: {  	s25 =	simm.s32 $0x1B8E;
	s24 =	sld [smem:$0x3FFE];
	[sflag:s23] =	ssyncadd.s32 $0xFFFFFFFF  }
0xab: {  	s26 =	simm.s32 $execute0_lowered;
	[smem:$0x3FD2] =	sst s25  }
0xac: {  	s6 =	sshll.u32 s26, $0x1;
	_ =	strace $0x80000049;
	[dreg:$0x1] =	wrdreg $0xFFFFFFFF  }
0xad: {  	s28 =	simm.s32 $_size_execute0_lowered;
	s4 =	sadd.s32 s4, s6;
	[dreg:$0x0] =	wrdreg $0x0  }
0xae: {  	s6 =	sshll.u32 s28, $0x1;
	[dreg:$0x2] =	wrdreg s4  }
0xaf: {  	[dreg:$0x3] =	wrdreg s6  }
0xb0: {  	[dreg:$0x4] =	wrdreg $0xC0  }
0xb1: {  	_ =	task [dreg:s8], $0x5FFFF  }
0xb2: {  	[dreg:$0x1] =	wrdreg $0xFFFFFFFF  }
0xb3: {  	[dreg:$0x0] =	wrdreg $0x60  }
0xb4: {  	[dreg:$0x2] =	wrdreg s24  }
0xb5: {  	[dreg:$0x3] =	wrdreg s17  }
0xb6: {  	[dreg:$0x4] =	wrdreg s16  }
0xb7: {  	[dreg:$0x5] =	wrdreg $0x9  }
0xb8: {  	_ =	task.clear_ibuf [dreg:s8], $0x6FFFF;
	_ =	strace $0x90000049  }
0xb9: {  	s29 =	simm.s32 $0x9;
	_ =	strace $0x8000004B  }
0xba: {  	_ =	swait.ge [sflag:s29], $0x1  }
0xbb: {  	[sflag:s29] =	ssyncadd.s32 $0xFFFFFFFF  }
0xbc: {  	_ =	strace $0x9000004B  }
0xbd: {  	_ =	sfence  }
0xbe: {  	s30 =	sld [smem:$0x0];
	_ =	sdelay $0x2  }
0xbf: {  	s31 =	sshll.u32 s1, $0xD;
	s1 =	sshrl.u32 s1, $0x2  }
0xc0: {  	s3 =	sand.u32 $0x4000, s31;
	s1 =	sadd.s32 s1, s30  }
0xc1: {  	s0 =	sor.u32 s3, s0;
	s1 =	sshll.u32 s1, $0x11  }
0xc2: {  	s0 =	sor.u32 s1, s0  }
0xc3: {  	s0 =	sadd.s32 $0x8F2B, s0  }
0xc4: {  	[sflag:s0] =	ssyncadd.remote.s32 $0x1  }
0xc5: {  	_ =	sfence.sel $0xFFFF  }
0xc6: {  	[dreg:$0x0] =	wrdreg $0xFFFFFFFF;
	(pc) =	sbr.abs _section_cstart, $3  }
0xc7: {  	[dreg:$0x1] =	wrdreg $0xFFFFFFFF  }
0xc8: {  	_ =	task.clear_ibuf [dreg:s8], $0x2FFFF;
	_ =	strace $0x9FFFFFFF  }
0xc9: {  	(tm) =	ssettm $0x7FFFFFFF  }
tec
execute0_lowered:
.L_overlay_start_1:
0x0: {  	(tag) =	ssettag $0x1  }
0x1: {  	s0 =	rddreg [dreg:$0x0]  }
0x2: {  	s1 =	rddreg [dreg:$0x1]  }
0x3: {  	s10 =	rddreg [dreg:$0x2]  }
0x4: {  	s3 =	srdreg.scid;
	s5 =	stileid.u32;
	s2 =	simm.s32 $0x0  }
0x5: {  	s14 =	simm.s32 $0x400;
	s16 =	simm.s32 $0xD300;
	s15 =	simm.s32 $0x15B00  }
0x6: {  	s17 =	simm.s32 $0x16300;
	s18 =	simm.s32 $0x16B00;
	s19 =	simm.s32 $0x17300  }
0x7: {  	s20 =	simm.s32 $0x17B00;
	s21 =	simm.s32 $0x18300;
	s22 =	simm.s32 $0x18B00  }
0x8: {  	s23 =	simm.s32 $0x1;
	s24 =	simm.s32 $0xD200;
	s25 =	simm.s32 $0xD100  }
0x9: {  	s4 =	sand.u32 $0x1, s3;
	s26 =	sshll.u32 s5, $0x1;
	[smem:$0x7FF] =	sst s2  }
0xa: {  	s5 =	sshrl.u32 s5, $0x2;
	s6 =	sor.u32 s4, s26;
	_ =	strace $0x8000004A  }
0xb: {  	s8 =	sshll.u32 s5, $0xB;
	s4 =	ssub.s32 $0x2, s4;
	s3 =	smul.u32 $0x1A00, s6  }
0xc: {  	s28 =	sshll.u32 s5, $0xA;
	s26 =	simm.s32 $0x0;
	s11 =	smul.u32 $0x1800, s6  }
0xd: {  	v0 =	vlaneseq.u32;
	s7 =	sshll.u32 s6, $0x7;
	s13 =	sshrl.u32 s4, $0x1;
	s29 =	smul.u32 $0xD0, s6  }
0xe: {  	v2 =	vimm.s32 $0x0;
	vm0 =	vcmask $0x300;
	vm1 =	vmmov $0xffff;
	s6 =	sadd.s32 $0x1300, s0;
	s7 =	sand.u32 $0x380, s7;
	s13 =	ssub.s32 s4, s13  }
0xf: {  	v15 =	vimm.f32 $0.0e+00;
	v3 =	vor.u32 $0xC0, v0;
	v4 =	vor.u32 $0xB0, v0;
	s9 =	sadd.s32 s3, s0;
	s8 =	sor.u32 s8, s7;
	s3 =	sadd.s32 $0x1200, s0  }
0x10: {  	v5 =	vor.u32 $0xA0, v0;
	v6 =	vor.u32 $0x90, v0;
	v7 =	vor.u32 $0x80, v0;
	s11 =	sadd.s32 s11, s0;
	s30 =	sor.u32 s28, s7;
	s7 =	sadd.s32 $0x1400, s0  }
0x11: {  	v8 =	vor.u32 $0x70, v0;
	v9 =	vor.u32 $0x60, v0;
	v10 =	vor.u32 $0x50, v0;
	s8 =	sshrl.u32 s8, $0x3;
	s4 =	sadd.s32 $0x9D200, s9;
	s31 =	sshrl.u32 s30, $0x3  }
0x12: {  	v11 =	vor.u32 $0x40, v0;
	v12 =	vor.u32 $0x30, v0;
	v13 =	vor.u32 $0x20, v0;
	s12 =	sadd.s32 s8, s0;
	s5 =	sadd.s32 s1, s8;
	s8 =	sadd.s32 $0xD1200, s11  }
0x13: {  	v14 =	vor.u32 $0x10, v0;
	v17 =	vshrl.u32 v0, $0x3;
	v16 =	vand.u32 $0x7, v0;
	s10 =	sadd.s32 s10, s31;
	s11 =	smax.u32 s13, $0x1;
	s13 =	simm.s32 $0x80  }
0x14: {  	v18 =	vor.u32 $0x8, v0;
	v17 =	vmul.u32 $0x8, v17;
	v1 =	vmov s29;
	s1 =	simm.s32 $0x15300;
	s9 =	sadd.s32 $0x101200, s12;
	s12 =	simm.s32 $0x2  }
.LBB2_1:
0x15: {  	[tilespmem:s2], [sflag:$0x2] =	stream.linear.gather [hbm4b:s4+s2], $0xD000, $0x38;
	[tilespmem:$0x19300] =	vst v63  }
0x16: {  	_ =	swait.ge [sflag:s12], $0xD000  }
0x17: {  	[sflag:s12] =	ssyncset.done $0x0  }
0x18: {  	s0 =	simm.s32 $0xD000;
	[sflag:s12] =	ssyncadd.s32 $0xFFFF3000  }
0x19: {  	[tilespmem:s0], [sflag:$0x2] =	stream.strided.gather [hbm4b:s5+s13], $0x100, s14, s13, $0x38;
	[tilespmem:$0x19300] =	vst v63  }
0x1a: {  	_ =	swait.ge [sflag:s12], $0x100  }
0x1b: {  	[sflag:s12] =	ssyncset.done $0x0  }
0x1c: {  	[sflag:s12] =	ssyncadd.s32 $0xFFFFFF00  }
0x1d: {  	v19 =	vld [tilespmem:$0xD000]  }
0x1e: {  	v20 =	vld [tilespmem:$0xD010]  }
0x1f: {  	v21 =	vld [tilespmem:$0xD020]  }
0x20: {  	v22 =	vld [tilespmem:$0xD030]  }
0x21: {  	v23 =	vld [tilespmem:$0xD040]  }
0x22: {  	v24 =	vld [tilespmem:$0xD050]  }
0x23: {  	v25 =	vld [tilespmem:$0xD060];
	v26 =	vmax.f32 v19, v20  }
0x24: {  	v27 =	vld [tilespmem:$0xD070];
	v26 =	vmax.f32 v26, v21  }
0x25: {  	v28 =	vld [tilespmem:$0xD080];
	v26 =	vmax.f32 v26, v22  }
0x26: {  	v29 =	vld [tilespmem:$0xD090];
	v26 =	vmax.f32 v26, v23  }
0x27: {  	v30 =	vld [tilespmem:$0xD0A0];
	v26 =	vmax.f32 v26, v24  }
0x28: {  	v31 =	vld [tilespmem:$0xD0B0];
	v26 =	vmax.f32 v26, v25  }
0x29: {  	v32 =	vld [tilespmem:$0xD0C0];
	v26 =	vmax.f32 v26, v27  }
0x2a: {  	v26 =	vmax.f32 v26, v28  }
0x2b: {  	v26 =	vmax.f32 v26, v29  }
0x2c: {  	v26 =	vmax.f32 v26, v30  }
0x2d: {  	v26 =	vmax.f32 v26, v31  }
0x2e: {  	v26 =	vmax.f32 v26, v32  }
0x2f: {  	(v2sf) =	vpush v26, $0x0  }
0x30: {  	(v2sf) =	vpush v26, $0x1  }
0x31: {  	(v2sf) =	vpush v26, $0x2  }
0x32: {  	(v2sf) =	vpush v26, $0x3  }
0x33: {  	(v2sf) =	vpush v26, $0x4  }
0x34: {  	(v2sf) =	vpush v26, $0x5  }
0x35: {  	(v2sf) =	vpush v26, $0x6  }
0x36: {  	(v2sf) =	vpush v26, $0x7  }
0x37: {  	(v2sf) =	vpush v26, $0x8  }
0x38: {  	(v2sf) =	vpush v26, $0x9  }
0x39: {  	(v2sf) =	vpush v26, $0xA  }
0x3a: {  	(v2sf) =	vpush v26, $0xB  }
0x3b: {  	(v2sf) =	vpush v26, $0xC  }
0x3c: {  	(v2sf) =	vpush v26, $0xD  }
0x3d: {  	(v2sf) =	vpush v26, $0xE  }
0x3e: {  	s28 =	spop (v2sf);
	(v2sf) =	vpush v26, $0xF  }
0x3f: {  	s29 =	spop (v2sf)  }
0x40: {  	s28 =	smax.f32 s28, s29;
	s29 =	spop (v2sf)  }
0x41: {  	s28 =	smax.f32 s28, s29;
	s29 =	spop (v2sf)  }
0x42: {  	s28 =	smax.f32 s28, s29;
	s29 =	spop (v2sf)  }
0x43: {  	s28 =	smax.f32 s28, s29;
	s29 =	spop (v2sf)  }
0x44: {  	s28 =	smax.f32 s28, s29;
	s29 =	spop (v2sf)  }
0x45: {  	s28 =	smax.f32 s28, s29;
	s29 =	spop (v2sf)  }
0x46: {  	s28 =	smax.f32 s28, s29;
	s29 =	spop (v2sf)  }
0x47: {  	s28 =	smax.f32 s28, s29;
	s29 =	spop (v2sf)  }
0x48: {  	s28 =	smax.f32 s28, s29;
	s29 =	spop (v2sf)  }
0x49: {  	s28 =	smax.f32 s28, s29;
	s29 =	spop (v2sf)  }
0x4a: {  	s28 =	smax.f32 s28, s29;
	s29 =	spop (v2sf)  }
0x4b: {  	s28 =	smax.f32 s28, s29;
	s29 =	spop (v2sf)  }
0x4c: {  	s28 =	smax.f32 s28, s29;
	s29 =	spop (v2sf)  }
0x4d: {  	s28 =	smax.f32 s28, s29;
	s29 =	spop (v2sf)  }
0x4e: {  	s28 =	smax.f32 s28, s29  }
0x4f: {  	vm2 =	veq.f32 v32, s28  }
0x50: {  	vm3 =	veq.f32 v31, s28;
	v26 =	vnsel vm2, $0xD0, v3  }
0x51: {  	vm2 =	veq.f32 v30, s28;
	v26 =	vsel vm3, v4, v26  }
0x52: {  	vm3 =	veq.f32 v29, s28;
	v26 =	vsel vm2, v5, v26  }
0x53: {  	vm2 =	veq.f32 v28, s28;
	v26 =	vsel vm3, v6, v26  }
0x54: {  	vm3 =	veq.f32 v27, s28;
	v26 =	vsel vm2, v7, v26  }
0x55: {  	vm2 =	veq.f32 v25, s28;
	v25 =	vsel vm3, v8, v26  }
0x56: {  	vm3 =	veq.f32 v24, s28;
	v24 =	vsel vm2, v9, v25  }
0x57: {  	vm2 =	veq.f32 v23, s28;
	v23 =	vsel vm3, v10, v24  }
0x58: {  	vm3 =	veq.f32 v22, s28;
	v22 =	vsel vm2, v11, v23  }
0x59: {  	vm2 =	veq.f32 v21, s28;
	v21 =	vsel vm3, v12, v22  }
0x5a: {  	vm3 =	veq.f32 v20, s28;
	v20 =	vsel vm2, v13, v21  }
0x5b: {  	vm2 =	veq.f32 v19, s28;
	v19 =	vsel vm3, v14, v20  }
0x5c: {  	v19 =	vsel vm2, v0, v19  }
0x5d: {  	(v2sf) =	vpush v19, $0x0  }
0x5e: {  	(v2sf) =	vpush v19, $0x1;
	_ =	sdelay $0x1  }
0x5f: {  	(v2sf) =	vpush v19, $0x2;
	_ =	sdelay $0x1  }
0x60: {  	(v2sf) =	vpush v19, $0x3;
	_ =	sdelay $0x1  }
0x61: {  	(v2sf) =	vpush v19, $0x4;
	_ =	sdelay $0x1  }
0x62: {  	(v2sf) =	vpush v19, $0x5;
	_ =	sdelay $0x1  }
0x63: {  	(v2sf) =	vpush v19, $0x6;
	_ =	sdelay $0x1  }
0x64: {  	(v2sf) =	vpush v19, $0x7;
	_ =	sdelay $0x1  }
0x65: {  	(v2sf) =	vpush v19, $0x8;
	s28 =	spop (v2sf)  }
0x66: {  	s29 =	spop (v2sf)  }
0x67: {  	(v2sf) =	vpush v19, $0x9;
	p0 =	slt.s32 s28, s29  }
0x68: {  	s29 =	smov.u32 @p0 s28;
	s28 =	spop (v2sf)  }
0x69: {  	(v2sf) =	vpush v19, $0xA;
	p0 =	slt.s32 s29, s28  }
0x6a: {  	s28 =	smov.u32 @p0 s29;
	s29 =	spop (v2sf)  }
0x6b: {  	(v2sf) =	vpush v19, $0xB;
	p0 =	slt.s32 s28, s29  }
0x6c: {  	s29 =	smov.u32 @p0 s28;
	s28 =	spop (v2sf)  }
0x6d: {  	(v2sf) =	vpush v19, $0xC;
	p0 =	slt.s32 s29, s28  }
0x6e: {  	s28 =	smov.u32 @p0 s29;
	s29 =	spop (v2sf)  }
0x6f: {  	(v2sf) =	vpush v19, $0xD;
	p0 =	slt.s32 s28, s29  }
0x70: {  	s29 =	smov.u32 @p0 s28;
	s28 =	spop (v2sf)  }
0x71: {  	(v2sf) =	vpush v19, $0xE;
	p0 =	slt.s32 s29, s28  }
0x72: {  	s28 =	smov.u32 @p0 s29;
	s29 =	spop (v2sf)  }
0x73: {  	(v2sf) =	vpush v19, $0xF;
	p0 =	slt.s32 s28, s29  }
0x74: {  	s29 =	smov.u32 @p0 s28;
	s28 =	spop (v2sf)  }
0x75: {  	p0 =	slt.s32 s29, s28  }
0x76: {  	s28 =	smov.u32 @p0 s29;
	s29 =	spop (v2sf)  }
0x77: {  	p0 =	slt.s32 s28, s29  }
0x78: {  	s29 =	smov.u32 @p0 s28;
	s28 =	spop (v2sf)  }
0x79: {  	p0 =	slt.s32 s29, s28  }
0x7a: {  	s28 =	smov.u32 @p0 s29;
	s29 =	spop (v2sf)  }
0x7b: {  	p0 =	slt.s32 s28, s29  }
0x7c: {  	s29 =	smov.u32 @p0 s28;
	s28 =	spop (v2sf)  }
0x7d: {  	p0 =	slt.s32 s29, s28  }
0x7e: {  	s28 =	smov.u32 @p0 s29;
	s29 =	spop (v2sf)  }
0x7f: {  	p0 =	slt.s32 s28, s29  }
0x80: {  	s29 =	smov.u32 @p0 s28;
	s28 =	spop (v2sf)  }
0x81: {  	p0 =	slt.s32 s29, s28  }
0x82: {  	s28 =	smov.u32 @p0 s29;
	s29 =	spop (v2sf)  }
0x83: {  	[tilespmem:$0xD100] =	vst v2;
	p0 =	slt.s32 s28, s29  }
0x84: {  	[tilespmem:$0xD110] =	vst v2;
	s29 =	smov.u32 @p0 s28  }
0x85: {  	[tilespmem:$0xD120] =	vst v2;
	v19 =	vmov s29;
	s28 =	sshll.u32 s29, $0x8;
	s29 =	sshll.u32 s29, $0x7  }
0x86: {  	[tilespmem:$0xD130] =	vst v2;
	v20 =	vnsel vm0, $0x0, v19;
	s28 =	sand.u32 $0xFFFFF800, s28;
	s29 =	sand.u32 $0x380, s29  }
0x87: {  	[tilespmem:$0xD100] =	vst v20;
	s28 =	sor.u32 s29, s28  }
0x88: {  	v21 =	vld [tilespmem:s28+$0x0]  }
0x89: {  	v33 =	vimm.f32 $+Inf;
	v22 =	vld [tilespmem:s28+$0x10]  }
0x8a: {  	vm4 =	veq.s32 v19, v5;
	vm3 =	veq.s32 v19, v4;
	vm2 =	veq.s32 v19, v3;
	v23 =	vld [tilespmem:s28+$0x20]  }
0x8b: {  	vm7 =	veq.s32 v19, v8;
	vm6 =	veq.s32 v19, v7;
	vm5 =	veq.s32 v19, v6;
	v24 =	vld [tilespmem:s28+$0x30]  }
0x8c: {  	vm8 =	veq.s32 v19, v11;
	vm9 =	veq.s32 v19, v10;
	vm10 =	veq.s32 v19, v9;
	v25 =	vld [tilespmem:s28+$0x40]  }
0x8d: {  	vm11 =	veq.s32 v19, v13;
	vm12 =	veq.s32 v19, v12;
	vm13 =	veq.s32 v19, v0;
	v27 =	vld [tilespmem:s28+$0x50]  }
0x8e: {  	vm14 =	veq.s32 v19, v14;
	v19 =	vld [tilespmem:s28+$0x60];
	v21 =	vmin.f32 v33, v21;
	v22 =	vmin.f32 v33, v22  }
0x8f: {  	v32 =	vsel vm13, $0xBF800000, v21;
	v30 =	vsel vm14, $0xBF800000, v22;
	v21 =	vmin.f32 v33, v23;
	v22 =	vld [tilespmem:s28+$0x70]  }
0x90: {  	v23 =	vld [tilespmem:s28+$0x400];
	v29 =	vsel vm11, $0xBF800000, v21;
	v21 =	vmin.f32 v33, v24;
	v24 =	vmax.f32 v32, v30  }
0x91: {  	v34 =	vld [tilespmem:s28+$0x410];
	v31 =	vsel vm12, $0xBF800000, v21;
	v21 =	vmin.f32 v33, v25;
	v24 =	vmax.f32 v24, v29  }
0x92: {  	v35 =	vld [tilespmem:s28+$0x420];
	v26 =	vsel vm8, $0xBF800000, v21;
	v21 =	vmin.f32 v33, v27;
	v24 =	vmax.f32 v24, v31  }
0x93: {  	v19 =	vmin.f32 v33, v19;
	v27 =	vsel vm9, $0xBF800000, v21;
	v21 =	vld [tilespmem:s28+$0x430];
	v24 =	vmax.f32 v24, v26  }
0x94: {  	v36 =	vld [tilespmem:s28+$0x440];
	v28 =	vsel vm10, $0xBF800000, v19;
	v19 =	vmin.f32 v33, v22;
	v22 =	vmax.f32 v24, v27  }
0x95: {  	v25 =	vsel vm7, $0xBF800000, v19;
	v19 =	vmin.f32 v33, v23;
	v22 =	vmax.f32 v22, v28  }
0x96: {  	v24 =	vsel vm6, $0xBF800000, v19;
	v19 =	vmin.f32 v33, v34;
	v22 =	vmax.f32 v22, v25  }
0x97: {  	v23 =	vsel vm5, $0xBF800000, v19;
	v19 =	vmin.f32 v33, v35;
	v60 =	vmax.f32 v22, v24  }
0x98: {  	v22 =	vsel vm4, $0xBF800000, v19;
	v19 =	vmin.f32 v33, v21;
	v34 =	vmax.f32 v60, v23  }
0x99: {  	v21 =	vsel vm3, $0xBF800000, v19;
	v19 =	vmin.f32 v33, v36;
	v61 =	vmax.f32 v34, v22  }
0x9a: {  	v19 =	vsel vm2, $0xBF800000, v19;
	v33 =	vmax.f32 v61, v21  }
0x9b: {  	v33 =	vmax.f32 v33, v19  }
0x9c: {  	(v2sf) =	vpush v33, $0x0  }
0x9d: {  	(v2sf) =	vpush v33, $0x1  }
0x9e: {  	(v2sf) =	vpush v33, $0x2  }
0x9f: {  	(v2sf) =	vpush v33, $0x3  }
0xa0: {  	(v2sf) =	vpush v33, $0x4  }
0xa1: {  	(v2sf) =	vpush v33, $0x5  }
0xa2: {  	(v2sf) =	vpush v33, $0x6  }
0xa3: {  	(v2sf) =	vpush v33, $0x7  }
0xa4: {  	(v2sf) =	vpush v33, $0x8  }
0xa5: {  	(v2sf) =	vpush v33, $0x9  }
0xa6: {  	(v2sf) =	vpush v33, $0xA  }
0xa7: {  	(v2sf) =	vpush v33, $0xB  }
0xa8: {  	(v2sf) =	vpush v33, $0xC  }
0xa9: {  	(v2sf) =	vpush v33, $0xD  }
0xaa: {  	(v2sf) =	vpush v33, $0xE  }
0xab: {  	s28 =	spop (v2sf);
	(v2sf) =	vpush v33, $0xF  }
0xac: {  	s29 =	spop (v2sf)  }
0xad: {  	s28 =	smax.f32 s28, s29;
	s29 =	spop (v2sf)  }
0xae: {  	s28 =	smax.f32 s28, s29;
	s29 =	spop (v2sf)  }
0xaf: {  	s28 =	smax.f32 s28, s29;
	s29 =	spop (v2sf)  }
0xb0: {  	s28 =	smax.f32 s28, s29;
	s29 =	spop (v2sf)  }
0xb1: {  	s28 =	smax.f32 s28, s29;
	s29 =	spop (v2sf)  }
0xb2: {  	s28 =	smax.f32 s28, s29;
	s29 =	spop (v2sf)  }
0xb3: {  	s28 =	smax.f32 s28, s29;
	s29 =	spop (v2sf)  }
0xb4: {  	s28 =	smax.f32 s28, s29;
	s29 =	spop (v2sf)  }
0xb5: {  	s28 =	smax.f32 s28, s29;
	s29 =	spop (v2sf)  }
0xb6: {  	s28 =	smax.f32 s28, s29;
	s29 =	spop (v2sf)  }
0xb7: {  	s28 =	smax.f32 s28, s29;
	s29 =	spop (v2sf)  }
0xb8: {  	s28 =	smax.f32 s28, s29;
	s29 =	spop (v2sf)  }
0xb9: {  	s28 =	smax.f32 s28, s29;
	s29 =	spop (v2sf)  }
0xba: {  	s28 =	smax.f32 s28, s29;
	s29 =	spop (v2sf)  }
0xbb: {  	s28 =	smax.f32 s28, s29  }
0xbc: {  	vm2 =	veq.f32 v19, s28  }
0xbd: {  	vm3 =	veq.f32 v21, s28;
	v62 =	vnsel vm2, $0xD0, v3  }
0xbe: {  	vm2 =	veq.f32 v22, s28;
	v33 =	vsel vm3, v4, v62  }
0xbf: {  	vm3 =	veq.f32 v23, s28;
	v33 =	vsel vm2, v5, v33  }
0xc0: {  	vm2 =	veq.f32 v24, s28;
	v33 =	vsel vm3, v6, v33  }
0xc1: {  	vm3 =	veq.f32 v25, s28;
	v33 =	vsel vm2, v7, v33  }
0xc2: {  	vm2 =	veq.f32 v28, s28;
	v33 =	vsel vm3, v8, v33  }
0xc3: {  	vm3 =	veq.f32 v27, s28;
	v33 =	vsel vm2, v9, v33  }
0xc4: {  	vm2 =	veq.f32 v26, s28;
	v33 =	vsel vm3, v10, v33  }
0xc5: {  	vm3 =	veq.f32 v31, s28;
	v33 =	vsel vm2, v11, v33  }
0xc6: {  	vm2 =	veq.f32 v29, s28;
	v33 =	vsel vm3, v12, v33  }
0xc7: {  	vm3 =	veq.f32 v30, s28;
	v33 =	vsel vm2, v13, v33  }
0xc8: {  	vm2 =	veq.f32 v32, s28;
	v33 =	vsel vm3, v14, v33  }
0xc9: {  	v63 =	vsel vm2, v0, v33  }
0xca: {  	(v2sf) =	vpush v63, $0x0  }
0xcb: {  	(v2sf) =	vpush v63, $0x1;
	_ =	sdelay $0x1  }
0xcc: {  	(v2sf) =	vpush v63, $0x2;
	_ =	sdelay $0x1  }
0xcd: {  	(v2sf) =	vpush v63, $0x3;
	_ =	sdelay $0x1  }
0xce: {  	(v2sf) =	vpush v63, $0x4;
	_ =	sdelay $0x1  }
0xcf: {  	(v2sf) =	vpush v63, $0x5;
	_ =	sdelay $0x1  }
0xd0: {  	(v2sf) =	vpush v63, $0x6;
	_ =	sdelay $0x1  }
0xd1: {  	(v2sf) =	vpush v63, $0x7;
	_ =	sdelay $0x1  }
0xd2: {  	s28 =	spop (v2sf);
	(v2sf) =	vpush v63, $0x8  }
0xd3: {  	s29 =	spop (v2sf)  }
0xd4: {  	p0 =	slt.s32 s28, s29  }
0xd5: {  	(v2sf) =	vpush v63, $0x9;
	s29 =	smov.u32 @p0 s28;
	s28 =	spop (v2sf)  }
0xd6: {  	p0 =	slt.s32 s29, s28  }
0xd7: {  	(v2sf) =	vpush v63, $0xA;
	s28 =	smov.u32 @p0 s29;
	s29 =	spop (v2sf)  }
0xd8: {  	p0 =	slt.s32 s28, s29  }
0xd9: {  	(v2sf) =	vpush v63, $0xB;
	s29 =	smov.u32 @p0 s28;
	s28 =	spop (v2sf)  }
0xda: {  	p0 =	slt.s32 s29, s28  }
0xdb: {  	(v2sf) =	vpush v63, $0xC;
	s28 =	smov.u32 @p0 s29;
	s29 =	spop (v2sf)  }
0xdc: {  	p0 =	slt.s32 s28, s29  }
0xdd: {  	(v2sf) =	vpush v63, $0xD;
	s29 =	smov.u32 @p0 s28;
	s28 =	spop (v2sf)  }
0xde: {  	p0 =	slt.s32 s29, s28  }
0xdf: {  	(v2sf) =	vpush v63, $0xE;
	s28 =	smov.u32 @p0 s29;
	s29 =	spop (v2sf)  }
0xe0: {  	p0 =	slt.s32 s28, s29  }
0xe1: {  	s29 =	smov.u32 @p0 s28;
	s28 =	spop (v2sf);
	(v2sf) =	vpush v63, $0xF;
	_ =	sdelay $0x1  }
0xe2: {  	p0 =	slt.s32 s29, s28  }
0xe3: {  	s28 =	smov.u32 @p0 s29;
	s29 =	spop (v2sf)  }
0xe4: {  	p0 =	slt.s32 s28, s29  }
0xe5: {  	s29 =	smov.u32 @p0 s28;
	s28 =	spop (v2sf)  }
0xe6: {  	p0 =	slt.s32 s29, s28  }
0xe7: {  	s28 =	smov.u32 @p0 s29;
	s29 =	spop (v2sf)  }
0xe8: {  	p0 =	slt.s32 s28, s29  }
0xe9: {  	s29 =	smov.u32 @p0 s28;
	s28 =	spop (v2sf)  }
0xea: {  	p0 =	slt.s32 s29, s28  }
0xeb: {  	s31 =	spop (v2sf);
	s28 =	smov.u32 @p0 s29  }
0xec: {  	v35 =	vld [tilespmem:$0xD130];
	p0 =	slt.s32 s28, s31  }
0xed: {  	v34 =	vld [tilespmem:$0xD110];
	s30 =	spop (v2sf);
	s31 =	smov.u32 @p0 s28  }
0xee: {  	v33 =	vld [tilespmem:$0xD120];
	s29 =	simm.s32 $0x1;
	s28 =	simm.s32 $0x2;
	p1 =	slt.s32 s31, s30  }
.LBB2_2:
0xef: {  	p0 =	sne.s32 s28, $0x30;
	s30 =	smov.u32 @p1 s31;
	s31 =	spop (v2sf)  }
0xf0: {  	v36 =	vmov s29;
	s29 =	smov.u32 s28;
	s28 =	sadd.s32 $0x1, s28;
	p1 =	slt.s32 s30, s31  }
0xf1: {  	vm2 =	veq.s32 v36, v0;
	vm3 =	veq.s32 v36, v14;
	vm4 =	veq.s32 v36, v13;
	s31 =	smov.u32 @p1 s30  }
0xf2: {  	v20 =	vsel vm2, s31, v20;
	v34 =	vsel vm3, s31, v34;
	vm2 =	veq.s32 v36, v12  }
0xf3: {  	s30 =	sshll.u32 s31, $0x8;
	s0 =	sshll.u32 s31, $0x7;
	v36 =	vmov s31;
	v33 =	vsel vm4, s31, v33;
	[tilespmem:$0xD100] =	vst v20;
	v35 =	vsel vm2, s31, v35  }
0xf4: {  	s30 =	sand.u32 $0xFFFFF800, s30;
	s0 =	sand.u32 $0x380, s0;
	[tilespmem:$0xD120] =	vst v33  }
0xf5: {  	s0 =	sor.u32 s0, s30;
	[tilespmem:$0xD130] =	vst v35  }
0xf6: {  	[tilespmem:$0xD110] =	vst v34  }
0xf7: {  	v37 =	vld [tilespmem:s0+$0x0]  }
0xf8: {  	v38 =	vld [tilespmem:s0+$0x10]  }
0xf9: {  	vm4 =	veq.s32 v36, v5;
	vm3 =	veq.s32 v36, v4;
	vm2 =	veq.s32 v36, v3;
	v39 =	vld [tilespmem:s0+$0x20]  }
0xfa: {  	vm7 =	veq.s32 v36, v8;
	vm6 =	veq.s32 v36, v7;
	vm5 =	veq.s32 v36, v6;
	v40 =	vld [tilespmem:s0+$0x30]  }
0xfb: {  	vm10 =	veq.s32 v36, v11;
	vm9 =	veq.s32 v36, v10;
	vm8 =	veq.s32 v36, v9;
	v41 =	vld [tilespmem:s0+$0x40]  }
0xfc: {  	vm11 =	veq.s32 v36, v13;
	vm12 =	veq.s32 v36, v12;
	v32 =	vmin.f32 v32, v37;
	v37 =	vld [tilespmem:s0+$0x50]  }
0xfd: {  	vm13 =	veq.s32 v36, v0;
	vm14 =	veq.s32 v36, v14;
	v30 =	vmin.f32 v30, v38;
	v36 =	vld [tilespmem:s0+$0x60]  }
0xfe: {  	v32 =	vsel vm13, $0xBF800000, v32;
	v30 =	vsel vm14, $0xBF800000, v30;
	v29 =	vmin.f32 v29, v39;
	v38 =	vld [tilespmem:s0+$0x70]  }
0xff: {  	v29 =	vsel vm11, $0xBF800000, v29;
	v31 =	vmin.f32 v31, v40;
	v39 =	vld [tilespmem:s0+$0x400];
	v40 =	vmax.f32 v32, v30  }
0x100: {  	v31 =	vsel vm12, $0xBF800000, v31;
	v26 =	vmin.f32 v26, v41;
	v41 =	vld [tilespmem:s0+$0x410];
	v40 =	vmax.f32 v40, v29  }
0x101: {  	v26 =	vsel vm10, $0xBF800000, v26;
	v27 =	vmin.f32 v27, v37;
	v37 =	vld [tilespmem:s0+$0x420];
	v40 =	vmax.f32 v40, v31  }
0x102: {  	v27 =	vsel vm9, $0xBF800000, v27;
	v28 =	vmin.f32 v28, v36;
	v36 =	vld [tilespmem:s0+$0x430];
	v40 =	vmax.f32 v40, v26  }
0x103: {  	v28 =	vsel vm8, $0xBF800000, v28;
	v25 =	vmin.f32 v25, v38;
	v38 =	vld [tilespmem:s0+$0x440];
	v40 =	vmax.f32 v40, v27  }
0x104: {  	v25 =	vsel vm7, $0xBF800000, v25;
	v24 =	vmin.f32 v24, v39;
	v39 =	vmax.f32 v40, v28  }
0x105: {  	v24 =	vsel vm6, $0xBF800000, v24;
	v23 =	vmin.f32 v23, v41;
	v39 =	vmax.f32 v39, v25  }
0x106: {  	v23 =	vsel vm5, $0xBF800000, v23;
	v22 =	vmin.f32 v22, v37;
	v37 =	vmax.f32 v39, v24  }
0x107: {  	v22 =	vsel vm4, $0xBF800000, v22;
	v21 =	vmin.f32 v21, v36;
	v36 =	vmax.f32 v37, v23  }
0x108: {  	v21 =	vsel vm3, $0xBF800000, v21;
	v19 =	vmin.f32 v19, v38;
	v36 =	vmax.f32 v36, v22  }
0x109: {  	v19 =	vsel vm2, $0xBF800000, v19;
	v36 =	vmax.f32 v36, v21  }
0x10a: {  	v36 =	vmax.f32 v36, v19  }
0x10b: {  	(v2sf) =	vpush v36, $0x0  }
0x10c: {  	(v2sf) =	vpush v36, $0x1  }
0x10d: {  	(v2sf) =	vpush v36, $0x2  }
0x10e: {  	(v2sf) =	vpush v36, $0x3  }
0x10f: {  	(v2sf) =	vpush v36, $0x4  }
0x110: {  	(v2sf) =	vpush v36, $0x5  }
0x111: {  	(v2sf) =	vpush v36, $0x6  }
0x112: {  	(v2sf) =	vpush v36, $0x7  }
0x113: {  	(v2sf) =	vpush v36, $0x8  }
0x114: {  	(v2sf) =	vpush v36, $0x9  }
0x115: {  	(v2sf) =	vpush v36, $0xA  }
0x116: {  	(v2sf) =	vpush v36, $0xB  }
0x117: {  	(v2sf) =	vpush v36, $0xC  }
0x118: {  	(v2sf) =	vpush v36, $0xD  }
0x119: {  	(v2sf) =	vpush v36, $0xE  }
0x11a: {  	s0 =	spop (v2sf);
	(v2sf) =	vpush v36, $0xF  }
0x11b: {  	s30 =	spop (v2sf)  }
0x11c: {  	s0 =	smax.f32 s0, s30;
	s30 =	spop (v2sf)  }
0x11d: {  	s0 =	smax.f32 s0, s30;
	s30 =	spop (v2sf)  }
0x11e: {  	s0 =	smax.f32 s0, s30;
	s30 =	spop (v2sf)  }
0x11f: {  	s0 =	smax.f32 s0, s30;
	s30 =	spop (v2sf)  }
0x120: {  	s0 =	smax.f32 s0, s30;
	s30 =	spop (v2sf)  }
0x121: {  	s0 =	smax.f32 s0, s30;
	s30 =	spop (v2sf)  }
0x122: {  	s0 =	smax.f32 s0, s30;
	s30 =	spop (v2sf)  }
0x123: {  	s0 =	smax.f32 s0, s30;
	s30 =	spop (v2sf)  }
0x124: {  	s0 =	smax.f32 s0, s30;
	s30 =	spop (v2sf)  }
0x125: {  	s0 =	smax.f32 s0, s30;
	s30 =	spop (v2sf)  }
0x126: {  	s0 =	smax.f32 s0, s30;
	s30 =	spop (v2sf)  }
0x127: {  	s0 =	smax.f32 s0, s30;
	s30 =	spop (v2sf)  }
0x128: {  	s0 =	smax.f32 s0, s30;
	s30 =	spop (v2sf)  }
0x129: {  	s0 =	smax.f32 s0, s30;
	s30 =	spop (v2sf)  }
0x12a: {  	s0 =	smax.f32 s0, s30  }
0x12b: {  	vm2 =	veq.f32 v27, s0;
	vm3 =	veq.f32 v28, s0;
	vm4 =	veq.f32 v19, s0  }
0x12c: {  	vm5 =	veq.f32 v26, s0;
	vm6 =	veq.f32 v21, s0;
	v36 =	vnsel vm4, $0xD0, v3  }
0x12d: {  	vm7 =	veq.f32 v22, s0;
	vm4 =	veq.f32 v31, s0;
	v36 =	vsel vm6, v4, v36  }
0x12e: {  	vm8 =	veq.f32 v23, s0;
	vm6 =	veq.f32 v29, s0;
	v36 =	vsel vm7, v5, v36  }
0x12f: {  	vm9 =	veq.f32 v24, s0;
	vm7 =	veq.f32 v30, s0;
	v36 =	vsel vm8, v6, v36  }
0x130: {  	vm10 =	veq.f32 v25, s0;
	vm8 =	veq.f32 v32, s0;
	v36 =	vsel vm9, v7, v36  }
0x131: {  	v36 =	vsel vm10, v8, v36  }
0x132: {  	v36 =	vsel vm3, v9, v36  }
0x133: {  	v36 =	vsel vm2, v10, v36  }
0x134: {  	v36 =	vsel vm5, v11, v36  }
0x135: {  	v36 =	vsel vm4, v12, v36  }
0x136: {  	v36 =	vsel vm6, v13, v36  }
0x137: {  	v36 =	vsel vm7, v14, v36  }
0x138: {  	v36 =	vsel vm8, v0, v36  }
0x139: {  	(v2sf) =	vpush v36, $0x0  }
0x13a: {  	(v2sf) =	vpush v36, $0x1;
	_ =	sdelay $0x1  }
0x13b: {  	(v2sf) =	vpush v36, $0x2;
	_ =	sdelay $0x1  }
0x13c: {  	(v2sf) =	vpush v36, $0x3;
	_ =	sdelay $0x1  }
0x13d: {  	(v2sf) =	vpush v36, $0x4;
	_ =	sdelay $0x1  }
0x13e: {  	(v2sf) =	vpush v36, $0x5;
	_ =	sdelay $0x1  }
0x13f: {  	(v2sf) =	vpush v36, $0x6;
	_ =	sdelay $0x1  }
0x140: {  	(v2sf) =	vpush v36, $0x7;
	_ =	sdelay $0x1  }
0x141: {  	s0 =	spop (v2sf);
	(v2sf) =	vpush v36, $0x8  }
0x142: {  	s30 =	spop (v2sf)  }
0x143: {  	p1 =	slt.s32 s0, s30;
	(v2sf) =	vpush v36, $0x9  }
0x144: {  	s30 =	smov.u32 @p1 s0;
	s0 =	spop (v2sf)  }
0x145: {  	p1 =	slt.s32 s30, s0;
	(v2sf) =	vpush v36, $0xA  }
0x146: {  	s0 =	smov.u32 @p1 s30;
	s30 =	spop (v2sf)  }
0x147: {  	p1 =	slt.s32 s0, s30;
	(v2sf) =	vpush v36, $0xB  }
0x148: {  	s30 =	smov.u32 @p1 s0;
	s0 =	spop (v2sf)  }
0x149: {  	p1 =	slt.s32 s30, s0;
	(v2sf) =	vpush v36, $0xC  }
0x14a: {  	s0 =	smov.u32 @p1 s30;
	s30 =	spop (v2sf)  }
0x14b: {  	p1 =	slt.s32 s0, s30;
	(v2sf) =	vpush v36, $0xD  }
0x14c: {  	s30 =	smov.u32 @p1 s0;
	s0 =	spop (v2sf)  }
0x14d: {  	p1 =	slt.s32 s30, s0;
	(v2sf) =	vpush v36, $0xE  }
0x14e: {  	s0 =	smov.u32 @p1 s30;
	s30 =	spop (v2sf)  }
0x14f: {  	p1 =	slt.s32 s0, s30;
	(v2sf) =	vpush v36, $0xF  }
0x150: {  	s30 =	smov.u32 @p1 s0;
	s0 =	spop (v2sf)  }
0x151: {  	p1 =	slt.s32 s30, s0  }
0x152: {  	s0 =	smov.u32 @p1 s30;
	s30 =	spop (v2sf)  }
0x153: {  	p1 =	slt.s32 s0, s30  }
0x154: {  	s30 =	smov.u32 @p1 s0;
	s0 =	spop (v2sf)  }
0x155: {  	p1 =	slt.s32 s30, s0  }
0x156: {  	s0 =	smov.u32 @p1 s30;
	s30 =	spop (v2sf)  }
0x157: {  	p1 =	slt.s32 s0, s30  }
0x158: {  	s30 =	smov.u32 @p1 s0;
	s0 =	spop (v2sf)  }
.Ltmp0:
0x159: {  	p1 =	slt.s32 s30, s0;
	(pc) =	sbr.rel @p0 .LBB2_2-.Ltmp0, $4  }
0x15a: {  	s0 =	smov.u32 @p1 s30;
	s31 =	spop (v2sf)  }
0x15b: {  	p1 =	slt.s32 s0, s31  }
0x15c: {  	s31 =	smov.u32 @p1 s0;
	s30 =	spop (v2sf)  }
0x15d: {  	p1 =	slt.s32 s31, s30  }
0x15e: {  	s30 =	smov.u32 @p1 s31;
	s0 =	spop (v2sf);
	v36 =	vmov s29;
	vm5 =	veq.f32 v32, $-1.000000000e+00;
	vm12 =	veq.f32 v29, $-1.000000000e+00  }
0x15f: {  	vm14 =	veq.f32 v31, $-1.000000000e+00;
	vm15 =	veq.f32 v27, $-1.000000000e+00;
	vm9 =	veq.f32 v28, $-1.000000000e+00;
	p0 =	slt.s32 s30, s0  }
0x160: {  	vm10 =	veq.f32 v24, $-1.000000000e+00;
	vm2 =	veq.s32 v36, v0;
	vm3 =	veq.s32 v36, v14;
	s0 =	smov.u32 @p0 s30  }
0x161: {  	vm4 =	veq.s32 v36, v13;
	v20 =	vsel vm2, s0, v20;
	v42 =	vmov s0  }
0x162: {  	vm2 =	veq.s32 v36, v12;
	v34 =	vsel vm3, s0, v34;
	vm3 =	veq.s32 v42, v0  }
0x163: {  	v43 =	vsel vm4, s0, v33;
	v44 =	vsel vm2, s0, v35;
	[tilespmem:$0xD100] =	vst v20;
	vm2 =	vmor vm3, vm5  }
0x164: {  	[tilespmem:$0xD110] =	vst v34;
	vm3 =	veq.f32 v30, $-1.000000000e+00;
	v50 =	vld [tilespmem:$0xD100];
	v45 =	vsel vm2, $0x3F800000, v15;
	vm2 =	veq.s32 v42, v14  }
0x165: {  	vm13 =	veq.s32 v42, v12;
	[tilespmem:$0xD120] =	vst v43;
	v57 =	vld [tilespmem:$0xD110];
	vm2 =	vmor vm2, vm3;
	vm3 =	veq.s32 v42, v13  }
0x166: {  	vm8 =	veq.s32 v42, v9;
	vm11 =	veq.s32 v42, v6;
	[tilespmem:$0xD130] =	vst v44;
	vm3 =	vmor vm3, vm12  }
0x167: {  	[tilespmem:$0xD200] =	vst v45;
	v20 =	vsel vm2, $0x3F800000, v15;
	vm2 =	vmor vm13, vm14;
	v46 =	vsel vm3, $0x3F800000, v15  }
0x168: {  	v47 =	vsel vm2, $0x3F800000, v15;
	vm2 =	veq.s32 v42, v11;
	vm3 =	veq.f32 v26, $-1.000000000e+00;
	[tilespmem:$0xD210] =	vst v20  }
0x169: {  	vm12 =	veq.f32 v23, $-1.000000000e+00;
	vm2 =	vmor vm2, vm3;
	vm3 =	veq.s32 v42, v10;
	[tilespmem:$0xD220] =	vst v46  }
0x16a: {  	[tilespmem:$0xD230] =	vst v47;
	v53 =	vadd.s32 v1, v50;
	v63 =	vadd.s32 v1, v57;
	vm3 =	vmor vm3, vm15  }
0x16b: {  	v48 =	vsel vm2, $0x3F800000, v15;
	vm2 =	vmor vm8, vm9;
	[tilespmem:$0xD180] =	vst v53;
	v49 =	vsel vm3, $0x3F800000, v15  }
0x16c: {  	[tilespmem:$0xD190] =	vst v63;
	v20 =	vsel vm2, $0x3F800000, v15;
	vm2 =	veq.s32 v42, v8;
	vm3 =	veq.f32 v25, $-1.000000000e+00  }
0x16d: {  	v54 =	vshrl.u32 v53, $0x3;
	vm15 =	veq.f32 v19, $-1.000000000e+00;
	v19 =	vld [tilespmem:$0xD120];
	[tilespmem:$0xD240] =	vst v48;
	vm2 =	vmor vm2, vm3  }
0x16e: {  	v55 =	vmul.u32 $0x30, v54;
	[tilespmem:$0xD250] =	vst v49;
	v51 =	vsel vm2, $0x3F800000, v15;
	vm2 =	vmor vm11, vm12  }
0x16f: {  	v60 =	vld [tilespmem:$0xD130];
	v58 =	vand.u32 $0x7, v50;
	vm3 =	veq.s32 v42, v7;
	[tilespmem:$0xD260] =	vst v20;
	v20 =	vsel vm2, $0x3F800000, v15  }
0x170: {  	vm13 =	veq.f32 v22, $-1.000000000e+00;
	vm3 =	vmor vm3, vm10;
	[tilespmem:$0xD290] =	vst v20;
	v20 =	vor.u32 v58, v55  }
0x171: {  	v52 =	vsel vm3, $0x3F800000, v15;
	vm3 =	veq.s32 v42, v5;
	[tilespmem:$0xD270] =	vst v51;
	v25 =	vperm.xlane v20, v16  }
0x172: {  	vm14 =	veq.f32 v21, $-1.000000000e+00;
	vm2 =	vmor vm3, vm13;
	[tilespmem:$0xD280] =	vst v52;
	v19 =	vadd.s32 v1, v19  }
0x173: {  	vm3 =	veq.s32 v42, v4;
	v56 =	vsel vm2, $0x3F800000, v15;
	[tilespmem:$0xD1A0] =	vst v19;
	v62 =	vadd.s32 v17, v25  }
0x174: {  	vm2 =	vmor vm3, vm14;
	vm3 =	veq.s32 v42, v3;
	v19 =	vadd.s32 v1, v60;
	[tilespmem:$0xD2A0] =	vst v56  }
0x175: {  	v59 =	vsel vm2, $0x3F800000, v15;
	vm2 =	vmor vm3, vm15;
	[tilespmem:$0xD1B0] =	vst v19  }
0x176: {  	[tilespmem:$0xD2B0] =	vst v59;
	v61 =	vsel vm2, $0x3F800000, v15  }
0x177: {  	v19 =	vperm.xlane v20, v18;
	[tilespmem:$0xD2C0] =	vst v61  }
0x178: {  	[tilespmem:s16], [sflag:$0x1] =	stream.indirect_vreg.gather [hbm4b:s3+s2], $0x80, v62, vm1, $0xb8;
	[tilespmem:$0x19300] =	vst v63  }
0x179: {  	s29 =	simm.s32 $0xDB00;
	v19 =	vadd.s32 v17, v19  }
0x17a: {  	[tilespmem:s29], [sflag:$0x1] =	stream.indirect_vreg.gather [hbm4b:s6+s2], $0x80, v62, vm1, $0xb8;
	[tilespmem:$0x19300] =	vst v63  }
0x17b: {  	s30 =	simm.s32 $0xE300  }
0x17c: {  	[tilespmem:s30], [sflag:$0x1] =	stream.indirect_vreg.gather [hbm4b:s7+s2], $0x80, v62, vm1, $0xb8;
	[tilespmem:$0x19300] =	vst v63  }
0x17d: {  	s31 =	simm.s32 $0xEB00  }
0x17e: {  	[tilespmem:s31], [sflag:$0x1] =	stream.indirect_vreg.gather [hbm4b:s3+s2], $0x80, v19, vm1, $0xb8;
	[tilespmem:$0x19300] =	vst v63  }
0x17f: {  	s28 =	simm.s32 $0xF300  }
0x180: {  	[tilespmem:s28], [sflag:$0x1] =	stream.indirect_vreg.gather [hbm4b:s6+s2], $0x80, v19, vm1, $0xb8;
	[tilespmem:$0x19300] =	vst v63  }
0x181: {  	s29 =	simm.s32 $0xFB00  }
0x182: {  	[tilespmem:s29], [sflag:$0x1] =	stream.indirect_vreg.gather [hbm4b:s7+s2], $0x80, v19, vm1, $0xb8;
	[tilespmem:$0x19300] =	vst v63  }
0x183: {  	v19 =	vld [tilespmem:$0xD190];
	_ =	sdelay $0x4  }
0x184: {  	v20 =	vshrl.u32 v19, $0x3  }
0x185: {  	v20 =	vmul.u32 $0x30, v20  }
0x186: {  	v19 =	vand.u32 $0x7, v19  }
0x187: {  	v19 =	vor.u32 v19, v20  }
0x188: {  	v20 =	vperm.xlane v19, v16;
	_ =	sdelay $0x1  }
0x189: {  	v20 =	vadd.s32 v17, v20;
	_ =	sdelay $0x3  }
0x18a: {  	s30 =	simm.s32 $0x10300;
	v19 =	vperm.xlane v19, v18  }
0x18b: {  	[tilespmem:s30], [sflag:$0x1] =	stream.indirect_vreg.gather [hbm4b:s3+s2], $0x80, v20, vm1, $0xb8;
	[tilespmem:$0x19300] =	vst v63  }
0x18c: {  	s31 =	simm.s32 $0x10B00;
	v19 =	vadd.s32 v17, v19  }
0x18d: {  	[tilespmem:s31], [sflag:$0x1] =	stream.indirect_vreg.gather [hbm4b:s6+s2], $0x80, v20, vm1, $0xb8;
	[tilespmem:$0x19300] =	vst v63  }
0x18e: {  	s28 =	simm.s32 $0x11300  }
0x18f: {  	[tilespmem:s28], [sflag:$0x1] =	stream.indirect_vreg.gather [hbm4b:s7+s2], $0x80, v20, vm1, $0xb8;
	[tilespmem:$0x19300] =	vst v63  }
0x190: {  	s29 =	simm.s32 $0x11B00  }
0x191: {  	[tilespmem:s29], [sflag:$0x1] =	stream.indirect_vreg.gather [hbm4b:s3+s2], $0x80, v19, vm1, $0xb8;
	[tilespmem:$0x19300] =	vst v63  }
0x192: {  	s30 =	simm.s32 $0x12300  }
0x193: {  	[tilespmem:s30], [sflag:$0x1] =	stream.indirect_vreg.gather [hbm4b:s6+s2], $0x80, v19, vm1, $0xb8;
	[tilespmem:$0x19300] =	vst v63  }
0x194: {  	s31 =	simm.s32 $0x12B00  }
0x195: {  	[tilespmem:s31], [sflag:$0x1] =	stream.indirect_vreg.gather [hbm4b:s7+s2], $0x80, v19, vm1, $0xb8;
	[tilespmem:$0x19300] =	vst v63  }
0x196: {  	v19 =	vld [tilespmem:$0xD1A0];
	_ =	sdelay $0x4  }
0x197: {  	v20 =	vshrl.u32 v19, $0x3  }
0x198: {  	v20 =	vmul.u32 $0x30, v20  }
0x199: {  	v19 =	vand.u32 $0x7, v19  }
0x19a: {  	v19 =	vor.u32 v19, v20  }
0x19b: {  	v20 =	vperm.xlane v19, v16;
	_ =	sdelay $0x1  }
0x19c: {  	v20 =	vadd.s32 v17, v20;
	_ =	sdelay $0x3  }
0x19d: {  	s28 =	simm.s32 $0x13300;
	v19 =	vperm.xlane v19, v18  }
0x19e: {  	[tilespmem:s28], [sflag:$0x1] =	stream.indirect_vreg.gather [hbm4b:s3+s2], $0x80, v20, vm1, $0xb8;
	[tilespmem:$0x19300] =	vst v63  }
0x19f: {  	s29 =	simm.s32 $0x13B00;
	v19 =	vadd.s32 v17, v19  }
0x1a0: {  	[tilespmem:s29], [sflag:$0x1] =	stream.indirect_vreg.gather [hbm4b:s6+s2], $0x80, v20, vm1, $0xb8;
	[tilespmem:$0x19300] =	vst v63  }
0x1a1: {  	s30 =	simm.s32 $0x14300  }
0x1a2: {  	[tilespmem:s30], [sflag:$0x1] =	stream.indirect_vreg.gather [hbm4b:s7+s2], $0x80, v20, vm1, $0xb8;
	[tilespmem:$0x19300] =	vst v63  }
0x1a3: {  	s31 =	simm.s32 $0x14B00  }
0x1a4: {  	[tilespmem:s31], [sflag:$0x1] =	stream.indirect_vreg.gather [hbm4b:s3+s2], $0x80, v19, vm1, $0xb8;
	[tilespmem:$0x19300] =	vst v63  }
0x1a5: {  	_ = 	snop  }
0x1a6: {  	[tilespmem:s1], [sflag:$0x1] =	stream.indirect_vreg.gather [hbm4b:s6+s2], $0x80, v19, vm1, $0xb8;
	[tilespmem:$0x19300] =	vst v63  }
0x1a7: {  	_ = 	snop  }
0x1a8: {  	[tilespmem:s15], [sflag:$0x1] =	stream.indirect_vreg.gather [hbm4b:s7+s2], $0x80, v19, vm1, $0xb8;
	[tilespmem:$0x19300] =	vst v63  }
0x1a9: {  	v19 =	vld [tilespmem:$0xD1B0];
	_ =	sdelay $0x4  }
0x1aa: {  	v20 =	vshrl.u32 v19, $0x3  }
0x1ab: {  	v20 =	vmul.u32 $0x30, v20  }
0x1ac: {  	v19 =	vand.u32 $0x7, v19  }
0x1ad: {  	v19 =	vor.u32 v19, v20  }
0x1ae: {  	v20 =	vperm.xlane v19, v16;
	_ =	sdelay $0x1  }
0x1af: {  	v20 =	vadd.s32 v17, v20;
	_ =	sdelay $0x3  }
0x1b0: {  	v19 =	vperm.xlane v19, v18  }
0x1b1: {  	[tilespmem:s17], [sflag:$0x1] =	stream.indirect_vreg.gather [hbm4b:s3+s2], $0x80, v20, vm1, $0xb8;
	[tilespmem:$0x19300] =	vst v63  }
0x1b2: {  	v19 =	vadd.s32 v17, v19  }
0x1b3: {  	[tilespmem:s18], [sflag:$0x1] =	stream.indirect_vreg.gather [hbm4b:s6+s2], $0x80, v20, vm1, $0xb8;
	[tilespmem:$0x19300] =	vst v63  }
0x1b4: {  	_ = 	snop  }
0x1b5: {  	[tilespmem:s19], [sflag:$0x1] =	stream.indirect_vreg.gather [hbm4b:s7+s2], $0x80, v20, vm1, $0xb8;
	[tilespmem:$0x19300] =	vst v63  }
0x1b6: {  	_ = 	snop  }
0x1b7: {  	[tilespmem:s20], [sflag:$0x1] =	stream.indirect_vreg.gather [hbm4b:s3+s2], $0x80, v19, vm1, $0xb8;
	[tilespmem:$0x19300] =	vst v63  }
0x1b8: {  	_ = 	snop  }
0x1b9: {  	[tilespmem:s21], [sflag:$0x1] =	stream.indirect_vreg.gather [hbm4b:s6+s2], $0x80, v19, vm1, $0xb8;
	[tilespmem:$0x19300] =	vst v63  }
0x1ba: {  	_ = 	snop  }
0x1bb: {  	[tilespmem:s22], [sflag:$0x1] =	stream.indirect_vreg.gather [hbm4b:s7+s2], $0x80, v19, vm1, $0xb8;
	[tilespmem:$0x19300] =	vst v63  }
0x1bc: {  	_ =	swait.ge [sflag:s23], $0xC000  }
0x1bd: {  	[sflag:s23] =	ssyncset.done $0x0  }
0x1be: {  	[sflag:s23] =	ssyncadd.s32 $0xFFFF4000  }
0x1bf: {  	[hbm4b:s8+s2] =	stream.linear.scatter [tilespmem:s16], [sflag:$0x2], $0xC000, $0x38;
	[tilespmem:$0x19300] =	vst v63  }
0x1c0: {  	_ =	swait.ge [sflag:s12], $0xC000  }
0x1c1: {  	[sflag:s12] =	ssyncset.done $0x0  }
0x1c2: {  	[sflag:s12] =	ssyncadd.s32 $0xFFFF4000  }
0x1c3: {  	[hbm4b:s9+s13] =	stream.strided.scatter [tilespmem:s24], [sflag:$0x2], $0x100, s14, s13, $0x38;
	[tilespmem:$0x19300] =	vst v63  }
0x1c4: {  	s26 =	sadd.s32 $0x1, s26;
	_ =	swait.ge [sflag:s12], $0x100  }
0x1c5: {  	p0 =	sne.s32 s26, s11;
	[sflag:s12] =	ssyncset.done $0x0  }
.Ltmp1:
0x1c6: {  	[sflag:s12] =	ssyncadd.s32 $0xFFFFFF00;
	(pc) =	sbr.rel @p0 .LBB2_1-.Ltmp1, $4  }
0x1c7: {  	[hbm4b:s10+s2] =	stream.linear.scatter [tilespmem:s25], [sflag:$0x2], $0x80, $0x38;
	[tilespmem:$0x19300] =	vst v63  }
0x1c8: {  	_ =	swait.ge [sflag:s12], $0x80  }
0x1c9: {  	[sflag:s12] =	ssyncset.done $0x0  }
0x1ca: {  	[sflag:s12] =	ssyncadd.s32 $0xFFFFFF80  }
0x1cb: {  	_ =	sfence.sel $0x180000  }
0x1cc: {  	[bflag:$0x0] =	sbarrier.arrive $0xFFFF  }
0x1cd: {  	_ =	strace $0x9000004A  }
0x1ce: {  	s0 =	stileid.u32;
	[bflag:$0x2] =	sbarrier.arrive $0xFFFF  }
0x1cf: {  	p0 =	sne.s32 s0, $0x0;
	s0 =	rddreg [dreg:$0x3]  }
0x1d0: {  	s0 =	sadd.s32 @!p0 $0x100000, s0  }
0x1d1: {  	[sflag:s0] =	ssyncadd.tile.s32 @!p0 $0x1;
	_ =	shalt  }
.Lfunc_end2:
_tile_overlayer_lowered:
.L_overlay_start_2:
0x1d2: {  	(tag) =	ssettag $0x2  }
0x1d3: {  	s0 =	rddreg [dreg:$0x0];
	s2 =	stileid.u32  }
0x1d4: {  	s1 =	rddreg [dreg:$0x1];
	p0 =	sne.s32 s2, $0x0  }
0x1d5: {  	s3 =	rddreg [dreg:$0x2];
	[bflag:$0x3] =	sbarrier.arrive $0xFFFF;
	s2 =	simm.s32 @!p0 $0x1C02  }
0x1d6: {  	[timem:s3], [sflag:s2] =	dma.local @!p0 [hbm:s0], s1  }
0x1d7: {  	s0 =	simm.s32 @!p0 $0x2  }
0x1d8: {  	_ =	swait.ge @!p0 [sflag:s0], s1  }
0x1d9: {  	s1 =	ssub.s32 @!p0 $0x0, s1;
	[sflag:s0] =	ssyncset.done @!p0 $0x0  }
0x1da: {  	[sflag:s0] =	ssyncadd.s32 @!p0 s1  }
0x1db: {  	[bflag:$0x3] =	sbarrier.arrive $0xFFFF  }
0x1dc: {  	_ =	shalt  }

// kernel: kernel.8.cloned.1.call-start
scs
__scs_entry_jumppad:
0x0: {  	(pc) =	sbr.rel $0x88, $3  }
0x1: {  	(tag) =	ssettag $0x0;
	lr =	simm.s32 $0x1  }
0x2: {  	[smem:$0x3FA0] =	sst lr;
	_ =	strace $0xD0000000  }
0x3: {  	_ = 	snop  }
0x4: {  	_ = 	snop  }
0x5: {  	_ = 	snop  }
0x6: {  	_ = 	snop  }
0x7: {  	_ = 	snop  }
__scs_overlays_trampoline_lowered:
0x8: {  	[smem:$0x3FAF] =	sst s0  }
0x9: {  	[smem:$0x3FB0] =	sst s1  }
0xa: {  	[smem:$0x3FB1] =	sst s2  }
0xb: {  	[smem:$0x3FB2] =	sst s3  }
0xc: {  	[smem:$0x3FB3] =	sst s4  }
0xd: {  	[smem:$0x3FB4] =	sst s5  }
0xe: {  	[smem:$0x3FB5] =	sst s6  }
0xf: {  	[smem:$0x3FB6] =	sst s7  }
0x10: {  	[smem:$0x3FB7] =	sst s8  }
0x11: {  	[smem:$0x3FB8] =	sst s9;
	s0 =	simm.s32 @!p0 $0x0  }
0x12: {  	s1 =	sld [smem:$0x3F9E];
	s0 =	simm.s32 @p0 $0x1  }
0x13: {  	[smem:$0x3FB9] =	sst s0;
	s0 =	simm.s32 @!p1 $0x0  }
0x14: {  	s2 =	sld [smem:$0x3F9D];
	s0 =	simm.s32 @p1 $0x1  }
0x15: {  	[smem:$0x3FBA] =	sst s0;
	s0 =	simm.s32 @!p2 $0x0  }
0x16: {  	s3 =	sld [smem:$0x3FDB];
	s0 =	simm.s32 @p2 $0x1  }
0x17: {  	s4 =	simm.s32 $0x1BF5;
	[smem:$0x3FBC] =	sst s0  }
0x18: {  	s0 =	sld [smem:$0x3F9F];
	_ =	swait.ge [sflag:s4], $0x0  }
0x19: {  	s7 =	sld [smem:$0x3FA0]  }
0x1a: {  	s8 =	sadd.s32 $0xFFFFE003, lr  }
0x1b: {  	s9 =	sadd.s32 $0xFFFFFEF7, lr;
	s5 =	simm.s32 $0xFFFFFFFF;
	p2 =	slt.u32 s8, $0xFFFFF086  }
0x1c: {  	p1 =	slt.u32 s9, $0xF7A;
	s5 =	simm.s32 @!p2 $0x0  }
0x1d: {  	s5 =	simm.s32 @p1 $0x1;
	p0 =	seq.s32 s7, s2  }
0x1e: {  	s7 =	smul.u32 @!p0 $0xF7A, s2;
	p2 =	seq.s32 @!p0 s5, $0x0  }
0x1f: {  	s9 =	smul.u32 $0xF7A, s1;
	s8 =	simm.s32 @!p0 $0x1BF5;
	p2 =	por !p2, p0  }
0x20: {  	[sflag:s8] =	ssyncset.s32 @!p0 $0xFFFFF086;
	s6 =	sadd.s32 @!p0 s3, s7;
	s7 =	simm.s32 @!p0 $0x108  }
0x21: {  	s3 =	sadd.s32 s3, s9;
	s6 =	sadd.s32 @!p0 $0x88, s6;
	s7 =	simm.s32 @p2 $0x1082  }
0x22: {  	[simem:s7], [sflag:s8] =	dma.local @!p0 [hbm:s6], $0xF7A  }
0x23: {  	s9 =	sor.u32 $0xD0000000, s2;
	s6 =	simm.s32 $0x108;
	_ =	swait.ge @!p0 [sflag:s8], $0x0  }
0x24: {  	s3 =	sadd.s32 $0x88, s3;
	s6 =	simm.s32 @!p1 $0x1082;
	[sflag:s4] =	ssyncset.s32 $0xFFFFF086  }
0x25: {  	[simem:s6], [sflag:s4] =	dma.local [hbm:s3], $0xF7A  }
0x26: {  	[smem:$0x3FA0] =	sst s1;
	(tag) =	ssettag s2;
	_ =	strace s9  }
0x27: {  	s1 =	sld [smem:$0x3FB0]  }
0x28: {  	s2 =	sld [smem:$0x3FB1]  }
0x29: {  	s4 =	sld [smem:$0x3FB3]  }
0x2a: {  	p0 =	seq.s32 s5, $0x0;
	s5 =	sld [smem:$0x3FB4]  }
0x2b: {  	s6 =	sld [smem:$0x3FB5]  }
0x2c: {  	s7 =	sld [smem:$0x3FB6]  }
0x2d: {  	s3 =	simm.s32 $0x108;
	s8 =	sld [smem:$0x3FB7]  }
0x2e: {  	s3 =	simm.s32 @!p0 $0x1082;
	s9 =	sld [smem:$0x3FB8]  }
0x2f: {  	lr =	sadd.s32 s0, s3;
	s0 =	sld [smem:$0x3FAF]  }
0x30: {  	s3 =	sld [smem:$0x3FB2]  }
0x31: {  	[smem:$0x3FBB] =	sst s10  }
0x32: {  	s10 =	sld [smem:$0x3FB9];
	_ =	sdelay $0x3  }
0x33: {  	p0 =	seq.s32 s10, $0x1;
	s10 =	sld [smem:$0x3FBB];
	_ =	sdelay $0x3  }
0x34: {  	[smem:$0x3FBB] =	sst s10  }
0x35: {  	s10 =	sld [smem:$0x3FBA];
	_ =	sdelay $0x3  }
0x36: {  	p1 =	seq.s32 s10, $0x1;
	s10 =	sld [smem:$0x3FBB];
	_ =	sdelay $0x3  }
0x37: {  	[smem:$0x3FBB] =	sst s10  }
0x38: {  	s10 =	sld [smem:$0x3FBC]  }
0x39: {  	_ = 	snop;
	(pc) =	sbr.ind lr, $3  }
0x3a: {  	_ = 	snop  }
0x3b: {  	_ = 	snop  }
0x3c: {  	p2 =	seq.s32 s10, $0x1;
	s10 =	sld [smem:$0x3FBB]  }
0x3d: {  	_ =	shalt  }
0x3e: {  	_ =	shalt  }
0x3f: {  	_ =	shalt  }
0x40: {  	_ =	shalt  }
0x41: {  	_ =	shalt  }
0x42: {  	_ =	shalt  }
0x43: {  	_ =	shalt  }
0x44: {  	_ =	shalt  }
0x45: {  	_ =	shalt  }
0x46: {  	_ =	shalt  }
0x47: {  	_ =	shalt  }
0x48: {  	_ =	shalt  }
0x49: {  	_ =	shalt  }
0x4a: {  	_ =	shalt  }
0x4b: {  	_ =	shalt  }
0x4c: {  	_ =	shalt  }
0x4d: {  	_ =	shalt  }
0x4e: {  	_ =	shalt  }
0x4f: {  	_ =	shalt  }
0x50: {  	_ =	shalt  }
0x51: {  	_ =	shalt  }
0x52: {  	_ =	shalt  }
0x53: {  	_ =	shalt  }
0x54: {  	_ =	shalt  }
0x55: {  	_ =	shalt  }
0x56: {  	_ =	shalt  }
0x57: {  	_ =	shalt  }
0x58: {  	_ =	shalt  }
0x59: {  	_ =	shalt  }
0x5a: {  	_ =	shalt  }
0x5b: {  	_ =	shalt  }
0x5c: {  	_ =	shalt  }
0x5d: {  	_ =	shalt  }
0x5e: {  	_ =	shalt  }
0x5f: {  	_ =	shalt  }
0x60: {  	_ =	shalt  }
0x61: {  	_ =	shalt  }
0x62: {  	_ =	shalt  }
0x63: {  	_ =	shalt  }
0x64: {  	_ =	shalt  }
0x65: {  	_ =	shalt  }
0x66: {  	_ =	shalt  }
0x67: {  	_ =	shalt  }
0x68: {  	_ =	shalt  }
0x69: {  	_ =	shalt  }
0x6a: {  	_ =	shalt  }
0x6b: {  	_ =	shalt  }
0x6c: {  	_ =	shalt  }
0x6d: {  	_ =	shalt  }
0x6e: {  	_ =	shalt  }
0x6f: {  	_ =	shalt  }
0x70: {  	_ =	shalt  }
0x71: {  	_ =	shalt  }
0x72: {  	_ =	shalt  }
0x73: {  	_ =	shalt  }
0x74: {  	_ =	shalt  }
0x75: {  	_ =	shalt  }
0x76: {  	_ =	shalt  }
0x77: {  	_ =	shalt  }
0x78: {  	_ =	shalt  }
0x79: {  	_ =	shalt  }
0x7a: {  	_ =	shalt  }
0x7b: {  	_ =	shalt  }
0x7c: {  	_ =	shalt  }
0x7d: {  	_ =	shalt  }
0x7e: {  	_ =	shalt  }
0x7f: {  	_ =	shalt  }
0x80: {  	_ =	shalt  }
0x81: {  	_ =	shalt  }
0x82: {  	_ =	shalt  }
0x83: {  	_ =	shalt  }
0x84: {  	_ =	shalt  }
0x85: {  	_ =	shalt  }
0x86: {  	_ =	shalt  }
0x87: {  	_ =	shalt  }
.Lfunc_end0:
.L_simem_size_0:
called_computation_lowered:
.L_overlay_start_0:
0x88: {  	s2 =	sld [smem:$0x3FD9]  }
0x89: {  	s3 =	sld [smem:$0x3FFE];
	_ =	sdelay $0x1  }
0x8a: {  	s1 =	srdreg.scid  }
0x8b: {  	s0 =	sand.u32 $0x1, s1  }
0x8c: {  	s14 =	sshll.u32 s0, $0xA;
	s2 =	sadd.s32 s3, s2  }
0x8d: {  	s2 =	sadd.s32 s2, s14  }
0x8e: {  	[smem:$0x3FC7] =	sst s2  }
0x8f: {  	_ = 	snop  }
0x90: {  	s2 =	sld [smem:$0x3FD0];
	_ =	sdelay $0x2  }
0x91: {  	s4 =	simm.s32 $0xA;
	s5 =	simm.s32 $0x10;
	s15 =	sld [smem:$0x3FC9]  }
0x92: {  	[smem:s5], [sflag:s4] =	dma.local [hbm:s2], $0x1  }
0x93: {  	_ =	swait.eq [sflag:s4], $0x1  }
0x94: {  	[sflag:s4] =	ssyncset.done $0x0  }
0x95: {  	[sflag:s4] =	ssyncadd.s32 $0xFFFFFFFF  }
0x96: {  	s16 =	sld [smem:$0x12];
	(tm) =	ssettm $0x1  }
0x97: {  	s17 =	sld [smem:$0x3FFB];
	_ =	sdelay $0x3  }
0x98: {  	_ =	strace s17  }
0x99: {  	s4 =	sld [smem:$0x3FFC];
	_ =	sdelay $0x3  }
0x9a: {  	_ =	strace s4  }
0x9b: {  	s4 =	sld [smem:$0x3FFD];
	_ =	sdelay $0x3  }
0x9c: {  	_ =	strace s4  }
0x9d: {  	_ =	strace $0x8FFFFFFF  }
0x9e: {  	s18 =	sld [smem:$0x3FDB];
	_ =	sdelay $0x1  }
0x9f: {  	s19 =	simm.s32 $_scs_section_size  }
0xa0: {  	s6 =	simm.s32 $_size__tile_overlayer_lowered;
	s7 =	simm.s32 $_tile_overlayer_lowered  }
0xa1: {  	s22 =	simm.s32 $0x1BFF;
	s21 =	sshll.u32 s7, $0x1;
	s4 =	sadd.s32 s19, s18  }
0xa2: {  	s8 =	simm.s32 $0x0;
	s20 =	sshll.u32 s6, $0x1;
	s6 =	sadd.s32 s21, s4  }
0xa3: {  	[timem:s8], [sflag:s22] =	dma.local [hbm:s6], s20  }
0xa4: {  	_ =	swait.ge [sflag:s22], s20  }
0xa5: {  	s5 =	ssub.s32 $0x0, s20;
	[sflag:s22] =	ssyncset.done $0x0  }
0xa6: {  	[sflag:s22] =	ssyncadd.s32 s5;
	_ =	sdelay $0x1  }
0xa7: {  	s23 =	simm.s32 $0x1B8B  }
0xa8: {  	_ =	swait.ge [sflag:s23], $0x1  }
0xa9: {  	[sflag:s23] =	ssyncset.done $0x0  }
0xaa: {  	s25 =	simm.s32 $0x1B8E;
	s24 =	sld [smem:$0x3FFE];
	[sflag:s23] =	ssyncadd.s32 $0xFFFFFFFF  }
0xab: {  	s26 =	simm.s32 $execute0_lowered;
	[smem:$0x3FD2] =	sst s25  }
0xac: {  	s6 =	sshll.u32 s26, $0x1;
	_ =	strace $0x80000046;
	[dreg:$0x1] =	wrdreg $0xFFFFFFFF  }
0xad: {  	s28 =	simm.s32 $_size_execute0_lowered;
	s4 =	sadd.s32 s4, s6;
	[dreg:$0x0] =	wrdreg $0x0  }
0xae: {  	s6 =	sshll.u32 s28, $0x1;
	[dreg:$0x2] =	wrdreg s4  }
0xaf: {  	[dreg:$0x3] =	wrdreg s6  }
0xb0: {  	[dreg:$0x4] =	wrdreg $0xC0  }
0xb1: {  	_ =	task [dreg:s8], $0x5FFFF  }
0xb2: {  	[dreg:$0x1] =	wrdreg $0xFFFFFFFF  }
0xb3: {  	[dreg:$0x0] =	wrdreg $0x60  }
0xb4: {  	[dreg:$0x2] =	wrdreg s16  }
0xb5: {  	[dreg:$0x3] =	wrdreg s15  }
0xb6: {  	[dreg:$0x4] =	wrdreg s24  }
0xb7: {  	[dreg:$0x5] =	wrdreg $0x9  }
0xb8: {  	_ =	task.clear_ibuf [dreg:s8], $0x6FFFF;
	_ =	strace $0x90000046  }
0xb9: {  	s29 =	simm.s32 $0x9;
	_ =	strace $0x80000048  }
0xba: {  	_ =	swait.ge [sflag:s29], $0x1  }
0xbb: {  	[sflag:s29] =	ssyncadd.s32 $0xFFFFFFFF  }
0xbc: {  	_ =	strace $0x90000048  }
0xbd: {  	_ =	sfence  }
0xbe: {  	s30 =	sld [smem:$0x0];
	_ =	sdelay $0x2  }
0xbf: {  	s31 =	sshll.u32 s1, $0xD;
	s1 =	sshrl.u32 s1, $0x2  }
0xc0: {  	s3 =	sand.u32 $0x4000, s31;
	s1 =	sadd.s32 s1, s30  }
0xc1: {  	s0 =	sor.u32 s3, s0;
	s1 =	sshll.u32 s1, $0x11  }
0xc2: {  	s0 =	sor.u32 s1, s0  }
0xc3: {  	s0 =	sadd.s32 $0x8F2B, s0  }
0xc4: {  	[sflag:s0] =	ssyncadd.remote.s32 $0x1  }
0xc5: {  	_ =	sfence.sel $0xFFFF  }
0xc6: {  	[dreg:$0x0] =	wrdreg $0xFFFFFFFF;
	(pc) =	sbr.abs _section_cstart, $3  }
0xc7: {  	[dreg:$0x1] =	wrdreg $0xFFFFFFFF  }
0xc8: {  	_ =	task.clear_ibuf [dreg:s8], $0x2FFFF;
	_ =	strace $0x9FFFFFFF  }
0xc9: {  	(tm) =	ssettm $0x7FFFFFFF  }
tec
execute0_lowered:
.L_overlay_start_1:
0x0: {  	(tag) =	ssettag $0x1  }
0x1: {  	s0 =	rddreg [dreg:$0x0]  }
0x2: {  	s1 =	srdreg.scid;
	s2 =	rddreg [dreg:$0x1]  }
0x3: {  	s3 =	stileid.u32;
	s4 =	rddreg [dreg:$0x2]  }
0x4: {  	s28 =	simm.s32 $0x1980;
	s29 =	simm.s32 $0x2180;
	s30 =	simm.s32 $0x2980  }
0x5: {  	s31 =	simm.s32 $0x3180;
	s9 =	simm.s32 $0x4980;
	s10 =	simm.s32 $0x5180  }
0x6: {  	s11 =	simm.s32 $0x5980;
	s12 =	simm.s32 $0x6180;
	s13 =	simm.s32 $0x6980  }
0x7: {  	s14 =	simm.s32 $0x7180;
	s15 =	simm.s32 $0x7980;
	s16 =	simm.s32 $0x8180  }
0x8: {  	s17 =	simm.s32 $0x8980;
	s18 =	simm.s32 $0x9180;
	s19 =	simm.s32 $0x9980  }
0x9: {  	s20 =	simm.s32 $0xA180;
	s21 =	simm.s32 $0xA980;
	s22 =	simm.s32 $0xB180  }
0xa: {  	v15 =	vlaneseq.u32;
	s8 =	simm.s32 $0xB980;
	s1 =	sand.u32 $0x1, s1;
	s3 =	sshll.u32 s3, $0x1  }
0xb: {  	v11 =	vimm.s32 $0x30C0;
	vm0 =	vcmask $0x300;
	s23 =	simm.s32 $0xC180;
	v0 =	vmul.u32 $0x40, v15;
	s5 =	sor.u32 s1, s3;
	s3 =	simm.s32 $0x0  }
0xc: {  	v12 =	vsel vm0, $0x3000, v11;
	vm0 =	vcmask $0x704;
	v13 =	vand.u32 $0x7, v15;
	s1 =	ssub.s32 $0x2, s1;
	s6 =	smul.u32 $0x27000, s5;
	[smem:$0x7FF] =	sst s3  }
0xd: {  	v14 =	vshrl.u32 v15, $0x3;
	v15 =	vor.u32 $0x8, v15;
	v12 =	vsel vm0, $0x3040, v12;
	s5 =	sshll.u32 s5, $0x4;
	s24 =	sshrl.u32 s1, $0x1;
	_ =	strace $0x80000047  }
0xe: {  	vm0 =	vcmask $0xB08;
	v14 =	vmul.u32 $0x8, v14;
	v1 =	vor.u32 $0x400, v0;
	s0 =	sadd.s32 s0, s5;
	s1 =	ssub.s32 s1, s24;
	s6 =	sshrl.u32 s6, $0x3  }
0xf: {  	v2 =	vor.u32 $0x800, v0;
	v3 =	vor.u32 $0xC00, v0;
	v4 =	vor.u32 $0x1000, v0;
	s5 =	sadd.s32 $0x200, s2;
	[dreg:$0x4] =	wrdreg s0;
	s4 =	sadd.s32 s6, s4  }
0x10: {  	v5 =	vor.u32 $0x1400, v0;
	v6 =	vor.u32 $0x1800, v0;
	v7 =	vor.u32 $0x1C00, v0;
	s6 =	smax.u32 s1, $0x1;
	s1 =	simm.s32 $0x2;
	s25 =	sadd.s32 $0x1200, s4  }
0x11: {  	v8 =	vor.u32 $0x2000, v0;
	v9 =	vor.u32 $0x2400, v0;
	v10 =	vor.u32 $0x2800, v0;
	s26 =	sadd.s32 $0x3900, s4;
	s4 =	sadd.s32 $0x100, s2;
	[dreg:$0x5] =	wrdreg s25  }
0x12: {  	v11 =	vor.u32 $0x2C00, v0;
	v12 =	vsel vm0, $0x3080, v12;
	vm0 =	vmmov $0xffff;
	[dreg:$0x6] =	wrdreg s26;
	s25 =	simm.s32 $0x980;
	s26 =	simm.s32 $0x1180  }
.LBB2_1:
0x13: {  	s24 =	rddreg [dreg:$0x4]  }
0x14: {  	[tilespmem:s3], [sflag:$0x2] =	stream.linear.gather [hbm4b:s24+s3], $0x80, $0x38;
	[tilespmem:$0x13980] =	vst v63  }
0x15: {  	_ =	swait.ge [sflag:s1], $0x80  }
0x16: {  	[sflag:s1] =	ssyncset.done $0x0  }
0x17: {  	[sflag:s1] =	ssyncadd.s32 $0xFFFFFF80  }
0x18: {  	v16 =	vld.msk [tilespmem:$0x0 ss:$0x0], $0xffff;
	_ =	sdelay $0x4  }
0x19: {  	v17 =	vadd.s32 v0, v16  }
0x1a: {  	v18 =	vadd.s32 v1, v16;
	[tilespmem:$0x80] =	vst v17  }
0x1b: {  	v54 =	vadd.s32 v2, v16;
	[tilespmem:$0x90] =	vst v18  }
0x1c: {  	v55 =	vadd.s32 v3, v16;
	[tilespmem:$0xA0] =	vst v54;
	v17 =	vshrl.u32 v17, $0x3  }
0x1d: {  	v56 =	vadd.s32 v4, v16;
	[tilespmem:$0xB0] =	vst v55;
	v17 =	vmul.u32 $0x30, v17  }
0x1e: {  	v57 =	vadd.s32 v5, v16;
	v19 =	vand.u32 $0x7, v16;
	[tilespmem:$0xC0] =	vst v56  }
0x1f: {  	v58 =	vadd.s32 v6, v16;
	[tilespmem:$0xD0] =	vst v57;
	v17 =	vor.u32 v19, v17  }
0x20: {  	v59 =	vadd.s32 v7, v16;
	[tilespmem:$0xE0] =	vst v58;
	v19 =	vperm.xlane v17, v13  }
0x21: {  	v60 =	vadd.s32 v8, v16;
	[tilespmem:$0xF0] =	vst v59  }
0x22: {  	v61 =	vadd.s32 v9, v16;
	[tilespmem:$0x100] =	vst v60;
	v19 =	vadd.s32 v14, v19  }
0x23: {  	v62 =	vadd.s32 v10, v16;
	[tilespmem:$0x110] =	vst v61  }
0x24: {  	v63 =	vadd.s32 v11, v16;
	[tilespmem:$0x120] =	vst v62  }
0x25: {  	v16 =	vadd.s32 v12, v16;
	[tilespmem:$0x130] =	vst v63  }
0x26: {  	s0 =	simm.s32 $0x180;
	[tilespmem:$0x140] =	vst v16;
	v16 =	vperm.xlane v17, v15  }
0x27: {  	[tilespmem:s0], [sflag:$0x1] =	stream.indirect_vreg.gather [hbm4b:s2+s3], $0x80, v19, vm0, $0xb8;
	[tilespmem:$0x13980] =	vst v63  }
0x28: {  	v16 =	vadd.s32 v14, v16  }
0x29: {  	[tilespmem:s25], [sflag:$0x1] =	stream.indirect_vreg.gather [hbm4b:s4+s3], $0x80, v19, vm0, $0xb8;
	[tilespmem:$0x13980] =	vst v63  }
0x2a: {  	_ = 	snop  }
0x2b: {  	[tilespmem:s26], [sflag:$0x1] =	stream.indirect_vreg.gather [hbm4b:s5+s3], $0x80, v19, vm0, $0xb8;
	[tilespmem:$0x13980] =	vst v63  }
0x2c: {  	_ = 	snop  }
0x2d: {  	[tilespmem:s28], [sflag:$0x1] =	stream.indirect_vreg.gather [hbm4b:s2+s3], $0x80, v16, vm0, $0xb8;
	[tilespmem:$0x13980] =	vst v63  }
0x2e: {  	_ = 	snop  }
0x2f: {  	[tilespmem:s29], [sflag:$0x1] =	stream.indirect_vreg.gather [hbm4b:s4+s3], $0x80, v16, vm0, $0xb8;
	[tilespmem:$0x13980] =	vst v63  }
0x30: {  	_ = 	snop  }
0x31: {  	[tilespmem:s30], [sflag:$0x1] =	stream.indirect_vreg.gather [hbm4b:s5+s3], $0x80, v16, vm0, $0xb8;
	[tilespmem:$0x13980] =	vst v63  }
0x32: {  	v16 =	vld [tilespmem:$0x90];
	_ =	sdelay $0x4  }
0x33: {  	v17 =	vshrl.u32 v16, $0x3  }
0x34: {  	v17 =	vmul.u32 $0x30, v17  }
0x35: {  	v16 =	vand.u32 $0x7, v16  }
0x36: {  	v16 =	vor.u32 v16, v17  }
0x37: {  	v17 =	vperm.xlane v16, v13;
	_ =	sdelay $0x1  }
0x38: {  	v17 =	vadd.s32 v14, v17;
	_ =	sdelay $0x3  }
0x39: {  	v16 =	vperm.xlane v16, v15  }
0x3a: {  	[tilespmem:s31], [sflag:$0x1] =	stream.indirect_vreg.gather [hbm4b:s2+s3], $0x80, v17, vm0, $0xb8;
	[tilespmem:$0x13980] =	vst v63  }
0x3b: {  	s24 =	simm.s32 $0x3980;
	v16 =	vadd.s32 v14, v16  }
0x3c: {  	[tilespmem:s24], [sflag:$0x1] =	stream.indirect_vreg.gather [hbm4b:s4+s3], $0x80, v17, vm0, $0xb8;
	[tilespmem:$0x13980] =	vst v63  }
0x3d: {  	s7 =	simm.s32 $0x4180  }
0x3e: {  	[tilespmem:s7], [sflag:$0x1] =	stream.indirect_vreg.gather [hbm4b:s5+s3], $0x80, v17, vm0, $0xb8;
	[tilespmem:$0x13980] =	vst v63  }
0x3f: {  	_ = 	snop  }
0x40: {  	[tilespmem:s9], [sflag:$0x1] =	stream.indirect_vreg.gather [hbm4b:s2+s3], $0x80, v16, vm0, $0xb8;
	[tilespmem:$0x13980] =	vst v63  }
0x41: {  	_ = 	snop  }
0x42: {  	[tilespmem:s10], [sflag:$0x1] =	stream.indirect_vreg.gather [hbm4b:s4+s3], $0x80, v16, vm0, $0xb8;
	[tilespmem:$0x13980] =	vst v63  }
0x43: {  	_ = 	snop  }
0x44: {  	[tilespmem:s11], [sflag:$0x1] =	stream.indirect_vreg.gather [hbm4b:s5+s3], $0x80, v16, vm0, $0xb8;
	[tilespmem:$0x13980] =	vst v63  }
0x45: {  	v16 =	vld [tilespmem:$0xA0];
	_ =	sdelay $0x4  }
0x46: {  	v17 =	vshrl.u32 v16, $0x3  }
0x47: {  	v17 =	vmul.u32 $0x30, v17  }
0x48: {  	v16 =	vand.u32 $0x7, v16  }
0x49: {  	v16 =	vor.u32 v16, v17  }
0x4a: {  	v17 =	vperm.xlane v16, v13;
	_ =	sdelay $0x1  }
0x4b: {  	v17 =	vadd.s32 v14, v17;
	_ =	sdelay $0x3  }
0x4c: {  	v16 =	vperm.xlane v16, v15  }
0x4d: {  	[tilespmem:s12], [sflag:$0x1] =	stream.indirect_vreg.gather [hbm4b:s2+s3], $0x80, v17, vm0, $0xb8;
	[tilespmem:$0x13980] =	vst v63  }
0x4e: {  	v16 =	vadd.s32 v14, v16  }
0x4f: {  	[tilespmem:s13], [sflag:$0x1] =	stream.indirect_vreg.gather [hbm4b:s4+s3], $0x80, v17, vm0, $0xb8;
	[tilespmem:$0x13980] =	vst v63  }
0x50: {  	_ = 	snop  }
0x51: {  	[tilespmem:s14], [sflag:$0x1] =	stream.indirect_vreg.gather [hbm4b:s5+s3], $0x80, v17, vm0, $0xb8;
	[tilespmem:$0x13980] =	vst v63  }
0x52: {  	_ = 	snop  }
0x53: {  	[tilespmem:s15], [sflag:$0x1] =	stream.indirect_vreg.gather [hbm4b:s2+s3], $0x80, v16, vm0, $0xb8;
	[tilespmem:$0x13980] =	vst v63  }
0x54: {  	_ = 	snop  }
0x55: {  	[tilespmem:s16], [sflag:$0x1] =	stream.indirect_vreg.gather [hbm4b:s4+s3], $0x80, v16, vm0, $0xb8;
	[tilespmem:$0x13980] =	vst v63  }
0x56: {  	_ = 	snop  }
0x57: {  	[tilespmem:s17], [sflag:$0x1] =	stream.indirect_vreg.gather [hbm4b:s5+s3], $0x80, v16, vm0, $0xb8;
	[tilespmem:$0x13980] =	vst v63  }
0x58: {  	v16 =	vld [tilespmem:$0xB0];
	_ =	sdelay $0x4  }
0x59: {  	v17 =	vshrl.u32 v16, $0x3  }
0x5a: {  	v17 =	vmul.u32 $0x30, v17  }
0x5b: {  	v16 =	vand.u32 $0x7, v16  }
0x5c: {  	v16 =	vor.u32 v16, v17  }
0x5d: {  	v17 =	vperm.xlane v16, v13;
	_ =	sdelay $0x1  }
0x5e: {  	v17 =	vadd.s32 v14, v17;
	_ =	sdelay $0x3  }
0x5f: {  	v16 =	vperm.xlane v16, v15  }
0x60: {  	[tilespmem:s18], [sflag:$0x1] =	stream.indirect_vreg.gather [hbm4b:s2+s3], $0x80, v17, vm0, $0xb8;
	[tilespmem:$0x13980] =	vst v63  }
0x61: {  	v16 =	vadd.s32 v14, v16  }
0x62: {  	[tilespmem:s19], [sflag:$0x1] =	stream.indirect_vreg.gather [hbm4b:s4+s3], $0x80, v17, vm0, $0xb8;
	[tilespmem:$0x13980] =	vst v63  }
0x63: {  	_ = 	snop  }
0x64: {  	[tilespmem:s20], [sflag:$0x1] =	stream.indirect_vreg.gather [hbm4b:s5+s3], $0x80, v17, vm0, $0xb8;
	[tilespmem:$0x13980] =	vst v63  }
0x65: {  	_ = 	snop  }
0x66: {  	[tilespmem:s21], [sflag:$0x1] =	stream.indirect_vreg.gather [hbm4b:s2+s3], $0x80, v16, vm0, $0xb8;
	[tilespmem:$0x13980] =	vst v63  }
0x67: {  	_ = 	snop  }
0x68: {  	[tilespmem:s22], [sflag:$0x1] =	stream.indirect_vreg.gather [hbm4b:s4+s3], $0x80, v16, vm0, $0xb8;
	[tilespmem:$0x13980] =	vst v63  }
0x69: {  	_ = 	snop  }
0x6a: {  	[tilespmem:s8], [sflag:$0x1] =	stream.indirect_vreg.gather [hbm4b:s5+s3], $0x80, v16, vm0, $0xb8;
	[tilespmem:$0x13980] =	vst v63  }
0x6b: {  	v16 =	vld [tilespmem:$0xC0];
	_ =	sdelay $0x4  }
0x6c: {  	v17 =	vshrl.u32 v16, $0x3  }
0x6d: {  	v17 =	vmul.u32 $0x30, v17  }
0x6e: {  	v16 =	vand.u32 $0x7, v16  }
0x6f: {  	v16 =	vor.u32 v16, v17  }
0x70: {  	v17 =	vperm.xlane v16, v13;
	_ =	sdelay $0x1  }
0x71: {  	v17 =	vadd.s32 v14, v17;
	_ =	sdelay $0x3  }
0x72: {  	v16 =	vperm.xlane v16, v15  }
0x73: {  	[tilespmem:s23], [sflag:$0x1] =	stream.indirect_vreg.gather [hbm4b:s2+s3], $0x80, v17, vm0, $0xb8;
	[tilespmem:$0x13980] =	vst v63  }
0x74: {  	s24 =	simm.s32 $0xC980;
	v16 =	vadd.s32 v14, v16  }
0x75: {  	[tilespmem:s24], [sflag:$0x1] =	stream.indirect_vreg.gather [hbm4b:s4+s3], $0x80, v17, vm0, $0xb8;
	[tilespmem:$0x13980] =	vst v63  }
0x76: {  	s7 =	simm.s32 $0xD180  }
0x77: {  	[tilespmem:s7], [sflag:$0x1] =	stream.indirect_vreg.gather [hbm4b:s5+s3], $0x80, v17, vm0, $0xb8;
	[tilespmem:$0x13980] =	vst v63  }
0x78: {  	s24 =	simm.s32 $0xD980  }
0x79: {  	[tilespmem:s24], [sflag:$0x1] =	stream.indirect_vreg.gather [hbm4b:s2+s3], $0x80, v16, vm0, $0xb8;
	[tilespmem:$0x13980] =	vst v63  }
0x7a: {  	s7 =	simm.s32 $0xE180  }
0x7b: {  	[tilespmem:s7], [sflag:$0x1] =	stream.indirect_vreg.gather [hbm4b:s4+s3], $0x80, v16, vm0, $0xb8;
	[tilespmem:$0x13980] =	vst v63  }
0x7c: {  	s24 =	simm.s32 $0xE980  }
0x7d: {  	[tilespmem:s24], [sflag:$0x1] =	stream.indirect_vreg.gather [hbm4b:s5+s3], $0x80, v16, vm0, $0xb8;
	[tilespmem:$0x13980] =	vst v63  }
0x7e: {  	v16 =	vld [tilespmem:$0xD0];
	_ =	sdelay $0x4  }
0x7f: {  	v17 =	vshrl.u32 v16, $0x3  }
0x80: {  	v17 =	vmul.u32 $0x30, v17  }
0x81: {  	v16 =	vand.u32 $0x7, v16  }
0x82: {  	v16 =	vor.u32 v16, v17  }
0x83: {  	v17 =	vperm.xlane v16, v13;
	_ =	sdelay $0x1  }
0x84: {  	v17 =	vadd.s32 v14, v17;
	_ =	sdelay $0x3  }
0x85: {  	s7 =	simm.s32 $0xF180;
	v16 =	vperm.xlane v16, v15  }
0x86: {  	[tilespmem:s7], [sflag:$0x1] =	stream.indirect_vreg.gather [hbm4b:s2+s3], $0x80, v17, vm0, $0xb8;
	[tilespmem:$0x13980] =	vst v63  }
0x87: {  	s24 =	simm.s32 $0xF980;
	v16 =	vadd.s32 v14, v16  }
0x88: {  	[tilespmem:s24], [sflag:$0x1] =	stream.indirect_vreg.gather [hbm4b:s4+s3], $0x80, v17, vm0, $0xb8;
	[tilespmem:$0x13980] =	vst v63  }
0x89: {  	s7 =	simm.s32 $0x10180  }
0x8a: {  	[tilespmem:s7], [sflag:$0x1] =	stream.indirect_vreg.gather [hbm4b:s5+s3], $0x80, v17, vm0, $0xb8;
	[tilespmem:$0x13980] =	vst v63  }
0x8b: {  	s24 =	simm.s32 $0x10980  }
0x8c: {  	[tilespmem:s24], [sflag:$0x1] =	stream.indirect_vreg.gather [hbm4b:s2+s3], $0x80, v16, vm0, $0xb8;
	[tilespmem:$0x13980] =	vst v63  }
0x8d: {  	s7 =	simm.s32 $0x11180  }
0x8e: {  	[tilespmem:s7], [sflag:$0x1] =	stream.indirect_vreg.gather [hbm4b:s4+s3], $0x80, v16, vm0, $0xb8;
	[tilespmem:$0x13980] =	vst v63  }
0x8f: {  	s24 =	simm.s32 $0x11980  }
0x90: {  	[tilespmem:s24], [sflag:$0x1] =	stream.indirect_vreg.gather [hbm4b:s5+s3], $0x80, v16, vm0, $0xb8;
	[tilespmem:$0x13980] =	vst v63  }
0x91: {  	v16 =	vld.msk [tilespmem:$0xE0], $0xff;
	_ =	sdelay $0x4  }
0x92: {  	v17 =	vshrl.u32 v16, $0x3  }
0x93: {  	v17 =	vmul.u32 $0x30, v17  }
0x94: {  	v16 =	vand.u32 $0x7, v16  }
0x95: {  	v16 =	vor.u32 v16, v17  }
0x96: {  	v16 =	vperm.xlane v16, v13;
	_ =	sdelay $0x1  }
0x97: {  	v16 =	vadd.s32 v14, v16;
	_ =	sdelay $0x3  }
0x98: {  	s7 =	simm.s32 $0x12180  }
0x99: {  	[tilespmem:s7], [sflag:$0x1] =	stream.indirect_vreg.gather [hbm4b:s2+s3], $0x80, v16, vm0, $0xb8;
	[tilespmem:$0x13980] =	vst v63  }
0x9a: {  	s24 =	simm.s32 $0x12980  }
0x9b: {  	[tilespmem:s24], [sflag:$0x1] =	stream.indirect_vreg.gather [hbm4b:s4+s3], $0x80, v16, vm0, $0xb8;
	[tilespmem:$0x13980] =	vst v63  }
0x9c: {  	s0 =	simm.s32 $0x1;
	s7 =	simm.s32 $0x13180  }
0x9d: {  	[tilespmem:s7], [sflag:$0x1] =	stream.indirect_vreg.gather [hbm4b:s5+s3], $0x80, v16, vm0, $0xb8;
	[tilespmem:$0x13980] =	vst v63  }
0x9e: {  	_ =	swait.ge [sflag:s0], $0x13800  }
0x9f: {  	[sflag:s0] =	ssyncset.done $0x0  }
0xa0: {  	s7 =	simm.s32 $0x180;
	s24 =	rddreg [dreg:$0x5];
	[sflag:s0] =	ssyncadd.s32 $0xFFFEC800  }
0xa1: {  	[hbm4b:s24+s3] =	stream.linear.scatter [tilespmem:s7], [sflag:$0x2], $0x13800, $0x38;
	[tilespmem:$0x13980] =	vst v63  }
0xa2: {  	_ =	swait.ge [sflag:s1], $0x13800  }
0xa3: {  	[sflag:s1] =	ssyncset.done $0x0  }
0xa4: {  	[sflag:s1] =	ssyncadd.s32 $0xFFFEC800  }
0xa5: {  	v16 =	vld [tilespmem:$0xE8];
	_ =	sdelay $0x4  }
0xa6: {  	v17 =	vshrl.u32 v16, $0x3  }
0xa7: {  	v17 =	vmul.u32 $0x30, v17  }
0xa8: {  	v16 =	vand.u32 $0x7, v16  }
0xa9: {  	v16 =	vor.u32 v16, v17  }
0xaa: {  	v17 =	vperm.xlane v16, v13;
	_ =	sdelay $0x1  }
0xab: {  	v17 =	vadd.s32 v14, v17;
	_ =	sdelay $0x3  }
0xac: {  	v16 =	vperm.xlane v16, v15  }
0xad: {  	[tilespmem:s7], [sflag:$0x1] =	stream.indirect_vreg.gather [hbm4b:s2+s3], $0x80, v17, vm0, $0xb8;
	[tilespmem:$0x13980] =	vst v63  }
0xae: {  	v16 =	vadd.s32 v14, v16  }
0xaf: {  	[tilespmem:s25], [sflag:$0x1] =	stream.indirect_vreg.gather [hbm4b:s4+s3], $0x80, v17, vm0, $0xb8;
	[tilespmem:$0x13980] =	vst v63  }
0xb0: {  	_ = 	snop  }
0xb1: {  	[tilespmem:s26], [sflag:$0x1] =	stream.indirect_vreg.gather [hbm4b:s5+s3], $0x80, v17, vm0, $0xb8;
	[tilespmem:$0x13980] =	vst v63  }
0xb2: {  	_ = 	snop  }
0xb3: {  	[tilespmem:s28], [sflag:$0x1] =	stream.indirect_vreg.gather [hbm4b:s2+s3], $0x80, v16, vm0, $0xb8;
	[tilespmem:$0x13980] =	vst v63  }
0xb4: {  	_ = 	snop  }
0xb5: {  	[tilespmem:s29], [sflag:$0x1] =	stream.indirect_vreg.gather [hbm4b:s4+s3], $0x80, v16, vm0, $0xb8;
	[tilespmem:$0x13980] =	vst v63  }
0xb6: {  	_ = 	snop  }
0xb7: {  	[tilespmem:s30], [sflag:$0x1] =	stream.indirect_vreg.gather [hbm4b:s5+s3], $0x80, v16, vm0, $0xb8;
	[tilespmem:$0x13980] =	vst v63  }
0xb8: {  	v16 =	vld [tilespmem:$0xF8];
	_ =	sdelay $0x4  }
0xb9: {  	v17 =	vshrl.u32 v16, $0x3  }
0xba: {  	v17 =	vmul.u32 $0x30, v17  }
0xbb: {  	v16 =	vand.u32 $0x7, v16  }
0xbc: {  	v16 =	vor.u32 v16, v17  }
0xbd: {  	v17 =	vperm.xlane v16, v13;
	_ =	sdelay $0x1  }
0xbe: {  	v17 =	vadd.s32 v14, v17;
	_ =	sdelay $0x3  }
0xbf: {  	v16 =	vperm.xlane v16, v15  }
0xc0: {  	[tilespmem:s31], [sflag:$0x1] =	stream.indirect_vreg.gather [hbm4b:s2+s3], $0x80, v17, vm0, $0xb8;
	[tilespmem:$0x13980] =	vst v63  }
0xc1: {  	s24 =	simm.s32 $0x3980;
	v16 =	vadd.s32 v14, v16  }
0xc2: {  	[tilespmem:s24], [sflag:$0x1] =	stream.indirect_vreg.gather [hbm4b:s4+s3], $0x80, v17, vm0, $0xb8;
	[tilespmem:$0x13980] =	vst v63  }
0xc3: {  	s24 =	simm.s32 $0x4180  }
0xc4: {  	[tilespmem:s24], [sflag:$0x1] =	stream.indirect_vreg.gather [hbm4b:s5+s3], $0x80, v17, vm0, $0xb8;
	[tilespmem:$0x13980] =	vst v63  }
0xc5: {  	_ = 	snop  }
0xc6: {  	[tilespmem:s9], [sflag:$0x1] =	stream.indirect_vreg.gather [hbm4b:s2+s3], $0x80, v16, vm0, $0xb8;
	[tilespmem:$0x13980] =	vst v63  }
0xc7: {  	_ = 	snop  }
0xc8: {  	[tilespmem:s10], [sflag:$0x1] =	stream.indirect_vreg.gather [hbm4b:s4+s3], $0x80, v16, vm0, $0xb8;
	[tilespmem:$0x13980] =	vst v63  }
0xc9: {  	_ = 	snop  }
0xca: {  	[tilespmem:s11], [sflag:$0x1] =	stream.indirect_vreg.gather [hbm4b:s5+s3], $0x80, v16, vm0, $0xb8;
	[tilespmem:$0x13980] =	vst v63  }
0xcb: {  	v16 =	vld [tilespmem:$0x108];
	_ =	sdelay $0x4  }
0xcc: {  	v17 =	vshrl.u32 v16, $0x3  }
0xcd: {  	v17 =	vmul.u32 $0x30, v17  }
0xce: {  	v16 =	vand.u32 $0x7, v16  }
0xcf: {  	v16 =	vor.u32 v16, v17  }
0xd0: {  	v17 =	vperm.xlane v16, v13;
	_ =	sdelay $0x1  }
0xd1: {  	v17 =	vadd.s32 v14, v17;
	_ =	sdelay $0x3  }
0xd2: {  	v16 =	vperm.xlane v16, v15  }
0xd3: {  	[tilespmem:s12], [sflag:$0x1] =	stream.indirect_vreg.gather [hbm4b:s2+s3], $0x80, v17, vm0, $0xb8;
	[tilespmem:$0x13980] =	vst v63  }
0xd4: {  	v16 =	vadd.s32 v14, v16  }
0xd5: {  	[tilespmem:s13], [sflag:$0x1] =	stream.indirect_vreg.gather [hbm4b:s4+s3], $0x80, v17, vm0, $0xb8;
	[tilespmem:$0x13980] =	vst v63  }
0xd6: {  	_ = 	snop  }
0xd7: {  	[tilespmem:s14], [sflag:$0x1] =	stream.indirect_vreg.gather [hbm4b:s5+s3], $0x80, v17, vm0, $0xb8;
	[tilespmem:$0x13980] =	vst v63  }
0xd8: {  	_ = 	snop  }
0xd9: {  	[tilespmem:s15], [sflag:$0x1] =	stream.indirect_vreg.gather [hbm4b:s2+s3], $0x80, v16, vm0, $0xb8;
	[tilespmem:$0x13980] =	vst v63  }
0xda: {  	_ = 	snop  }
0xdb: {  	[tilespmem:s16], [sflag:$0x1] =	stream.indirect_vreg.gather [hbm4b:s4+s3], $0x80, v16, vm0, $0xb8;
	[tilespmem:$0x13980] =	vst v63  }
0xdc: {  	_ = 	snop  }
0xdd: {  	[tilespmem:s17], [sflag:$0x1] =	stream.indirect_vreg.gather [hbm4b:s5+s3], $0x80, v16, vm0, $0xb8;
	[tilespmem:$0x13980] =	vst v63  }
0xde: {  	v16 =	vld [tilespmem:$0x118];
	_ =	sdelay $0x4  }
0xdf: {  	v17 =	vshrl.u32 v16, $0x3  }
0xe0: {  	v17 =	vmul.u32 $0x30, v17  }
0xe1: {  	v16 =	vand.u32 $0x7, v16  }
0xe2: {  	v16 =	vor.u32 v16, v17  }
0xe3: {  	v17 =	vperm.xlane v16, v13;
	_ =	sdelay $0x1  }
0xe4: {  	v17 =	vadd.s32 v14, v17;
	_ =	sdelay $0x3  }
0xe5: {  	v16 =	vperm.xlane v16, v15  }
0xe6: {  	[tilespmem:s18], [sflag:$0x1] =	stream.indirect_vreg.gather [hbm4b:s2+s3], $0x80, v17, vm0, $0xb8;
	[tilespmem:$0x13980] =	vst v63  }
0xe7: {  	v16 =	vadd.s32 v14, v16  }
0xe8: {  	[tilespmem:s19], [sflag:$0x1] =	stream.indirect_vreg.gather [hbm4b:s4+s3], $0x80, v17, vm0, $0xb8;
	[tilespmem:$0x13980] =	vst v63  }
0xe9: {  	_ = 	snop  }
0xea: {  	[tilespmem:s20], [sflag:$0x1] =	stream.indirect_vreg.gather [hbm4b:s5+s3], $0x80, v17, vm0, $0xb8;
	[tilespmem:$0x13980] =	vst v63  }
0xeb: {  	_ = 	snop  }
0xec: {  	[tilespmem:s21], [sflag:$0x1] =	stream.indirect_vreg.gather [hbm4b:s2+s3], $0x80, v16, vm0, $0xb8;
	[tilespmem:$0x13980] =	vst v63  }
0xed: {  	_ = 	snop  }
0xee: {  	[tilespmem:s22], [sflag:$0x1] =	stream.indirect_vreg.gather [hbm4b:s4+s3], $0x80, v16, vm0, $0xb8;
	[tilespmem:$0x13980] =	vst v63  }
0xef: {  	_ = 	snop  }
0xf0: {  	[tilespmem:s8], [sflag:$0x1] =	stream.indirect_vreg.gather [hbm4b:s5+s3], $0x80, v16, vm0, $0xb8;
	[tilespmem:$0x13980] =	vst v63  }
0xf1: {  	v16 =	vld [tilespmem:$0x128];
	_ =	sdelay $0x4  }
0xf2: {  	v17 =	vshrl.u32 v16, $0x3  }
0xf3: {  	v17 =	vmul.u32 $0x30, v17  }
0xf4: {  	v16 =	vand.u32 $0x7, v16  }
0xf5: {  	v16 =	vor.u32 v16, v17  }
0xf6: {  	v17 =	vperm.xlane v16, v13;
	_ =	sdelay $0x1  }
0xf7: {  	v17 =	vadd.s32 v14, v17;
	_ =	sdelay $0x3  }
0xf8: {  	v16 =	vperm.xlane v16, v15  }
0xf9: {  	[tilespmem:s23], [sflag:$0x1] =	stream.indirect_vreg.gather [hbm4b:s2+s3], $0x80, v17, vm0, $0xb8;
	[tilespmem:$0x13980] =	vst v63  }
0xfa: {  	s24 =	simm.s32 $0xC980;
	v16 =	vadd.s32 v14, v16  }
0xfb: {  	[tilespmem:s24], [sflag:$0x1] =	stream.indirect_vreg.gather [hbm4b:s4+s3], $0x80, v17, vm0, $0xb8;
	[tilespmem:$0x13980] =	vst v63  }
0xfc: {  	s24 =	simm.s32 $0xD180  }
0xfd: {  	[tilespmem:s24], [sflag:$0x1] =	stream.indirect_vreg.gather [hbm4b:s5+s3], $0x80, v17, vm0, $0xb8;
	[tilespmem:$0x13980] =	vst v63  }
0xfe: {  	s24 =	simm.s32 $0xD980  }
0xff: {  	[tilespmem:s24], [sflag:$0x1] =	stream.indirect_vreg.gather [hbm4b:s2+s3], $0x80, v16, vm0, $0xb8;
	[tilespmem:$0x13980] =	vst v63  }
0x100: {  	s24 =	simm.s32 $0xE180  }
0x101: {  	[tilespmem:s24], [sflag:$0x1] =	stream.indirect_vreg.gather [hbm4b:s4+s3], $0x80, v16, vm0, $0xb8;
	[tilespmem:$0x13980] =	vst v63  }
0x102: {  	s24 =	simm.s32 $0xE980  }
0x103: {  	[tilespmem:s24], [sflag:$0x1] =	stream.indirect_vreg.gather [hbm4b:s5+s3], $0x80, v16, vm0, $0xb8;
	[tilespmem:$0x13980] =	vst v63  }
0x104: {  	v16 =	vld [tilespmem:$0x138];
	_ =	sdelay $0x4  }
0x105: {  	v17 =	vshrl.u32 v16, $0x3  }
0x106: {  	v17 =	vmul.u32 $0x30, v17  }
0x107: {  	v16 =	vand.u32 $0x7, v16  }
0x108: {  	v16 =	vor.u32 v16, v17  }
0x109: {  	v17 =	vperm.xlane v16, v13;
	_ =	sdelay $0x1  }
0x10a: {  	v17 =	vadd.s32 v14, v17;
	_ =	sdelay $0x3  }
0x10b: {  	s24 =	simm.s32 $0xF180;
	v16 =	vperm.xlane v16, v15  }
0x10c: {  	[tilespmem:s24], [sflag:$0x1] =	stream.indirect_vreg.gather [hbm4b:s2+s3], $0x80, v17, vm0, $0xb8;
	[tilespmem:$0x13980] =	vst v63  }
0x10d: {  	v16 =	vadd.s32 v14, v16;
	s24 =	simm.s32 $0xF980  }
0x10e: {  	[tilespmem:s24], [sflag:$0x1] =	stream.indirect_vreg.gather [hbm4b:s4+s3], $0x80, v17, vm0, $0xb8;
	[tilespmem:$0x13980] =	vst v63  }
0x10f: {  	s24 =	simm.s32 $0x10180  }
0x110: {  	[tilespmem:s24], [sflag:$0x1] =	stream.indirect_vreg.gather [hbm4b:s5+s3], $0x80, v17, vm0, $0xb8;
	[tilespmem:$0x13980] =	vst v63  }
0x111: {  	s24 =	simm.s32 $0x10980  }
0x112: {  	[tilespmem:s24], [sflag:$0x1] =	stream.indirect_vreg.gather [hbm4b:s2+s3], $0x80, v16, vm0, $0xb8;
	[tilespmem:$0x13980] =	vst v63  }
0x113: {  	s24 =	simm.s32 $0x11180  }
0x114: {  	[tilespmem:s24], [sflag:$0x1] =	stream.indirect_vreg.gather [hbm4b:s4+s3], $0x80, v16, vm0, $0xb8;
	[tilespmem:$0x13980] =	vst v63  }
0x115: {  	s24 =	simm.s32 $0x11980  }
0x116: {  	[tilespmem:s24], [sflag:$0x1] =	stream.indirect_vreg.gather [hbm4b:s5+s3], $0x80, v16, vm0, $0xb8;
	[tilespmem:$0x13980] =	vst v63  }
0x117: {  	v16 =	vld.msk [tilespmem:$0x148], $0xff;
	_ =	sdelay $0x4  }
0x118: {  	v17 =	vshrl.u32 v16, $0x3  }
0x119: {  	v17 =	vmul.u32 $0x30, v17  }
0x11a: {  	v16 =	vand.u32 $0x7, v16  }
0x11b: {  	v16 =	vor.u32 v16, v17  }
0x11c: {  	v16 =	vperm.xlane v16, v13;
	_ =	sdelay $0x1  }
0x11d: {  	v16 =	vadd.s32 v14, v16;
	_ =	sdelay $0x3  }
0x11e: {  	s24 =	simm.s32 $0x12180  }
0x11f: {  	[tilespmem:s24], [sflag:$0x1] =	stream.indirect_vreg.gather [hbm4b:s2+s3], $0x80, v16, vm0, $0xb8;
	[tilespmem:$0x13980] =	vst v63  }
0x120: {  	s24 =	simm.s32 $0x12980  }
0x121: {  	[tilespmem:s24], [sflag:$0x1] =	stream.indirect_vreg.gather [hbm4b:s4+s3], $0x80, v16, vm0, $0xb8;
	[tilespmem:$0x13980] =	vst v63  }
0x122: {  	s24 =	simm.s32 $0x13180  }
0x123: {  	[tilespmem:s24], [sflag:$0x1] =	stream.indirect_vreg.gather [hbm4b:s5+s3], $0x80, v16, vm0, $0xb8;
	[tilespmem:$0x13980] =	vst v63  }
0x124: {  	_ =	swait.ge [sflag:s0], $0x13800  }
0x125: {  	p0 =	sne.s32 s6, $0x1;
	s7 =	simm.s32 $0x180;
	[sflag:s0] =	ssyncset.done $0x0  }
.Ltmp0:
0x126: {  	s24 =	rddreg [dreg:$0x6];
	[sflag:s0] =	ssyncadd.s32 $0xFFFEC800;
	(pc) =	sbr.rel @p0 .LBB2_1-.Ltmp0, $4  }
0x127: {  	[hbm4b:s24+s3] =	stream.linear.scatter [tilespmem:s7], [sflag:$0x2], $0x13800, $0x38;
	[tilespmem:$0x13980] =	vst v63  }
0x128: {  	_ =	swait.ge [sflag:s1], $0x13800  }
0x129: {  	[sflag:s1] =	ssyncset.done $0x0  }
0x12a: {  	s6 =	sadd.s32 $0xFFFFFFFF, s6;
	[sflag:s1] =	ssyncadd.s32 $0xFFFEC800  }
0x12b: {  	_ =	sfence.sel $0x180000  }
0x12c: {  	[bflag:$0x0] =	sbarrier.arrive $0xFFFF  }
0x12d: {  	_ =	strace $0x90000047  }
0x12e: {  	s0 =	stileid.u32;
	[bflag:$0x2] =	sbarrier.arrive $0xFFFF  }
0x12f: {  	p0 =	sne.s32 s0, $0x0;
	s0 =	rddreg [dreg:$0x3]  }
0x130: {  	s0 =	sadd.s32 @!p0 $0x100000, s0  }
0x131: {  	[sflag:s0] =	ssyncadd.tile.s32 @!p0 $0x1;
	_ =	shalt  }
.Lfunc_end2:
_tile_overlayer_lowered:
.L_overlay_start_2:
0x132: {  	(tag) =	ssettag $0x2  }
0x133: {  	s0 =	rddreg [dreg:$0x0];
	s2 =	stileid.u32  }
0x134: {  	s1 =	rddreg [dreg:$0x1];
	p0 =	sne.s32 s2, $0x0  }
0x135: {  	s3 =	rddreg [dreg:$0x2];
	[bflag:$0x3] =	sbarrier.arrive $0xFFFF;
	s2 =	simm.s32 @!p0 $0x1C02  }
0x136: {  	[timem:s3], [sflag:s2] =	dma.local @!p0 [hbm:s0], s1  }
0x137: {  	s0 =	simm.s32 @!p0 $0x2  }
0x138: {  	_ =	swait.ge @!p0 [sflag:s0], s1  }
0x139: {  	s1 =	ssub.s32 @!p0 $0x0, s1;
	[sflag:s0] =	ssyncset.done @!p0 $0x0  }
0x13a: {  	[sflag:s0] =	ssyncadd.s32 @!p0 s1  }
0x13b: {  	[bflag:$0x3] =	sbarrier.arrive $0xFFFF  }
0x13c: {  	_ =	shalt  }

</sc_bundles>
